<compile_context>
chip_gen: v7x
topology: tpu7x:2x2x1
jax: 0.10.2.dev20260603
libtpu: 0.0.44.dev20260713+nightly
codegen_flags: <defaults>
</compile_context>

<pallas_src>
import functools

import jax
import jax.numpy as jnp
from jax import lax
from jax.experimental import pallas as pl
from jax.experimental.pallas import tpu as pltpu
from jax.experimental.pallas import tpu_sc as plsc

N = 10000
E = 320000
FIN = 128
HID = 128
NCLS = 64

NC = 2
NS = 16
NW = NC * NS

NPAD = 10240
K = 128
NCH = E // K
CHUNKS = NCH // NW
NEXTRA = NCH - CHUNKS * NW
RPT = NPAD // NS

_MESH = plsc.VectorSubcoreMesh(
    core_axis_name="c", subcore_axis_name="s", num_cores=NC, num_subcores=NS)

_SC_PARAMS = pltpu.CompilerParams(use_tc_tiling_on_sc=False)


def _worker_id():
  return lax.axis_index("c") * NS + lax.axis_index("s")


@functools.partial(
    pl.kernel,
    out_type=jax.ShapeDtypeStruct((NC, NPAD, 16), jnp.float32),
    mesh=_MESH,
    compiler_params=_SC_PARAMS,
    scratch_types=[
        pltpu.VMEM((CHUNKS + 1, K), jnp.int32),
        pltpu.VMEM((K, 16), jnp.float32),
        pltpu.VMEM((RPT, 16), jnp.float32),
        pltpu.VMEM_SHARED((NPAD, 16), jnp.float32),
        pltpu.SemaphoreType.DMA,
    ],
)
def _sc_deg(ei2, ones16, zeros16, out, dstv, onesv, zbuf, accum, ssem):
  cid = lax.axis_index("c")
  sid = lax.axis_index("s")
  wid = _worker_id()
  pltpu.sync_copy(ei2.at[1, pl.ds(wid * CHUNKS, CHUNKS)],
                  dstv.at[pl.ds(0, CHUNKS)])
  nch = jnp.where(wid < NEXTRA, CHUNKS + 1, CHUNKS)

  @pl.when(wid < NEXTRA)
  def _():
    pltpu.sync_copy(ei2.at[1, pl.ds(NW * CHUNKS + wid, 1)],
                    dstv.at[pl.ds(CHUNKS, 1)])

  pltpu.sync_copy(ones16, onesv)
  pltpu.sync_copy(zeros16, zbuf)
  pltpu.sync_copy(zbuf, accum.at[pl.ds(sid * RPT, RPT)])
  plsc.subcore_barrier()

  def body(j, carry):
    pltpu.async_copy(onesv, accum.at[dstv.at[j]], ssem, add=True)
    return carry

  lax.fori_loop(0, nch, body, 0)

  def drain(j, carry):
    pltpu.make_async_copy(ones16, onesv, ssem).wait()
    return carry

  lax.fori_loop(0, nch, drain, 0)
  plsc.subcore_barrier()
  stripe = pl.ds(sid * RPT, RPT)
  pltpu.sync_copy(accum.at[stripe], out.at[cid, stripe])


NBUF = 3
NIDX = 6
D = NCLS


def _make_sc_scatter(nphases):

  scratch = [
      [pltpu.VMEM((2, K), jnp.int32)] * NIDX,
      [pltpu.VMEM((K, D), jnp.float32)] * NBUF,
      pltpu.VMEM((2, K), jnp.int32),
      pltpu.VMEM_SHARED((NPAD, D), jnp.float32),
      pltpu.VMEM_SHARED((NPAD, D), jnp.float32),
      [pltpu.SemaphoreType.DMA] * NIDX,
      [pltpu.SemaphoreType.DMA] * NBUF,
      [pltpu.SemaphoreType.DMA] * NBUF,
  ]

  @functools.partial(
      pl.kernel,
      out_type=jax.ShapeDtypeStruct((NC, NPAD, 128), jnp.float32),
      mesh=_MESH,
      compiler_params=_SC_PARAMS,
      scratch_types=scratch,
  )
  def sc_scatter(table, ei2, zrows, out, ibuf, rows, tidx, accum, g,
                 isem, gsem, ssem):
    cid = lax.axis_index("c")
    sid = lax.axis_index("s")
    wid = _worker_id()
    c0 = wid * CHUNKS
    ct = NW * CHUNKS + wid
    nzero = RPT // K

    @pl.when(wid < NEXTRA)
    def _():
      pltpu.sync_copy(ei2.at[0, pl.ds(ct, 1)], tidx.at[pl.ds(0, 1)])
      pltpu.sync_copy(ei2.at[1, pl.ds(ct, 1)], tidx.at[pl.ds(1, 1)])

    for p in range(nphases):
      col = pl.ds(p * D, D)
      stripe = pl.ds(sid * RPT, RPT)
      pltpu.sync_copy(table.at[stripe, col], g.at[stripe])
      pltpu.sync_copy(zrows, rows[0])
      for q in range(nzero):
        pltpu.sync_copy(rows[0], accum.at[pl.ds(sid * RPT + q * K, K)])
      plsc.subcore_barrier()

      for u in range(NIDX):
        pltpu.async_copy(ei2.at[0, pl.ds(c0 + u, 1)], ibuf[u].at[pl.ds(0, 1)],
                         isem[u])
        pltpu.async_copy(ei2.at[1, pl.ds(c0 + u, 1)], ibuf[u].at[pl.ds(1, 1)],
                         isem[u])
      for b in range(NBUF):
        pltpu.make_async_copy(ei2.at[0, pl.ds(c0, 2)], ibuf[b],
                              isem[b]).wait()
        pltpu.async_copy(g.at[ibuf[b].at[0]], rows[b], gsem[b])

      def group(gi, carry):
        base = gi * NIDX
        for u in range(NIDX):
          j = base + u
          b = u % NBUF
          pltpu.make_async_copy(zrows, rows[b], gsem[b]).wait()
          pltpu.async_copy(rows[b], accum.at[ibuf[u].at[1]], ssem[b],
                           add=True)
          pltpu.make_async_copy(zrows, rows[b], ssem[b]).wait()
          nj = j + NBUF
          nslot = (u + NBUF) % NIDX

          @pl.when(nj < CHUNKS)
          def _():
            pltpu.make_async_copy(ei2.at[0, pl.ds(c0, 2)], ibuf[nslot],
                                  isem[nslot]).wait()
            pltpu.async_copy(g.at[ibuf[nslot].at[0]], rows[b], gsem[b])

          pj = j + NIDX

          @pl.when(pj < CHUNKS)
          def _():
            pltpu.async_copy(ei2.at[0, pl.ds(c0 + pj, 1)],
                             ibuf[u].at[pl.ds(0, 1)], isem[u])
            pltpu.async_copy(ei2.at[1, pl.ds(c0 + pj, 1)],
                             ibuf[u].at[pl.ds(1, 1)], isem[u])

        return carry

      lax.fori_loop(0, CHUNKS // NIDX, group, 0)

      @pl.when(wid < NEXTRA)
      def _():
        pltpu.async_copy(g.at[tidx.at[0]], rows[0], gsem[0])
        pltpu.make_async_copy(zrows, rows[0], gsem[0]).wait()
        pltpu.sync_copy(rows[0], accum.at[tidx.at[1]], add=True)

      plsc.subcore_barrier()
      stripe = pl.ds(sid * RPT, RPT)
      pltpu.sync_copy(accum.at[stripe], out.at[cid, stripe, col])

  return sc_scatter


_sc_scatter_l1 = _make_sc_scatter(nphases=2)
_sc_scatter_l2 = _make_sc_scatter(nphases=1)


R = 1024


def _tc0_body(x, w1, rates_p, we1_p, be1_p, we2_p, be2_p, w2b, h1_out, c_out):
  h1_out[...] = jnp.dot(x[...], w1[...], preferred_element_type=jnp.float32)
  he = jnp.maximum(
      jnp.dot(rates_p[...], we1_p[...], preferred_element_type=jnp.float32)
      + be1_p[...], 0.0)
  rep = jnp.dot(he, we2_p[...], preferred_element_type=jnp.float32) + be2_p[...]
  c_out[...] = jnp.dot(rep, w2b[...], preferred_element_type=jnp.float32)


def _tc1_body(h1, degp, g1_out):
  deg = degp[0, :, 0] + degp[1, :, 0] + 1.0
  dinv = lax.rsqrt(deg)
  g1_out[...] = h1[...] * dinv[:, None]


def _tc2_body(g1, degp, s1, b1_p, w2t, c, g2_out):
  deg = degp[0, :, 0] + degp[1, :, 0] + 1.0
  dinv = lax.rsqrt(deg)
  acc = s1[0] + s1[1] + g1[...]
  h1r = jnp.maximum(acc * dinv[:, None] + b1_p[...], 0.0)
  h2a = jnp.dot(h1r, w2t[...], preferred_element_type=jnp.float32)
  g2 = (h2a + c[...]) * dinv[:, None]
  g2_out[...] = jnp.concatenate([g2, jnp.zeros_like(g2)], axis=1)


def _tc3_body(s2, g2, degp, b2_p, out):
  deg = degp[0, :, 0] + degp[1, :, 0] + 1.0
  dinv = lax.rsqrt(deg)
  acc = s2[0, :, :NCLS] + s2[1, :, :NCLS] + g2[:, :NCLS]
  out[...] = acc * dinv[:, None] + b2_p[...]


def _row_spec(d):
  return pl.BlockSpec((R, d), lambda i: (i, 0))


def _part_spec(d):
  return pl.BlockSpec((NC, R, d), lambda i: (0, i, 0))


def _full_spec(shape):
  nd = len(shape)
  return pl.BlockSpec(shape, lambda i: (0,) * nd)


def kernel(graph, edge_index, rates, W1, b1, W2, b2, We1, be1, We2, be2):
  f32 = jnp.float32
  graph_p = jnp.zeros((NPAD, FIN), f32).at[:N].set(graph)
  ei2 = edge_index.reshape(2, NCH, K)

  ones16 = jnp.ones((K, 16), f32)
  zeros16 = jnp.zeros((RPT, 16), f32)
  zeros64 = jnp.zeros((K, NCLS), f32)

  rates_p = jnp.zeros((1, 128), f32).at[0, :16].set(rates)
  we1_p = jnp.zeros((128, 128), f32).at[:16, :64].set(We1)
  be1_p = jnp.zeros((1, 128), f32).at[0, :64].set(be1)
  we2_p = jnp.zeros((128, 128), f32).at[:64, :].set(We2)
  be2_p = be2.reshape(1, HID)
  w2t = W2[:HID]
  w2b = W2[HID:]
  b1_p = b1.reshape(1, HID)
  b2_p = b2.reshape(1, NCLS)

  degp = _sc_deg(ei2, ones16, zeros16)

  grid = NPAD // R
  h1, c = pl.pallas_call(
      _tc0_body,
      grid=(grid,),
      in_specs=[
          _row_spec(FIN), _full_spec((FIN, HID)),
          _full_spec((1, 128)), _full_spec((128, 128)), _full_spec((1, 128)),
          _full_spec((128, 128)), _full_spec((1, HID)),
          _full_spec((HID, NCLS)),
      ],
      out_specs=[_row_spec(HID), _full_spec((1, NCLS))],
      out_shape=[
          jax.ShapeDtypeStruct((NPAD, HID), f32),
          jax.ShapeDtypeStruct((1, NCLS), f32),
      ],
  )(graph_p, W1, rates_p, we1_p, be1_p, we2_p, be2_p, w2b)

  g1 = pl.pallas_call(
      _tc1_body,
      grid=(grid,),
      in_specs=[_row_spec(HID), _part_spec(16)],
      out_specs=_row_spec(HID),
      out_shape=jax.ShapeDtypeStruct((NPAD, HID), f32),
  )(h1, degp)

  s1 = _sc_scatter_l1(g1, ei2, zeros64)

  g2 = pl.pallas_call(
      _tc2_body,
      grid=(grid,),
      in_specs=[
          _row_spec(HID), _part_spec(16), _part_spec(HID),
          _full_spec((1, HID)), _full_spec((HID, NCLS)),
          _full_spec((1, NCLS)),
      ],
      out_specs=_row_spec(HID),
      out_shape=jax.ShapeDtypeStruct((NPAD, HID), f32),
  )(g1, degp, s1, b1_p, w2t, c)

  s2 = _sc_scatter_l2(g2, ei2, zeros64)

  out = pl.pallas_call(
      _tc3_body,
      grid=(grid,),
      in_specs=[
          _part_spec(HID), _row_spec(HID), _part_spec(16),
          _full_spec((1, NCLS)),
      ],
      out_specs=_row_spec(NCLS),
      out_shape=jax.ShapeDtypeStruct((NPAD, NCLS), f32),
  )(s2, g2, degp, b2_p)

  return out[:N]

# --- scband reference (transcript-rebuilt; emitter-appended) ---
"""Pipeline reference for scband-gcncomplex-21930103013895 (READ-ONLY COPY).

The authoritative reference and input builder live on the scoring server;
editing this copy changes nothing except your own understanding.
"""

import jax, jax.numpy as jnp
import numpy as np

N = 10000
E = 320000
F_IN = 128
HID = 128
NCLS = 64
NRATES = 16
EMB = 64


def gcn_conv(x, edge_index, W, b):
    # PyG GCNConv: add self-loops, symmetric normalization, sum aggregation
    n = x.shape[0]
    src = edge_index[0]
    dst = edge_index[1]
    loop = jnp.arange(n, dtype=src.dtype)
    src = jnp.concatenate([src, loop])
    dst = jnp.concatenate([dst, loop])
    deg = jnp.zeros((n,), dtype=x.dtype).at[dst].add(1.0)
    dinv = jnp.where(deg > 0, deg ** -0.5, 0.0)
    norm = dinv[src] * dinv[dst]
    h = x @ W
    msg = h[src] * norm[:, None]
    out = jnp.zeros((n, h.shape[1]), dtype=x.dtype).at[dst].add(msg)
    return out + b


def encoder(rates, We1, be1, We2, be2):
    h = rates @ We1 + be1
    h = jax.nn.relu(h)
    return h @ We2 + be2


def setup_inputs(seed: int = 0):
    key = jax.random.key(seed)
    ks = jax.random.split(key, 12)
    graph = jax.random.normal(ks[0], (N, F_IN), dtype=jnp.float32)
    edge_index = jax.random.randint(ks[1], (2, E), 0, N, dtype=jnp.int32)
    rates = jax.random.normal(ks[2], (NRATES,), dtype=jnp.float32)
    s1 = (1.0 / F_IN) ** 0.5
    W1 = jax.random.uniform(ks[3], (F_IN, HID), jnp.float32, -s1, s1)
    b1 = jnp.zeros((HID,), jnp.float32)
    s2 = (1.0 / (2 * HID)) ** 0.5
    W2 = jax.random.uniform(ks[4], (2 * HID, NCLS), jnp.float32, -s2, s2)
    b2 = jnp.zeros((NCLS,), jnp.float32)
    se1 = (1.0 / NRATES) ** 0.5
    We1 = jax.random.uniform(ks[5], (NRATES, EMB), jnp.float32, -se1, se1)
    be1 = jax.random.uniform(ks[6], (EMB,), jnp.float32, -se1, se1)
    se2 = (1.0 / EMB) ** 0.5
    We2 = jax.random.uniform(ks[7], (EMB, HID), jnp.float32, -se2, se2)
    be2 = jax.random.uniform(ks[8], (HID,), jnp.float32, -se2, se2)
    return {"graph": graph, "edge_index": edge_index, "rates": rates,
            "W1": W1, "b1": b1, "W2": W2, "b2": b2,
            "We1": We1, "be1": be1, "We2": We2, "be2": be2}


def reference(graph, edge_index, rates, W1, b1, W2, b2, We1, be1, We2, be2):
    h = gcn_conv(graph, edge_index, W1, b1)
    h = jax.nn.relu(h)
    # dropout p=0.5 is identity in eval mode (self.training == False)
    rates_rep = encoder(rates, We1, be1, We2, be2)  # [HID]
    n = h.shape[0]
    rep = jnp.tile(rates_rep, n).reshape((n, rates_rep.shape[0]))
    h = jnp.concatenate([h, rep], axis=1)
    out = gcn_conv(h, edge_index, W2, b2)
    return out

if __name__ == "__main__":
    import jax
    _d = setup_inputs()
    print(jax.jit(kernel)(*tuple(_d.values())))

</pallas_src>

<mosaic_0001>
#map = affine_map<(d0, d1) -> (0, 0, 0)>
#map1 = affine_map<(d0, d1) -> (0, 0)>
module attributes {stable_mosaic.version = 14 : i64} {
  func.func @_sc_deg(%arg0: i32, %arg1: i32, %arg2: memref<2x2500x128xi32, #tpu.memory_space<hbm>>, %arg3: memref<128x16xf32, #tpu.memory_space<hbm>>, %arg4: memref<640x16xf32, #tpu.memory_space<hbm>>, %arg5: memref<2x10240x16xf32, #tpu.memory_space<hbm>>, %arg6: memref<79x128xi32, #tpu.memory_space<vmem>>, %arg7: memref<128x16xf32, #tpu.memory_space<vmem>>, %arg8: memref<640x16xf32, #tpu.memory_space<vmem>>, %arg9: memref<10240x16xf32, #tpu.memory_space<vmem_shared>>, %arg10: memref<!tpu.dma_semaphore, #tpu.memory_space<semaphore_mem>>) attributes {dimension_semantics = [#tpu.dimension_semantics<core_parallel>, #tpu.dimension_semantics<subcore_parallel>], iteration_bounds = array<i64: 2, 16>, scalar_prefetch = 0 : i64, scratch_operands = 5 : i64, tpu.core_type = #tpu.core_type<sc_vector_subcore>, window_params = [{transform_indices = #map}, {transform_indices = #map1}, {transform_indices = #map1}, {transform_indices = #map}]} {
    %mul3A = arith.constant 16 : i32
    %mul3A_0 = arith.muli %arg0, %mul3A : i32
    %add3A = arith.addi %mul3A_0, %arg1 : i32
    %mul3A_1 = arith.constant 78 : i32
    %mul3A_2 = arith.muli %add3A, %mul3A_1 : i32
    %run_scoped3A = arith.constant 1 : i32
    "tpu.region"() ({
      %run_scoped3A_32 = tpu.sem_alloc : memref<!tpu.dma_semaphore, #tpu.memory_space<semaphore_mem>>
      %dma_start3A = arith.constant 0 : i32
      %dma_start3A_33 = arith.constant 0 : i32
      %dma_start3A_34 = tpu.memref_slice %arg6[%dma_start3A, %dma_start3A_33] : memref<79x128xi32, #tpu.memory_space<vmem>> -> memref<78x128xi32, #tpu.memory_space<vmem>>
      %dma_start3A_35 = arith.constant 0 : i32
      %dma_start3A_36 = tpu.memref_slice %arg2[%run_scoped3A, %mul3A_2, %dma_start3A_35] : memref<2x2500x128xi32, #tpu.memory_space<hbm>> -> memref<1x78x128xi32, #tpu.memory_space<hbm>>
      %dma_start3A_37 = tpu.memref_squeeze %dma_start3A_36 : memref<1x78x128xi32, #tpu.memory_space<hbm>> -> memref<78x128xi32, #tpu.memory_space<hbm>>
      %dma_start3A_38 = arith.constant 0 : i32
      %dma_start3A_39 = arith.constant 0 : i32
      %dma_start3A_40 = tpu.memref_slice %arg6[%dma_start3A_38, %dma_start3A_39] : memref<79x128xi32, #tpu.memory_space<vmem>> -> memref<78x128xi32, #tpu.memory_space<vmem>>
      %dma_start3A_41 = arith.constant 0 : i32
      %dma_start3A_42 = tpu.memref_slice %arg2[%run_scoped3A, %mul3A_2, %dma_start3A_41] : memref<2x2500x128xi32, #tpu.memory_space<hbm>> -> memref<1x78x128xi32, #tpu.memory_space<hbm>>
      %dma_start3A_43 = tpu.memref_squeeze %dma_start3A_42 : memref<1x78x128xi32, #tpu.memory_space<hbm>> -> memref<78x128xi32, #tpu.memory_space<hbm>>
      tpu.enqueue_dma source(%dma_start3A_43 : memref<78x128xi32, #tpu.memory_space<hbm>>) target(%dma_start3A_40 : memref<78x128xi32, #tpu.memory_space<vmem>>) target_semaphore(%run_scoped3A_32 : memref<!tpu.dma_semaphore, #tpu.memory_space<semaphore_mem>>)
      %dma_wait3A = arith.constant 0 : i32
      %dma_wait3A_44 = arith.constant 0 : i32
      %dma_wait3A_45 = tpu.memref_slice %arg6[%dma_wait3A, %dma_wait3A_44] : memref<79x128xi32, #tpu.memory_space<vmem>> -> memref<78x128xi32, #tpu.memory_space<vmem>>
      %dma_wait3A_46 = arith.constant 0 : i32
      %dma_wait3A_47 = tpu.memref_slice %arg2[%run_scoped3A, %mul3A_2, %dma_wait3A_46] : memref<2x2500x128xi32, #tpu.memory_space<hbm>> -> memref<1x78x128xi32, #tpu.memory_space<hbm>>
      %dma_wait3A_48 = tpu.memref_squeeze %dma_wait3A_47 : memref<1x78x128xi32, #tpu.memory_space<hbm>> -> memref<78x128xi32, #tpu.memory_space<hbm>>
      %dma_wait3A_49 = arith.constant 0 : i32
      %dma_wait3A_50 = arith.constant 0 : i32
      %dma_wait3A_51 = tpu.memref_slice %arg6[%dma_wait3A_49, %dma_wait3A_50] : memref<79x128xi32, #tpu.memory_space<vmem>> -> memref<78x128xi32, #tpu.memory_space<vmem>>
      %dma_wait3A_52 = arith.constant 0 : i32
      %dma_wait3A_53 = tpu.memref_slice %arg2[%run_scoped3A, %mul3A_2, %dma_wait3A_52] : memref<2x2500x128xi32, #tpu.memory_space<hbm>> -> memref<1x78x128xi32, #tpu.memory_space<hbm>>
      %dma_wait3A_54 = tpu.memref_squeeze %dma_wait3A_53 : memref<1x78x128xi32, #tpu.memory_space<hbm>> -> memref<78x128xi32, #tpu.memory_space<hbm>>
      tpu.wait_dma2 semaphore(%run_scoped3A_32 : memref<!tpu.dma_semaphore, #tpu.memory_space<semaphore_mem>>) src(%dma_wait3A_54 : memref<78x128xi32, #tpu.memory_space<hbm>>) dst(%dma_wait3A_51 : memref<78x128xi32, #tpu.memory_space<vmem>>)
      tpu.yield
    }) : () -> ()
    %lt3A = arith.constant 4 : i32
    %lt3A_3 = arith.cmpi slt, %add3A, %lt3A : i32
    %jit3A = arith.constant 79 : i32
    %jit3A_4 = arith.constant 78 : i32
    %select_n3A = arith.select %lt3A_3, %jit3A, %jit3A_4 : i32
    %lt3A_5 = arith.constant 4 : i32
    %lt3A_6 = arith.cmpi slt, %add3A, %lt3A_5 : i32
    %convert_element_type3A = arith.extui %lt3A_6 : i1 to i32
    %cond3A = arith.constant 0 : i32
    %cond3A_7 = arith.cmpi ne, %convert_element_type3A, %cond3A : i32
    scf.if %cond3A_7 {
      %add3A_32 = arith.constant 2496 : i32
      %add3A_33 = arith.addi %add3A_32, %add3A : i32
      %run_scoped3A_34 = arith.constant 1 : i32
      "tpu.region"() ({
        %run_scoped3A_35 = tpu.sem_alloc : memref<!tpu.dma_semaphore, #tpu.memory_space<semaphore_mem>>
        %dma_start3A = arith.constant 78 : i32
        %dma_start3A_36 = arith.constant 0 : i32
        %dma_start3A_37 = tpu.memref_slice %arg6[%dma_start3A, %dma_start3A_36] : memref<79x128xi32, #tpu.memory_space<vmem>> -> memref<1x128xi32, #tpu.memory_space<vmem>>
        %dma_start3A_38 = arith.constant 0 : i32
        %dma_start3A_39 = tpu.memref_slice %arg2[%run_scoped3A_34, %add3A_33, %dma_start3A_38] : memref<2x2500x128xi32, #tpu.memory_space<hbm>> -> memref<1x1x128xi32, #tpu.memory_space<hbm>>
        %dma_start3A_40 = tpu.memref_squeeze %dma_start3A_39 : memref<1x1x128xi32, #tpu.memory_space<hbm>> -> memref<1x128xi32, #tpu.memory_space<hbm>>
        %dma_start3A_41 = arith.constant 78 : i32
        %dma_start3A_42 = arith.constant 0 : i32
        %dma_start3A_43 = tpu.memref_slice %arg6[%dma_start3A_41, %dma_start3A_42] : memref<79x128xi32, #tpu.memory_space<vmem>> -> memref<1x128xi32, #tpu.memory_space<vmem>>
        %dma_start3A_44 = arith.constant 0 : i32
        %dma_start3A_45 = tpu.memref_slice %arg2[%run_scoped3A_34, %add3A_33, %dma_start3A_44] : memref<2x2500x128xi32, #tpu.memory_space<hbm>> -> memref<1x1x128xi32, #tpu.memory_space<hbm>>
        %dma_start3A_46 = tpu.memref_squeeze %dma_start3A_45 : memref<1x1x128xi32, #tpu.memory_space<hbm>> -> memref<1x128xi32, #tpu.memory_space<hbm>>
        tpu.enqueue_dma source(%dma_start3A_46 : memref<1x128xi32, #tpu.memory_space<hbm>>) target(%dma_start3A_43 : memref<1x128xi32, #tpu.memory_space<vmem>>) target_semaphore(%run_scoped3A_35 : memref<!tpu.dma_semaphore, #tpu.memory_space<semaphore_mem>>)
        %dma_wait3A = arith.constant 78 : i32
        %dma_wait3A_47 = arith.constant 0 : i32
        %dma_wait3A_48 = tpu.memref_slice %arg6[%dma_wait3A, %dma_wait3A_47] : memref<79x128xi32, #tpu.memory_space<vmem>> -> memref<1x128xi32, #tpu.memory_space<vmem>>
        %dma_wait3A_49 = arith.constant 0 : i32
        %dma_wait3A_50 = tpu.memref_slice %arg2[%run_scoped3A_34, %add3A_33, %dma_wait3A_49] : memref<2x2500x128xi32, #tpu.memory_space<hbm>> -> memref<1x1x128xi32, #tpu.memory_space<hbm>>
        %dma_wait3A_51 = tpu.memref_squeeze %dma_wait3A_50 : memref<1x1x128xi32, #tpu.memory_space<hbm>> -> memref<1x128xi32, #tpu.memory_space<hbm>>
        %dma_wait3A_52 = arith.constant 78 : i32
        %dma_wait3A_53 = arith.constant 0 : i32
        %dma_wait3A_54 = tpu.memref_slice %arg6[%dma_wait3A_52, %dma_wait3A_53] : memref<79x128xi32, #tpu.memory_space<vmem>> -> memref<1x128xi32, #tpu.memory_space<vmem>>
        %dma_wait3A_55 = arith.constant 0 : i32
        %dma_wait3A_56 = tpu.memref_slice %arg2[%run_scoped3A_34, %add3A_33, %dma_wait3A_55] : memref<2x2500x128xi32, #tpu.memory_space<hbm>> -> memref<1x1x128xi32, #tpu.memory_space<hbm>>
        %dma_wait3A_57 = tpu.memref_squeeze %dma_wait3A_56 : memref<1x1x128xi32, #tpu.memory_space<hbm>> -> memref<1x128xi32, #tpu.memory_space<hbm>>
        tpu.wait_dma2 semaphore(%run_scoped3A_35 : memref<!tpu.dma_semaphore, #tpu.memory_space<semaphore_mem>>) src(%dma_wait3A_57 : memref<1x128xi32, #tpu.memory_space<hbm>>) dst(%dma_wait3A_54 : memref<1x128xi32, #tpu.memory_space<vmem>>)
        tpu.yield
      }) : () -> ()
    } else {
    }
    "tpu.region"() ({
      %run_scoped3A_32 = tpu.sem_alloc : memref<!tpu.dma_semaphore, #tpu.memory_space<semaphore_mem>>
      tpu.enqueue_dma source(%arg3 : memref<128x16xf32, #tpu.memory_space<hbm>>) target(%arg7 : memref<128x16xf32, #tpu.memory_space<vmem>>) target_semaphore(%run_scoped3A_32 : memref<!tpu.dma_semaphore, #tpu.memory_space<semaphore_mem>>)
      tpu.wait_dma2 semaphore(%run_scoped3A_32 : memref<!tpu.dma_semaphore, #tpu.memory_space<semaphore_mem>>) src(%arg3 : memref<128x16xf32, #tpu.memory_space<hbm>>) dst(%arg7 : memref<128x16xf32, #tpu.memory_space<vmem>>)
      tpu.yield
    }) : () -> ()
    "tpu.region"() ({
      %run_scoped3A_32 = tpu.sem_alloc : memref<!tpu.dma_semaphore, #tpu.memory_space<semaphore_mem>>
      tpu.enqueue_dma source(%arg4 : memref<640x16xf32, #tpu.memory_space<hbm>>) target(%arg8 : memref<640x16xf32, #tpu.memory_space<vmem>>) target_semaphore(%run_scoped3A_32 : memref<!tpu.dma_semaphore, #tpu.memory_space<semaphore_mem>>)
      tpu.wait_dma2 semaphore(%run_scoped3A_32 : memref<!tpu.dma_semaphore, #tpu.memory_space<semaphore_mem>>) src(%arg4 : memref<640x16xf32, #tpu.memory_space<hbm>>) dst(%arg8 : memref<640x16xf32, #tpu.memory_space<vmem>>)
      tpu.yield
    }) : () -> ()
    %mul3A_8 = arith.constant 640 : i32
    %mul3A_9 = arith.muli %arg1, %mul3A_8 : i32
    "tpu.region"() ({
      %run_scoped3A_32 = tpu.sem_alloc : memref<!tpu.dma_semaphore, #tpu.memory_space<semaphore_mem>>
      %dma_start3A = arith.constant 0 : i32
      %dma_start3A_33 = tpu.memref_slice %arg9[%mul3A_9, %dma_start3A] : memref<10240x16xf32, #tpu.memory_space<vmem_shared>> -> memref<640x16xf32, #tpu.memory_space<vmem_shared>>
      %dma_start3A_34 = arith.constant 0 : i32
      %dma_start3A_35 = tpu.memref_slice %arg9[%mul3A_9, %dma_start3A_34] : memref<10240x16xf32, #tpu.memory_space<vmem_shared>> -> memref<640x16xf32, #tpu.memory_space<vmem_shared>>
      tpu.enqueue_dma source(%arg8 : memref<640x16xf32, #tpu.memory_space<vmem>>) target(%dma_start3A_35 : memref<640x16xf32, #tpu.memory_space<vmem_shared>>) target_semaphore(%run_scoped3A_32 : memref<!tpu.dma_semaphore, #tpu.memory_space<semaphore_mem>>)
      %dma_wait3A = arith.constant 0 : i32
      %dma_wait3A_36 = tpu.memref_slice %arg9[%mul3A_9, %dma_wait3A] : memref<10240x16xf32, #tpu.memory_space<vmem_shared>> -> memref<640x16xf32, #tpu.memory_space<vmem_shared>>
      %dma_wait3A_37 = arith.constant 0 : i32
      %dma_wait3A_38 = tpu.memref_slice %arg9[%mul3A_9, %dma_wait3A_37] : memref<10240x16xf32, #tpu.memory_space<vmem_shared>> -> memref<640x16xf32, #tpu.memory_space<vmem_shared>>
      tpu.wait_dma2 semaphore(%run_scoped3A_32 : memref<!tpu.dma_semaphore, #tpu.memory_space<semaphore_mem>>) src(%arg8 : memref<640x16xf32, #tpu.memory_space<vmem>>) dst(%dma_wait3A_38 : memref<640x16xf32, #tpu.memory_space<vmem_shared>>)
      tpu.yield
    }) : () -> ()
    %barrier3A = arith.constant 0 : index
    tpu.barrier barrier_id(%barrier3A)
    %while3A = arith.constant 0 : i32
    %while3A_10 = arith.constant 0 : i32
    %while3A_11 = arith.subi %select_n3A, %while3A_10 : i32
    %while3A_12 = arith.addi %while3A_10, %while3A_11 : i32
    %while3A_13 = arith.constant 1 : i32
    %while3A_14 = arith.divsi %while3A_11, %while3A_13 : i32
    %while3A_15 = arith.muli %while3A_14, %while3A_13 : i32
    %while3A_16 = arith.addi %while3A_10, %while3A_15 : i32
    %while3A_17 = arith.constant 1 : i32
    scf.for %while3A_32 = %while3A_10 to %while3A_16 step %while3A_17  : i32 {
      %dma_start3A = arith.constant 0 : i32
      %dma_start3A_33 = tpu.memref_slice %arg6[%while3A_32, %dma_start3A] : memref<79x128xi32, #tpu.memory_space<vmem>> -> memref<1x128xi32, #tpu.memory_space<vmem>>
      %dma_start3A_34 = tpu.memref_squeeze %dma_start3A_33 : memref<1x128xi32, #tpu.memory_space<vmem>> -> memref<128xi32, #tpu.memory_space<vmem>>
      %dma_start3A_35 = arith.constant 0 : i32
      %dma_start3A_36 = arith.constant 0 : i32
      %dma_start3A_37 = tpu.memref_slice %arg9[%dma_start3A_35, %dma_start3A_36] : memref<10240x16xf32, #tpu.memory_space<vmem_shared>> -> memref<10240x16xf32, #tpu.memory_space<vmem_shared>>
      tpu.enqueue_indirect_dma source(%arg7 : memref<128x16xf32, #tpu.memory_space<vmem>>) target(%dma_start3A_37 : memref<10240x16xf32, #tpu.memory_space<vmem_shared>>) offsets(%dma_start3A_34 : memref<128xi32, #tpu.memory_space<vmem>>) semaphore(%arg10 : memref<!tpu.dma_semaphore, #tpu.memory_space<semaphore_mem>>) {add = true}
    }
    %while3A_18 = arith.constant 1 : i32
    scf.for %while3A_32 = %while3A_16 to %while3A_12 step %while3A_18  : i32 {
      %dma_start3A = arith.constant 0 : i32
      %dma_start3A_33 = tpu.memref_slice %arg6[%while3A_32, %dma_start3A] : memref<79x128xi32, #tpu.memory_space<vmem>> -> memref<1x128xi32, #tpu.memory_space<vmem>>
      %dma_start3A_34 = tpu.memref_squeeze %dma_start3A_33 : memref<1x128xi32, #tpu.memory_space<vmem>> -> memref<128xi32, #tpu.memory_space<vmem>>
      %dma_start3A_35 = arith.constant 0 : i32
      %dma_start3A_36 = arith.constant 0 : i32
      %dma_start3A_37 = tpu.memref_slice %arg9[%dma_start3A_35, %dma_start3A_36] : memref<10240x16xf32, #tpu.memory_space<vmem_shared>> -> memref<10240x16xf32, #tpu.memory_space<vmem_shared>>
      tpu.enqueue_indirect_dma source(%arg7 : memref<128x16xf32, #tpu.memory_space<vmem>>) target(%dma_start3A_37 : memref<10240x16xf32, #tpu.memory_space<vmem_shared>>) offsets(%dma_start3A_34 : memref<128xi32, #tpu.memory_space<vmem>>) semaphore(%arg10 : memref<!tpu.dma_semaphore, #tpu.memory_space<semaphore_mem>>) {add = true}
    }
    %while3A_19 = arith.constant 0 : i32
    %while3A_20 = arith.constant 0 : i32
    %while3A_21 = arith.subi %select_n3A, %while3A_20 : i32
    %while3A_22 = arith.addi %while3A_20, %while3A_21 : i32
    %while3A_23 = arith.constant 1 : i32
    %while3A_24 = arith.divsi %while3A_21, %while3A_23 : i32
    %while3A_25 = arith.muli %while3A_24, %while3A_23 : i32
    %while3A_26 = arith.addi %while3A_20, %while3A_25 : i32
    %while3A_27 = arith.constant 1 : i32
    scf.for %while3A_32 = %while3A_20 to %while3A_26 step %while3A_27  : i32 {
      tpu.wait_dma2 semaphore(%arg10 : memref<!tpu.dma_semaphore, #tpu.memory_space<semaphore_mem>>) src(%arg3 : memref<128x16xf32, #tpu.memory_space<hbm>>) dst(%arg7 : memref<128x16xf32, #tpu.memory_space<vmem>>)
    }
    %while3A_28 = arith.constant 1 : i32
    scf.for %while3A_32 = %while3A_26 to %while3A_22 step %while3A_28  : i32 {
      tpu.wait_dma2 semaphore(%arg10 : memref<!tpu.dma_semaphore, #tpu.memory_space<semaphore_mem>>) src(%arg3 : memref<128x16xf32, #tpu.memory_space<hbm>>) dst(%arg7 : memref<128x16xf32, #tpu.memory_space<vmem>>)
    }
    %barrier3A_29 = arith.constant 0 : index
    tpu.barrier barrier_id(%barrier3A_29)
    %mul3A_30 = arith.constant 640 : i32
    %mul3A_31 = arith.muli %arg1, %mul3A_30 : i32
    "tpu.region"() ({
      %run_scoped3A_32 = tpu.sem_alloc : memref<!tpu.dma_semaphore, #tpu.memory_space<semaphore_mem>>
      %dma_start3A = arith.constant 0 : i32
      %dma_start3A_33 = tpu.memref_slice %arg5[%arg0, %mul3A_31, %dma_start3A] : memref<2x10240x16xf32, #tpu.memory_space<hbm>> -> memref<1x640x16xf32, #tpu.memory_space<hbm>>
      %dma_start3A_34 = tpu.memref_squeeze %dma_start3A_33 : memref<1x640x16xf32, #tpu.memory_space<hbm>> -> memref<640x16xf32, #tpu.memory_space<hbm>>
      %dma_start3A_35 = arith.constant 0 : i32
      %dma_start3A_36 = tpu.memref_slice %arg9[%mul3A_31, %dma_start3A_35] : memref<10240x16xf32, #tpu.memory_space<vmem_shared>> -> memref<640x16xf32, #tpu.memory_space<vmem_shared>>
      tpu.enqueue_dma source(%dma_start3A_36 : memref<640x16xf32, #tpu.memory_space<vmem_shared>>) target(%dma_start3A_34 : memref<640x16xf32, #tpu.memory_space<hbm>>) target_semaphore(%run_scoped3A_32 : memref<!tpu.dma_semaphore, #tpu.memory_space<semaphore_mem>>)
      %dma_wait3A = arith.constant 0 : i32
      %dma_wait3A_37 = tpu.memref_slice %arg5[%arg0, %mul3A_31, %dma_wait3A] : memref<2x10240x16xf32, #tpu.memory_space<hbm>> -> memref<1x640x16xf32, #tpu.memory_space<hbm>>
      %dma_wait3A_38 = tpu.memref_squeeze %dma_wait3A_37 : memref<1x640x16xf32, #tpu.memory_space<hbm>> -> memref<640x16xf32, #tpu.memory_space<hbm>>
      %dma_wait3A_39 = arith.constant 0 : i32
      %dma_wait3A_40 = tpu.memref_slice %arg9[%mul3A_31, %dma_wait3A_39] : memref<10240x16xf32, #tpu.memory_space<vmem_shared>> -> memref<640x16xf32, #tpu.memory_space<vmem_shared>>
      tpu.wait_dma2 semaphore(%run_scoped3A_32 : memref<!tpu.dma_semaphore, #tpu.memory_space<semaphore_mem>>) src(%dma_wait3A_40 : memref<640x16xf32, #tpu.memory_space<vmem_shared>>) dst(%dma_wait3A_38 : memref<640x16xf32, #tpu.memory_space<hbm>>)
      tpu.yield
    }) : () -> ()
    return
  }
}

#map = affine_map<(d0, d1) -> (0, 0)>
#map1 = affine_map<(d0, d1) -> (0, 0, 0)>
module attributes {stable_mosaic.version = 14 : i64} {
  func.func @sc_scatter(%arg0: i32, %arg1: i32, %arg2: memref<10240x128xf32, #tpu.memory_space<hbm>>, %arg3: memref<2x2500x128xi32, #tpu.memory_space<hbm>>, %arg4: memref<128x64xf32, #tpu.memory_space<hbm>>, %arg5: memref<2x10240x128xf32, #tpu.memory_space<hbm>>, %arg6: memref<2x128xi32, #tpu.memory_space<vmem>>, %arg7: memref<2x128xi32, #tpu.memory_space<vmem>>, %arg8: memref<2x128xi32, #tpu.memory_space<vmem>>, %arg9: memref<2x128xi32, #tpu.memory_space<vmem>>, %arg10: memref<2x128xi32, #tpu.memory_space<vmem>>, %arg11: memref<2x128xi32, #tpu.memory_space<vmem>>, %arg12: memref<128x64xf32, #tpu.memory_space<vmem>>, %arg13: memref<128x64xf32, #tpu.memory_space<vmem>>, %arg14: memref<128x64xf32, #tpu.memory_space<vmem>>, %arg15: memref<2x128xi32, #tpu.memory_space<vmem>>, %arg16: memref<10240x64xf32, #tpu.memory_space<vmem_shared>>, %arg17: memref<10240x64xf32, #tpu.memory_space<vmem_shared>>, %arg18: memref<!tpu.dma_semaphore, #tpu.memory_space<semaphore_mem>>, %arg19: memref<!tpu.dma_semaphore, #tpu.memory_space<semaphore_mem>>, %arg20: memref<!tpu.dma_semaphore, #tpu.memory_space<semaphore_mem>>, %arg21: memref<!tpu.dma_semaphore, #tpu.memory_space<semaphore_mem>>, %arg22: memref<!tpu.dma_semaphore, #tpu.memory_space<semaphore_mem>>, %arg23: memref<!tpu.dma_semaphore, #tpu.memory_space<semaphore_mem>>, %arg24: memref<!tpu.dma_semaphore, #tpu.memory_space<semaphore_mem>>, %arg25: memref<!tpu.dma_semaphore, #tpu.memory_space<semaphore_mem>>, %arg26: memref<!tpu.dma_semaphore, #tpu.memory_space<semaphore_mem>>, %arg27: memref<!tpu.dma_semaphore, #tpu.memory_space<semaphore_mem>>, %arg28: memref<!tpu.dma_semaphore, #tpu.memory_space<semaphore_mem>>, %arg29: memref<!tpu.dma_semaphore, #tpu.memory_space<semaphore_mem>>) attributes {dimension_semantics = [#tpu.dimension_semantics<core_parallel>, #tpu.dimension_semantics<subcore_parallel>], iteration_bounds = array<i64: 2, 16>, scalar_prefetch = 0 : i64, scratch_operands = 24 : i64, tpu.core_type = #tpu.core_type<sc_vector_subcore>, window_params = [{transform_indices = #map}, {transform_indices = #map1}, {transform_indices = #map}, {transform_indices = #map1}]} {
    %mul3A = arith.constant 16 : i32
    %mul3A_0 = arith.muli %arg0, %mul3A : i32
    %add3A = arith.addi %mul3A_0, %arg1 : i32
    %mul3A_1 = arith.constant 78 : i32
    %mul3A_2 = arith.muli %add3A, %mul3A_1 : i32
    %add3A_3 = arith.constant 2496 : i32
    %add3A_4 = arith.addi %add3A_3, %add3A : i32
    %lt3A = arith.constant 4 : i32
    %lt3A_5 = arith.cmpi slt, %add3A, %lt3A : i32
    %convert_element_type3A = arith.extui %lt3A_5 : i1 to i32
    %cond3A = arith.constant 0 : i32
    %cond3A_6 = arith.cmpi ne, %convert_element_type3A, %cond3A : i32
    scf.if %cond3A_6 {
      %run_scoped3A = arith.constant 0 : i32
      "tpu.region"() ({
        %run_scoped3A_522 = tpu.sem_alloc : memref<!tpu.dma_semaphore, #tpu.memory_space<semaphore_mem>>
        %dma_start3A_523 = arith.constant 0 : i32
        %dma_start3A_524 = arith.constant 0 : i32
        %dma_start3A_525 = tpu.memref_slice %arg15[%dma_start3A_523, %dma_start3A_524] : memref<2x128xi32, #tpu.memory_space<vmem>> -> memref<1x128xi32, #tpu.memory_space<vmem>>
        %dma_start3A_526 = arith.constant 0 : i32
        %dma_start3A_527 = tpu.memref_slice %arg3[%run_scoped3A, %add3A_4, %dma_start3A_526] : memref<2x2500x128xi32, #tpu.memory_space<hbm>> -> memref<1x1x128xi32, #tpu.memory_space<hbm>>
        %dma_start3A_528 = tpu.memref_squeeze %dma_start3A_527 : memref<1x1x128xi32, #tpu.memory_space<hbm>> -> memref<1x128xi32, #tpu.memory_space<hbm>>
        %dma_start3A_529 = arith.constant 0 : i32
        %dma_start3A_530 = arith.constant 0 : i32
        %dma_start3A_531 = tpu.memref_slice %arg15[%dma_start3A_529, %dma_start3A_530] : memref<2x128xi32, #tpu.memory_space<vmem>> -> memref<1x128xi32, #tpu.memory_space<vmem>>
        %dma_start3A_532 = arith.constant 0 : i32
        %dma_start3A_533 = tpu.memref_slice %arg3[%run_scoped3A, %add3A_4, %dma_start3A_532] : memref<2x2500x128xi32, #tpu.memory_space<hbm>> -> memref<1x1x128xi32, #tpu.memory_space<hbm>>
        %dma_start3A_534 = tpu.memref_squeeze %dma_start3A_533 : memref<1x1x128xi32, #tpu.memory_space<hbm>> -> memref<1x128xi32, #tpu.memory_space<hbm>>
        tpu.enqueue_dma source(%dma_start3A_534 : memref<1x128xi32, #tpu.memory_space<hbm>>) target(%dma_start3A_531 : memref<1x128xi32, #tpu.memory_space<vmem>>) target_semaphore(%run_scoped3A_522 : memref<!tpu.dma_semaphore, #tpu.memory_space<semaphore_mem>>)
        %dma_wait3A_535 = arith.constant 0 : i32
        %dma_wait3A_536 = arith.constant 0 : i32
        %dma_wait3A_537 = tpu.memref_slice %arg15[%dma_wait3A_535, %dma_wait3A_536] : memref<2x128xi32, #tpu.memory_space<vmem>> -> memref<1x128xi32, #tpu.memory_space<vmem>>
        %dma_wait3A_538 = arith.constant 0 : i32
        %dma_wait3A_539 = tpu.memref_slice %arg3[%run_scoped3A, %add3A_4, %dma_wait3A_538] : memref<2x2500x128xi32, #tpu.memory_space<hbm>> -> memref<1x1x128xi32, #tpu.memory_space<hbm>>
        %dma_wait3A_540 = tpu.memref_squeeze %dma_wait3A_539 : memref<1x1x128xi32, #tpu.memory_space<hbm>> -> memref<1x128xi32, #tpu.memory_space<hbm>>
        %dma_wait3A_541 = arith.constant 0 : i32
        %dma_wait3A_542 = arith.constant 0 : i32
        %dma_wait3A_543 = tpu.memref_slice %arg15[%dma_wait3A_541, %dma_wait3A_542] : memref<2x128xi32, #tpu.memory_space<vmem>> -> memref<1x128xi32, #tpu.memory_space<vmem>>
        %dma_wait3A_544 = arith.constant 0 : i32
        %dma_wait3A_545 = tpu.memref_slice %arg3[%run_scoped3A, %add3A_4, %dma_wait3A_544] : memref<2x2500x128xi32, #tpu.memory_space<hbm>> -> memref<1x1x128xi32, #tpu.memory_space<hbm>>
        %dma_wait3A_546 = tpu.memref_squeeze %dma_wait3A_545 : memref<1x1x128xi32, #tpu.memory_space<hbm>> -> memref<1x128xi32, #tpu.memory_space<hbm>>
        tpu.wait_dma2 semaphore(%run_scoped3A_522 : memref<!tpu.dma_semaphore, #tpu.memory_space<semaphore_mem>>) src(%dma_wait3A_546 : memref<1x128xi32, #tpu.memory_space<hbm>>) dst(%dma_wait3A_543 : memref<1x128xi32, #tpu.memory_space<vmem>>)
        tpu.yield
      }) : () -> ()
      %run_scoped3A_521 = arith.constant 1 : i32
      "tpu.region"() ({
        %run_scoped3A_522 = tpu.sem_alloc : memref<!tpu.dma_semaphore, #tpu.memory_space<semaphore_mem>>
        %dma_start3A_523 = arith.constant 1 : i32
        %dma_start3A_524 = arith.constant 0 : i32
        %dma_start3A_525 = tpu.memref_slice %arg15[%dma_start3A_523, %dma_start3A_524] : memref<2x128xi32, #tpu.memory_space<vmem>> -> memref<1x128xi32, #tpu.memory_space<vmem>>
        %dma_start3A_526 = arith.constant 0 : i32
        %dma_start3A_527 = tpu.memref_slice %arg3[%run_scoped3A_521, %add3A_4, %dma_start3A_526] : memref<2x2500x128xi32, #tpu.memory_space<hbm>> -> memref<1x1x128xi32, #tpu.memory_space<hbm>>
        %dma_start3A_528 = tpu.memref_squeeze %dma_start3A_527 : memref<1x1x128xi32, #tpu.memory_space<hbm>> -> memref<1x128xi32, #tpu.memory_space<hbm>>
        %dma_start3A_529 = arith.constant 1 : i32
        %dma_start3A_530 = arith.constant 0 : i32
        %dma_start3A_531 = tpu.memref_slice %arg15[%dma_start3A_529, %dma_start3A_530] : memref<2x128xi32, #tpu.memory_space<vmem>> -> memref<1x128xi32, #tpu.memory_space<vmem>>
        %dma_start3A_532 = arith.constant 0 : i32
        %dma_start3A_533 = tpu.memref_slice %arg3[%run_scoped3A_521, %add3A_4, %dma_start3A_532] : memref<2x2500x128xi32, #tpu.memory_space<hbm>> -> memref<1x1x128xi32, #tpu.memory_space<hbm>>
        %dma_start3A_534 = tpu.memref_squeeze %dma_start3A_533 : memref<1x1x128xi32, #tpu.memory_space<hbm>> -> memref<1x128xi32, #tpu.memory_space<hbm>>
        tpu.enqueue_dma source(%dma_start3A_534 : memref<1x128xi32, #tpu.memory_space<hbm>>) target(%dma_start3A_531 : memref<1x128xi32, #tpu.memory_space<vmem>>) target_semaphore(%run_scoped3A_522 : memref<!tpu.dma_semaphore, #tpu.memory_space<semaphore_mem>>)
        %dma_wait3A_535 = arith.constant 1 : i32
        %dma_wait3A_536 = arith.constant 0 : i32
        %dma_wait3A_537 = tpu.memref_slice %arg15[%dma_wait3A_535, %dma_wait3A_536] : memref<2x128xi32, #tpu.memory_space<vmem>> -> memref<1x128xi32, #tpu.memory_space<vmem>>
        %dma_wait3A_538 = arith.constant 0 : i32
        %dma_wait3A_539 = tpu.memref_slice %arg3[%run_scoped3A_521, %add3A_4, %dma_wait3A_538] : memref<2x2500x128xi32, #tpu.memory_space<hbm>> -> memref<1x1x128xi32, #tpu.memory_space<hbm>>
        %dma_wait3A_540 = tpu.memref_squeeze %dma_wait3A_539 : memref<1x1x128xi32, #tpu.memory_space<hbm>> -> memref<1x128xi32, #tpu.memory_space<hbm>>
        %dma_wait3A_541 = arith.constant 1 : i32
        %dma_wait3A_542 = arith.constant 0 : i32
        %dma_wait3A_543 = tpu.memref_slice %arg15[%dma_wait3A_541, %dma_wait3A_542] : memref<2x128xi32, #tpu.memory_space<vmem>> -> memref<1x128xi32, #tpu.memory_space<vmem>>
        %dma_wait3A_544 = arith.constant 0 : i32
        %dma_wait3A_545 = tpu.memref_slice %arg3[%run_scoped3A_521, %add3A_4, %dma_wait3A_544] : memref<2x2500x128xi32, #tpu.memory_space<hbm>> -> memref<1x1x128xi32, #tpu.memory_space<hbm>>
        %dma_wait3A_546 = tpu.memref_squeeze %dma_wait3A_545 : memref<1x1x128xi32, #tpu.memory_space<hbm>> -> memref<1x128xi32, #tpu.memory_space<hbm>>
        tpu.wait_dma2 semaphore(%run_scoped3A_522 : memref<!tpu.dma_semaphore, #tpu.memory_space<semaphore_mem>>) src(%dma_wait3A_546 : memref<1x128xi32, #tpu.memory_space<hbm>>) dst(%dma_wait3A_543 : memref<1x128xi32, #tpu.memory_space<vmem>>)
        tpu.yield
      }) : () -> ()
    } else {
    }
    %mul3A_7 = arith.constant 640 : i32
    %mul3A_8 = arith.muli %arg1, %mul3A_7 : i32
    "tpu.region"() ({
      %run_scoped3A = tpu.sem_alloc : memref<!tpu.dma_semaphore, #tpu.memory_space<semaphore_mem>>
      %dma_start3A_521 = arith.constant 0 : i32
      %dma_start3A_522 = tpu.memref_slice %arg17[%mul3A_8, %dma_start3A_521] : memref<10240x64xf32, #tpu.memory_space<vmem_shared>> -> memref<640x64xf32, #tpu.memory_space<vmem_shared>>
      %dma_start3A_523 = arith.constant 0 : i32
      %dma_start3A_524 = tpu.memref_slice %arg2[%mul3A_8, %dma_start3A_523] : memref<10240x128xf32, #tpu.memory_space<hbm>> -> memref<640x64xf32, #tpu.memory_space<hbm>>
      tpu.enqueue_dma source(%dma_start3A_524 : memref<640x64xf32, #tpu.memory_space<hbm>>) target(%dma_start3A_522 : memref<640x64xf32, #tpu.memory_space<vmem_shared>>) target_semaphore(%run_scoped3A : memref<!tpu.dma_semaphore, #tpu.memory_space<semaphore_mem>>)
      %dma_wait3A_525 = arith.constant 0 : i32
      %dma_wait3A_526 = tpu.memref_slice %arg17[%mul3A_8, %dma_wait3A_525] : memref<10240x64xf32, #tpu.memory_space<vmem_shared>> -> memref<640x64xf32, #tpu.memory_space<vmem_shared>>
      %dma_wait3A_527 = arith.constant 0 : i32
      %dma_wait3A_528 = tpu.memref_slice %arg2[%mul3A_8, %dma_wait3A_527] : memref<10240x128xf32, #tpu.memory_space<hbm>> -> memref<640x64xf32, #tpu.memory_space<hbm>>
      tpu.wait_dma2 semaphore(%run_scoped3A : memref<!tpu.dma_semaphore, #tpu.memory_space<semaphore_mem>>) src(%dma_wait3A_528 : memref<640x64xf32, #tpu.memory_space<hbm>>) dst(%dma_wait3A_526 : memref<640x64xf32, #tpu.memory_space<vmem_shared>>)
      tpu.yield
    }) : () -> ()
    "tpu.region"() ({
      %run_scoped3A = tpu.sem_alloc : memref<!tpu.dma_semaphore, #tpu.memory_space<semaphore_mem>>
      tpu.enqueue_dma source(%arg4 : memref<128x64xf32, #tpu.memory_space<hbm>>) target(%arg12 : memref<128x64xf32, #tpu.memory_space<vmem>>) target_semaphore(%run_scoped3A : memref<!tpu.dma_semaphore, #tpu.memory_space<semaphore_mem>>)
      tpu.wait_dma2 semaphore(%run_scoped3A : memref<!tpu.dma_semaphore, #tpu.memory_space<semaphore_mem>>) src(%arg4 : memref<128x64xf32, #tpu.memory_space<hbm>>) dst(%arg12 : memref<128x64xf32, #tpu.memory_space<vmem>>)
      tpu.yield
    }) : () -> ()
    %mul3A_9 = arith.constant 640 : i32
    %mul3A_10 = arith.muli %arg1, %mul3A_9 : i32
    %add3A_11 = arith.constant 0 : i32
    %add3A_12 = arith.addi %mul3A_10, %add3A_11 : i32
    "tpu.region"() ({
      %run_scoped3A = tpu.sem_alloc : memref<!tpu.dma_semaphore, #tpu.memory_space<semaphore_mem>>
      %dma_start3A_521 = arith.constant 0 : i32
      %dma_start3A_522 = tpu.memref_slice %arg16[%add3A_12, %dma_start3A_521] : memref<10240x64xf32, #tpu.memory_space<vmem_shared>> -> memref<128x64xf32, #tpu.memory_space<vmem_shared>>
      %dma_start3A_523 = arith.constant 0 : i32
      %dma_start3A_524 = tpu.memref_slice %arg16[%add3A_12, %dma_start3A_523] : memref<10240x64xf32, #tpu.memory_space<vmem_shared>> -> memref<128x64xf32, #tpu.memory_space<vmem_shared>>
      tpu.enqueue_dma source(%arg12 : memref<128x64xf32, #tpu.memory_space<vmem>>) target(%dma_start3A_524 : memref<128x64xf32, #tpu.memory_space<vmem_shared>>) target_semaphore(%run_scoped3A : memref<!tpu.dma_semaphore, #tpu.memory_space<semaphore_mem>>)
      %dma_wait3A_525 = arith.constant 0 : i32
      %dma_wait3A_526 = tpu.memref_slice %arg16[%add3A_12, %dma_wait3A_525] : memref<10240x64xf32, #tpu.memory_space<vmem_shared>> -> memref<128x64xf32, #tpu.memory_space<vmem_shared>>
      %dma_wait3A_527 = arith.constant 0 : i32
      %dma_wait3A_528 = tpu.memref_slice %arg16[%add3A_12, %dma_wait3A_527] : memref<10240x64xf32, #tpu.memory_space<vmem_shared>> -> memref<128x64xf32, #tpu.memory_space<vmem_shared>>
      tpu.wait_dma2 semaphore(%run_scoped3A : memref<!tpu.dma_semaphore, #tpu.memory_space<semaphore_mem>>) src(%arg12 : memref<128x64xf32, #tpu.memory_space<vmem>>) dst(%dma_wait3A_528 : memref<128x64xf32, #tpu.memory_space<vmem_shared>>)
      tpu.yield
    }) : () -> ()
    %mul3A_13 = arith.constant 640 : i32
    %mul3A_14 = arith.muli %arg1, %mul3A_13 : i32
    %add3A_15 = arith.constant 128 : i32
    %add3A_16 = arith.addi %mul3A_14, %add3A_15 : i32
    "tpu.region"() ({
      %run_scoped3A = tpu.sem_alloc : memref<!tpu.dma_semaphore, #tpu.memory_space<semaphore_mem>>
      %dma_start3A_521 = arith.constant 0 : i32
      %dma_start3A_522 = tpu.memref_slice %arg16[%add3A_16, %dma_start3A_521] : memref<10240x64xf32, #tpu.memory_space<vmem_shared>> -> memref<128x64xf32, #tpu.memory_space<vmem_shared>>
      %dma_start3A_523 = arith.constant 0 : i32
      %dma_start3A_524 = tpu.memref_slice %arg16[%add3A_16, %dma_start3A_523] : memref<10240x64xf32, #tpu.memory_space<vmem_shared>> -> memref<128x64xf32, #tpu.memory_space<vmem_shared>>
      tpu.enqueue_dma source(%arg12 : memref<128x64xf32, #tpu.memory_space<vmem>>) target(%dma_start3A_524 : memref<128x64xf32, #tpu.memory_space<vmem_shared>>) target_semaphore(%run_scoped3A : memref<!tpu.dma_semaphore, #tpu.memory_space<semaphore_mem>>)
      %dma_wait3A_525 = arith.constant 0 : i32
      %dma_wait3A_526 = tpu.memref_slice %arg16[%add3A_16, %dma_wait3A_525] : memref<10240x64xf32, #tpu.memory_space<vmem_shared>> -> memref<128x64xf32, #tpu.memory_space<vmem_shared>>
      %dma_wait3A_527 = arith.constant 0 : i32
      %dma_wait3A_528 = tpu.memref_slice %arg16[%add3A_16, %dma_wait3A_527] : memref<10240x64xf32, #tpu.memory_space<vmem_shared>> -> memref<128x64xf32, #tpu.memory_space<vmem_shared>>
      tpu.wait_dma2 semaphore(%run_scoped3A : memref<!tpu.dma_semaphore, #tpu.memory_space<semaphore_mem>>) src(%arg12 : memref<128x64xf32, #tpu.memory_space<vmem>>) dst(%dma_wait3A_528 : memref<128x64xf32, #tpu.memory_space<vmem_shared>>)
      tpu.yield
    }) : () -> ()
    %mul3A_17 = arith.constant 640 : i32
    %mul3A_18 = arith.muli %arg1, %mul3A_17 : i32
    %add3A_19 = arith.constant 256 : i32
    %add3A_20 = arith.addi %mul3A_18, %add3A_19 : i32
    "tpu.region"() ({
      %run_scoped3A = tpu.sem_alloc : memref<!tpu.dma_semaphore, #tpu.memory_space<semaphore_mem>>
      %dma_start3A_521 = arith.constant 0 : i32
      %dma_start3A_522 = tpu.memref_slice %arg16[%add3A_20, %dma_start3A_521] : memref<10240x64xf32, #tpu.memory_space<vmem_shared>> -> memref<128x64xf32, #tpu.memory_space<vmem_shared>>
      %dma_start3A_523 = arith.constant 0 : i32
      %dma_start3A_524 = tpu.memref_slice %arg16[%add3A_20, %dma_start3A_523] : memref<10240x64xf32, #tpu.memory_space<vmem_shared>> -> memref<128x64xf32, #tpu.memory_space<vmem_shared>>
      tpu.enqueue_dma source(%arg12 : memref<128x64xf32, #tpu.memory_space<vmem>>) target(%dma_start3A_524 : memref<128x64xf32, #tpu.memory_space<vmem_shared>>) target_semaphore(%run_scoped3A : memref<!tpu.dma_semaphore, #tpu.memory_space<semaphore_mem>>)
      %dma_wait3A_525 = arith.constant 0 : i32
      %dma_wait3A_526 = tpu.memref_slice %arg16[%add3A_20, %dma_wait3A_525] : memref<10240x64xf32, #tpu.memory_space<vmem_shared>> -> memref<128x64xf32, #tpu.memory_space<vmem_shared>>
      %dma_wait3A_527 = arith.constant 0 : i32
      %dma_wait3A_528 = tpu.memref_slice %arg16[%add3A_20, %dma_wait3A_527] : memref<10240x64xf32, #tpu.memory_space<vmem_shared>> -> memref<128x64xf32, #tpu.memory_space<vmem_shared>>
      tpu.wait_dma2 semaphore(%run_scoped3A : memref<!tpu.dma_semaphore, #tpu.memory_space<semaphore_mem>>) src(%arg12 : memref<128x64xf32, #tpu.memory_space<vmem>>) dst(%dma_wait3A_528 : memref<128x64xf32, #tpu.memory_space<vmem_shared>>)
      tpu.yield
    }) : () -> ()
    %mul3A_21 = arith.constant 640 : i32
    %mul3A_22 = arith.muli %arg1, %mul3A_21 : i32
    %add3A_23 = arith.constant 384 : i32
    %add3A_24 = arith.addi %mul3A_22, %add3A_23 : i32
    "tpu.region"() ({
      %run_scoped3A = tpu.sem_alloc : memref<!tpu.dma_semaphore, #tpu.memory_space<semaphore_mem>>
      %dma_start3A_521 = arith.constant 0 : i32
      %dma_start3A_522 = tpu.memref_slice %arg16[%add3A_24, %dma_start3A_521] : memref<10240x64xf32, #tpu.memory_space<vmem_shared>> -> memref<128x64xf32, #tpu.memory_space<vmem_shared>>
      %dma_start3A_523 = arith.constant 0 : i32
      %dma_start3A_524 = tpu.memref_slice %arg16[%add3A_24, %dma_start3A_523] : memref<10240x64xf32, #tpu.memory_space<vmem_shared>> -> memref<128x64xf32, #tpu.memory_space<vmem_shared>>
      tpu.enqueue_dma source(%arg12 : memref<128x64xf32, #tpu.memory_space<vmem>>) target(%dma_start3A_524 : memref<128x64xf32, #tpu.memory_space<vmem_shared>>) target_semaphore(%run_scoped3A : memref<!tpu.dma_semaphore, #tpu.memory_space<semaphore_mem>>)
      %dma_wait3A_525 = arith.constant 0 : i32
      %dma_wait3A_526 = tpu.memref_slice %arg16[%add3A_24, %dma_wait3A_525] : memref<10240x64xf32, #tpu.memory_space<vmem_shared>> -> memref<128x64xf32, #tpu.memory_space<vmem_shared>>
      %dma_wait3A_527 = arith.constant 0 : i32
      %dma_wait3A_528 = tpu.memref_slice %arg16[%add3A_24, %dma_wait3A_527] : memref<10240x64xf32, #tpu.memory_space<vmem_shared>> -> memref<128x64xf32, #tpu.memory_space<vmem_shared>>
      tpu.wait_dma2 semaphore(%run_scoped3A : memref<!tpu.dma_semaphore, #tpu.memory_space<semaphore_mem>>) src(%arg12 : memref<128x64xf32, #tpu.memory_space<vmem>>) dst(%dma_wait3A_528 : memref<128x64xf32, #tpu.memory_space<vmem_shared>>)
      tpu.yield
    }) : () -> ()
    %mul3A_25 = arith.constant 640 : i32
    %mul3A_26 = arith.muli %arg1, %mul3A_25 : i32
    %add3A_27 = arith.constant 512 : i32
    %add3A_28 = arith.addi %mul3A_26, %add3A_27 : i32
    "tpu.region"() ({
      %run_scoped3A = tpu.sem_alloc : memref<!tpu.dma_semaphore, #tpu.memory_space<semaphore_mem>>
      %dma_start3A_521 = arith.constant 0 : i32
      %dma_start3A_522 = tpu.memref_slice %arg16[%add3A_28, %dma_start3A_521] : memref<10240x64xf32, #tpu.memory_space<vmem_shared>> -> memref<128x64xf32, #tpu.memory_space<vmem_shared>>
      %dma_start3A_523 = arith.constant 0 : i32
      %dma_start3A_524 = tpu.memref_slice %arg16[%add3A_28, %dma_start3A_523] : memref<10240x64xf32, #tpu.memory_space<vmem_shared>> -> memref<128x64xf32, #tpu.memory_space<vmem_shared>>
      tpu.enqueue_dma source(%arg12 : memref<128x64xf32, #tpu.memory_space<vmem>>) target(%dma_start3A_524 : memref<128x64xf32, #tpu.memory_space<vmem_shared>>) target_semaphore(%run_scoped3A : memref<!tpu.dma_semaphore, #tpu.memory_space<semaphore_mem>>)
      %dma_wait3A_525 = arith.constant 0 : i32
      %dma_wait3A_526 = tpu.memref_slice %arg16[%add3A_28, %dma_wait3A_525] : memref<10240x64xf32, #tpu.memory_space<vmem_shared>> -> memref<128x64xf32, #tpu.memory_space<vmem_shared>>
      %dma_wait3A_527 = arith.constant 0 : i32
      %dma_wait3A_528 = tpu.memref_slice %arg16[%add3A_28, %dma_wait3A_527] : memref<10240x64xf32, #tpu.memory_space<vmem_shared>> -> memref<128x64xf32, #tpu.memory_space<vmem_shared>>
      tpu.wait_dma2 semaphore(%run_scoped3A : memref<!tpu.dma_semaphore, #tpu.memory_space<semaphore_mem>>) src(%arg12 : memref<128x64xf32, #tpu.memory_space<vmem>>) dst(%dma_wait3A_528 : memref<128x64xf32, #tpu.memory_space<vmem_shared>>)
      tpu.yield
    }) : () -> ()
    %barrier3A = arith.constant 0 : index
    tpu.barrier barrier_id(%barrier3A)
    %add3A_29 = arith.constant 0 : i32
    %add3A_30 = arith.addi %mul3A_2, %add3A_29 : i32
    %dma_start3A = arith.constant 0 : i32
    %dma_start3A_31 = arith.constant 0 : i32
    %dma_start3A_32 = arith.constant 0 : i32
    %dma_start3A_33 = tpu.memref_slice %arg6[%dma_start3A_31, %dma_start3A_32] : memref<2x128xi32, #tpu.memory_space<vmem>> -> memref<1x128xi32, #tpu.memory_space<vmem>>
    %dma_start3A_34 = arith.constant 0 : i32
    %dma_start3A_35 = tpu.memref_slice %arg3[%dma_start3A, %add3A_30, %dma_start3A_34] : memref<2x2500x128xi32, #tpu.memory_space<hbm>> -> memref<1x1x128xi32, #tpu.memory_space<hbm>>
    %dma_start3A_36 = tpu.memref_squeeze %dma_start3A_35 : memref<1x1x128xi32, #tpu.memory_space<hbm>> -> memref<1x128xi32, #tpu.memory_space<hbm>>
    %dma_start3A_37 = arith.constant 0 : i32
    %dma_start3A_38 = arith.constant 0 : i32
    %dma_start3A_39 = tpu.memref_slice %arg6[%dma_start3A_37, %dma_start3A_38] : memref<2x128xi32, #tpu.memory_space<vmem>> -> memref<1x128xi32, #tpu.memory_space<vmem>>
    %dma_start3A_40 = arith.constant 0 : i32
    %dma_start3A_41 = tpu.memref_slice %arg3[%dma_start3A, %add3A_30, %dma_start3A_40] : memref<2x2500x128xi32, #tpu.memory_space<hbm>> -> memref<1x1x128xi32, #tpu.memory_space<hbm>>
    %dma_start3A_42 = tpu.memref_squeeze %dma_start3A_41 : memref<1x1x128xi32, #tpu.memory_space<hbm>> -> memref<1x128xi32, #tpu.memory_space<hbm>>
    tpu.enqueue_dma source(%dma_start3A_42 : memref<1x128xi32, #tpu.memory_space<hbm>>) target(%dma_start3A_39 : memref<1x128xi32, #tpu.memory_space<vmem>>) target_semaphore(%arg18 : memref<!tpu.dma_semaphore, #tpu.memory_space<semaphore_mem>>)
    %add3A_43 = arith.constant 0 : i32
    %add3A_44 = arith.addi %mul3A_2, %add3A_43 : i32
    %dma_start3A_45 = arith.constant 1 : i32
    %dma_start3A_46 = arith.constant 1 : i32
    %dma_start3A_47 = arith.constant 0 : i32
    %dma_start3A_48 = tpu.memref_slice %arg6[%dma_start3A_46, %dma_start3A_47] : memref<2x128xi32, #tpu.memory_space<vmem>> -> memref<1x128xi32, #tpu.memory_space<vmem>>
    %dma_start3A_49 = arith.constant 0 : i32
    %dma_start3A_50 = tpu.memref_slice %arg3[%dma_start3A_45, %add3A_44, %dma_start3A_49] : memref<2x2500x128xi32, #tpu.memory_space<hbm>> -> memref<1x1x128xi32, #tpu.memory_space<hbm>>
    %dma_start3A_51 = tpu.memref_squeeze %dma_start3A_50 : memref<1x1x128xi32, #tpu.memory_space<hbm>> -> memref<1x128xi32, #tpu.memory_space<hbm>>
    %dma_start3A_52 = arith.constant 1 : i32
    %dma_start3A_53 = arith.constant 0 : i32
    %dma_start3A_54 = tpu.memref_slice %arg6[%dma_start3A_52, %dma_start3A_53] : memref<2x128xi32, #tpu.memory_space<vmem>> -> memref<1x128xi32, #tpu.memory_space<vmem>>
    %dma_start3A_55 = arith.constant 0 : i32
    %dma_start3A_56 = tpu.memref_slice %arg3[%dma_start3A_45, %add3A_44, %dma_start3A_55] : memref<2x2500x128xi32, #tpu.memory_space<hbm>> -> memref<1x1x128xi32, #tpu.memory_space<hbm>>
    %dma_start3A_57 = tpu.memref_squeeze %dma_start3A_56 : memref<1x1x128xi32, #tpu.memory_space<hbm>> -> memref<1x128xi32, #tpu.memory_space<hbm>>
    tpu.enqueue_dma source(%dma_start3A_57 : memref<1x128xi32, #tpu.memory_space<hbm>>) target(%dma_start3A_54 : memref<1x128xi32, #tpu.memory_space<vmem>>) target_semaphore(%arg18 : memref<!tpu.dma_semaphore, #tpu.memory_space<semaphore_mem>>)
    %add3A_58 = arith.constant 1 : i32
    %add3A_59 = arith.addi %mul3A_2, %add3A_58 : i32
    %dma_start3A_60 = arith.constant 0 : i32
    %dma_start3A_61 = arith.constant 0 : i32
    %dma_start3A_62 = arith.constant 0 : i32
    %dma_start3A_63 = tpu.memref_slice %arg7[%dma_start3A_61, %dma_start3A_62] : memref<2x128xi32, #tpu.memory_space<vmem>> -> memref<1x128xi32, #tpu.memory_space<vmem>>
    %dma_start3A_64 = arith.constant 0 : i32
    %dma_start3A_65 = tpu.memref_slice %arg3[%dma_start3A_60, %add3A_59, %dma_start3A_64] : memref<2x2500x128xi32, #tpu.memory_space<hbm>> -> memref<1x1x128xi32, #tpu.memory_space<hbm>>
    %dma_start3A_66 = tpu.memref_squeeze %dma_start3A_65 : memref<1x1x128xi32, #tpu.memory_space<hbm>> -> memref<1x128xi32, #tpu.memory_space<hbm>>
    %dma_start3A_67 = arith.constant 0 : i32
    %dma_start3A_68 = arith.constant 0 : i32
    %dma_start3A_69 = tpu.memref_slice %arg7[%dma_start3A_67, %dma_start3A_68] : memref<2x128xi32, #tpu.memory_space<vmem>> -> memref<1x128xi32, #tpu.memory_space<vmem>>
    %dma_start3A_70 = arith.constant 0 : i32
    %dma_start3A_71 = tpu.memref_slice %arg3[%dma_start3A_60, %add3A_59, %dma_start3A_70] : memref<2x2500x128xi32, #tpu.memory_space<hbm>> -> memref<1x1x128xi32, #tpu.memory_space<hbm>>
    %dma_start3A_72 = tpu.memref_squeeze %dma_start3A_71 : memref<1x1x128xi32, #tpu.memory_space<hbm>> -> memref<1x128xi32, #tpu.memory_space<hbm>>
    tpu.enqueue_dma source(%dma_start3A_72 : memref<1x128xi32, #tpu.memory_space<hbm>>) target(%dma_start3A_69 : memref<1x128xi32, #tpu.memory_space<vmem>>) target_semaphore(%arg19 : memref<!tpu.dma_semaphore, #tpu.memory_space<semaphore_mem>>)
    %add3A_73 = arith.constant 1 : i32
    %add3A_74 = arith.addi %mul3A_2, %add3A_73 : i32
    %dma_start3A_75 = arith.constant 1 : i32
    %dma_start3A_76 = arith.constant 1 : i32
    %dma_start3A_77 = arith.constant 0 : i32
    %dma_start3A_78 = tpu.memref_slice %arg7[%dma_start3A_76, %dma_start3A_77] : memref<2x128xi32, #tpu.memory_space<vmem>> -> memref<1x128xi32, #tpu.memory_space<vmem>>
    %dma_start3A_79 = arith.constant 0 : i32
    %dma_start3A_80 = tpu.memref_slice %arg3[%dma_start3A_75, %add3A_74, %dma_start3A_79] : memref<2x2500x128xi32, #tpu.memory_space<hbm>> -> memref<1x1x128xi32, #tpu.memory_space<hbm>>
    %dma_start3A_81 = tpu.memref_squeeze %dma_start3A_80 : memref<1x1x128xi32, #tpu.memory_space<hbm>> -> memref<1x128xi32, #tpu.memory_space<hbm>>
    %dma_start3A_82 = arith.constant 1 : i32
    %dma_start3A_83 = arith.constant 0 : i32
    %dma_start3A_84 = tpu.memref_slice %arg7[%dma_start3A_82, %dma_start3A_83] : memref<2x128xi32, #tpu.memory_space<vmem>> -> memref<1x128xi32, #tpu.memory_space<vmem>>
    %dma_start3A_85 = arith.constant 0 : i32
    %dma_start3A_86 = tpu.memref_slice %arg3[%dma_start3A_75, %add3A_74, %dma_start3A_85] : memref<2x2500x128xi32, #tpu.memory_space<hbm>> -> memref<1x1x128xi32, #tpu.memory_space<hbm>>
    %dma_start3A_87 = tpu.memref_squeeze %dma_start3A_86 : memref<1x1x128xi32, #tpu.memory_space<hbm>> -> memref<1x128xi32, #tpu.memory_space<hbm>>
    tpu.enqueue_dma source(%dma_start3A_87 : memref<1x128xi32, #tpu.memory_space<hbm>>) target(%dma_start3A_84 : memref<1x128xi32, #tpu.memory_space<vmem>>) target_semaphore(%arg19 : memref<!tpu.dma_semaphore, #tpu.memory_space<semaphore_mem>>)
    %add3A_88 = arith.constant 2 : i32
    %add3A_89 = arith.addi %mul3A_2, %add3A_88 : i32
    %dma_start3A_90 = arith.constant 0 : i32
    %dma_start3A_91 = arith.constant 0 : i32
    %dma_start3A_92 = arith.constant 0 : i32
    %dma_start3A_93 = tpu.memref_slice %arg8[%dma_start3A_91, %dma_start3A_92] : memref<2x128xi32, #tpu.memory_space<vmem>> -> memref<1x128xi32, #tpu.memory_space<vmem>>
    %dma_start3A_94 = arith.constant 0 : i32
    %dma_start3A_95 = tpu.memref_slice %arg3[%dma_start3A_90, %add3A_89, %dma_start3A_94] : memref<2x2500x128xi32, #tpu.memory_space<hbm>> -> memref<1x1x128xi32, #tpu.memory_space<hbm>>
    %dma_start3A_96 = tpu.memref_squeeze %dma_start3A_95 : memref<1x1x128xi32, #tpu.memory_space<hbm>> -> memref<1x128xi32, #tpu.memory_space<hbm>>
    %dma_start3A_97 = arith.constant 0 : i32
    %dma_start3A_98 = arith.constant 0 : i32
    %dma_start3A_99 = tpu.memref_slice %arg8[%dma_start3A_97, %dma_start3A_98] : memref<2x128xi32, #tpu.memory_space<vmem>> -> memref<1x128xi32, #tpu.memory_space<vmem>>
    %dma_start3A_100 = arith.constant 0 : i32
    %dma_start3A_101 = tpu.memref_slice %arg3[%dma_start3A_90, %add3A_89, %dma_start3A_100] : memref<2x2500x128xi32, #tpu.memory_space<hbm>> -> memref<1x1x128xi32, #tpu.memory_space<hbm>>
    %dma_start3A_102 = tpu.memref_squeeze %dma_start3A_101 : memref<1x1x128xi32, #tpu.memory_space<hbm>> -> memref<1x128xi32, #tpu.memory_space<hbm>>
    tpu.enqueue_dma source(%dma_start3A_102 : memref<1x128xi32, #tpu.memory_space<hbm>>) target(%dma_start3A_99 : memref<1x128xi32, #tpu.memory_space<vmem>>) target_semaphore(%arg20 : memref<!tpu.dma_semaphore, #tpu.memory_space<semaphore_mem>>)
    %add3A_103 = arith.constant 2 : i32
    %add3A_104 = arith.addi %mul3A_2, %add3A_103 : i32
    %dma_start3A_105 = arith.constant 1 : i32
    %dma_start3A_106 = arith.constant 1 : i32
    %dma_start3A_107 = arith.constant 0 : i32
    %dma_start3A_108 = tpu.memref_slice %arg8[%dma_start3A_106, %dma_start3A_107] : memref<2x128xi32, #tpu.memory_space<vmem>> -> memref<1x128xi32, #tpu.memory_space<vmem>>
    %dma_start3A_109 = arith.constant 0 : i32
    %dma_start3A_110 = tpu.memref_slice %arg3[%dma_start3A_105, %add3A_104, %dma_start3A_109] : memref<2x2500x128xi32, #tpu.memory_space<hbm>> -> memref<1x1x128xi32, #tpu.memory_space<hbm>>
    %dma_start3A_111 = tpu.memref_squeeze %dma_start3A_110 : memref<1x1x128xi32, #tpu.memory_space<hbm>> -> memref<1x128xi32, #tpu.memory_space<hbm>>
    %dma_start3A_112 = arith.constant 1 : i32
    %dma_start3A_113 = arith.constant 0 : i32
    %dma_start3A_114 = tpu.memref_slice %arg8[%dma_start3A_112, %dma_start3A_113] : memref<2x128xi32, #tpu.memory_space<vmem>> -> memref<1x128xi32, #tpu.memory_space<vmem>>
    %dma_start3A_115 = arith.constant 0 : i32
    %dma_start3A_116 = tpu.memref_slice %arg3[%dma_start3A_105, %add3A_104, %dma_start3A_115] : memref<2x2500x128xi32, #tpu.memory_space<hbm>> -> memref<1x1x128xi32, #tpu.memory_space<hbm>>
    %dma_start3A_117 = tpu.memref_squeeze %dma_start3A_116 : memref<1x1x128xi32, #tpu.memory_space<hbm>> -> memref<1x128xi32, #tpu.memory_space<hbm>>
    tpu.enqueue_dma source(%dma_start3A_117 : memref<1x128xi32, #tpu.memory_space<hbm>>) target(%dma_start3A_114 : memref<1x128xi32, #tpu.memory_space<vmem>>) target_semaphore(%arg20 : memref<!tpu.dma_semaphore, #tpu.memory_space<semaphore_mem>>)
    %add3A_118 = arith.constant 3 : i32
    %add3A_119 = arith.addi %mul3A_2, %add3A_118 : i32
    %dma_start3A_120 = arith.constant 0 : i32
    %dma_start3A_121 = arith.constant 0 : i32
    %dma_start3A_122 = arith.constant 0 : i32
    %dma_start3A_123 = tpu.memref_slice %arg9[%dma_start3A_121, %dma_start3A_122] : memref<2x128xi32, #tpu.memory_space<vmem>> -> memref<1x128xi32, #tpu.memory_space<vmem>>
    %dma_start3A_124 = arith.constant 0 : i32
    %dma_start3A_125 = tpu.memref_slice %arg3[%dma_start3A_120, %add3A_119, %dma_start3A_124] : memref<2x2500x128xi32, #tpu.memory_space<hbm>> -> memref<1x1x128xi32, #tpu.memory_space<hbm>>
    %dma_start3A_126 = tpu.memref_squeeze %dma_start3A_125 : memref<1x1x128xi32, #tpu.memory_space<hbm>> -> memref<1x128xi32, #tpu.memory_space<hbm>>
    %dma_start3A_127 = arith.constant 0 : i32
    %dma_start3A_128 = arith.constant 0 : i32
    %dma_start3A_129 = tpu.memref_slice %arg9[%dma_start3A_127, %dma_start3A_128] : memref<2x128xi32, #tpu.memory_space<vmem>> -> memref<1x128xi32, #tpu.memory_space<vmem>>
    %dma_start3A_130 = arith.constant 0 : i32
    %dma_start3A_131 = tpu.memref_slice %arg3[%dma_start3A_120, %add3A_119, %dma_start3A_130] : memref<2x2500x128xi32, #tpu.memory_space<hbm>> -> memref<1x1x128xi32, #tpu.memory_space<hbm>>
    %dma_start3A_132 = tpu.memref_squeeze %dma_start3A_131 : memref<1x1x128xi32, #tpu.memory_space<hbm>> -> memref<1x128xi32, #tpu.memory_space<hbm>>
    tpu.enqueue_dma source(%dma_start3A_132 : memref<1x128xi32, #tpu.memory_space<hbm>>) target(%dma_start3A_129 : memref<1x128xi32, #tpu.memory_space<vmem>>) target_semaphore(%arg21 : memref<!tpu.dma_semaphore, #tpu.memory_space<semaphore_mem>>)
    %add3A_133 = arith.constant 3 : i32
    %add3A_134 = arith.addi %mul3A_2, %add3A_133 : i32
    %dma_start3A_135 = arith.constant 1 : i32
    %dma_start3A_136 = arith.constant 1 : i32
    %dma_start3A_137 = arith.constant 0 : i32
    %dma_start3A_138 = tpu.memref_slice %arg9[%dma_start3A_136, %dma_start3A_137] : memref<2x128xi32, #tpu.memory_space<vmem>> -> memref<1x128xi32, #tpu.memory_space<vmem>>
    %dma_start3A_139 = arith.constant 0 : i32
    %dma_start3A_140 = tpu.memref_slice %arg3[%dma_start3A_135, %add3A_134, %dma_start3A_139] : memref<2x2500x128xi32, #tpu.memory_space<hbm>> -> memref<1x1x128xi32, #tpu.memory_space<hbm>>
    %dma_start3A_141 = tpu.memref_squeeze %dma_start3A_140 : memref<1x1x128xi32, #tpu.memory_space<hbm>> -> memref<1x128xi32, #tpu.memory_space<hbm>>
    %dma_start3A_142 = arith.constant 1 : i32
    %dma_start3A_143 = arith.constant 0 : i32
    %dma_start3A_144 = tpu.memref_slice %arg9[%dma_start3A_142, %dma_start3A_143] : memref<2x128xi32, #tpu.memory_space<vmem>> -> memref<1x128xi32, #tpu.memory_space<vmem>>
    %dma_start3A_145 = arith.constant 0 : i32
    %dma_start3A_146 = tpu.memref_slice %arg3[%dma_start3A_135, %add3A_134, %dma_start3A_145] : memref<2x2500x128xi32, #tpu.memory_space<hbm>> -> memref<1x1x128xi32, #tpu.memory_space<hbm>>
    %dma_start3A_147 = tpu.memref_squeeze %dma_start3A_146 : memref<1x1x128xi32, #tpu.memory_space<hbm>> -> memref<1x128xi32, #tpu.memory_space<hbm>>
    tpu.enqueue_dma source(%dma_start3A_147 : memref<1x128xi32, #tpu.memory_space<hbm>>) target(%dma_start3A_144 : memref<1x128xi32, #tpu.memory_space<vmem>>) target_semaphore(%arg21 : memref<!tpu.dma_semaphore, #tpu.memory_space<semaphore_mem>>)
    %add3A_148 = arith.constant 4 : i32
    %add3A_149 = arith.addi %mul3A_2, %add3A_148 : i32
    %dma_start3A_150 = arith.constant 0 : i32
    %dma_start3A_151 = arith.constant 0 : i32
    %dma_start3A_152 = arith.constant 0 : i32
    %dma_start3A_153 = tpu.memref_slice %arg10[%dma_start3A_151, %dma_start3A_152] : memref<2x128xi32, #tpu.memory_space<vmem>> -> memref<1x128xi32, #tpu.memory_space<vmem>>
    %dma_start3A_154 = arith.constant 0 : i32
    %dma_start3A_155 = tpu.memref_slice %arg3[%dma_start3A_150, %add3A_149, %dma_start3A_154] : memref<2x2500x128xi32, #tpu.memory_space<hbm>> -> memref<1x1x128xi32, #tpu.memory_space<hbm>>
    %dma_start3A_156 = tpu.memref_squeeze %dma_start3A_155 : memref<1x1x128xi32, #tpu.memory_space<hbm>> -> memref<1x128xi32, #tpu.memory_space<hbm>>
    %dma_start3A_157 = arith.constant 0 : i32
    %dma_start3A_158 = arith.constant 0 : i32
    %dma_start3A_159 = tpu.memref_slice %arg10[%dma_start3A_157, %dma_start3A_158] : memref<2x128xi32, #tpu.memory_space<vmem>> -> memref<1x128xi32, #tpu.memory_space<vmem>>
    %dma_start3A_160 = arith.constant 0 : i32
    %dma_start3A_161 = tpu.memref_slice %arg3[%dma_start3A_150, %add3A_149, %dma_start3A_160] : memref<2x2500x128xi32, #tpu.memory_space<hbm>> -> memref<1x1x128xi32, #tpu.memory_space<hbm>>
    %dma_start3A_162 = tpu.memref_squeeze %dma_start3A_161 : memref<1x1x128xi32, #tpu.memory_space<hbm>> -> memref<1x128xi32, #tpu.memory_space<hbm>>
    tpu.enqueue_dma source(%dma_start3A_162 : memref<1x128xi32, #tpu.memory_space<hbm>>) target(%dma_start3A_159 : memref<1x128xi32, #tpu.memory_space<vmem>>) target_semaphore(%arg22 : memref<!tpu.dma_semaphore, #tpu.memory_space<semaphore_mem>>)
    %add3A_163 = arith.constant 4 : i32
    %add3A_164 = arith.addi %mul3A_2, %add3A_163 : i32
    %dma_start3A_165 = arith.constant 1 : i32
    %dma_start3A_166 = arith.constant 1 : i32
    %dma_start3A_167 = arith.constant 0 : i32
    %dma_start3A_168 = tpu.memref_slice %arg10[%dma_start3A_166, %dma_start3A_167] : memref<2x128xi32, #tpu.memory_space<vmem>> -> memref<1x128xi32, #tpu.memory_space<vmem>>
    %dma_start3A_169 = arith.constant 0 : i32
    %dma_start3A_170 = tpu.memref_slice %arg3[%dma_start3A_165, %add3A_164, %dma_start3A_169] : memref<2x2500x128xi32, #tpu.memory_space<hbm>> -> memref<1x1x128xi32, #tpu.memory_space<hbm>>
    %dma_start3A_171 = tpu.memref_squeeze %dma_start3A_170 : memref<1x1x128xi32, #tpu.memory_space<hbm>> -> memref<1x128xi32, #tpu.memory_space<hbm>>
    %dma_start3A_172 = arith.constant 1 : i32
    %dma_start3A_173 = arith.constant 0 : i32
    %dma_start3A_174 = tpu.memref_slice %arg10[%dma_start3A_172, %dma_start3A_173] : memref<2x128xi32, #tpu.memory_space<vmem>> -> memref<1x128xi32, #tpu.memory_space<vmem>>
    %dma_start3A_175 = arith.constant 0 : i32
    %dma_start3A_176 = tpu.memref_slice %arg3[%dma_start3A_165, %add3A_164, %dma_start3A_175] : memref<2x2500x128xi32, #tpu.memory_space<hbm>> -> memref<1x1x128xi32, #tpu.memory_space<hbm>>
    %dma_start3A_177 = tpu.memref_squeeze %dma_start3A_176 : memref<1x1x128xi32, #tpu.memory_space<hbm>> -> memref<1x128xi32, #tpu.memory_space<hbm>>
    tpu.enqueue_dma source(%dma_start3A_177 : memref<1x128xi32, #tpu.memory_space<hbm>>) target(%dma_start3A_174 : memref<1x128xi32, #tpu.memory_space<vmem>>) target_semaphore(%arg22 : memref<!tpu.dma_semaphore, #tpu.memory_space<semaphore_mem>>)
    %add3A_178 = arith.constant 5 : i32
    %add3A_179 = arith.addi %mul3A_2, %add3A_178 : i32
    %dma_start3A_180 = arith.constant 0 : i32
    %dma_start3A_181 = arith.constant 0 : i32
    %dma_start3A_182 = arith.constant 0 : i32
    %dma_start3A_183 = tpu.memref_slice %arg11[%dma_start3A_181, %dma_start3A_182] : memref<2x128xi32, #tpu.memory_space<vmem>> -> memref<1x128xi32, #tpu.memory_space<vmem>>
    %dma_start3A_184 = arith.constant 0 : i32
    %dma_start3A_185 = tpu.memref_slice %arg3[%dma_start3A_180, %add3A_179, %dma_start3A_184] : memref<2x2500x128xi32, #tpu.memory_space<hbm>> -> memref<1x1x128xi32, #tpu.memory_space<hbm>>
    %dma_start3A_186 = tpu.memref_squeeze %dma_start3A_185 : memref<1x1x128xi32, #tpu.memory_space<hbm>> -> memref<1x128xi32, #tpu.memory_space<hbm>>
    %dma_start3A_187 = arith.constant 0 : i32
    %dma_start3A_188 = arith.constant 0 : i32
    %dma_start3A_189 = tpu.memref_slice %arg11[%dma_start3A_187, %dma_start3A_188] : memref<2x128xi32, #tpu.memory_space<vmem>> -> memref<1x128xi32, #tpu.memory_space<vmem>>
    %dma_start3A_190 = arith.constant 0 : i32
    %dma_start3A_191 = tpu.memref_slice %arg3[%dma_start3A_180, %add3A_179, %dma_start3A_190] : memref<2x2500x128xi32, #tpu.memory_space<hbm>> -> memref<1x1x128xi32, #tpu.memory_space<hbm>>
    %dma_start3A_192 = tpu.memref_squeeze %dma_start3A_191 : memref<1x1x128xi32, #tpu.memory_space<hbm>> -> memref<1x128xi32, #tpu.memory_space<hbm>>
    tpu.enqueue_dma source(%dma_start3A_192 : memref<1x128xi32, #tpu.memory_space<hbm>>) target(%dma_start3A_189 : memref<1x128xi32, #tpu.memory_space<vmem>>) target_semaphore(%arg23 : memref<!tpu.dma_semaphore, #tpu.memory_space<semaphore_mem>>)
    %add3A_193 = arith.constant 5 : i32
    %add3A_194 = arith.addi %mul3A_2, %add3A_193 : i32
    %dma_start3A_195 = arith.constant 1 : i32
    %dma_start3A_196 = arith.constant 1 : i32
    %dma_start3A_197 = arith.constant 0 : i32
    %dma_start3A_198 = tpu.memref_slice %arg11[%dma_start3A_196, %dma_start3A_197] : memref<2x128xi32, #tpu.memory_space<vmem>> -> memref<1x128xi32, #tpu.memory_space<vmem>>
    %dma_start3A_199 = arith.constant 0 : i32
    %dma_start3A_200 = tpu.memref_slice %arg3[%dma_start3A_195, %add3A_194, %dma_start3A_199] : memref<2x2500x128xi32, #tpu.memory_space<hbm>> -> memref<1x1x128xi32, #tpu.memory_space<hbm>>
    %dma_start3A_201 = tpu.memref_squeeze %dma_start3A_200 : memref<1x1x128xi32, #tpu.memory_space<hbm>> -> memref<1x128xi32, #tpu.memory_space<hbm>>
    %dma_start3A_202 = arith.constant 1 : i32
    %dma_start3A_203 = arith.constant 0 : i32
    %dma_start3A_204 = tpu.memref_slice %arg11[%dma_start3A_202, %dma_start3A_203] : memref<2x128xi32, #tpu.memory_space<vmem>> -> memref<1x128xi32, #tpu.memory_space<vmem>>
    %dma_start3A_205 = arith.constant 0 : i32
    %dma_start3A_206 = tpu.memref_slice %arg3[%dma_start3A_195, %add3A_194, %dma_start3A_205] : memref<2x2500x128xi32, #tpu.memory_space<hbm>> -> memref<1x1x128xi32, #tpu.memory_space<hbm>>
    %dma_start3A_207 = tpu.memref_squeeze %dma_start3A_206 : memref<1x1x128xi32, #tpu.memory_space<hbm>> -> memref<1x128xi32, #tpu.memory_space<hbm>>
    tpu.enqueue_dma source(%dma_start3A_207 : memref<1x128xi32, #tpu.memory_space<hbm>>) target(%dma_start3A_204 : memref<1x128xi32, #tpu.memory_space<vmem>>) target_semaphore(%arg23 : memref<!tpu.dma_semaphore, #tpu.memory_space<semaphore_mem>>)
    %dma_wait3A = arith.constant 0 : i32
    %dma_wait3A_208 = arith.constant 0 : i32
    %dma_wait3A_209 = tpu.memref_slice %arg3[%dma_wait3A, %mul3A_2, %dma_wait3A_208] : memref<2x2500x128xi32, #tpu.memory_space<hbm>> -> memref<1x2x128xi32, #tpu.memory_space<hbm>>
    %dma_wait3A_210 = tpu.memref_squeeze %dma_wait3A_209 : memref<1x2x128xi32, #tpu.memory_space<hbm>> -> memref<2x128xi32, #tpu.memory_space<hbm>>
    %dma_wait3A_211 = arith.constant 0 : i32
    %dma_wait3A_212 = tpu.memref_slice %arg3[%dma_wait3A, %mul3A_2, %dma_wait3A_211] : memref<2x2500x128xi32, #tpu.memory_space<hbm>> -> memref<1x2x128xi32, #tpu.memory_space<hbm>>
    %dma_wait3A_213 = tpu.memref_squeeze %dma_wait3A_212 : memref<1x2x128xi32, #tpu.memory_space<hbm>> -> memref<2x128xi32, #tpu.memory_space<hbm>>
    tpu.wait_dma2 semaphore(%arg18 : memref<!tpu.dma_semaphore, #tpu.memory_space<semaphore_mem>>) src(%dma_wait3A_213 : memref<2x128xi32, #tpu.memory_space<hbm>>) dst(%arg6 : memref<2x128xi32, #tpu.memory_space<vmem>>)
    %dma_start3A_214 = arith.constant 0 : i32
    %dma_start3A_215 = arith.constant 0 : i32
    %dma_start3A_216 = tpu.memref_slice %arg6[%dma_start3A_214, %dma_start3A_215] : memref<2x128xi32, #tpu.memory_space<vmem>> -> memref<1x128xi32, #tpu.memory_space<vmem>>
    %dma_start3A_217 = tpu.memref_squeeze %dma_start3A_216 : memref<1x128xi32, #tpu.memory_space<vmem>> -> memref<128xi32, #tpu.memory_space<vmem>>
    %dma_start3A_218 = arith.constant 0 : i32
    %dma_start3A_219 = arith.constant 0 : i32
    %dma_start3A_220 = tpu.memref_slice %arg17[%dma_start3A_218, %dma_start3A_219] : memref<10240x64xf32, #tpu.memory_space<vmem_shared>> -> memref<10240x64xf32, #tpu.memory_space<vmem_shared>>
    tpu.enqueue_indirect_dma source(%dma_start3A_220 : memref<10240x64xf32, #tpu.memory_space<vmem_shared>>) target(%arg12 : memref<128x64xf32, #tpu.memory_space<vmem>>) offsets(%dma_start3A_217 : memref<128xi32, #tpu.memory_space<vmem>>) semaphore(%arg24 : memref<!tpu.dma_semaphore, #tpu.memory_space<semaphore_mem>>)
    %dma_wait3A_221 = arith.constant 0 : i32
    %dma_wait3A_222 = arith.constant 0 : i32
    %dma_wait3A_223 = tpu.memref_slice %arg3[%dma_wait3A_221, %mul3A_2, %dma_wait3A_222] : memref<2x2500x128xi32, #tpu.memory_space<hbm>> -> memref<1x2x128xi32, #tpu.memory_space<hbm>>
    %dma_wait3A_224 = tpu.memref_squeeze %dma_wait3A_223 : memref<1x2x128xi32, #tpu.memory_space<hbm>> -> memref<2x128xi32, #tpu.memory_space<hbm>>
    %dma_wait3A_225 = arith.constant 0 : i32
    %dma_wait3A_226 = tpu.memref_slice %arg3[%dma_wait3A_221, %mul3A_2, %dma_wait3A_225] : memref<2x2500x128xi32, #tpu.memory_space<hbm>> -> memref<1x2x128xi32, #tpu.memory_space<hbm>>
    %dma_wait3A_227 = tpu.memref_squeeze %dma_wait3A_226 : memref<1x2x128xi32, #tpu.memory_space<hbm>> -> memref<2x128xi32, #tpu.memory_space<hbm>>
    tpu.wait_dma2 semaphore(%arg19 : memref<!tpu.dma_semaphore, #tpu.memory_space<semaphore_mem>>) src(%dma_wait3A_227 : memref<2x128xi32, #tpu.memory_space<hbm>>) dst(%arg7 : memref<2x128xi32, #tpu.memory_space<vmem>>)
    %dma_start3A_228 = arith.constant 0 : i32
    %dma_start3A_229 = arith.constant 0 : i32
    %dma_start3A_230 = tpu.memref_slice %arg7[%dma_start3A_228, %dma_start3A_229] : memref<2x128xi32, #tpu.memory_space<vmem>> -> memref<1x128xi32, #tpu.memory_space<vmem>>
    %dma_start3A_231 = tpu.memref_squeeze %dma_start3A_230 : memref<1x128xi32, #tpu.memory_space<vmem>> -> memref<128xi32, #tpu.memory_space<vmem>>
    %dma_start3A_232 = arith.constant 0 : i32
    %dma_start3A_233 = arith.constant 0 : i32
    %dma_start3A_234 = tpu.memref_slice %arg17[%dma_start3A_232, %dma_start3A_233] : memref<10240x64xf32, #tpu.memory_space<vmem_shared>> -> memref<10240x64xf32, #tpu.memory_space<vmem_shared>>
    tpu.enqueue_indirect_dma source(%dma_start3A_234 : memref<10240x64xf32, #tpu.memory_space<vmem_shared>>) target(%arg13 : memref<128x64xf32, #tpu.memory_space<vmem>>) offsets(%dma_start3A_231 : memref<128xi32, #tpu.memory_space<vmem>>) semaphore(%arg25 : memref<!tpu.dma_semaphore, #tpu.memory_space<semaphore_mem>>)
    %dma_wait3A_235 = arith.constant 0 : i32
    %dma_wait3A_236 = arith.constant 0 : i32
    %dma_wait3A_237 = tpu.memref_slice %arg3[%dma_wait3A_235, %mul3A_2, %dma_wait3A_236] : memref<2x2500x128xi32, #tpu.memory_space<hbm>> -> memref<1x2x128xi32, #tpu.memory_space<hbm>>
    %dma_wait3A_238 = tpu.memref_squeeze %dma_wait3A_237 : memref<1x2x128xi32, #tpu.memory_space<hbm>> -> memref<2x128xi32, #tpu.memory_space<hbm>>
    %dma_wait3A_239 = arith.constant 0 : i32
    %dma_wait3A_240 = tpu.memref_slice %arg3[%dma_wait3A_235, %mul3A_2, %dma_wait3A_239] : memref<2x2500x128xi32, #tpu.memory_space<hbm>> -> memref<1x2x128xi32, #tpu.memory_space<hbm>>
    %dma_wait3A_241 = tpu.memref_squeeze %dma_wait3A_240 : memref<1x2x128xi32, #tpu.memory_space<hbm>> -> memref<2x128xi32, #tpu.memory_space<hbm>>
    tpu.wait_dma2 semaphore(%arg20 : memref<!tpu.dma_semaphore, #tpu.memory_space<semaphore_mem>>) src(%dma_wait3A_241 : memref<2x128xi32, #tpu.memory_space<hbm>>) dst(%arg8 : memref<2x128xi32, #tpu.memory_space<vmem>>)
    %dma_start3A_242 = arith.constant 0 : i32
    %dma_start3A_243 = arith.constant 0 : i32
    %dma_start3A_244 = tpu.memref_slice %arg8[%dma_start3A_242, %dma_start3A_243] : memref<2x128xi32, #tpu.memory_space<vmem>> -> memref<1x128xi32, #tpu.memory_space<vmem>>
    %dma_start3A_245 = tpu.memref_squeeze %dma_start3A_244 : memref<1x128xi32, #tpu.memory_space<vmem>> -> memref<128xi32, #tpu.memory_space<vmem>>
    %dma_start3A_246 = arith.constant 0 : i32
    %dma_start3A_247 = arith.constant 0 : i32
    %dma_start3A_248 = tpu.memref_slice %arg17[%dma_start3A_246, %dma_start3A_247] : memref<10240x64xf32, #tpu.memory_space<vmem_shared>> -> memref<10240x64xf32, #tpu.memory_space<vmem_shared>>
    tpu.enqueue_indirect_dma source(%dma_start3A_248 : memref<10240x64xf32, #tpu.memory_space<vmem_shared>>) target(%arg14 : memref<128x64xf32, #tpu.memory_space<vmem>>) offsets(%dma_start3A_245 : memref<128xi32, #tpu.memory_space<vmem>>) semaphore(%arg26 : memref<!tpu.dma_semaphore, #tpu.memory_space<semaphore_mem>>)
    %scan3A = arith.constant 0 : i32
    %scan3A_249 = arith.constant 0 : i32
    %scan3A_250 = arith.constant 13 : i32
    %scan3A_251 = arith.addi %scan3A_249, %scan3A_250 : i32
    %scan3A_252 = arith.constant 1 : i32
    scf.for %scan3A_521 = %scan3A_249 to %scan3A_251 step %scan3A_252  : i32 {
      %mul3A_522 = arith.constant 6 : i32
      %mul3A_523 = arith.muli %scan3A_521, %mul3A_522 : i32
      %add3A_524 = arith.constant 0 : i32
      %add3A_525 = arith.addi %mul3A_523, %add3A_524 : i32
      tpu.wait_dma2 semaphore(%arg24 : memref<!tpu.dma_semaphore, #tpu.memory_space<semaphore_mem>>) src(%arg4 : memref<128x64xf32, #tpu.memory_space<hbm>>) dst(%arg12 : memref<128x64xf32, #tpu.memory_space<vmem>>)
      %dma_start3A_526 = arith.constant 1 : i32
      %dma_start3A_527 = arith.constant 0 : i32
      %dma_start3A_528 = tpu.memref_slice %arg6[%dma_start3A_526, %dma_start3A_527] : memref<2x128xi32, #tpu.memory_space<vmem>> -> memref<1x128xi32, #tpu.memory_space<vmem>>
      %dma_start3A_529 = tpu.memref_squeeze %dma_start3A_528 : memref<1x128xi32, #tpu.memory_space<vmem>> -> memref<128xi32, #tpu.memory_space<vmem>>
      %dma_start3A_530 = arith.constant 0 : i32
      %dma_start3A_531 = arith.constant 0 : i32
      %dma_start3A_532 = tpu.memref_slice %arg16[%dma_start3A_530, %dma_start3A_531] : memref<10240x64xf32, #tpu.memory_space<vmem_shared>> -> memref<10240x64xf32, #tpu.memory_space<vmem_shared>>
      tpu.enqueue_indirect_dma source(%arg12 : memref<128x64xf32, #tpu.memory_space<vmem>>) target(%dma_start3A_532 : memref<10240x64xf32, #tpu.memory_space<vmem_shared>>) offsets(%dma_start3A_529 : memref<128xi32, #tpu.memory_space<vmem>>) semaphore(%arg27 : memref<!tpu.dma_semaphore, #tpu.memory_space<semaphore_mem>>) {add = true}
      tpu.wait_dma2 semaphore(%arg27 : memref<!tpu.dma_semaphore, #tpu.memory_space<semaphore_mem>>) src(%arg4 : memref<128x64xf32, #tpu.memory_space<hbm>>) dst(%arg12 : memref<128x64xf32, #tpu.memory_space<vmem>>)
      %add3A_533 = arith.constant 3 : i32
      %add3A_534 = arith.addi %add3A_525, %add3A_533 : i32
      %lt3A_535 = arith.constant 78 : i32
      %lt3A_536 = arith.cmpi slt, %add3A_534, %lt3A_535 : i32
      %convert_element_type3A_537 = arith.extui %lt3A_536 : i1 to i32
      %cond3A_538 = arith.constant 0 : i32
      %cond3A_539 = arith.cmpi ne, %convert_element_type3A_537, %cond3A_538 : i32
      scf.if %cond3A_539 {
        %dma_wait3A_662 = arith.constant 0 : i32
        %dma_wait3A_663 = arith.constant 0 : i32
        %dma_wait3A_664 = tpu.memref_slice %arg3[%dma_wait3A_662, %mul3A_2, %dma_wait3A_663] : memref<2x2500x128xi32, #tpu.memory_space<hbm>> -> memref<1x2x128xi32, #tpu.memory_space<hbm>>
        %dma_wait3A_665 = tpu.memref_squeeze %dma_wait3A_664 : memref<1x2x128xi32, #tpu.memory_space<hbm>> -> memref<2x128xi32, #tpu.memory_space<hbm>>
        %dma_wait3A_666 = arith.constant 0 : i32
        %dma_wait3A_667 = tpu.memref_slice %arg3[%dma_wait3A_662, %mul3A_2, %dma_wait3A_666] : memref<2x2500x128xi32, #tpu.memory_space<hbm>> -> memref<1x2x128xi32, #tpu.memory_space<hbm>>
        %dma_wait3A_668 = tpu.memref_squeeze %dma_wait3A_667 : memref<1x2x128xi32, #tpu.memory_space<hbm>> -> memref<2x128xi32, #tpu.memory_space<hbm>>
        tpu.wait_dma2 semaphore(%arg21 : memref<!tpu.dma_semaphore, #tpu.memory_space<semaphore_mem>>) src(%dma_wait3A_668 : memref<2x128xi32, #tpu.memory_space<hbm>>) dst(%arg9 : memref<2x128xi32, #tpu.memory_space<vmem>>)
        %dma_start3A_669 = arith.constant 0 : i32
        %dma_start3A_670 = arith.constant 0 : i32
        %dma_start3A_671 = tpu.memref_slice %arg9[%dma_start3A_669, %dma_start3A_670] : memref<2x128xi32, #tpu.memory_space<vmem>> -> memref<1x128xi32, #tpu.memory_space<vmem>>
        %dma_start3A_672 = tpu.memref_squeeze %dma_start3A_671 : memref<1x128xi32, #tpu.memory_space<vmem>> -> memref<128xi32, #tpu.memory_space<vmem>>
        %dma_start3A_673 = arith.constant 0 : i32
        %dma_start3A_674 = arith.constant 0 : i32
        %dma_start3A_675 = tpu.memref_slice %arg17[%dma_start3A_673, %dma_start3A_674] : memref<10240x64xf32, #tpu.memory_space<vmem_shared>> -> memref<10240x64xf32, #tpu.memory_space<vmem_shared>>
        tpu.enqueue_indirect_dma source(%dma_start3A_675 : memref<10240x64xf32, #tpu.memory_space<vmem_shared>>) target(%arg12 : memref<128x64xf32, #tpu.memory_space<vmem>>) offsets(%dma_start3A_672 : memref<128xi32, #tpu.memory_space<vmem>>) semaphore(%arg24 : memref<!tpu.dma_semaphore, #tpu.memory_space<semaphore_mem>>)
      } else {
      }
      %add3A_540 = arith.constant 6 : i32
      %add3A_541 = arith.addi %add3A_525, %add3A_540 : i32
      %lt3A_542 = arith.constant 78 : i32
      %lt3A_543 = arith.cmpi slt, %add3A_541, %lt3A_542 : i32
      %convert_element_type3A_544 = arith.extui %lt3A_543 : i1 to i32
      %cond3A_545 = arith.constant 0 : i32
      %cond3A_546 = arith.cmpi ne, %convert_element_type3A_544, %cond3A_545 : i32
      scf.if %cond3A_546 {
        %add3A_662 = arith.addi %mul3A_2, %add3A_541 : i32
        %dma_start3A_663 = arith.constant 0 : i32
        %dma_start3A_664 = arith.constant 0 : i32
        %dma_start3A_665 = arith.constant 0 : i32
        %dma_start3A_666 = tpu.memref_slice %arg6[%dma_start3A_664, %dma_start3A_665] : memref<2x128xi32, #tpu.memory_space<vmem>> -> memref<1x128xi32, #tpu.memory_space<vmem>>
        %dma_start3A_667 = arith.constant 0 : i32
        %dma_start3A_668 = tpu.memref_slice %arg3[%dma_start3A_663, %add3A_662, %dma_start3A_667] : memref<2x2500x128xi32, #tpu.memory_space<hbm>> -> memref<1x1x128xi32, #tpu.memory_space<hbm>>
        %dma_start3A_669 = tpu.memref_squeeze %dma_start3A_668 : memref<1x1x128xi32, #tpu.memory_space<hbm>> -> memref<1x128xi32, #tpu.memory_space<hbm>>
        %dma_start3A_670 = arith.constant 0 : i32
        %dma_start3A_671 = arith.constant 0 : i32
        %dma_start3A_672 = tpu.memref_slice %arg6[%dma_start3A_670, %dma_start3A_671] : memref<2x128xi32, #tpu.memory_space<vmem>> -> memref<1x128xi32, #tpu.memory_space<vmem>>
        %dma_start3A_673 = arith.constant 0 : i32
        %dma_start3A_674 = tpu.memref_slice %arg3[%dma_start3A_663, %add3A_662, %dma_start3A_673] : memref<2x2500x128xi32, #tpu.memory_space<hbm>> -> memref<1x1x128xi32, #tpu.memory_space<hbm>>
        %dma_start3A_675 = tpu.memref_squeeze %dma_start3A_674 : memref<1x1x128xi32, #tpu.memory_space<hbm>> -> memref<1x128xi32, #tpu.memory_space<hbm>>
        tpu.enqueue_dma source(%dma_start3A_675 : memref<1x128xi32, #tpu.memory_space<hbm>>) target(%dma_start3A_672 : memref<1x128xi32, #tpu.memory_space<vmem>>) target_semaphore(%arg18 : memref<!tpu.dma_semaphore, #tpu.memory_space<semaphore_mem>>)
        %add3A_676 = arith.addi %mul3A_2, %add3A_541 : i32
        %dma_start3A_677 = arith.constant 1 : i32
        %dma_start3A_678 = arith.constant 1 : i32
        %dma_start3A_679 = arith.constant 0 : i32
        %dma_start3A_680 = tpu.memref_slice %arg6[%dma_start3A_678, %dma_start3A_679] : memref<2x128xi32, #tpu.memory_space<vmem>> -> memref<1x128xi32, #tpu.memory_space<vmem>>
        %dma_start3A_681 = arith.constant 0 : i32
        %dma_start3A_682 = tpu.memref_slice %arg3[%dma_start3A_677, %add3A_676, %dma_start3A_681] : memref<2x2500x128xi32, #tpu.memory_space<hbm>> -> memref<1x1x128xi32, #tpu.memory_space<hbm>>
        %dma_start3A_683 = tpu.memref_squeeze %dma_start3A_682 : memref<1x1x128xi32, #tpu.memory_space<hbm>> -> memref<1x128xi32, #tpu.memory_space<hbm>>
        %dma_start3A_684 = arith.constant 1 : i32
        %dma_start3A_685 = arith.constant 0 : i32
        %dma_start3A_686 = tpu.memref_slice %arg6[%dma_start3A_684, %dma_start3A_685] : memref<2x128xi32, #tpu.memory_space<vmem>> -> memref<1x128xi32, #tpu.memory_space<vmem>>
        %dma_start3A_687 = arith.constant 0 : i32
        %dma_start3A_688 = tpu.memref_slice %arg3[%dma_start3A_677, %add3A_676, %dma_start3A_687] : memref<2x2500x128xi32, #tpu.memory_space<hbm>> -> memref<1x1x128xi32, #tpu.memory_space<hbm>>
        %dma_start3A_689 = tpu.memref_squeeze %dma_start3A_688 : memref<1x1x128xi32, #tpu.memory_space<hbm>> -> memref<1x128xi32, #tpu.memory_space<hbm>>
        tpu.enqueue_dma source(%dma_start3A_689 : memref<1x128xi32, #tpu.memory_space<hbm>>) target(%dma_start3A_686 : memref<1x128xi32, #tpu.memory_space<vmem>>) target_semaphore(%arg18 : memref<!tpu.dma_semaphore, #tpu.memory_space<semaphore_mem>>)
      } else {
      }
      %add3A_547 = arith.constant 1 : i32
      %add3A_548 = arith.addi %mul3A_523, %add3A_547 : i32
      tpu.wait_dma2 semaphore(%arg25 : memref<!tpu.dma_semaphore, #tpu.memory_space<semaphore_mem>>) src(%arg4 : memref<128x64xf32, #tpu.memory_space<hbm>>) dst(%arg13 : memref<128x64xf32, #tpu.memory_space<vmem>>)
      %dma_start3A_549 = arith.constant 1 : i32
      %dma_start3A_550 = arith.constant 0 : i32
      %dma_start3A_551 = tpu.memref_slice %arg7[%dma_start3A_549, %dma_start3A_550] : memref<2x128xi32, #tpu.memory_space<vmem>> -> memref<1x128xi32, #tpu.memory_space<vmem>>
      %dma_start3A_552 = tpu.memref_squeeze %dma_start3A_551 : memref<1x128xi32, #tpu.memory_space<vmem>> -> memref<128xi32, #tpu.memory_space<vmem>>
      %dma_start3A_553 = arith.constant 0 : i32
      %dma_start3A_554 = arith.constant 0 : i32
      %dma_start3A_555 = tpu.memref_slice %arg16[%dma_start3A_553, %dma_start3A_554] : memref<10240x64xf32, #tpu.memory_space<vmem_shared>> -> memref<10240x64xf32, #tpu.memory_space<vmem_shared>>
      tpu.enqueue_indirect_dma source(%arg13 : memref<128x64xf32, #tpu.memory_space<vmem>>) target(%dma_start3A_555 : memref<10240x64xf32, #tpu.memory_space<vmem_shared>>) offsets(%dma_start3A_552 : memref<128xi32, #tpu.memory_space<vmem>>) semaphore(%arg28 : memref<!tpu.dma_semaphore, #tpu.memory_space<semaphore_mem>>) {add = true}
      tpu.wait_dma2 semaphore(%arg28 : memref<!tpu.dma_semaphore, #tpu.memory_space<semaphore_mem>>) src(%arg4 : memref<128x64xf32, #tpu.memory_space<hbm>>) dst(%arg13 : memref<128x64xf32, #tpu.memory_space<vmem>>)
      %add3A_556 = arith.constant 3 : i32
      %add3A_557 = arith.addi %add3A_548, %add3A_556 : i32
      %lt3A_558 = arith.constant 78 : i32
      %lt3A_559 = arith.cmpi slt, %add3A_557, %lt3A_558 : i32
      %convert_element_type3A_560 = arith.extui %lt3A_559 : i1 to i32
      %cond3A_561 = arith.constant 0 : i32
      %cond3A_562 = arith.cmpi ne, %convert_element_type3A_560, %cond3A_561 : i32
      scf.if %cond3A_562 {
        %dma_wait3A_662 = arith.constant 0 : i32
        %dma_wait3A_663 = arith.constant 0 : i32
        %dma_wait3A_664 = tpu.memref_slice %arg3[%dma_wait3A_662, %mul3A_2, %dma_wait3A_663] : memref<2x2500x128xi32, #tpu.memory_space<hbm>> -> memref<1x2x128xi32, #tpu.memory_space<hbm>>
        %dma_wait3A_665 = tpu.memref_squeeze %dma_wait3A_664 : memref<1x2x128xi32, #tpu.memory_space<hbm>> -> memref<2x128xi32, #tpu.memory_space<hbm>>
        %dma_wait3A_666 = arith.constant 0 : i32
        %dma_wait3A_667 = tpu.memref_slice %arg3[%dma_wait3A_662, %mul3A_2, %dma_wait3A_666] : memref<2x2500x128xi32, #tpu.memory_space<hbm>> -> memref<1x2x128xi32, #tpu.memory_space<hbm>>
        %dma_wait3A_668 = tpu.memref_squeeze %dma_wait3A_667 : memref<1x2x128xi32, #tpu.memory_space<hbm>> -> memref<2x128xi32, #tpu.memory_space<hbm>>
        tpu.wait_dma2 semaphore(%arg22 : memref<!tpu.dma_semaphore, #tpu.memory_space<semaphore_mem>>) src(%dma_wait3A_668 : memref<2x128xi32, #tpu.memory_space<hbm>>) dst(%arg10 : memref<2x128xi32, #tpu.memory_space<vmem>>)
        %dma_start3A_669 = arith.constant 0 : i32
        %dma_start3A_670 = arith.constant 0 : i32
        %dma_start3A_671 = tpu.memref_slice %arg10[%dma_start3A_669, %dma_start3A_670] : memref<2x128xi32, #tpu.memory_space<vmem>> -> memref<1x128xi32, #tpu.memory_space<vmem>>
        %dma_start3A_672 = tpu.memref_squeeze %dma_start3A_671 : memref<1x128xi32, #tpu.memory_space<vmem>> -> memref<128xi32, #tpu.memory_space<vmem>>
        %dma_start3A_673 = arith.constant 0 : i32
        %dma_start3A_674 = arith.constant 0 : i32
        %dma_start3A_675 = tpu.memref_slice %arg17[%dma_start3A_673, %dma_start3A_674] : memref<10240x64xf32, #tpu.memory_space<vmem_shared>> -> memref<10240x64xf32, #tpu.memory_space<vmem_shared>>
        tpu.enqueue_indirect_dma source(%dma_start3A_675 : memref<10240x64xf32, #tpu.memory_space<vmem_shared>>) target(%arg13 : memref<128x64xf32, #tpu.memory_space<vmem>>) offsets(%dma_start3A_672 : memref<128xi32, #tpu.memory_space<vmem>>) semaphore(%arg25 : memref<!tpu.dma_semaphore, #tpu.memory_space<semaphore_mem>>)
      } else {
      }
      %add3A_563 = arith.constant 6 : i32
      %add3A_564 = arith.addi %add3A_548, %add3A_563 : i32
      %lt3A_565 = arith.constant 78 : i32
      %lt3A_566 = arith.cmpi slt, %add3A_564, %lt3A_565 : i32
      %convert_element_type3A_567 = arith.extui %lt3A_566 : i1 to i32
      %cond3A_568 = arith.constant 0 : i32
      %cond3A_569 = arith.cmpi ne, %convert_element_type3A_567, %cond3A_568 : i32
      scf.if %cond3A_569 {
        %add3A_662 = arith.addi %mul3A_2, %add3A_564 : i32
        %dma_start3A_663 = arith.constant 0 : i32
        %dma_start3A_664 = arith.constant 0 : i32
        %dma_start3A_665 = arith.constant 0 : i32
        %dma_start3A_666 = tpu.memref_slice %arg7[%dma_start3A_664, %dma_start3A_665] : memref<2x128xi32, #tpu.memory_space<vmem>> -> memref<1x128xi32, #tpu.memory_space<vmem>>
        %dma_start3A_667 = arith.constant 0 : i32
        %dma_start3A_668 = tpu.memref_slice %arg3[%dma_start3A_663, %add3A_662, %dma_start3A_667] : memref<2x2500x128xi32, #tpu.memory_space<hbm>> -> memref<1x1x128xi32, #tpu.memory_space<hbm>>
        %dma_start3A_669 = tpu.memref_squeeze %dma_start3A_668 : memref<1x1x128xi32, #tpu.memory_space<hbm>> -> memref<1x128xi32, #tpu.memory_space<hbm>>
        %dma_start3A_670 = arith.constant 0 : i32
        %dma_start3A_671 = arith.constant 0 : i32
        %dma_start3A_672 = tpu.memref_slice %arg7[%dma_start3A_670, %dma_start3A_671] : memref<2x128xi32, #tpu.memory_space<vmem>> -> memref<1x128xi32, #tpu.memory_space<vmem>>
        %dma_start3A_673 = arith.constant 0 : i32
        %dma_start3A_674 = tpu.memref_slice %arg3[%dma_start3A_663, %add3A_662, %dma_start3A_673] : memref<2x2500x128xi32, #tpu.memory_space<hbm>> -> memref<1x1x128xi32, #tpu.memory_space<hbm>>
        %dma_start3A_675 = tpu.memref_squeeze %dma_start3A_674 : memref<1x1x128xi32, #tpu.memory_space<hbm>> -> memref<1x128xi32, #tpu.memory_space<hbm>>
        tpu.enqueue_dma source(%dma_start3A_675 : memref<1x128xi32, #tpu.memory_space<hbm>>) target(%dma_start3A_672 : memref<1x128xi32, #tpu.memory_space<vmem>>) target_semaphore(%arg19 : memref<!tpu.dma_semaphore, #tpu.memory_space<semaphore_mem>>)
        %add3A_676 = arith.addi %mul3A_2, %add3A_564 : i32
        %dma_start3A_677 = arith.constant 1 : i32
        %dma_start3A_678 = arith.constant 1 : i32
        %dma_start3A_679 = arith.constant 0 : i32
        %dma_start3A_680 = tpu.memref_slice %arg7[%dma_start3A_678, %dma_start3A_679] : memref<2x128xi32, #tpu.memory_space<vmem>> -> memref<1x128xi32, #tpu.memory_space<vmem>>
        %dma_start3A_681 = arith.constant 0 : i32
        %dma_start3A_682 = tpu.memref_slice %arg3[%dma_start3A_677, %add3A_676, %dma_start3A_681] : memref<2x2500x128xi32, #tpu.memory_space<hbm>> -> memref<1x1x128xi32, #tpu.memory_space<hbm>>
        %dma_start3A_683 = tpu.memref_squeeze %dma_start3A_682 : memref<1x1x128xi32, #tpu.memory_space<hbm>> -> memref<1x128xi32, #tpu.memory_space<hbm>>
        %dma_start3A_684 = arith.constant 1 : i32
        %dma_start3A_685 = arith.constant 0 : i32
        %dma_start3A_686 = tpu.memref_slice %arg7[%dma_start3A_684, %dma_start3A_685] : memref<2x128xi32, #tpu.memory_space<vmem>> -> memref<1x128xi32, #tpu.memory_space<vmem>>
        %dma_start3A_687 = arith.constant 0 : i32
        %dma_start3A_688 = tpu.memref_slice %arg3[%dma_start3A_677, %add3A_676, %dma_start3A_687] : memref<2x2500x128xi32, #tpu.memory_space<hbm>> -> memref<1x1x128xi32, #tpu.memory_space<hbm>>
        %dma_start3A_689 = tpu.memref_squeeze %dma_start3A_688 : memref<1x1x128xi32, #tpu.memory_space<hbm>> -> memref<1x128xi32, #tpu.memory_space<hbm>>
        tpu.enqueue_dma source(%dma_start3A_689 : memref<1x128xi32, #tpu.memory_space<hbm>>) target(%dma_start3A_686 : memref<1x128xi32, #tpu.memory_space<vmem>>) target_semaphore(%arg19 : memref<!tpu.dma_semaphore, #tpu.memory_space<semaphore_mem>>)
      } else {
      }
      %add3A_570 = arith.constant 2 : i32
      %add3A_571 = arith.addi %mul3A_523, %add3A_570 : i32
      tpu.wait_dma2 semaphore(%arg26 : memref<!tpu.dma_semaphore, #tpu.memory_space<semaphore_mem>>) src(%arg4 : memref<128x64xf32, #tpu.memory_space<hbm>>) dst(%arg14 : memref<128x64xf32, #tpu.memory_space<vmem>>)
      %dma_start3A_572 = arith.constant 1 : i32
      %dma_start3A_573 = arith.constant 0 : i32
      %dma_start3A_574 = tpu.memref_slice %arg8[%dma_start3A_572, %dma_start3A_573] : memref<2x128xi32, #tpu.memory_space<vmem>> -> memref<1x128xi32, #tpu.memory_space<vmem>>
      %dma_start3A_575 = tpu.memref_squeeze %dma_start3A_574 : memref<1x128xi32, #tpu.memory_space<vmem>> -> memref<128xi32, #tpu.memory_space<vmem>>
      %dma_start3A_576 = arith.constant 0 : i32
      %dma_start3A_577 = arith.constant 0 : i32
      %dma_start3A_578 = tpu.memref_slice %arg16[%dma_start3A_576, %dma_start3A_577] : memref<10240x64xf32, #tpu.memory_space<vmem_shared>> -> memref<10240x64xf32, #tpu.memory_space<vmem_shared>>
      tpu.enqueue_indirect_dma source(%arg14 : memref<128x64xf32, #tpu.memory_space<vmem>>) target(%dma_start3A_578 : memref<10240x64xf32, #tpu.memory_space<vmem_shared>>) offsets(%dma_start3A_575 : memref<128xi32, #tpu.memory_space<vmem>>) semaphore(%arg29 : memref<!tpu.dma_semaphore, #tpu.memory_space<semaphore_mem>>) {add = true}
      tpu.wait_dma2 semaphore(%arg29 : memref<!tpu.dma_semaphore, #tpu.memory_space<semaphore_mem>>) src(%arg4 : memref<128x64xf32, #tpu.memory_space<hbm>>) dst(%arg14 : memref<128x64xf32, #tpu.memory_space<vmem>>)
      %add3A_579 = arith.constant 3 : i32
      %add3A_580 = arith.addi %add3A_571, %add3A_579 : i32
      %lt3A_581 = arith.constant 78 : i32
      %lt3A_582 = arith.cmpi slt, %add3A_580, %lt3A_581 : i32
      %convert_element_type3A_583 = arith.extui %lt3A_582 : i1 to i32
      %cond3A_584 = arith.constant 0 : i32
      %cond3A_585 = arith.cmpi ne, %convert_element_type3A_583, %cond3A_584 : i32
      scf.if %cond3A_585 {
        %dma_wait3A_662 = arith.constant 0 : i32
        %dma_wait3A_663 = arith.constant 0 : i32
        %dma_wait3A_664 = tpu.memref_slice %arg3[%dma_wait3A_662, %mul3A_2, %dma_wait3A_663] : memref<2x2500x128xi32, #tpu.memory_space<hbm>> -> memref<1x2x128xi32, #tpu.memory_space<hbm>>
        %dma_wait3A_665 = tpu.memref_squeeze %dma_wait3A_664 : memref<1x2x128xi32, #tpu.memory_space<hbm>> -> memref<2x128xi32, #tpu.memory_space<hbm>>
        %dma_wait3A_666 = arith.constant 0 : i32
        %dma_wait3A_667 = tpu.memref_slice %arg3[%dma_wait3A_662, %mul3A_2, %dma_wait3A_666] : memref<2x2500x128xi32, #tpu.memory_space<hbm>> -> memref<1x2x128xi32, #tpu.memory_space<hbm>>
        %dma_wait3A_668 = tpu.memref_squeeze %dma_wait3A_667 : memref<1x2x128xi32, #tpu.memory_space<hbm>> -> memref<2x128xi32, #tpu.memory_space<hbm>>
        tpu.wait_dma2 semaphore(%arg23 : memref<!tpu.dma_semaphore, #tpu.memory_space<semaphore_mem>>) src(%dma_wait3A_668 : memref<2x128xi32, #tpu.memory_space<hbm>>) dst(%arg11 : memref<2x128xi32, #tpu.memory_space<vmem>>)
        %dma_start3A_669 = arith.constant 0 : i32
        %dma_start3A_670 = arith.constant 0 : i32
        %dma_start3A_671 = tpu.memref_slice %arg11[%dma_start3A_669, %dma_start3A_670] : memref<2x128xi32, #tpu.memory_space<vmem>> -> memref<1x128xi32, #tpu.memory_space<vmem>>
        %dma_start3A_672 = tpu.memref_squeeze %dma_start3A_671 : memref<1x128xi32, #tpu.memory_space<vmem>> -> memref<128xi32, #tpu.memory_space<vmem>>
        %dma_start3A_673 = arith.constant 0 : i32
        %dma_start3A_674 = arith.constant 0 : i32
        %dma_start3A_675 = tpu.memref_slice %arg17[%dma_start3A_673, %dma_start3A_674] : memref<10240x64xf32, #tpu.memory_space<vmem_shared>> -> memref<10240x64xf32, #tpu.memory_space<vmem_shared>>
        tpu.enqueue_indirect_dma source(%dma_start3A_675 : memref<10240x64xf32, #tpu.memory_space<vmem_shared>>) target(%arg14 : memref<128x64xf32, #tpu.memory_space<vmem>>) offsets(%dma_start3A_672 : memref<128xi32, #tpu.memory_space<vmem>>) semaphore(%arg26 : memref<!tpu.dma_semaphore, #tpu.memory_space<semaphore_mem>>)
      } else {
      }
      %add3A_586 = arith.constant 6 : i32
      %add3A_587 = arith.addi %add3A_571, %add3A_586 : i32
      %lt3A_588 = arith.constant 78 : i32
      %lt3A_589 = arith.cmpi slt, %add3A_587, %lt3A_588 : i32
      %convert_element_type3A_590 = arith.extui %lt3A_589 : i1 to i32
      %cond3A_591 = arith.constant 0 : i32
      %cond3A_592 = arith.cmpi ne, %convert_element_type3A_590, %cond3A_591 : i32
      scf.if %cond3A_592 {
        %add3A_662 = arith.addi %mul3A_2, %add3A_587 : i32
        %dma_start3A_663 = arith.constant 0 : i32
        %dma_start3A_664 = arith.constant 0 : i32
        %dma_start3A_665 = arith.constant 0 : i32
        %dma_start3A_666 = tpu.memref_slice %arg8[%dma_start3A_664, %dma_start3A_665] : memref<2x128xi32, #tpu.memory_space<vmem>> -> memref<1x128xi32, #tpu.memory_space<vmem>>
        %dma_start3A_667 = arith.constant 0 : i32
        %dma_start3A_668 = tpu.memref_slice %arg3[%dma_start3A_663, %add3A_662, %dma_start3A_667] : memref<2x2500x128xi32, #tpu.memory_space<hbm>> -> memref<1x1x128xi32, #tpu.memory_space<hbm>>
        %dma_start3A_669 = tpu.memref_squeeze %dma_start3A_668 : memref<1x1x128xi32, #tpu.memory_space<hbm>> -> memref<1x128xi32, #tpu.memory_space<hbm>>
        %dma_start3A_670 = arith.constant 0 : i32
        %dma_start3A_671 = arith.constant 0 : i32
        %dma_start3A_672 = tpu.memref_slice %arg8[%dma_start3A_670, %dma_start3A_671] : memref<2x128xi32, #tpu.memory_space<vmem>> -> memref<1x128xi32, #tpu.memory_space<vmem>>
        %dma_start3A_673 = arith.constant 0 : i32
        %dma_start3A_674 = tpu.memref_slice %arg3[%dma_start3A_663, %add3A_662, %dma_start3A_673] : memref<2x2500x128xi32, #tpu.memory_space<hbm>> -> memref<1x1x128xi32, #tpu.memory_space<hbm>>
        %dma_start3A_675 = tpu.memref_squeeze %dma_start3A_674 : memref<1x1x128xi32, #tpu.memory_space<hbm>> -> memref<1x128xi32, #tpu.memory_space<hbm>>
        tpu.enqueue_dma source(%dma_start3A_675 : memref<1x128xi32, #tpu.memory_space<hbm>>) target(%dma_start3A_672 : memref<1x128xi32, #tpu.memory_space<vmem>>) target_semaphore(%arg20 : memref<!tpu.dma_semaphore, #tpu.memory_space<semaphore_mem>>)
        %add3A_676 = arith.addi %mul3A_2, %add3A_587 : i32
        %dma_start3A_677 = arith.constant 1 : i32
        %dma_start3A_678 = arith.constant 1 : i32
        %dma_start3A_679 = arith.constant 0 : i32
        %dma_start3A_680 = tpu.memref_slice %arg8[%dma_start3A_678, %dma_start3A_679] : memref<2x128xi32, #tpu.memory_space<vmem>> -> memref<1x128xi32, #tpu.memory_space<vmem>>
        %dma_start3A_681 = arith.constant 0 : i32
        %dma_start3A_682 = tpu.memref_slice %arg3[%dma_start3A_677, %add3A_676, %dma_start3A_681] : memref<2x2500x128xi32, #tpu.memory_space<hbm>> -> memref<1x1x128xi32, #tpu.memory_space<hbm>>
        %dma_start3A_683 = tpu.memref_squeeze %dma_start3A_682 : memref<1x1x128xi32, #tpu.memory_space<hbm>> -> memref<1x128xi32, #tpu.memory_space<hbm>>
        %dma_start3A_684 = arith.constant 1 : i32
        %dma_start3A_685 = arith.constant 0 : i32
        %dma_start3A_686 = tpu.memref_slice %arg8[%dma_start3A_684, %dma_start3A_685] : memref<2x128xi32, #tpu.memory_space<vmem>> -> memref<1x128xi32, #tpu.memory_space<vmem>>
        %dma_start3A_687 = arith.constant 0 : i32
        %dma_start3A_688 = tpu.memref_slice %arg3[%dma_start3A_677, %add3A_676, %dma_start3A_687] : memref<2x2500x128xi32, #tpu.memory_space<hbm>> -> memref<1x1x128xi32, #tpu.memory_space<hbm>>
        %dma_start3A_689 = tpu.memref_squeeze %dma_start3A_688 : memref<1x1x128xi32, #tpu.memory_space<hbm>> -> memref<1x128xi32, #tpu.memory_space<hbm>>
        tpu.enqueue_dma source(%dma_start3A_689 : memref<1x128xi32, #tpu.memory_space<hbm>>) target(%dma_start3A_686 : memref<1x128xi32, #tpu.memory_space<vmem>>) target_semaphore(%arg20 : memref<!tpu.dma_semaphore, #tpu.memory_space<semaphore_mem>>)
      } else {
      }
      %add3A_593 = arith.constant 3 : i32
      %add3A_594 = arith.addi %mul3A_523, %add3A_593 : i32
      tpu.wait_dma2 semaphore(%arg24 : memref<!tpu.dma_semaphore, #tpu.memory_space<semaphore_mem>>) src(%arg4 : memref<128x64xf32, #tpu.memory_space<hbm>>) dst(%arg12 : memref<128x64xf32, #tpu.memory_space<vmem>>)
      %dma_start3A_595 = arith.constant 1 : i32
      %dma_start3A_596 = arith.constant 0 : i32
      %dma_start3A_597 = tpu.memref_slice %arg9[%dma_start3A_595, %dma_start3A_596] : memref<2x128xi32, #tpu.memory_space<vmem>> -> memref<1x128xi32, #tpu.memory_space<vmem>>
      %dma_start3A_598 = tpu.memref_squeeze %dma_start3A_597 : memref<1x128xi32, #tpu.memory_space<vmem>> -> memref<128xi32, #tpu.memory_space<vmem>>
      %dma_start3A_599 = arith.constant 0 : i32
      %dma_start3A_600 = arith.constant 0 : i32
      %dma_start3A_601 = tpu.memref_slice %arg16[%dma_start3A_599, %dma_start3A_600] : memref<10240x64xf32, #tpu.memory_space<vmem_shared>> -> memref<10240x64xf32, #tpu.memory_space<vmem_shared>>
      tpu.enqueue_indirect_dma source(%arg12 : memref<128x64xf32, #tpu.memory_space<vmem>>) target(%dma_start3A_601 : memref<10240x64xf32, #tpu.memory_space<vmem_shared>>) offsets(%dma_start3A_598 : memref<128xi32, #tpu.memory_space<vmem>>) semaphore(%arg27 : memref<!tpu.dma_semaphore, #tpu.memory_space<semaphore_mem>>) {add = true}
      tpu.wait_dma2 semaphore(%arg27 : memref<!tpu.dma_semaphore, #tpu.memory_space<semaphore_mem>>) src(%arg4 : memref<128x64xf32, #tpu.memory_space<hbm>>) dst(%arg12 : memref<128x64xf32, #tpu.memory_space<vmem>>)
      %add3A_602 = arith.constant 3 : i32
      %add3A_603 = arith.addi %add3A_594, %add3A_602 : i32
      %lt3A_604 = arith.constant 78 : i32
      %lt3A_605 = arith.cmpi slt, %add3A_603, %lt3A_604 : i32
      %convert_element_type3A_606 = arith.extui %lt3A_605 : i1 to i32
      %cond3A_607 = arith.constant 0 : i32
      %cond3A_608 = arith.cmpi ne, %convert_element_type3A_606, %cond3A_607 : i32
      scf.if %cond3A_608 {
        %dma_wait3A_662 = arith.constant 0 : i32
        %dma_wait3A_663 = arith.constant 0 : i32
        %dma_wait3A_664 = tpu.memref_slice %arg3[%dma_wait3A_662, %mul3A_2, %dma_wait3A_663] : memref<2x2500x128xi32, #tpu.memory_space<hbm>> -> memref<1x2x128xi32, #tpu.memory_space<hbm>>
        %dma_wait3A_665 = tpu.memref_squeeze %dma_wait3A_664 : memref<1x2x128xi32, #tpu.memory_space<hbm>> -> memref<2x128xi32, #tpu.memory_space<hbm>>
        %dma_wait3A_666 = arith.constant 0 : i32
        %dma_wait3A_667 = tpu.memref_slice %arg3[%dma_wait3A_662, %mul3A_2, %dma_wait3A_666] : memref<2x2500x128xi32, #tpu.memory_space<hbm>> -> memref<1x2x128xi32, #tpu.memory_space<hbm>>
        %dma_wait3A_668 = tpu.memref_squeeze %dma_wait3A_667 : memref<1x2x128xi32, #tpu.memory_space<hbm>> -> memref<2x128xi32, #tpu.memory_space<hbm>>
        tpu.wait_dma2 semaphore(%arg18 : memref<!tpu.dma_semaphore, #tpu.memory_space<semaphore_mem>>) src(%dma_wait3A_668 : memref<2x128xi32, #tpu.memory_space<hbm>>) dst(%arg6 : memref<2x128xi32, #tpu.memory_space<vmem>>)
        %dma_start3A_669 = arith.constant 0 : i32
        %dma_start3A_670 = arith.constant 0 : i32
        %dma_start3A_671 = tpu.memref_slice %arg6[%dma_start3A_669, %dma_start3A_670] : memref<2x128xi32, #tpu.memory_space<vmem>> -> memref<1x128xi32, #tpu.memory_space<vmem>>
        %dma_start3A_672 = tpu.memref_squeeze %dma_start3A_671 : memref<1x128xi32, #tpu.memory_space<vmem>> -> memref<128xi32, #tpu.memory_space<vmem>>
        %dma_start3A_673 = arith.constant 0 : i32
        %dma_start3A_674 = arith.constant 0 : i32
        %dma_start3A_675 = tpu.memref_slice %arg17[%dma_start3A_673, %dma_start3A_674] : memref<10240x64xf32, #tpu.memory_space<vmem_shared>> -> memref<10240x64xf32, #tpu.memory_space<vmem_shared>>
        tpu.enqueue_indirect_dma source(%dma_start3A_675 : memref<10240x64xf32, #tpu.memory_space<vmem_shared>>) target(%arg12 : memref<128x64xf32, #tpu.memory_space<vmem>>) offsets(%dma_start3A_672 : memref<128xi32, #tpu.memory_space<vmem>>) semaphore(%arg24 : memref<!tpu.dma_semaphore, #tpu.memory_space<semaphore_mem>>)
      } else {
      }
      %add3A_609 = arith.constant 6 : i32
      %add3A_610 = arith.addi %add3A_594, %add3A_609 : i32
      %lt3A_611 = arith.constant 78 : i32
      %lt3A_612 = arith.cmpi slt, %add3A_610, %lt3A_611 : i32
      %convert_element_type3A_613 = arith.extui %lt3A_612 : i1 to i32
      %cond3A_614 = arith.constant 0 : i32
      %cond3A_615 = arith.cmpi ne, %convert_element_type3A_613, %cond3A_614 : i32
      scf.if %cond3A_615 {
        %add3A_662 = arith.addi %mul3A_2, %add3A_610 : i32
        %dma_start3A_663 = arith.constant 0 : i32
        %dma_start3A_664 = arith.constant 0 : i32
        %dma_start3A_665 = arith.constant 0 : i32
        %dma_start3A_666 = tpu.memref_slice %arg9[%dma_start3A_664, %dma_start3A_665] : memref<2x128xi32, #tpu.memory_space<vmem>> -> memref<1x128xi32, #tpu.memory_space<vmem>>
        %dma_start3A_667 = arith.constant 0 : i32
        %dma_start3A_668 = tpu.memref_slice %arg3[%dma_start3A_663, %add3A_662, %dma_start3A_667] : memref<2x2500x128xi32, #tpu.memory_space<hbm>> -> memref<1x1x128xi32, #tpu.memory_space<hbm>>
        %dma_start3A_669 = tpu.memref_squeeze %dma_start3A_668 : memref<1x1x128xi32, #tpu.memory_space<hbm>> -> memref<1x128xi32, #tpu.memory_space<hbm>>
        %dma_start3A_670 = arith.constant 0 : i32
        %dma_start3A_671 = arith.constant 0 : i32
        %dma_start3A_672 = tpu.memref_slice %arg9[%dma_start3A_670, %dma_start3A_671] : memref<2x128xi32, #tpu.memory_space<vmem>> -> memref<1x128xi32, #tpu.memory_space<vmem>>
        %dma_start3A_673 = arith.constant 0 : i32
        %dma_start3A_674 = tpu.memref_slice %arg3[%dma_start3A_663, %add3A_662, %dma_start3A_673] : memref<2x2500x128xi32, #tpu.memory_space<hbm>> -> memref<1x1x128xi32, #tpu.memory_space<hbm>>
        %dma_start3A_675 = tpu.memref_squeeze %dma_start3A_674 : memref<1x1x128xi32, #tpu.memory_space<hbm>> -> memref<1x128xi32, #tpu.memory_space<hbm>>
        tpu.enqueue_dma source(%dma_start3A_675 : memref<1x128xi32, #tpu.memory_space<hbm>>) target(%dma_start3A_672 : memref<1x128xi32, #tpu.memory_space<vmem>>) target_semaphore(%arg21 : memref<!tpu.dma_semaphore, #tpu.memory_space<semaphore_mem>>)
        %add3A_676 = arith.addi %mul3A_2, %add3A_610 : i32
        %dma_start3A_677 = arith.constant 1 : i32
        %dma_start3A_678 = arith.constant 1 : i32
        %dma_start3A_679 = arith.constant 0 : i32
        %dma_start3A_680 = tpu.memref_slice %arg9[%dma_start3A_678, %dma_start3A_679] : memref<2x128xi32, #tpu.memory_space<vmem>> -> memref<1x128xi32, #tpu.memory_space<vmem>>
        %dma_start3A_681 = arith.constant 0 : i32
        %dma_start3A_682 = tpu.memref_slice %arg3[%dma_start3A_677, %add3A_676, %dma_start3A_681] : memref<2x2500x128xi32, #tpu.memory_space<hbm>> -> memref<1x1x128xi32, #tpu.memory_space<hbm>>
        %dma_start3A_683 = tpu.memref_squeeze %dma_start3A_682 : memref<1x1x128xi32, #tpu.memory_space<hbm>> -> memref<1x128xi32, #tpu.memory_space<hbm>>
        %dma_start3A_684 = arith.constant 1 : i32
        %dma_start3A_685 = arith.constant 0 : i32
        %dma_start3A_686 = tpu.memref_slice %arg9[%dma_start3A_684, %dma_start3A_685] : memref<2x128xi32, #tpu.memory_space<vmem>> -> memref<1x128xi32, #tpu.memory_space<vmem>>
        %dma_start3A_687 = arith.constant 0 : i32
        %dma_start3A_688 = tpu.memref_slice %arg3[%dma_start3A_677, %add3A_676, %dma_start3A_687] : memref<2x2500x128xi32, #tpu.memory_space<hbm>> -> memref<1x1x128xi32, #tpu.memory_space<hbm>>
        %dma_start3A_689 = tpu.memref_squeeze %dma_start3A_688 : memref<1x1x128xi32, #tpu.memory_space<hbm>> -> memref<1x128xi32, #tpu.memory_space<hbm>>
        tpu.enqueue_dma source(%dma_start3A_689 : memref<1x128xi32, #tpu.memory_space<hbm>>) target(%dma_start3A_686 : memref<1x128xi32, #tpu.memory_space<vmem>>) target_semaphore(%arg21 : memref<!tpu.dma_semaphore, #tpu.memory_space<semaphore_mem>>)
      } else {
      }
      %add3A_616 = arith.constant 4 : i32
      %add3A_617 = arith.addi %mul3A_523, %add3A_616 : i32
      tpu.wait_dma2 semaphore(%arg25 : memref<!tpu.dma_semaphore, #tpu.memory_space<semaphore_mem>>) src(%arg4 : memref<128x64xf32, #tpu.memory_space<hbm>>) dst(%arg13 : memref<128x64xf32, #tpu.memory_space<vmem>>)
      %dma_start3A_618 = arith.constant 1 : i32
      %dma_start3A_619 = arith.constant 0 : i32
      %dma_start3A_620 = tpu.memref_slice %arg10[%dma_start3A_618, %dma_start3A_619] : memref<2x128xi32, #tpu.memory_space<vmem>> -> memref<1x128xi32, #tpu.memory_space<vmem>>
      %dma_start3A_621 = tpu.memref_squeeze %dma_start3A_620 : memref<1x128xi32, #tpu.memory_space<vmem>> -> memref<128xi32, #tpu.memory_space<vmem>>
      %dma_start3A_622 = arith.constant 0 : i32
      %dma_start3A_623 = arith.constant 0 : i32
      %dma_start3A_624 = tpu.memref_slice %arg16[%dma_start3A_622, %dma_start3A_623] : memref<10240x64xf32, #tpu.memory_space<vmem_shared>> -> memref<10240x64xf32, #tpu.memory_space<vmem_shared>>
      tpu.enqueue_indirect_dma source(%arg13 : memref<128x64xf32, #tpu.memory_space<vmem>>) target(%dma_start3A_624 : memref<10240x64xf32, #tpu.memory_space<vmem_shared>>) offsets(%dma_start3A_621 : memref<128xi32, #tpu.memory_space<vmem>>) semaphore(%arg28 : memref<!tpu.dma_semaphore, #tpu.memory_space<semaphore_mem>>) {add = true}
      tpu.wait_dma2 semaphore(%arg28 : memref<!tpu.dma_semaphore, #tpu.memory_space<semaphore_mem>>) src(%arg4 : memref<128x64xf32, #tpu.memory_space<hbm>>) dst(%arg13 : memref<128x64xf32, #tpu.memory_space<vmem>>)
      %add3A_625 = arith.constant 3 : i32
      %add3A_626 = arith.addi %add3A_617, %add3A_625 : i32
      %lt3A_627 = arith.constant 78 : i32
      %lt3A_628 = arith.cmpi slt, %add3A_626, %lt3A_627 : i32
      %convert_element_type3A_629 = arith.extui %lt3A_628 : i1 to i32
      %cond3A_630 = arith.constant 0 : i32
      %cond3A_631 = arith.cmpi ne, %convert_element_type3A_629, %cond3A_630 : i32
      scf.if %cond3A_631 {
        %dma_wait3A_662 = arith.constant 0 : i32
        %dma_wait3A_663 = arith.constant 0 : i32
        %dma_wait3A_664 = tpu.memref_slice %arg3[%dma_wait3A_662, %mul3A_2, %dma_wait3A_663] : memref<2x2500x128xi32, #tpu.memory_space<hbm>> -> memref<1x2x128xi32, #tpu.memory_space<hbm>>
        %dma_wait3A_665 = tpu.memref_squeeze %dma_wait3A_664 : memref<1x2x128xi32, #tpu.memory_space<hbm>> -> memref<2x128xi32, #tpu.memory_space<hbm>>
        %dma_wait3A_666 = arith.constant 0 : i32
        %dma_wait3A_667 = tpu.memref_slice %arg3[%dma_wait3A_662, %mul3A_2, %dma_wait3A_666] : memref<2x2500x128xi32, #tpu.memory_space<hbm>> -> memref<1x2x128xi32, #tpu.memory_space<hbm>>
        %dma_wait3A_668 = tpu.memref_squeeze %dma_wait3A_667 : memref<1x2x128xi32, #tpu.memory_space<hbm>> -> memref<2x128xi32, #tpu.memory_space<hbm>>
        tpu.wait_dma2 semaphore(%arg19 : memref<!tpu.dma_semaphore, #tpu.memory_space<semaphore_mem>>) src(%dma_wait3A_668 : memref<2x128xi32, #tpu.memory_space<hbm>>) dst(%arg7 : memref<2x128xi32, #tpu.memory_space<vmem>>)
        %dma_start3A_669 = arith.constant 0 : i32
        %dma_start3A_670 = arith.constant 0 : i32
        %dma_start3A_671 = tpu.memref_slice %arg7[%dma_start3A_669, %dma_start3A_670] : memref<2x128xi32, #tpu.memory_space<vmem>> -> memref<1x128xi32, #tpu.memory_space<vmem>>
        %dma_start3A_672 = tpu.memref_squeeze %dma_start3A_671 : memref<1x128xi32, #tpu.memory_space<vmem>> -> memref<128xi32, #tpu.memory_space<vmem>>
        %dma_start3A_673 = arith.constant 0 : i32
        %dma_start3A_674 = arith.constant 0 : i32
        %dma_start3A_675 = tpu.memref_slice %arg17[%dma_start3A_673, %dma_start3A_674] : memref<10240x64xf32, #tpu.memory_space<vmem_shared>> -> memref<10240x64xf32, #tpu.memory_space<vmem_shared>>
        tpu.enqueue_indirect_dma source(%dma_start3A_675 : memref<10240x64xf32, #tpu.memory_space<vmem_shared>>) target(%arg13 : memref<128x64xf32, #tpu.memory_space<vmem>>) offsets(%dma_start3A_672 : memref<128xi32, #tpu.memory_space<vmem>>) semaphore(%arg25 : memref<!tpu.dma_semaphore, #tpu.memory_space<semaphore_mem>>)
      } else {
      }
      %add3A_632 = arith.constant 6 : i32
      %add3A_633 = arith.addi %add3A_617, %add3A_632 : i32
      %lt3A_634 = arith.constant 78 : i32
      %lt3A_635 = arith.cmpi slt, %add3A_633, %lt3A_634 : i32
      %convert_element_type3A_636 = arith.extui %lt3A_635 : i1 to i32
      %cond3A_637 = arith.constant 0 : i32
      %cond3A_638 = arith.cmpi ne, %convert_element_type3A_636, %cond3A_637 : i32
      scf.if %cond3A_638 {
        %add3A_662 = arith.addi %mul3A_2, %add3A_633 : i32
        %dma_start3A_663 = arith.constant 0 : i32
        %dma_start3A_664 = arith.constant 0 : i32
        %dma_start3A_665 = arith.constant 0 : i32
        %dma_start3A_666 = tpu.memref_slice %arg10[%dma_start3A_664, %dma_start3A_665] : memref<2x128xi32, #tpu.memory_space<vmem>> -> memref<1x128xi32, #tpu.memory_space<vmem>>
        %dma_start3A_667 = arith.constant 0 : i32
        %dma_start3A_668 = tpu.memref_slice %arg3[%dma_start3A_663, %add3A_662, %dma_start3A_667] : memref<2x2500x128xi32, #tpu.memory_space<hbm>> -> memref<1x1x128xi32, #tpu.memory_space<hbm>>
        %dma_start3A_669 = tpu.memref_squeeze %dma_start3A_668 : memref<1x1x128xi32, #tpu.memory_space<hbm>> -> memref<1x128xi32, #tpu.memory_space<hbm>>
        %dma_start3A_670 = arith.constant 0 : i32
        %dma_start3A_671 = arith.constant 0 : i32
        %dma_start3A_672 = tpu.memref_slice %arg10[%dma_start3A_670, %dma_start3A_671] : memref<2x128xi32, #tpu.memory_space<vmem>> -> memref<1x128xi32, #tpu.memory_space<vmem>>
        %dma_start3A_673 = arith.constant 0 : i32
        %dma_start3A_674 = tpu.memref_slice %arg3[%dma_start3A_663, %add3A_662, %dma_start3A_673] : memref<2x2500x128xi32, #tpu.memory_space<hbm>> -> memref<1x1x128xi32, #tpu.memory_space<hbm>>
        %dma_start3A_675 = tpu.memref_squeeze %dma_start3A_674 : memref<1x1x128xi32, #tpu.memory_space<hbm>> -> memref<1x128xi32, #tpu.memory_space<hbm>>
        tpu.enqueue_dma source(%dma_start3A_675 : memref<1x128xi32, #tpu.memory_space<hbm>>) target(%dma_start3A_672 : memref<1x128xi32, #tpu.memory_space<vmem>>) target_semaphore(%arg22 : memref<!tpu.dma_semaphore, #tpu.memory_space<semaphore_mem>>)
        %add3A_676 = arith.addi %mul3A_2, %add3A_633 : i32
        %dma_start3A_677 = arith.constant 1 : i32
        %dma_start3A_678 = arith.constant 1 : i32
        %dma_start3A_679 = arith.constant 0 : i32
        %dma_start3A_680 = tpu.memref_slice %arg10[%dma_start3A_678, %dma_start3A_679] : memref<2x128xi32, #tpu.memory_space<vmem>> -> memref<1x128xi32, #tpu.memory_space<vmem>>
        %dma_start3A_681 = arith.constant 0 : i32
        %dma_start3A_682 = tpu.memref_slice %arg3[%dma_start3A_677, %add3A_676, %dma_start3A_681] : memref<2x2500x128xi32, #tpu.memory_space<hbm>> -> memref<1x1x128xi32, #tpu.memory_space<hbm>>
        %dma_start3A_683 = tpu.memref_squeeze %dma_start3A_682 : memref<1x1x128xi32, #tpu.memory_space<hbm>> -> memref<1x128xi32, #tpu.memory_space<hbm>>
        %dma_start3A_684 = arith.constant 1 : i32
        %dma_start3A_685 = arith.constant 0 : i32
        %dma_start3A_686 = tpu.memref_slice %arg10[%dma_start3A_684, %dma_start3A_685] : memref<2x128xi32, #tpu.memory_space<vmem>> -> memref<1x128xi32, #tpu.memory_space<vmem>>
        %dma_start3A_687 = arith.constant 0 : i32
        %dma_start3A_688 = tpu.memref_slice %arg3[%dma_start3A_677, %add3A_676, %dma_start3A_687] : memref<2x2500x128xi32, #tpu.memory_space<hbm>> -> memref<1x1x128xi32, #tpu.memory_space<hbm>>
        %dma_start3A_689 = tpu.memref_squeeze %dma_start3A_688 : memref<1x1x128xi32, #tpu.memory_space<hbm>> -> memref<1x128xi32, #tpu.memory_space<hbm>>
        tpu.enqueue_dma source(%dma_start3A_689 : memref<1x128xi32, #tpu.memory_space<hbm>>) target(%dma_start3A_686 : memref<1x128xi32, #tpu.memory_space<vmem>>) target_semaphore(%arg22 : memref<!tpu.dma_semaphore, #tpu.memory_space<semaphore_mem>>)
      } else {
      }
      %add3A_639 = arith.constant 5 : i32
      %add3A_640 = arith.addi %mul3A_523, %add3A_639 : i32
      tpu.wait_dma2 semaphore(%arg26 : memref<!tpu.dma_semaphore, #tpu.memory_space<semaphore_mem>>) src(%arg4 : memref<128x64xf32, #tpu.memory_space<hbm>>) dst(%arg14 : memref<128x64xf32, #tpu.memory_space<vmem>>)
      %dma_start3A_641 = arith.constant 1 : i32
      %dma_start3A_642 = arith.constant 0 : i32
      %dma_start3A_643 = tpu.memref_slice %arg11[%dma_start3A_641, %dma_start3A_642] : memref<2x128xi32, #tpu.memory_space<vmem>> -> memref<1x128xi32, #tpu.memory_space<vmem>>
      %dma_start3A_644 = tpu.memref_squeeze %dma_start3A_643 : memref<1x128xi32, #tpu.memory_space<vmem>> -> memref<128xi32, #tpu.memory_space<vmem>>
      %dma_start3A_645 = arith.constant 0 : i32
      %dma_start3A_646 = arith.constant 0 : i32
      %dma_start3A_647 = tpu.memref_slice %arg16[%dma_start3A_645, %dma_start3A_646] : memref<10240x64xf32, #tpu.memory_space<vmem_shared>> -> memref<10240x64xf32, #tpu.memory_space<vmem_shared>>
      tpu.enqueue_indirect_dma source(%arg14 : memref<128x64xf32, #tpu.memory_space<vmem>>) target(%dma_start3A_647 : memref<10240x64xf32, #tpu.memory_space<vmem_shared>>) offsets(%dma_start3A_644 : memref<128xi32, #tpu.memory_space<vmem>>) semaphore(%arg29 : memref<!tpu.dma_semaphore, #tpu.memory_space<semaphore_mem>>) {add = true}
      tpu.wait_dma2 semaphore(%arg29 : memref<!tpu.dma_semaphore, #tpu.memory_space<semaphore_mem>>) src(%arg4 : memref<128x64xf32, #tpu.memory_space<hbm>>) dst(%arg14 : memref<128x64xf32, #tpu.memory_space<vmem>>)
      %add3A_648 = arith.constant 3 : i32
      %add3A_649 = arith.addi %add3A_640, %add3A_648 : i32
      %lt3A_650 = arith.constant 78 : i32
      %lt3A_651 = arith.cmpi slt, %add3A_649, %lt3A_650 : i32
      %convert_element_type3A_652 = arith.extui %lt3A_651 : i1 to i32
      %cond3A_653 = arith.constant 0 : i32
      %cond3A_654 = arith.cmpi ne, %convert_element_type3A_652, %cond3A_653 : i32
      scf.if %cond3A_654 {
        %dma_wait3A_662 = arith.constant 0 : i32
        %dma_wait3A_663 = arith.constant 0 : i32
        %dma_wait3A_664 = tpu.memref_slice %arg3[%dma_wait3A_662, %mul3A_2, %dma_wait3A_663] : memref<2x2500x128xi32, #tpu.memory_space<hbm>> -> memref<1x2x128xi32, #tpu.memory_space<hbm>>
        %dma_wait3A_665 = tpu.memref_squeeze %dma_wait3A_664 : memref<1x2x128xi32, #tpu.memory_space<hbm>> -> memref<2x128xi32, #tpu.memory_space<hbm>>
        %dma_wait3A_666 = arith.constant 0 : i32
        %dma_wait3A_667 = tpu.memref_slice %arg3[%dma_wait3A_662, %mul3A_2, %dma_wait3A_666] : memref<2x2500x128xi32, #tpu.memory_space<hbm>> -> memref<1x2x128xi32, #tpu.memory_space<hbm>>
        %dma_wait3A_668 = tpu.memref_squeeze %dma_wait3A_667 : memref<1x2x128xi32, #tpu.memory_space<hbm>> -> memref<2x128xi32, #tpu.memory_space<hbm>>
        tpu.wait_dma2 semaphore(%arg20 : memref<!tpu.dma_semaphore, #tpu.memory_space<semaphore_mem>>) src(%dma_wait3A_668 : memref<2x128xi32, #tpu.memory_space<hbm>>) dst(%arg8 : memref<2x128xi32, #tpu.memory_space<vmem>>)
        %dma_start3A_669 = arith.constant 0 : i32
        %dma_start3A_670 = arith.constant 0 : i32
        %dma_start3A_671 = tpu.memref_slice %arg8[%dma_start3A_669, %dma_start3A_670] : memref<2x128xi32, #tpu.memory_space<vmem>> -> memref<1x128xi32, #tpu.memory_space<vmem>>
        %dma_start3A_672 = tpu.memref_squeeze %dma_start3A_671 : memref<1x128xi32, #tpu.memory_space<vmem>> -> memref<128xi32, #tpu.memory_space<vmem>>
        %dma_start3A_673 = arith.constant 0 : i32
        %dma_start3A_674 = arith.constant 0 : i32
        %dma_start3A_675 = tpu.memref_slice %arg17[%dma_start3A_673, %dma_start3A_674] : memref<10240x64xf32, #tpu.memory_space<vmem_shared>> -> memref<10240x64xf32, #tpu.memory_space<vmem_shared>>
        tpu.enqueue_indirect_dma source(%dma_start3A_675 : memref<10240x64xf32, #tpu.memory_space<vmem_shared>>) target(%arg14 : memref<128x64xf32, #tpu.memory_space<vmem>>) offsets(%dma_start3A_672 : memref<128xi32, #tpu.memory_space<vmem>>) semaphore(%arg26 : memref<!tpu.dma_semaphore, #tpu.memory_space<semaphore_mem>>)
      } else {
      }
      %add3A_655 = arith.constant 6 : i32
      %add3A_656 = arith.addi %add3A_640, %add3A_655 : i32
      %lt3A_657 = arith.constant 78 : i32
      %lt3A_658 = arith.cmpi slt, %add3A_656, %lt3A_657 : i32
      %convert_element_type3A_659 = arith.extui %lt3A_658 : i1 to i32
      %cond3A_660 = arith.constant 0 : i32
      %cond3A_661 = arith.cmpi ne, %convert_element_type3A_659, %cond3A_660 : i32
      scf.if %cond3A_661 {
        %add3A_662 = arith.addi %mul3A_2, %add3A_656 : i32
        %dma_start3A_663 = arith.constant 0 : i32
        %dma_start3A_664 = arith.constant 0 : i32
        %dma_start3A_665 = arith.constant 0 : i32
        %dma_start3A_666 = tpu.memref_slice %arg11[%dma_start3A_664, %dma_start3A_665] : memref<2x128xi32, #tpu.memory_space<vmem>> -> memref<1x128xi32, #tpu.memory_space<vmem>>
        %dma_start3A_667 = arith.constant 0 : i32
        %dma_start3A_668 = tpu.memref_slice %arg3[%dma_start3A_663, %add3A_662, %dma_start3A_667] : memref<2x2500x128xi32, #tpu.memory_space<hbm>> -> memref<1x1x128xi32, #tpu.memory_space<hbm>>
        %dma_start3A_669 = tpu.memref_squeeze %dma_start3A_668 : memref<1x1x128xi32, #tpu.memory_space<hbm>> -> memref<1x128xi32, #tpu.memory_space<hbm>>
        %dma_start3A_670 = arith.constant 0 : i32
        %dma_start3A_671 = arith.constant 0 : i32
        %dma_start3A_672 = tpu.memref_slice %arg11[%dma_start3A_670, %dma_start3A_671] : memref<2x128xi32, #tpu.memory_space<vmem>> -> memref<1x128xi32, #tpu.memory_space<vmem>>
        %dma_start3A_673 = arith.constant 0 : i32
        %dma_start3A_674 = tpu.memref_slice %arg3[%dma_start3A_663, %add3A_662, %dma_start3A_673] : memref<2x2500x128xi32, #tpu.memory_space<hbm>> -> memref<1x1x128xi32, #tpu.memory_space<hbm>>
        %dma_start3A_675 = tpu.memref_squeeze %dma_start3A_674 : memref<1x1x128xi32, #tpu.memory_space<hbm>> -> memref<1x128xi32, #tpu.memory_space<hbm>>
        tpu.enqueue_dma source(%dma_start3A_675 : memref<1x128xi32, #tpu.memory_space<hbm>>) target(%dma_start3A_672 : memref<1x128xi32, #tpu.memory_space<vmem>>) target_semaphore(%arg23 : memref<!tpu.dma_semaphore, #tpu.memory_space<semaphore_mem>>)
        %add3A_676 = arith.addi %mul3A_2, %add3A_656 : i32
        %dma_start3A_677 = arith.constant 1 : i32
        %dma_start3A_678 = arith.constant 1 : i32
        %dma_start3A_679 = arith.constant 0 : i32
        %dma_start3A_680 = tpu.memref_slice %arg11[%dma_start3A_678, %dma_start3A_679] : memref<2x128xi32, #tpu.memory_space<vmem>> -> memref<1x128xi32, #tpu.memory_space<vmem>>
        %dma_start3A_681 = arith.constant 0 : i32
        %dma_start3A_682 = tpu.memref_slice %arg3[%dma_start3A_677, %add3A_676, %dma_start3A_681] : memref<2x2500x128xi32, #tpu.memory_space<hbm>> -> memref<1x1x128xi32, #tpu.memory_space<hbm>>
        %dma_start3A_683 = tpu.memref_squeeze %dma_start3A_682 : memref<1x1x128xi32, #tpu.memory_space<hbm>> -> memref<1x128xi32, #tpu.memory_space<hbm>>
        %dma_start3A_684 = arith.constant 1 : i32
        %dma_start3A_685 = arith.constant 0 : i32
        %dma_start3A_686 = tpu.memref_slice %arg11[%dma_start3A_684, %dma_start3A_685] : memref<2x128xi32, #tpu.memory_space<vmem>> -> memref<1x128xi32, #tpu.memory_space<vmem>>
        %dma_start3A_687 = arith.constant 0 : i32
        %dma_start3A_688 = tpu.memref_slice %arg3[%dma_start3A_677, %add3A_676, %dma_start3A_687] : memref<2x2500x128xi32, #tpu.memory_space<hbm>> -> memref<1x1x128xi32, #tpu.memory_space<hbm>>
        %dma_start3A_689 = tpu.memref_squeeze %dma_start3A_688 : memref<1x1x128xi32, #tpu.memory_space<hbm>> -> memref<1x128xi32, #tpu.memory_space<hbm>>
        tpu.enqueue_dma source(%dma_start3A_689 : memref<1x128xi32, #tpu.memory_space<hbm>>) target(%dma_start3A_686 : memref<1x128xi32, #tpu.memory_space<vmem>>) target_semaphore(%arg23 : memref<!tpu.dma_semaphore, #tpu.memory_space<semaphore_mem>>)
      } else {
      }
    }
    %scan3A_253 = arith.constant 13 : i32
    %lt3A_254 = arith.constant 4 : i32
    %lt3A_255 = arith.cmpi slt, %add3A, %lt3A_254 : i32
    %convert_element_type3A_256 = arith.extui %lt3A_255 : i1 to i32
    %cond3A_257 = arith.constant 0 : i32
    %cond3A_258 = arith.cmpi ne, %convert_element_type3A_256, %cond3A_257 : i32
    scf.if %cond3A_258 {
      %dma_start3A_521 = arith.constant 0 : i32
      %dma_start3A_522 = arith.constant 0 : i32
      %dma_start3A_523 = tpu.memref_slice %arg15[%dma_start3A_521, %dma_start3A_522] : memref<2x128xi32, #tpu.memory_space<vmem>> -> memref<1x128xi32, #tpu.memory_space<vmem>>
      %dma_start3A_524 = tpu.memref_squeeze %dma_start3A_523 : memref<1x128xi32, #tpu.memory_space<vmem>> -> memref<128xi32, #tpu.memory_space<vmem>>
      %dma_start3A_525 = arith.constant 0 : i32
      %dma_start3A_526 = arith.constant 0 : i32
      %dma_start3A_527 = tpu.memref_slice %arg17[%dma_start3A_525, %dma_start3A_526] : memref<10240x64xf32, #tpu.memory_space<vmem_shared>> -> memref<10240x64xf32, #tpu.memory_space<vmem_shared>>
      tpu.enqueue_indirect_dma source(%dma_start3A_527 : memref<10240x64xf32, #tpu.memory_space<vmem_shared>>) target(%arg12 : memref<128x64xf32, #tpu.memory_space<vmem>>) offsets(%dma_start3A_524 : memref<128xi32, #tpu.memory_space<vmem>>) semaphore(%arg24 : memref<!tpu.dma_semaphore, #tpu.memory_space<semaphore_mem>>)
      tpu.wait_dma2 semaphore(%arg24 : memref<!tpu.dma_semaphore, #tpu.memory_space<semaphore_mem>>) src(%arg4 : memref<128x64xf32, #tpu.memory_space<hbm>>) dst(%arg12 : memref<128x64xf32, #tpu.memory_space<vmem>>)
      %run_scoped3A = arith.constant 1 : i32
      "tpu.region"() ({
        %run_scoped3A_528 = tpu.sem_alloc : memref<!tpu.dma_semaphore, #tpu.memory_space<semaphore_mem>>
        %dma_start3A_529 = arith.constant 0 : i32
        %dma_start3A_530 = tpu.memref_slice %arg15[%run_scoped3A, %dma_start3A_529] : memref<2x128xi32, #tpu.memory_space<vmem>> -> memref<1x128xi32, #tpu.memory_space<vmem>>
        %dma_start3A_531 = tpu.memref_squeeze %dma_start3A_530 : memref<1x128xi32, #tpu.memory_space<vmem>> -> memref<128xi32, #tpu.memory_space<vmem>>
        %dma_start3A_532 = arith.constant 0 : i32
        %dma_start3A_533 = arith.constant 0 : i32
        %dma_start3A_534 = tpu.memref_slice %arg16[%dma_start3A_532, %dma_start3A_533] : memref<10240x64xf32, #tpu.memory_space<vmem_shared>> -> memref<10240x64xf32, #tpu.memory_space<vmem_shared>>
        tpu.enqueue_indirect_dma source(%arg12 : memref<128x64xf32, #tpu.memory_space<vmem>>) target(%dma_start3A_534 : memref<10240x64xf32, #tpu.memory_space<vmem_shared>>) offsets(%dma_start3A_531 : memref<128xi32, #tpu.memory_space<vmem>>) semaphore(%run_scoped3A_528 : memref<!tpu.dma_semaphore, #tpu.memory_space<semaphore_mem>>) {add = true}
        %dma_wait3A_535 = arith.constant 0 : i32
        %dma_wait3A_536 = tpu.memref_slice %arg15[%run_scoped3A, %dma_wait3A_535] : memref<2x128xi32, #tpu.memory_space<vmem>> -> memref<1x128xi32, #tpu.memory_space<vmem>>
        %dma_wait3A_537 = tpu.memref_squeeze %dma_wait3A_536 : memref<1x128xi32, #tpu.memory_space<vmem>> -> memref<128xi32, #tpu.memory_space<vmem>>
        %dma_wait3A_538 = arith.constant 0 : i32
        %dma_wait3A_539 = arith.constant 0 : i32
        %dma_wait3A_540 = tpu.memref_slice %arg16[%dma_wait3A_538, %dma_wait3A_539] : memref<10240x64xf32, #tpu.memory_space<vmem_shared>> -> memref<10240x64xf32, #tpu.memory_space<vmem_shared>>
        tpu.wait_indirect_dma semaphore(%run_scoped3A_528 : memref<!tpu.dma_semaphore, #tpu.memory_space<semaphore_mem>>) src(%arg12 : memref<128x64xf32, #tpu.memory_space<vmem>>) dst(%dma_wait3A_540 : memref<10240x64xf32, #tpu.memory_space<vmem_shared>>)
        tpu.yield
      }) : () -> ()
    } else {
    }
    %barrier3A_259 = arith.constant 0 : index
    tpu.barrier barrier_id(%barrier3A_259)
    %mul3A_260 = arith.constant 640 : i32
    %mul3A_261 = arith.muli %arg1, %mul3A_260 : i32
    "tpu.region"() ({
      %run_scoped3A = tpu.sem_alloc : memref<!tpu.dma_semaphore, #tpu.memory_space<semaphore_mem>>
      %dma_start3A_521 = arith.constant 0 : i32
      %dma_start3A_522 = tpu.memref_slice %arg5[%arg0, %mul3A_261, %dma_start3A_521] : memref<2x10240x128xf32, #tpu.memory_space<hbm>> -> memref<1x640x64xf32, #tpu.memory_space<hbm>>
      %dma_start3A_523 = tpu.memref_squeeze %dma_start3A_522 : memref<1x640x64xf32, #tpu.memory_space<hbm>> -> memref<640x64xf32, #tpu.memory_space<hbm>>
      %dma_start3A_524 = arith.constant 0 : i32
      %dma_start3A_525 = tpu.memref_slice %arg16[%mul3A_261, %dma_start3A_524] : memref<10240x64xf32, #tpu.memory_space<vmem_shared>> -> memref<640x64xf32, #tpu.memory_space<vmem_shared>>
      tpu.enqueue_dma source(%dma_start3A_525 : memref<640x64xf32, #tpu.memory_space<vmem_shared>>) target(%dma_start3A_523 : memref<640x64xf32, #tpu.memory_space<hbm>>) target_semaphore(%run_scoped3A : memref<!tpu.dma_semaphore, #tpu.memory_space<semaphore_mem>>)
      %dma_wait3A_526 = arith.constant 0 : i32
      %dma_wait3A_527 = tpu.memref_slice %arg5[%arg0, %mul3A_261, %dma_wait3A_526] : memref<2x10240x128xf32, #tpu.memory_space<hbm>> -> memref<1x640x64xf32, #tpu.memory_space<hbm>>
      %dma_wait3A_528 = tpu.memref_squeeze %dma_wait3A_527 : memref<1x640x64xf32, #tpu.memory_space<hbm>> -> memref<640x64xf32, #tpu.memory_space<hbm>>
      %dma_wait3A_529 = arith.constant 0 : i32
      %dma_wait3A_530 = tpu.memref_slice %arg16[%mul3A_261, %dma_wait3A_529] : memref<10240x64xf32, #tpu.memory_space<vmem_shared>> -> memref<640x64xf32, #tpu.memory_space<vmem_shared>>
      tpu.wait_dma2 semaphore(%run_scoped3A : memref<!tpu.dma_semaphore, #tpu.memory_space<semaphore_mem>>) src(%dma_wait3A_530 : memref<640x64xf32, #tpu.memory_space<vmem_shared>>) dst(%dma_wait3A_528 : memref<640x64xf32, #tpu.memory_space<hbm>>)
      tpu.yield
    }) : () -> ()
    %mul3A_262 = arith.constant 640 : i32
    %mul3A_263 = arith.muli %arg1, %mul3A_262 : i32
    "tpu.region"() ({
      %run_scoped3A = tpu.sem_alloc : memref<!tpu.dma_semaphore, #tpu.memory_space<semaphore_mem>>
      %dma_start3A_521 = arith.constant 0 : i32
      %dma_start3A_522 = tpu.memref_slice %arg17[%mul3A_263, %dma_start3A_521] : memref<10240x64xf32, #tpu.memory_space<vmem_shared>> -> memref<640x64xf32, #tpu.memory_space<vmem_shared>>
      %dma_start3A_523 = arith.constant 64 : i32
      %dma_start3A_524 = tpu.memref_slice %arg2[%mul3A_263, %dma_start3A_523] : memref<10240x128xf32, #tpu.memory_space<hbm>> -> memref<640x64xf32, #tpu.memory_space<hbm>>
      tpu.enqueue_dma source(%dma_start3A_524 : memref<640x64xf32, #tpu.memory_space<hbm>>) target(%dma_start3A_522 : memref<640x64xf32, #tpu.memory_space<vmem_shared>>) target_semaphore(%run_scoped3A : memref<!tpu.dma_semaphore, #tpu.memory_space<semaphore_mem>>)
      %dma_wait3A_525 = arith.constant 0 : i32
      %dma_wait3A_526 = tpu.memref_slice %arg17[%mul3A_263, %dma_wait3A_525] : memref<10240x64xf32, #tpu.memory_space<vmem_shared>> -> memref<640x64xf32, #tpu.memory_space<vmem_shared>>
      %dma_wait3A_527 = arith.constant 64 : i32
      %dma_wait3A_528 = tpu.memref_slice %arg2[%mul3A_263, %dma_wait3A_527] : memref<10240x128xf32, #tpu.memory_space<hbm>> -> memref<640x64xf32, #tpu.memory_space<hbm>>
      tpu.wait_dma2 semaphore(%run_scoped3A : memref<!tpu.dma_semaphore, #tpu.memory_space<semaphore_mem>>) src(%dma_wait3A_528 : memref<640x64xf32, #tpu.memory_space<hbm>>) dst(%dma_wait3A_526 : memref<640x64xf32, #tpu.memory_space<vmem_shared>>)
      tpu.yield
    }) : () -> ()
    "tpu.region"() ({
      %run_scoped3A = tpu.sem_alloc : memref<!tpu.dma_semaphore, #tpu.memory_space<semaphore_mem>>
      tpu.enqueue_dma source(%arg4 : memref<128x64xf32, #tpu.memory_space<hbm>>) target(%arg12 : memref<128x64xf32, #tpu.memory_space<vmem>>) target_semaphore(%run_scoped3A : memref<!tpu.dma_semaphore, #tpu.memory_space<semaphore_mem>>)
      tpu.wait_dma2 semaphore(%run_scoped3A : memref<!tpu.dma_semaphore, #tpu.memory_space<semaphore_mem>>) src(%arg4 : memref<128x64xf32, #tpu.memory_space<hbm>>) dst(%arg12 : memref<128x64xf32, #tpu.memory_space<vmem>>)
      tpu.yield
    }) : () -> ()
    %mul3A_264 = arith.constant 640 : i32
    %mul3A_265 = arith.muli %arg1, %mul3A_264 : i32
    %add3A_266 = arith.constant 0 : i32
    %add3A_267 = arith.addi %mul3A_265, %add3A_266 : i32
    "tpu.region"() ({
      %run_scoped3A = tpu.sem_alloc : memref<!tpu.dma_semaphore, #tpu.memory_space<semaphore_mem>>
      %dma_start3A_521 = arith.constant 0 : i32
      %dma_start3A_522 = tpu.memref_slice %arg16[%add3A_267, %dma_start3A_521] : memref<10240x64xf32, #tpu.memory_space<vmem_shared>> -> memref<128x64xf32, #tpu.memory_space<vmem_shared>>
      %dma_start3A_523 = arith.constant 0 : i32
      %dma_start3A_524 = tpu.memref_slice %arg16[%add3A_267, %dma_start3A_523] : memref<10240x64xf32, #tpu.memory_space<vmem_shared>> -> memref<128x64xf32, #tpu.memory_space<vmem_shared>>
      tpu.enqueue_dma source(%arg12 : memref<128x64xf32, #tpu.memory_space<vmem>>) target(%dma_start3A_524 : memref<128x64xf32, #tpu.memory_space<vmem_shared>>) target_semaphore(%run_scoped3A : memref<!tpu.dma_semaphore, #tpu.memory_space<semaphore_mem>>)
      %dma_wait3A_525 = arith.constant 0 : i32
      %dma_wait3A_526 = tpu.memref_slice %arg16[%add3A_267, %dma_wait3A_525] : memref<10240x64xf32, #tpu.memory_space<vmem_shared>> -> memref<128x64xf32, #tpu.memory_space<vmem_shared>>
      %dma_wait3A_527 = arith.constant 0 : i32
      %dma_wait3A_528 = tpu.memref_slice %arg16[%add3A_267, %dma_wait3A_527] : memref<10240x64xf32, #tpu.memory_space<vmem_shared>> -> memref<128x64xf32, #tpu.memory_space<vmem_shared>>
      tpu.wait_dma2 semaphore(%run_scoped3A : memref<!tpu.dma_semaphore, #tpu.memory_space<semaphore_mem>>) src(%arg12 : memref<128x64xf32, #tpu.memory_space<vmem>>) dst(%dma_wait3A_528 : memref<128x64xf32, #tpu.memory_space<vmem_shared>>)
      tpu.yield
    }) : () -> ()
    %mul3A_268 = arith.constant 640 : i32
    %mul3A_269 = arith.muli %arg1, %mul3A_268 : i32
    %add3A_270 = arith.constant 128 : i32
    %add3A_271 = arith.addi %mul3A_269, %add3A_270 : i32
    "tpu.region"() ({
      %run_scoped3A = tpu.sem_alloc : memref<!tpu.dma_semaphore, #tpu.memory_space<semaphore_mem>>
      %dma_start3A_521 = arith.constant 0 : i32
      %dma_start3A_522 = tpu.memref_slice %arg16[%add3A_271, %dma_start3A_521] : memref<10240x64xf32, #tpu.memory_space<vmem_shared>> -> memref<128x64xf32, #tpu.memory_space<vmem_shared>>
      %dma_start3A_523 = arith.constant 0 : i32
      %dma_start3A_524 = tpu.memref_slice %arg16[%add3A_271, %dma_start3A_523] : memref<10240x64xf32, #tpu.memory_space<vmem_shared>> -> memref<128x64xf32, #tpu.memory_space<vmem_shared>>
      tpu.enqueue_dma source(%arg12 : memref<128x64xf32, #tpu.memory_space<vmem>>) target(%dma_start3A_524 : memref<128x64xf32, #tpu.memory_space<vmem_shared>>) target_semaphore(%run_scoped3A : memref<!tpu.dma_semaphore, #tpu.memory_space<semaphore_mem>>)
      %dma_wait3A_525 = arith.constant 0 : i32
      %dma_wait3A_526 = tpu.memref_slice %arg16[%add3A_271, %dma_wait3A_525] : memref<10240x64xf32, #tpu.memory_space<vmem_shared>> -> memref<128x64xf32, #tpu.memory_space<vmem_shared>>
      %dma_wait3A_527 = arith.constant 0 : i32
      %dma_wait3A_528 = tpu.memref_slice %arg16[%add3A_271, %dma_wait3A_527] : memref<10240x64xf32, #tpu.memory_space<vmem_shared>> -> memref<128x64xf32, #tpu.memory_space<vmem_shared>>
      tpu.wait_dma2 semaphore(%run_scoped3A : memref<!tpu.dma_semaphore, #tpu.memory_space<semaphore_mem>>) src(%arg12 : memref<128x64xf32, #tpu.memory_space<vmem>>) dst(%dma_wait3A_528 : memref<128x64xf32, #tpu.memory_space<vmem_shared>>)
      tpu.yield
    }) : () -> ()
    %mul3A_272 = arith.constant 640 : i32
    %mul3A_273 = arith.muli %arg1, %mul3A_272 : i32
    %add3A_274 = arith.constant 256 : i32
    %add3A_275 = arith.addi %mul3A_273, %add3A_274 : i32
    "tpu.region"() ({
      %run_scoped3A = tpu.sem_alloc : memref<!tpu.dma_semaphore, #tpu.memory_space<semaphore_mem>>
      %dma_start3A_521 = arith.constant 0 : i32
      %dma_start3A_522 = tpu.memref_slice %arg16[%add3A_275, %dma_start3A_521] : memref<10240x64xf32, #tpu.memory_space<vmem_shared>> -> memref<128x64xf32, #tpu.memory_space<vmem_shared>>
      %dma_start3A_523 = arith.constant 0 : i32
      %dma_start3A_524 = tpu.memref_slice %arg16[%add3A_275, %dma_start3A_523] : memref<10240x64xf32, #tpu.memory_space<vmem_shared>> -> memref<128x64xf32, #tpu.memory_space<vmem_shared>>
      tpu.enqueue_dma source(%arg12 : memref<128x64xf32, #tpu.memory_space<vmem>>) target(%dma_start3A_524 : memref<128x64xf32, #tpu.memory_space<vmem_shared>>) target_semaphore(%run_scoped3A : memref<!tpu.dma_semaphore, #tpu.memory_space<semaphore_mem>>)
      %dma_wait3A_525 = arith.constant 0 : i32
      %dma_wait3A_526 = tpu.memref_slice %arg16[%add3A_275, %dma_wait3A_525] : memref<10240x64xf32, #tpu.memory_space<vmem_shared>> -> memref<128x64xf32, #tpu.memory_space<vmem_shared>>
      %dma_wait3A_527 = arith.constant 0 : i32
      %dma_wait3A_528 = tpu.memref_slice %arg16[%add3A_275, %dma_wait3A_527] : memref<10240x64xf32, #tpu.memory_space<vmem_shared>> -> memref<128x64xf32, #tpu.memory_space<vmem_shared>>
      tpu.wait_dma2 semaphore(%run_scoped3A : memref<!tpu.dma_semaphore, #tpu.memory_space<semaphore_mem>>) src(%arg12 : memref<128x64xf32, #tpu.memory_space<vmem>>) dst(%dma_wait3A_528 : memref<128x64xf32, #tpu.memory_space<vmem_shared>>)
      tpu.yield
    }) : () -> ()
    %mul3A_276 = arith.constant 640 : i32
    %mul3A_277 = arith.muli %arg1, %mul3A_276 : i32
    %add3A_278 = arith.constant 384 : i32
    %add3A_279 = arith.addi %mul3A_277, %add3A_278 : i32
    "tpu.region"() ({
      %run_scoped3A = tpu.sem_alloc : memref<!tpu.dma_semaphore, #tpu.memory_space<semaphore_mem>>
      %dma_start3A_521 = arith.constant 0 : i32
      %dma_start3A_522 = tpu.memref_slice %arg16[%add3A_279, %dma_start3A_521] : memref<10240x64xf32, #tpu.memory_space<vmem_shared>> -> memref<128x64xf32, #tpu.memory_space<vmem_shared>>
      %dma_start3A_523 = arith.constant 0 : i32
      %dma_start3A_524 = tpu.memref_slice %arg16[%add3A_279, %dma_start3A_523] : memref<10240x64xf32, #tpu.memory_space<vmem_shared>> -> memref<128x64xf32, #tpu.memory_space<vmem_shared>>
      tpu.enqueue_dma source(%arg12 : memref<128x64xf32, #tpu.memory_space<vmem>>) target(%dma_start3A_524 : memref<128x64xf32, #tpu.memory_space<vmem_shared>>) target_semaphore(%run_scoped3A : memref<!tpu.dma_semaphore, #tpu.memory_space<semaphore_mem>>)
      %dma_wait3A_525 = arith.constant 0 : i32
      %dma_wait3A_526 = tpu.memref_slice %arg16[%add3A_279, %dma_wait3A_525] : memref<10240x64xf32, #tpu.memory_space<vmem_shared>> -> memref<128x64xf32, #tpu.memory_space<vmem_shared>>
      %dma_wait3A_527 = arith.constant 0 : i32
      %dma_wait3A_528 = tpu.memref_slice %arg16[%add3A_279, %dma_wait3A_527] : memref<10240x64xf32, #tpu.memory_space<vmem_shared>> -> memref<128x64xf32, #tpu.memory_space<vmem_shared>>
      tpu.wait_dma2 semaphore(%run_scoped3A : memref<!tpu.dma_semaphore, #tpu.memory_space<semaphore_mem>>) src(%arg12 : memref<128x64xf32, #tpu.memory_space<vmem>>) dst(%dma_wait3A_528 : memref<128x64xf32, #tpu.memory_space<vmem_shared>>)
      tpu.yield
    }) : () -> ()
    %mul3A_280 = arith.constant 640 : i32
    %mul3A_281 = arith.muli %arg1, %mul3A_280 : i32
    %add3A_282 = arith.constant 512 : i32
    %add3A_283 = arith.addi %mul3A_281, %add3A_282 : i32
    "tpu.region"() ({
      %run_scoped3A = tpu.sem_alloc : memref<!tpu.dma_semaphore, #tpu.memory_space<semaphore_mem>>
      %dma_start3A_521 = arith.constant 0 : i32
      %dma_start3A_522 = tpu.memref_slice %arg16[%add3A_283, %dma_start3A_521] : memref<10240x64xf32, #tpu.memory_space<vmem_shared>> -> memref<128x64xf32, #tpu.memory_space<vmem_shared>>
      %dma_start3A_523 = arith.constant 0 : i32
      %dma_start3A_524 = tpu.memref_slice %arg16[%add3A_283, %dma_start3A_523] : memref<10240x64xf32, #tpu.memory_space<vmem_shared>> -> memref<128x64xf32, #tpu.memory_space<vmem_shared>>
      tpu.enqueue_dma source(%arg12 : memref<128x64xf32, #tpu.memory_space<vmem>>) target(%dma_start3A_524 : memref<128x64xf32, #tpu.memory_space<vmem_shared>>) target_semaphore(%run_scoped3A : memref<!tpu.dma_semaphore, #tpu.memory_space<semaphore_mem>>)
      %dma_wait3A_525 = arith.constant 0 : i32
      %dma_wait3A_526 = tpu.memref_slice %arg16[%add3A_283, %dma_wait3A_525] : memref<10240x64xf32, #tpu.memory_space<vmem_shared>> -> memref<128x64xf32, #tpu.memory_space<vmem_shared>>
      %dma_wait3A_527 = arith.constant 0 : i32
      %dma_wait3A_528 = tpu.memref_slice %arg16[%add3A_283, %dma_wait3A_527] : memref<10240x64xf32, #tpu.memory_space<vmem_shared>> -> memref<128x64xf32, #tpu.memory_space<vmem_shared>>
      tpu.wait_dma2 semaphore(%run_scoped3A : memref<!tpu.dma_semaphore, #tpu.memory_space<semaphore_mem>>) src(%arg12 : memref<128x64xf32, #tpu.memory_space<vmem>>) dst(%dma_wait3A_528 : memref<128x64xf32, #tpu.memory_space<vmem_shared>>)
      tpu.yield
    }) : () -> ()
    %barrier3A_284 = arith.constant 0 : index
    tpu.barrier barrier_id(%barrier3A_284)
    %add3A_285 = arith.constant 0 : i32
    %add3A_286 = arith.addi %mul3A_2, %add3A_285 : i32
    %dma_start3A_287 = arith.constant 0 : i32
    %dma_start3A_288 = arith.constant 0 : i32
    %dma_start3A_289 = arith.constant 0 : i32
    %dma_start3A_290 = tpu.memref_slice %arg6[%dma_start3A_288, %dma_start3A_289] : memref<2x128xi32, #tpu.memory_space<vmem>> -> memref<1x128xi32, #tpu.memory_space<vmem>>
    %dma_start3A_291 = arith.constant 0 : i32
    %dma_start3A_292 = tpu.memref_slice %arg3[%dma_start3A_287, %add3A_286, %dma_start3A_291] : memref<2x2500x128xi32, #tpu.memory_space<hbm>> -> memref<1x1x128xi32, #tpu.memory_space<hbm>>
    %dma_start3A_293 = tpu.memref_squeeze %dma_start3A_292 : memref<1x1x128xi32, #tpu.memory_space<hbm>> -> memref<1x128xi32, #tpu.memory_space<hbm>>
    %dma_start3A_294 = arith.constant 0 : i32
    %dma_start3A_295 = arith.constant 0 : i32
    %dma_start3A_296 = tpu.memref_slice %arg6[%dma_start3A_294, %dma_start3A_295] : memref<2x128xi32, #tpu.memory_space<vmem>> -> memref<1x128xi32, #tpu.memory_space<vmem>>
    %dma_start3A_297 = arith.constant 0 : i32
    %dma_start3A_298 = tpu.memref_slice %arg3[%dma_start3A_287, %add3A_286, %dma_start3A_297] : memref<2x2500x128xi32, #tpu.memory_space<hbm>> -> memref<1x1x128xi32, #tpu.memory_space<hbm>>
    %dma_start3A_299 = tpu.memref_squeeze %dma_start3A_298 : memref<1x1x128xi32, #tpu.memory_space<hbm>> -> memref<1x128xi32, #tpu.memory_space<hbm>>
    tpu.enqueue_dma source(%dma_start3A_299 : memref<1x128xi32, #tpu.memory_space<hbm>>) target(%dma_start3A_296 : memref<1x128xi32, #tpu.memory_space<vmem>>) target_semaphore(%arg18 : memref<!tpu.dma_semaphore, #tpu.memory_space<semaphore_mem>>)
    %add3A_300 = arith.constant 0 : i32
    %add3A_301 = arith.addi %mul3A_2, %add3A_300 : i32
    %dma_start3A_302 = arith.constant 1 : i32
    %dma_start3A_303 = arith.constant 1 : i32
    %dma_start3A_304 = arith.constant 0 : i32
    %dma_start3A_305 = tpu.memref_slice %arg6[%dma_start3A_303, %dma_start3A_304] : memref<2x128xi32, #tpu.memory_space<vmem>> -> memref<1x128xi32, #tpu.memory_space<vmem>>
    %dma_start3A_306 = arith.constant 0 : i32
    %dma_start3A_307 = tpu.memref_slice %arg3[%dma_start3A_302, %add3A_301, %dma_start3A_306] : memref<2x2500x128xi32, #tpu.memory_space<hbm>> -> memref<1x1x128xi32, #tpu.memory_space<hbm>>
    %dma_start3A_308 = tpu.memref_squeeze %dma_start3A_307 : memref<1x1x128xi32, #tpu.memory_space<hbm>> -> memref<1x128xi32, #tpu.memory_space<hbm>>
    %dma_start3A_309 = arith.constant 1 : i32
    %dma_start3A_310 = arith.constant 0 : i32
    %dma_start3A_311 = tpu.memref_slice %arg6[%dma_start3A_309, %dma_start3A_310] : memref<2x128xi32, #tpu.memory_space<vmem>> -> memref<1x128xi32, #tpu.memory_space<vmem>>
    %dma_start3A_312 = arith.constant 0 : i32
    %dma_start3A_313 = tpu.memref_slice %arg3[%dma_start3A_302, %add3A_301, %dma_start3A_312] : memref<2x2500x128xi32, #tpu.memory_space<hbm>> -> memref<1x1x128xi32, #tpu.memory_space<hbm>>
    %dma_start3A_314 = tpu.memref_squeeze %dma_start3A_313 : memref<1x1x128xi32, #tpu.memory_space<hbm>> -> memref<1x128xi32, #tpu.memory_space<hbm>>
    tpu.enqueue_dma source(%dma_start3A_314 : memref<1x128xi32, #tpu.memory_space<hbm>>) target(%dma_start3A_311 : memref<1x128xi32, #tpu.memory_space<vmem>>) target_semaphore(%arg18 : memref<!tpu.dma_semaphore, #tpu.memory_space<semaphore_mem>>)
    %add3A_315 = arith.constant 1 : i32
    %add3A_316 = arith.addi %mul3A_2, %add3A_315 : i32
    %dma_start3A_317 = arith.constant 0 : i32
    %dma_start3A_318 = arith.constant 0 : i32
    %dma_start3A_319 = arith.constant 0 : i32
    %dma_start3A_320 = tpu.memref_slice %arg7[%dma_start3A_318, %dma_start3A_319] : memref<2x128xi32, #tpu.memory_space<vmem>> -> memref<1x128xi32, #tpu.memory_space<vmem>>
    %dma_start3A_321 = arith.constant 0 : i32
    %dma_start3A_322 = tpu.memref_slice %arg3[%dma_start3A_317, %add3A_316, %dma_start3A_321] : memref<2x2500x128xi32, #tpu.memory_space<hbm>> -> memref<1x1x128xi32, #tpu.memory_space<hbm>>
    %dma_start3A_323 = tpu.memref_squeeze %dma_start3A_322 : memref<1x1x128xi32, #tpu.memory_space<hbm>> -> memref<1x128xi32, #tpu.memory_space<hbm>>
    %dma_start3A_324 = arith.constant 0 : i32
    %dma_start3A_325 = arith.constant 0 : i32
    %dma_start3A_326 = tpu.memref_slice %arg7[%dma_start3A_324, %dma_start3A_325] : memref<2x128xi32, #tpu.memory_space<vmem>> -> memref<1x128xi32, #tpu.memory_space<vmem>>
    %dma_start3A_327 = arith.constant 0 : i32
    %dma_start3A_328 = tpu.memref_slice %arg3[%dma_start3A_317, %add3A_316, %dma_start3A_327] : memref<2x2500x128xi32, #tpu.memory_space<hbm>> -> memref<1x1x128xi32, #tpu.memory_space<hbm>>
    %dma_start3A_329 = tpu.memref_squeeze %dma_start3A_328 : memref<1x1x128xi32, #tpu.memory_space<hbm>> -> memref<1x128xi32, #tpu.memory_space<hbm>>
    tpu.enqueue_dma source(%dma_start3A_329 : memref<1x128xi32, #tpu.memory_space<hbm>>) target(%dma_start3A_326 : memref<1x128xi32, #tpu.memory_space<vmem>>) target_semaphore(%arg19 : memref<!tpu.dma_semaphore, #tpu.memory_space<semaphore_mem>>)
    %add3A_330 = arith.constant 1 : i32
    %add3A_331 = arith.addi %mul3A_2, %add3A_330 : i32
    %dma_start3A_332 = arith.constant 1 : i32
    %dma_start3A_333 = arith.constant 1 : i32
    %dma_start3A_334 = arith.constant 0 : i32
    %dma_start3A_335 = tpu.memref_slice %arg7[%dma_start3A_333, %dma_start3A_334] : memref<2x128xi32, #tpu.memory_space<vmem>> -> memref<1x128xi32, #tpu.memory_space<vmem>>
    %dma_start3A_336 = arith.constant 0 : i32
    %dma_start3A_337 = tpu.memref_slice %arg3[%dma_start3A_332, %add3A_331, %dma_start3A_336] : memref<2x2500x128xi32, #tpu.memory_space<hbm>> -> memref<1x1x128xi32, #tpu.memory_space<hbm>>
    %dma_start3A_338 = tpu.memref_squeeze %dma_start3A_337 : memref<1x1x128xi32, #tpu.memory_space<hbm>> -> memref<1x128xi32, #tpu.memory_space<hbm>>
    %dma_start3A_339 = arith.constant 1 : i32
    %dma_start3A_340 = arith.constant 0 : i32
    %dma_start3A_341 = tpu.memref_slice %arg7[%dma_start3A_339, %dma_start3A_340] : memref<2x128xi32, #tpu.memory_space<vmem>> -> memref<1x128xi32, #tpu.memory_space<vmem>>
    %dma_start3A_342 = arith.constant 0 : i32
    %dma_start3A_343 = tpu.memref_slice %arg3[%dma_start3A_332, %add3A_331, %dma_start3A_342] : memref<2x2500x128xi32, #tpu.memory_space<hbm>> -> memref<1x1x128xi32, #tpu.memory_space<hbm>>
    %dma_start3A_344 = tpu.memref_squeeze %dma_start3A_343 : memref<1x1x128xi32, #tpu.memory_space<hbm>> -> memref<1x128xi32, #tpu.memory_space<hbm>>
    tpu.enqueue_dma source(%dma_start3A_344 : memref<1x128xi32, #tpu.memory_space<hbm>>) target(%dma_start3A_341 : memref<1x128xi32, #tpu.memory_space<vmem>>) target_semaphore(%arg19 : memref<!tpu.dma_semaphore, #tpu.memory_space<semaphore_mem>>)
    %add3A_345 = arith.constant 2 : i32
    %add3A_346 = arith.addi %mul3A_2, %add3A_345 : i32
    %dma_start3A_347 = arith.constant 0 : i32
    %dma_start3A_348 = arith.constant 0 : i32
    %dma_start3A_349 = arith.constant 0 : i32
    %dma_start3A_350 = tpu.memref_slice %arg8[%dma_start3A_348, %dma_start3A_349] : memref<2x128xi32, #tpu.memory_space<vmem>> -> memref<1x128xi32, #tpu.memory_space<vmem>>
    %dma_start3A_351 = arith.constant 0 : i32
    %dma_start3A_352 = tpu.memref_slice %arg3[%dma_start3A_347, %add3A_346, %dma_start3A_351] : memref<2x2500x128xi32, #tpu.memory_space<hbm>> -> memref<1x1x128xi32, #tpu.memory_space<hbm>>
    %dma_start3A_353 = tpu.memref_squeeze %dma_start3A_352 : memref<1x1x128xi32, #tpu.memory_space<hbm>> -> memref<1x128xi32, #tpu.memory_space<hbm>>
    %dma_start3A_354 = arith.constant 0 : i32
    %dma_start3A_355 = arith.constant 0 : i32
    %dma_start3A_356 = tpu.memref_slice %arg8[%dma_start3A_354, %dma_start3A_355] : memref<2x128xi32, #tpu.memory_space<vmem>> -> memref<1x128xi32, #tpu.memory_space<vmem>>
    %dma_start3A_357 = arith.constant 0 : i32
    %dma_start3A_358 = tpu.memref_slice %arg3[%dma_start3A_347, %add3A_346, %dma_start3A_357] : memref<2x2500x128xi32, #tpu.memory_space<hbm>> -> memref<1x1x128xi32, #tpu.memory_space<hbm>>
    %dma_start3A_359 = tpu.memref_squeeze %dma_start3A_358 : memref<1x1x128xi32, #tpu.memory_space<hbm>> -> memref<1x128xi32, #tpu.memory_space<hbm>>
    tpu.enqueue_dma source(%dma_start3A_359 : memref<1x128xi32, #tpu.memory_space<hbm>>) target(%dma_start3A_356 : memref<1x128xi32, #tpu.memory_space<vmem>>) target_semaphore(%arg20 : memref<!tpu.dma_semaphore, #tpu.memory_space<semaphore_mem>>)
    %add3A_360 = arith.constant 2 : i32
    %add3A_361 = arith.addi %mul3A_2, %add3A_360 : i32
    %dma_start3A_362 = arith.constant 1 : i32
    %dma_start3A_363 = arith.constant 1 : i32
    %dma_start3A_364 = arith.constant 0 : i32
    %dma_start3A_365 = tpu.memref_slice %arg8[%dma_start3A_363, %dma_start3A_364] : memref<2x128xi32, #tpu.memory_space<vmem>> -> memref<1x128xi32, #tpu.memory_space<vmem>>
    %dma_start3A_366 = arith.constant 0 : i32
    %dma_start3A_367 = tpu.memref_slice %arg3[%dma_start3A_362, %add3A_361, %dma_start3A_366] : memref<2x2500x128xi32, #tpu.memory_space<hbm>> -> memref<1x1x128xi32, #tpu.memory_space<hbm>>
    %dma_start3A_368 = tpu.memref_squeeze %dma_start3A_367 : memref<1x1x128xi32, #tpu.memory_space<hbm>> -> memref<1x128xi32, #tpu.memory_space<hbm>>
    %dma_start3A_369 = arith.constant 1 : i32
    %dma_start3A_370 = arith.constant 0 : i32
    %dma_start3A_371 = tpu.memref_slice %arg8[%dma_start3A_369, %dma_start3A_370] : memref<2x128xi32, #tpu.memory_space<vmem>> -> memref<1x128xi32, #tpu.memory_space<vmem>>
    %dma_start3A_372 = arith.constant 0 : i32
    %dma_start3A_373 = tpu.memref_slice %arg3[%dma_start3A_362, %add3A_361, %dma_start3A_372] : memref<2x2500x128xi32, #tpu.memory_space<hbm>> -> memref<1x1x128xi32, #tpu.memory_space<hbm>>
    %dma_start3A_374 = tpu.memref_squeeze %dma_start3A_373 : memref<1x1x128xi32, #tpu.memory_space<hbm>> -> memref<1x128xi32, #tpu.memory_space<hbm>>
    tpu.enqueue_dma source(%dma_start3A_374 : memref<1x128xi32, #tpu.memory_space<hbm>>) target(%dma_start3A_371 : memref<1x128xi32, #tpu.memory_space<vmem>>) target_semaphore(%arg20 : memref<!tpu.dma_semaphore, #tpu.memory_space<semaphore_mem>>)
    %add3A_375 = arith.constant 3 : i32
    %add3A_376 = arith.addi %mul3A_2, %add3A_375 : i32
    %dma_start3A_377 = arith.constant 0 : i32
    %dma_start3A_378 = arith.constant 0 : i32
    %dma_start3A_379 = arith.constant 0 : i32
    %dma_start3A_380 = tpu.memref_slice %arg9[%dma_start3A_378, %dma_start3A_379] : memref<2x128xi32, #tpu.memory_space<vmem>> -> memref<1x128xi32, #tpu.memory_space<vmem>>
    %dma_start3A_381 = arith.constant 0 : i32
    %dma_start3A_382 = tpu.memref_slice %arg3[%dma_start3A_377, %add3A_376, %dma_start3A_381] : memref<2x2500x128xi32, #tpu.memory_space<hbm>> -> memref<1x1x128xi32, #tpu.memory_space<hbm>>
    %dma_start3A_383 = tpu.memref_squeeze %dma_start3A_382 : memref<1x1x128xi32, #tpu.memory_space<hbm>> -> memref<1x128xi32, #tpu.memory_space<hbm>>
    %dma_start3A_384 = arith.constant 0 : i32
    %dma_start3A_385 = arith.constant 0 : i32
    %dma_start3A_386 = tpu.memref_slice %arg9[%dma_start3A_384, %dma_start3A_385] : memref<2x128xi32, #tpu.memory_space<vmem>> -> memref<1x128xi32, #tpu.memory_space<vmem>>
    %dma_start3A_387 = arith.constant 0 : i32
    %dma_start3A_388 = tpu.memref_slice %arg3[%dma_start3A_377, %add3A_376, %dma_start3A_387] : memref<2x2500x128xi32, #tpu.memory_space<hbm>> -> memref<1x1x128xi32, #tpu.memory_space<hbm>>
    %dma_start3A_389 = tpu.memref_squeeze %dma_start3A_388 : memref<1x1x128xi32, #tpu.memory_space<hbm>> -> memref<1x128xi32, #tpu.memory_space<hbm>>
    tpu.enqueue_dma source(%dma_start3A_389 : memref<1x128xi32, #tpu.memory_space<hbm>>) target(%dma_start3A_386 : memref<1x128xi32, #tpu.memory_space<vmem>>) target_semaphore(%arg21 : memref<!tpu.dma_semaphore, #tpu.memory_space<semaphore_mem>>)
    %add3A_390 = arith.constant 3 : i32
    %add3A_391 = arith.addi %mul3A_2, %add3A_390 : i32
    %dma_start3A_392 = arith.constant 1 : i32
    %dma_start3A_393 = arith.constant 1 : i32
    %dma_start3A_394 = arith.constant 0 : i32
    %dma_start3A_395 = tpu.memref_slice %arg9[%dma_start3A_393, %dma_start3A_394] : memref<2x128xi32, #tpu.memory_space<vmem>> -> memref<1x128xi32, #tpu.memory_space<vmem>>
    %dma_start3A_396 = arith.constant 0 : i32
    %dma_start3A_397 = tpu.memref_slice %arg3[%dma_start3A_392, %add3A_391, %dma_start3A_396] : memref<2x2500x128xi32, #tpu.memory_space<hbm>> -> memref<1x1x128xi32, #tpu.memory_space<hbm>>
    %dma_start3A_398 = tpu.memref_squeeze %dma_start3A_397 : memref<1x1x128xi32, #tpu.memory_space<hbm>> -> memref<1x128xi32, #tpu.memory_space<hbm>>
    %dma_start3A_399 = arith.constant 1 : i32
    %dma_start3A_400 = arith.constant 0 : i32
    %dma_start3A_401 = tpu.memref_slice %arg9[%dma_start3A_399, %dma_start3A_400] : memref<2x128xi32, #tpu.memory_space<vmem>> -> memref<1x128xi32, #tpu.memory_space<vmem>>
    %dma_start3A_402 = arith.constant 0 : i32
    %dma_start3A_403 = tpu.memref_slice %arg3[%dma_start3A_392, %add3A_391, %dma_start3A_402] : memref<2x2500x128xi32, #tpu.memory_space<hbm>> -> memref<1x1x128xi32, #tpu.memory_space<hbm>>
    %dma_start3A_404 = tpu.memref_squeeze %dma_start3A_403 : memref<1x1x128xi32, #tpu.memory_space<hbm>> -> memref<1x128xi32, #tpu.memory_space<hbm>>
    tpu.enqueue_dma source(%dma_start3A_404 : memref<1x128xi32, #tpu.memory_space<hbm>>) target(%dma_start3A_401 : memref<1x128xi32, #tpu.memory_space<vmem>>) target_semaphore(%arg21 : memref<!tpu.dma_semaphore, #tpu.memory_space<semaphore_mem>>)
    %add3A_405 = arith.constant 4 : i32
    %add3A_406 = arith.addi %mul3A_2, %add3A_405 : i32
    %dma_start3A_407 = arith.constant 0 : i32
    %dma_start3A_408 = arith.constant 0 : i32
    %dma_start3A_409 = arith.constant 0 : i32
    %dma_start3A_410 = tpu.memref_slice %arg10[%dma_start3A_408, %dma_start3A_409] : memref<2x128xi32, #tpu.memory_space<vmem>> -> memref<1x128xi32, #tpu.memory_space<vmem>>
    %dma_start3A_411 = arith.constant 0 : i32
    %dma_start3A_412 = tpu.memref_slice %arg3[%dma_start3A_407, %add3A_406, %dma_start3A_411] : memref<2x2500x128xi32, #tpu.memory_space<hbm>> -> memref<1x1x128xi32, #tpu.memory_space<hbm>>
    %dma_start3A_413 = tpu.memref_squeeze %dma_start3A_412 : memref<1x1x128xi32, #tpu.memory_space<hbm>> -> memref<1x128xi32, #tpu.memory_space<hbm>>
    %dma_start3A_414 = arith.constant 0 : i32
    %dma_start3A_415 = arith.constant 0 : i32
    %dma_start3A_416 = tpu.memref_slice %arg10[%dma_start3A_414, %dma_start3A_415] : memref<2x128xi32, #tpu.memory_space<vmem>> -> memref<1x128xi32, #tpu.memory_space<vmem>>
    %dma_start3A_417 = arith.constant 0 : i32
    %dma_start3A_418 = tpu.memref_slice %arg3[%dma_start3A_407, %add3A_406, %dma_start3A_417] : memref<2x2500x128xi32, #tpu.memory_space<hbm>> -> memref<1x1x128xi32, #tpu.memory_space<hbm>>
    %dma_start3A_419 = tpu.memref_squeeze %dma_start3A_418 : memref<1x1x128xi32, #tpu.memory_space<hbm>> -> memref<1x128xi32, #tpu.memory_space<hbm>>
    tpu.enqueue_dma source(%dma_start3A_419 : memref<1x128xi32, #tpu.memory_space<hbm>>) target(%dma_start3A_416 : memref<1x128xi32, #tpu.memory_space<vmem>>) target_semaphore(%arg22 : memref<!tpu.dma_semaphore, #tpu.memory_space<semaphore_mem>>)
    %add3A_420 = arith.constant 4 : i32
    %add3A_421 = arith.addi %mul3A_2, %add3A_420 : i32
    %dma_start3A_422 = arith.constant 1 : i32
    %dma_start3A_423 = arith.constant 1 : i32
    %dma_start3A_424 = arith.constant 0 : i32
    %dma_start3A_425 = tpu.memref_slice %arg10[%dma_start3A_423, %dma_start3A_424] : memref<2x128xi32, #tpu.memory_space<vmem>> -> memref<1x128xi32, #tpu.memory_space<vmem>>
    %dma_start3A_426 = arith.constant 0 : i32
    %dma_start3A_427 = tpu.memref_slice %arg3[%dma_start3A_422, %add3A_421, %dma_start3A_426] : memref<2x2500x128xi32, #tpu.memory_space<hbm>> -> memref<1x1x128xi32, #tpu.memory_space<hbm>>
    %dma_start3A_428 = tpu.memref_squeeze %dma_start3A_427 : memref<1x1x128xi32, #tpu.memory_space<hbm>> -> memref<1x128xi32, #tpu.memory_space<hbm>>
    %dma_start3A_429 = arith.constant 1 : i32
    %dma_start3A_430 = arith.constant 0 : i32
    %dma_start3A_431 = tpu.memref_slice %arg10[%dma_start3A_429, %dma_start3A_430] : memref<2x128xi32, #tpu.memory_space<vmem>> -> memref<1x128xi32, #tpu.memory_space<vmem>>
    %dma_start3A_432 = arith.constant 0 : i32
    %dma_start3A_433 = tpu.memref_slice %arg3[%dma_start3A_422, %add3A_421, %dma_start3A_432] : memref<2x2500x128xi32, #tpu.memory_space<hbm>> -> memref<1x1x128xi32, #tpu.memory_space<hbm>>
    %dma_start3A_434 = tpu.memref_squeeze %dma_start3A_433 : memref<1x1x128xi32, #tpu.memory_space<hbm>> -> memref<1x128xi32, #tpu.memory_space<hbm>>
    tpu.enqueue_dma source(%dma_start3A_434 : memref<1x128xi32, #tpu.memory_space<hbm>>) target(%dma_start3A_431 : memref<1x128xi32, #tpu.memory_space<vmem>>) target_semaphore(%arg22 : memref<!tpu.dma_semaphore, #tpu.memory_space<semaphore_mem>>)
    %add3A_435 = arith.constant 5 : i32
    %add3A_436 = arith.addi %mul3A_2, %add3A_435 : i32
    %dma_start3A_437 = arith.constant 0 : i32
    %dma_start3A_438 = arith.constant 0 : i32
    %dma_start3A_439 = arith.constant 0 : i32
    %dma_start3A_440 = tpu.memref_slice %arg11[%dma_start3A_438, %dma_start3A_439] : memref<2x128xi32, #tpu.memory_space<vmem>> -> memref<1x128xi32, #tpu.memory_space<vmem>>
    %dma_start3A_441 = arith.constant 0 : i32
    %dma_start3A_442 = tpu.memref_slice %arg3[%dma_start3A_437, %add3A_436, %dma_start3A_441] : memref<2x2500x128xi32, #tpu.memory_space<hbm>> -> memref<1x1x128xi32, #tpu.memory_space<hbm>>
    %dma_start3A_443 = tpu.memref_squeeze %dma_start3A_442 : memref<1x1x128xi32, #tpu.memory_space<hbm>> -> memref<1x128xi32, #tpu.memory_space<hbm>>
    %dma_start3A_444 = arith.constant 0 : i32
    %dma_start3A_445 = arith.constant 0 : i32
    %dma_start3A_446 = tpu.memref_slice %arg11[%dma_start3A_444, %dma_start3A_445] : memref<2x128xi32, #tpu.memory_space<vmem>> -> memref<1x128xi32, #tpu.memory_space<vmem>>
    %dma_start3A_447 = arith.constant 0 : i32
    %dma_start3A_448 = tpu.memref_slice %arg3[%dma_start3A_437, %add3A_436, %dma_start3A_447] : memref<2x2500x128xi32, #tpu.memory_space<hbm>> -> memref<1x1x128xi32, #tpu.memory_space<hbm>>
    %dma_start3A_449 = tpu.memref_squeeze %dma_start3A_448 : memref<1x1x128xi32, #tpu.memory_space<hbm>> -> memref<1x128xi32, #tpu.memory_space<hbm>>
    tpu.enqueue_dma source(%dma_start3A_449 : memref<1x128xi32, #tpu.memory_space<hbm>>) target(%dma_start3A_446 : memref<1x128xi32, #tpu.memory_space<vmem>>) target_semaphore(%arg23 : memref<!tpu.dma_semaphore, #tpu.memory_space<semaphore_mem>>)
    %add3A_450 = arith.constant 5 : i32
    %add3A_451 = arith.addi %mul3A_2, %add3A_450 : i32
    %dma_start3A_452 = arith.constant 1 : i32
    %dma_start3A_453 = arith.constant 1 : i32
    %dma_start3A_454 = arith.constant 0 : i32
    %dma_start3A_455 = tpu.memref_slice %arg11[%dma_start3A_453, %dma_start3A_454] : memref<2x128xi32, #tpu.memory_space<vmem>> -> memref<1x128xi32, #tpu.memory_space<vmem>>
    %dma_start3A_456 = arith.constant 0 : i32
    %dma_start3A_457 = tpu.memref_slice %arg3[%dma_start3A_452, %add3A_451, %dma_start3A_456] : memref<2x2500x128xi32, #tpu.memory_space<hbm>> -> memref<1x1x128xi32, #tpu.memory_space<hbm>>
    %dma_start3A_458 = tpu.memref_squeeze %dma_start3A_457 : memref<1x1x128xi32, #tpu.memory_space<hbm>> -> memref<1x128xi32, #tpu.memory_space<hbm>>
    %dma_start3A_459 = arith.constant 1 : i32
    %dma_start3A_460 = arith.constant 0 : i32
    %dma_start3A_461 = tpu.memref_slice %arg11[%dma_start3A_459, %dma_start3A_460] : memref<2x128xi32, #tpu.memory_space<vmem>> -> memref<1x128xi32, #tpu.memory_space<vmem>>
    %dma_start3A_462 = arith.constant 0 : i32
    %dma_start3A_463 = tpu.memref_slice %arg3[%dma_start3A_452, %add3A_451, %dma_start3A_462] : memref<2x2500x128xi32, #tpu.memory_space<hbm>> -> memref<1x1x128xi32, #tpu.memory_space<hbm>>
    %dma_start3A_464 = tpu.memref_squeeze %dma_start3A_463 : memref<1x1x128xi32, #tpu.memory_space<hbm>> -> memref<1x128xi32, #tpu.memory_space<hbm>>
    tpu.enqueue_dma source(%dma_start3A_464 : memref<1x128xi32, #tpu.memory_space<hbm>>) target(%dma_start3A_461 : memref<1x128xi32, #tpu.memory_space<vmem>>) target_semaphore(%arg23 : memref<!tpu.dma_semaphore, #tpu.memory_space<semaphore_mem>>)
    %dma_wait3A_465 = arith.constant 0 : i32
    %dma_wait3A_466 = arith.constant 0 : i32
    %dma_wait3A_467 = tpu.memref_slice %arg3[%dma_wait3A_465, %mul3A_2, %dma_wait3A_466] : memref<2x2500x128xi32, #tpu.memory_space<hbm>> -> memref<1x2x128xi32, #tpu.memory_space<hbm>>
    %dma_wait3A_468 = tpu.memref_squeeze %dma_wait3A_467 : memref<1x2x128xi32, #tpu.memory_space<hbm>> -> memref<2x128xi32, #tpu.memory_space<hbm>>
    %dma_wait3A_469 = arith.constant 0 : i32
    %dma_wait3A_470 = tpu.memref_slice %arg3[%dma_wait3A_465, %mul3A_2, %dma_wait3A_469] : memref<2x2500x128xi32, #tpu.memory_space<hbm>> -> memref<1x2x128xi32, #tpu.memory_space<hbm>>
    %dma_wait3A_471 = tpu.memref_squeeze %dma_wait3A_470 : memref<1x2x128xi32, #tpu.memory_space<hbm>> -> memref<2x128xi32, #tpu.memory_space<hbm>>
    tpu.wait_dma2 semaphore(%arg18 : memref<!tpu.dma_semaphore, #tpu.memory_space<semaphore_mem>>) src(%dma_wait3A_471 : memref<2x128xi32, #tpu.memory_space<hbm>>) dst(%arg6 : memref<2x128xi32, #tpu.memory_space<vmem>>)
    %dma_start3A_472 = arith.constant 0 : i32
    %dma_start3A_473 = arith.constant 0 : i32
    %dma_start3A_474 = tpu.memref_slice %arg6[%dma_start3A_472, %dma_start3A_473] : memref<2x128xi32, #tpu.memory_space<vmem>> -> memref<1x128xi32, #tpu.memory_space<vmem>>
    %dma_start3A_475 = tpu.memref_squeeze %dma_start3A_474 : memref<1x128xi32, #tpu.memory_space<vmem>> -> memref<128xi32, #tpu.memory_space<vmem>>
    %dma_start3A_476 = arith.constant 0 : i32
    %dma_start3A_477 = arith.constant 0 : i32
    %dma_start3A_478 = tpu.memref_slice %arg17[%dma_start3A_476, %dma_start3A_477] : memref<10240x64xf32, #tpu.memory_space<vmem_shared>> -> memref<10240x64xf32, #tpu.memory_space<vmem_shared>>
    tpu.enqueue_indirect_dma source(%dma_start3A_478 : memref<10240x64xf32, #tpu.memory_space<vmem_shared>>) target(%arg12 : memref<128x64xf32, #tpu.memory_space<vmem>>) offsets(%dma_start3A_475 : memref<128xi32, #tpu.memory_space<vmem>>) semaphore(%arg24 : memref<!tpu.dma_semaphore, #tpu.memory_space<semaphore_mem>>)
    %dma_wait3A_479 = arith.constant 0 : i32
    %dma_wait3A_480 = arith.constant 0 : i32
    %dma_wait3A_481 = tpu.memref_slice %arg3[%dma_wait3A_479, %mul3A_2, %dma_wait3A_480] : memref<2x2500x128xi32, #tpu.memory_space<hbm>> -> memref<1x2x128xi32, #tpu.memory_space<hbm>>
    %dma_wait3A_482 = tpu.memref_squeeze %dma_wait3A_481 : memref<1x2x128xi32, #tpu.memory_space<hbm>> -> memref<2x128xi32, #tpu.memory_space<hbm>>
    %dma_wait3A_483 = arith.constant 0 : i32
    %dma_wait3A_484 = tpu.memref_slice %arg3[%dma_wait3A_479, %mul3A_2, %dma_wait3A_483] : memref<2x2500x128xi32, #tpu.memory_space<hbm>> -> memref<1x2x128xi32, #tpu.memory_space<hbm>>
    %dma_wait3A_485 = tpu.memref_squeeze %dma_wait3A_484 : memref<1x2x128xi32, #tpu.memory_space<hbm>> -> memref<2x128xi32, #tpu.memory_space<hbm>>
    tpu.wait_dma2 semaphore(%arg19 : memref<!tpu.dma_semaphore, #tpu.memory_space<semaphore_mem>>) src(%dma_wait3A_485 : memref<2x128xi32, #tpu.memory_space<hbm>>) dst(%arg7 : memref<2x128xi32, #tpu.memory_space<vmem>>)
    %dma_start3A_486 = arith.constant 0 : i32
    %dma_start3A_487 = arith.constant 0 : i32
    %dma_start3A_488 = tpu.memref_slice %arg7[%dma_start3A_486, %dma_start3A_487] : memref<2x128xi32, #tpu.memory_space<vmem>> -> memref<1x128xi32, #tpu.memory_space<vmem>>
    %dma_start3A_489 = tpu.memref_squeeze %dma_start3A_488 : memref<1x128xi32, #tpu.memory_space<vmem>> -> memref<128xi32, #tpu.memory_space<vmem>>
    %dma_start3A_490 = arith.constant 0 : i32
    %dma_start3A_491 = arith.constant 0 : i32
    %dma_start3A_492 = tpu.memref_slice %arg17[%dma_start3A_490, %dma_start3A_491] : memref<10240x64xf32, #tpu.memory_space<vmem_shared>> -> memref<10240x64xf32, #tpu.memory_space<vmem_shared>>
    tpu.enqueue_indirect_dma source(%dma_start3A_492 : memref<10240x64xf32, #tpu.memory_space<vmem_shared>>) target(%arg13 : memref<128x64xf32, #tpu.memory_space<vmem>>) offsets(%dma_start3A_489 : memref<128xi32, #tpu.memory_space<vmem>>) semaphore(%arg25 : memref<!tpu.dma_semaphore, #tpu.memory_space<semaphore_mem>>)
    %dma_wait3A_493 = arith.constant 0 : i32
    %dma_wait3A_494 = arith.constant 0 : i32
    %dma_wait3A_495 = tpu.memref_slice %arg3[%dma_wait3A_493, %mul3A_2, %dma_wait3A_494] : memref<2x2500x128xi32, #tpu.memory_space<hbm>> -> memref<1x2x128xi32, #tpu.memory_space<hbm>>
    %dma_wait3A_496 = tpu.memref_squeeze %dma_wait3A_495 : memref<1x2x128xi32, #tpu.memory_space<hbm>> -> memref<2x128xi32, #tpu.memory_space<hbm>>
    %dma_wait3A_497 = arith.constant 0 : i32
    %dma_wait3A_498 = tpu.memref_slice %arg3[%dma_wait3A_493, %mul3A_2, %dma_wait3A_497] : memref<2x2500x128xi32, #tpu.memory_space<hbm>> -> memref<1x2x128xi32, #tpu.memory_space<hbm>>
    %dma_wait3A_499 = tpu.memref_squeeze %dma_wait3A_498 : memref<1x2x128xi32, #tpu.memory_space<hbm>> -> memref<2x128xi32, #tpu.memory_space<hbm>>
    tpu.wait_dma2 semaphore(%arg20 : memref<!tpu.dma_semaphore, #tpu.memory_space<semaphore_mem>>) src(%dma_wait3A_499 : memref<2x128xi32, #tpu.memory_space<hbm>>) dst(%arg8 : memref<2x128xi32, #tpu.memory_space<vmem>>)
    %dma_start3A_500 = arith.constant 0 : i32
    %dma_start3A_501 = arith.constant 0 : i32
    %dma_start3A_502 = tpu.memref_slice %arg8[%dma_start3A_500, %dma_start3A_501] : memref<2x128xi32, #tpu.memory_space<vmem>> -> memref<1x128xi32, #tpu.memory_space<vmem>>
    %dma_start3A_503 = tpu.memref_squeeze %dma_start3A_502 : memref<1x128xi32, #tpu.memory_space<vmem>> -> memref<128xi32, #tpu.memory_space<vmem>>
    %dma_start3A_504 = arith.constant 0 : i32
    %dma_start3A_505 = arith.constant 0 : i32
    %dma_start3A_506 = tpu.memref_slice %arg17[%dma_start3A_504, %dma_start3A_505] : memref<10240x64xf32, #tpu.memory_space<vmem_shared>> -> memref<10240x64xf32, #tpu.memory_space<vmem_shared>>
    tpu.enqueue_indirect_dma source(%dma_start3A_506 : memref<10240x64xf32, #tpu.memory_space<vmem_shared>>) target(%arg14 : memref<128x64xf32, #tpu.memory_space<vmem>>) offsets(%dma_start3A_503 : memref<128xi32, #tpu.memory_space<vmem>>) semaphore(%arg26 : memref<!tpu.dma_semaphore, #tpu.memory_space<semaphore_mem>>)
    %scan3A_507 = arith.constant 0 : i32
    %scan3A_508 = arith.constant 0 : i32
    %scan3A_509 = arith.constant 13 : i32
    %scan3A_510 = arith.addi %scan3A_508, %scan3A_509 : i32
    %scan3A_511 = arith.constant 1 : i32
    scf.for %scan3A_521 = %scan3A_508 to %scan3A_510 step %scan3A_511  : i32 {
      %mul3A_522 = arith.constant 6 : i32
      %mul3A_523 = arith.muli %scan3A_521, %mul3A_522 : i32
      %add3A_524 = arith.constant 0 : i32
      %add3A_525 = arith.addi %mul3A_523, %add3A_524 : i32
      tpu.wait_dma2 semaphore(%arg24 : memref<!tpu.dma_semaphore, #tpu.memory_space<semaphore_mem>>) src(%arg4 : memref<128x64xf32, #tpu.memory_space<hbm>>) dst(%arg12 : memref<128x64xf32, #tpu.memory_space<vmem>>)
      %dma_start3A_526 = arith.constant 1 : i32
      %dma_start3A_527 = arith.constant 0 : i32
      %dma_start3A_528 = tpu.memref_slice %arg6[%dma_start3A_526, %dma_start3A_527] : memref<2x128xi32, #tpu.memory_space<vmem>> -> memref<1x128xi32, #tpu.memory_space<vmem>>
      %dma_start3A_529 = tpu.memref_squeeze %dma_start3A_528 : memref<1x128xi32, #tpu.memory_space<vmem>> -> memref<128xi32, #tpu.memory_space<vmem>>
      %dma_start3A_530 = arith.constant 0 : i32
      %dma_start3A_531 = arith.constant 0 : i32
      %dma_start3A_532 = tpu.memref_slice %arg16[%dma_start3A_530, %dma_start3A_531] : memref<10240x64xf32, #tpu.memory_space<vmem_shared>> -> memref<10240x64xf32, #tpu.memory_space<vmem_shared>>
      tpu.enqueue_indirect_dma source(%arg12 : memref<128x64xf32, #tpu.memory_space<vmem>>) target(%dma_start3A_532 : memref<10240x64xf32, #tpu.memory_space<vmem_shared>>) offsets(%dma_start3A_529 : memref<128xi32, #tpu.memory_space<vmem>>) semaphore(%arg27 : memref<!tpu.dma_semaphore, #tpu.memory_space<semaphore_mem>>) {add = true}
      tpu.wait_dma2 semaphore(%arg27 : memref<!tpu.dma_semaphore, #tpu.memory_space<semaphore_mem>>) src(%arg4 : memref<128x64xf32, #tpu.memory_space<hbm>>) dst(%arg12 : memref<128x64xf32, #tpu.memory_space<vmem>>)
      %add3A_533 = arith.constant 3 : i32
      %add3A_534 = arith.addi %add3A_525, %add3A_533 : i32
      %lt3A_535 = arith.constant 78 : i32
      %lt3A_536 = arith.cmpi slt, %add3A_534, %lt3A_535 : i32
      %convert_element_type3A_537 = arith.extui %lt3A_536 : i1 to i32
      %cond3A_538 = arith.constant 0 : i32
      %cond3A_539 = arith.cmpi ne, %convert_element_type3A_537, %cond3A_538 : i32
      scf.if %cond3A_539 {
        %dma_wait3A_662 = arith.constant 0 : i32
        %dma_wait3A_663 = arith.constant 0 : i32
        %dma_wait3A_664 = tpu.memref_slice %arg3[%dma_wait3A_662, %mul3A_2, %dma_wait3A_663] : memref<2x2500x128xi32, #tpu.memory_space<hbm>> -> memref<1x2x128xi32, #tpu.memory_space<hbm>>
        %dma_wait3A_665 = tpu.memref_squeeze %dma_wait3A_664 : memref<1x2x128xi32, #tpu.memory_space<hbm>> -> memref<2x128xi32, #tpu.memory_space<hbm>>
        %dma_wait3A_666 = arith.constant 0 : i32
        %dma_wait3A_667 = tpu.memref_slice %arg3[%dma_wait3A_662, %mul3A_2, %dma_wait3A_666] : memref<2x2500x128xi32, #tpu.memory_space<hbm>> -> memref<1x2x128xi32, #tpu.memory_space<hbm>>
        %dma_wait3A_668 = tpu.memref_squeeze %dma_wait3A_667 : memref<1x2x128xi32, #tpu.memory_space<hbm>> -> memref<2x128xi32, #tpu.memory_space<hbm>>
        tpu.wait_dma2 semaphore(%arg21 : memref<!tpu.dma_semaphore, #tpu.memory_space<semaphore_mem>>) src(%dma_wait3A_668 : memref<2x128xi32, #tpu.memory_space<hbm>>) dst(%arg9 : memref<2x128xi32, #tpu.memory_space<vmem>>)
        %dma_start3A_669 = arith.constant 0 : i32
        %dma_start3A_670 = arith.constant 0 : i32
        %dma_start3A_671 = tpu.memref_slice %arg9[%dma_start3A_669, %dma_start3A_670] : memref<2x128xi32, #tpu.memory_space<vmem>> -> memref<1x128xi32, #tpu.memory_space<vmem>>
        %dma_start3A_672 = tpu.memref_squeeze %dma_start3A_671 : memref<1x128xi32, #tpu.memory_space<vmem>> -> memref<128xi32, #tpu.memory_space<vmem>>
        %dma_start3A_673 = arith.constant 0 : i32
        %dma_start3A_674 = arith.constant 0 : i32
        %dma_start3A_675 = tpu.memref_slice %arg17[%dma_start3A_673, %dma_start3A_674] : memref<10240x64xf32, #tpu.memory_space<vmem_shared>> -> memref<10240x64xf32, #tpu.memory_space<vmem_shared>>
        tpu.enqueue_indirect_dma source(%dma_start3A_675 : memref<10240x64xf32, #tpu.memory_space<vmem_shared>>) target(%arg12 : memref<128x64xf32, #tpu.memory_space<vmem>>) offsets(%dma_start3A_672 : memref<128xi32, #tpu.memory_space<vmem>>) semaphore(%arg24 : memref<!tpu.dma_semaphore, #tpu.memory_space<semaphore_mem>>)
      } else {
      }
      %add3A_540 = arith.constant 6 : i32
      %add3A_541 = arith.addi %add3A_525, %add3A_540 : i32
      %lt3A_542 = arith.constant 78 : i32
      %lt3A_543 = arith.cmpi slt, %add3A_541, %lt3A_542 : i32
      %convert_element_type3A_544 = arith.extui %lt3A_543 : i1 to i32
      %cond3A_545 = arith.constant 0 : i32
      %cond3A_546 = arith.cmpi ne, %convert_element_type3A_544, %cond3A_545 : i32
      scf.if %cond3A_546 {
        %add3A_662 = arith.addi %mul3A_2, %add3A_541 : i32
        %dma_start3A_663 = arith.constant 0 : i32
        %dma_start3A_664 = arith.constant 0 : i32
        %dma_start3A_665 = arith.constant 0 : i32
        %dma_start3A_666 = tpu.memref_slice %arg6[%dma_start3A_664, %dma_start3A_665] : memref<2x128xi32, #tpu.memory_space<vmem>> -> memref<1x128xi32, #tpu.memory_space<vmem>>
        %dma_start3A_667 = arith.constant 0 : i32
        %dma_start3A_668 = tpu.memref_slice %arg3[%dma_start3A_663, %add3A_662, %dma_start3A_667] : memref<2x2500x128xi32, #tpu.memory_space<hbm>> -> memref<1x1x128xi32, #tpu.memory_space<hbm>>
        %dma_start3A_669 = tpu.memref_squeeze %dma_start3A_668 : memref<1x1x128xi32, #tpu.memory_space<hbm>> -> memref<1x128xi32, #tpu.memory_space<hbm>>
        %dma_start3A_670 = arith.constant 0 : i32
        %dma_start3A_671 = arith.constant 0 : i32
        %dma_start3A_672 = tpu.memref_slice %arg6[%dma_start3A_670, %dma_start3A_671] : memref<2x128xi32, #tpu.memory_space<vmem>> -> memref<1x128xi32, #tpu.memory_space<vmem>>
        %dma_start3A_673 = arith.constant 0 : i32
        %dma_start3A_674 = tpu.memref_slice %arg3[%dma_start3A_663, %add3A_662, %dma_start3A_673] : memref<2x2500x128xi32, #tpu.memory_space<hbm>> -> memref<1x1x128xi32, #tpu.memory_space<hbm>>
        %dma_start3A_675 = tpu.memref_squeeze %dma_start3A_674 : memref<1x1x128xi32, #tpu.memory_space<hbm>> -> memref<1x128xi32, #tpu.memory_space<hbm>>
        tpu.enqueue_dma source(%dma_start3A_675 : memref<1x128xi32, #tpu.memory_space<hbm>>) target(%dma_start3A_672 : memref<1x128xi32, #tpu.memory_space<vmem>>) target_semaphore(%arg18 : memref<!tpu.dma_semaphore, #tpu.memory_space<semaphore_mem>>)
        %add3A_676 = arith.addi %mul3A_2, %add3A_541 : i32
        %dma_start3A_677 = arith.constant 1 : i32
        %dma_start3A_678 = arith.constant 1 : i32
        %dma_start3A_679 = arith.constant 0 : i32
        %dma_start3A_680 = tpu.memref_slice %arg6[%dma_start3A_678, %dma_start3A_679] : memref<2x128xi32, #tpu.memory_space<vmem>> -> memref<1x128xi32, #tpu.memory_space<vmem>>
        %dma_start3A_681 = arith.constant 0 : i32
        %dma_start3A_682 = tpu.memref_slice %arg3[%dma_start3A_677, %add3A_676, %dma_start3A_681] : memref<2x2500x128xi32, #tpu.memory_space<hbm>> -> memref<1x1x128xi32, #tpu.memory_space<hbm>>
        %dma_start3A_683 = tpu.memref_squeeze %dma_start3A_682 : memref<1x1x128xi32, #tpu.memory_space<hbm>> -> memref<1x128xi32, #tpu.memory_space<hbm>>
        %dma_start3A_684 = arith.constant 1 : i32
        %dma_start3A_685 = arith.constant 0 : i32
        %dma_start3A_686 = tpu.memref_slice %arg6[%dma_start3A_684, %dma_start3A_685] : memref<2x128xi32, #tpu.memory_space<vmem>> -> memref<1x128xi32, #tpu.memory_space<vmem>>
        %dma_start3A_687 = arith.constant 0 : i32
        %dma_start3A_688 = tpu.memref_slice %arg3[%dma_start3A_677, %add3A_676, %dma_start3A_687] : memref<2x2500x128xi32, #tpu.memory_space<hbm>> -> memref<1x1x128xi32, #tpu.memory_space<hbm>>
        %dma_start3A_689 = tpu.memref_squeeze %dma_start3A_688 : memref<1x1x128xi32, #tpu.memory_space<hbm>> -> memref<1x128xi32, #tpu.memory_space<hbm>>
        tpu.enqueue_dma source(%dma_start3A_689 : memref<1x128xi32, #tpu.memory_space<hbm>>) target(%dma_start3A_686 : memref<1x128xi32, #tpu.memory_space<vmem>>) target_semaphore(%arg18 : memref<!tpu.dma_semaphore, #tpu.memory_space<semaphore_mem>>)
      } else {
      }
      %add3A_547 = arith.constant 1 : i32
      %add3A_548 = arith.addi %mul3A_523, %add3A_547 : i32
      tpu.wait_dma2 semaphore(%arg25 : memref<!tpu.dma_semaphore, #tpu.memory_space<semaphore_mem>>) src(%arg4 : memref<128x64xf32, #tpu.memory_space<hbm>>) dst(%arg13 : memref<128x64xf32, #tpu.memory_space<vmem>>)
      %dma_start3A_549 = arith.constant 1 : i32
      %dma_start3A_550 = arith.constant 0 : i32
      %dma_start3A_551 = tpu.memref_slice %arg7[%dma_start3A_549, %dma_start3A_550] : memref<2x128xi32, #tpu.memory_space<vmem>> -> memref<1x128xi32, #tpu.memory_space<vmem>>
      %dma_start3A_552 = tpu.memref_squeeze %dma_start3A_551 : memref<1x128xi32, #tpu.memory_space<vmem>> -> memref<128xi32, #tpu.memory_space<vmem>>
      %dma_start3A_553 = arith.constant 0 : i32
      %dma_start3A_554 = arith.constant 0 : i32
      %dma_start3A_555 = tpu.memref_slice %arg16[%dma_start3A_553, %dma_start3A_554] : memref<10240x64xf32, #tpu.memory_space<vmem_shared>> -> memref<10240x64xf32, #tpu.memory_space<vmem_shared>>
      tpu.enqueue_indirect_dma source(%arg13 : memref<128x64xf32, #tpu.memory_space<vmem>>) target(%dma_start3A_555 : memref<10240x64xf32, #tpu.memory_space<vmem_shared>>) offsets(%dma_start3A_552 : memref<128xi32, #tpu.memory_space<vmem>>) semaphore(%arg28 : memref<!tpu.dma_semaphore, #tpu.memory_space<semaphore_mem>>) {add = true}
      tpu.wait_dma2 semaphore(%arg28 : memref<!tpu.dma_semaphore, #tpu.memory_space<semaphore_mem>>) src(%arg4 : memref<128x64xf32, #tpu.memory_space<hbm>>) dst(%arg13 : memref<128x64xf32, #tpu.memory_space<vmem>>)
      %add3A_556 = arith.constant 3 : i32
      %add3A_557 = arith.addi %add3A_548, %add3A_556 : i32
      %lt3A_558 = arith.constant 78 : i32
      %lt3A_559 = arith.cmpi slt, %add3A_557, %lt3A_558 : i32
      %convert_element_type3A_560 = arith.extui %lt3A_559 : i1 to i32
      %cond3A_561 = arith.constant 0 : i32
      %cond3A_562 = arith.cmpi ne, %convert_element_type3A_560, %cond3A_561 : i32
      scf.if %cond3A_562 {
        %dma_wait3A_662 = arith.constant 0 : i32
        %dma_wait3A_663 = arith.constant 0 : i32
        %dma_wait3A_664 = tpu.memref_slice %arg3[%dma_wait3A_662, %mul3A_2, %dma_wait3A_663] : memref<2x2500x128xi32, #tpu.memory_space<hbm>> -> memref<1x2x128xi32, #tpu.memory_space<hbm>>
        %dma_wait3A_665 = tpu.memref_squeeze %dma_wait3A_664 : memref<1x2x128xi32, #tpu.memory_space<hbm>> -> memref<2x128xi32, #tpu.memory_space<hbm>>
        %dma_wait3A_666 = arith.constant 0 : i32
        %dma_wait3A_667 = tpu.memref_slice %arg3[%dma_wait3A_662, %mul3A_2, %dma_wait3A_666] : memref<2x2500x128xi32, #tpu.memory_space<hbm>> -> memref<1x2x128xi32, #tpu.memory_space<hbm>>
        %dma_wait3A_668 = tpu.memref_squeeze %dma_wait3A_667 : memref<1x2x128xi32, #tpu.memory_space<hbm>> -> memref<2x128xi32, #tpu.memory_space<hbm>>
        tpu.wait_dma2 semaphore(%arg22 : memref<!tpu.dma_semaphore, #tpu.memory_space<semaphore_mem>>) src(%dma_wait3A_668 : memref<2x128xi32, #tpu.memory_space<hbm>>) dst(%arg10 : memref<2x128xi32, #tpu.memory_space<vmem>>)
        %dma_start3A_669 = arith.constant 0 : i32
        %dma_start3A_670 = arith.constant 0 : i32
        %dma_start3A_671 = tpu.memref_slice %arg10[%dma_start3A_669, %dma_start3A_670] : memref<2x128xi32, #tpu.memory_space<vmem>> -> memref<1x128xi32, #tpu.memory_space<vmem>>
        %dma_start3A_672 = tpu.memref_squeeze %dma_start3A_671 : memref<1x128xi32, #tpu.memory_space<vmem>> -> memref<128xi32, #tpu.memory_space<vmem>>
        %dma_start3A_673 = arith.constant 0 : i32
        %dma_start3A_674 = arith.constant 0 : i32
        %dma_start3A_675 = tpu.memref_slice %arg17[%dma_start3A_673, %dma_start3A_674] : memref<10240x64xf32, #tpu.memory_space<vmem_shared>> -> memref<10240x64xf32, #tpu.memory_space<vmem_shared>>
        tpu.enqueue_indirect_dma source(%dma_start3A_675 : memref<10240x64xf32, #tpu.memory_space<vmem_shared>>) target(%arg13 : memref<128x64xf32, #tpu.memory_space<vmem>>) offsets(%dma_start3A_672 : memref<128xi32, #tpu.memory_space<vmem>>) semaphore(%arg25 : memref<!tpu.dma_semaphore, #tpu.memory_space<semaphore_mem>>)
      } else {
      }
      %add3A_563 = arith.constant 6 : i32
      %add3A_564 = arith.addi %add3A_548, %add3A_563 : i32
      %lt3A_565 = arith.constant 78 : i32
      %lt3A_566 = arith.cmpi slt, %add3A_564, %lt3A_565 : i32
      %convert_element_type3A_567 = arith.extui %lt3A_566 : i1 to i32
      %cond3A_568 = arith.constant 0 : i32
      %cond3A_569 = arith.cmpi ne, %convert_element_type3A_567, %cond3A_568 : i32
      scf.if %cond3A_569 {
        %add3A_662 = arith.addi %mul3A_2, %add3A_564 : i32
        %dma_start3A_663 = arith.constant 0 : i32
        %dma_start3A_664 = arith.constant 0 : i32
        %dma_start3A_665 = arith.constant 0 : i32
        %dma_start3A_666 = tpu.memref_slice %arg7[%dma_start3A_664, %dma_start3A_665] : memref<2x128xi32, #tpu.memory_space<vmem>> -> memref<1x128xi32, #tpu.memory_space<vmem>>
        %dma_start3A_667 = arith.constant 0 : i32
        %dma_start3A_668 = tpu.memref_slice %arg3[%dma_start3A_663, %add3A_662, %dma_start3A_667] : memref<2x2500x128xi32, #tpu.memory_space<hbm>> -> memref<1x1x128xi32, #tpu.memory_space<hbm>>
        %dma_start3A_669 = tpu.memref_squeeze %dma_start3A_668 : memref<1x1x128xi32, #tpu.memory_space<hbm>> -> memref<1x128xi32, #tpu.memory_space<hbm>>
        %dma_start3A_670 = arith.constant 0 : i32
        %dma_start3A_671 = arith.constant 0 : i32
        %dma_start3A_672 = tpu.memref_slice %arg7[%dma_start3A_670, %dma_start3A_671] : memref<2x128xi32, #tpu.memory_space<vmem>> -> memref<1x128xi32, #tpu.memory_space<vmem>>
        %dma_start3A_673 = arith.constant 0 : i32
        %dma_start3A_674 = tpu.memref_slice %arg3[%dma_start3A_663, %add3A_662, %dma_start3A_673] : memref<2x2500x128xi32, #tpu.memory_space<hbm>> -> memref<1x1x128xi32, #tpu.memory_space<hbm>>
        %dma_start3A_675 = tpu.memref_squeeze %dma_start3A_674 : memref<1x1x128xi32, #tpu.memory_space<hbm>> -> memref<1x128xi32, #tpu.memory_space<hbm>>
        tpu.enqueue_dma source(%dma_start3A_675 : memref<1x128xi32, #tpu.memory_space<hbm>>) target(%dma_start3A_672 : memref<1x128xi32, #tpu.memory_space<vmem>>) target_semaphore(%arg19 : memref<!tpu.dma_semaphore, #tpu.memory_space<semaphore_mem>>)
        %add3A_676 = arith.addi %mul3A_2, %add3A_564 : i32
        %dma_start3A_677 = arith.constant 1 : i32
        %dma_start3A_678 = arith.constant 1 : i32
        %dma_start3A_679 = arith.constant 0 : i32
        %dma_start3A_680 = tpu.memref_slice %arg7[%dma_start3A_678, %dma_start3A_679] : memref<2x128xi32, #tpu.memory_space<vmem>> -> memref<1x128xi32, #tpu.memory_space<vmem>>
        %dma_start3A_681 = arith.constant 0 : i32
        %dma_start3A_682 = tpu.memref_slice %arg3[%dma_start3A_677, %add3A_676, %dma_start3A_681] : memref<2x2500x128xi32, #tpu.memory_space<hbm>> -> memref<1x1x128xi32, #tpu.memory_space<hbm>>
        %dma_start3A_683 = tpu.memref_squeeze %dma_start3A_682 : memref<1x1x128xi32, #tpu.memory_space<hbm>> -> memref<1x128xi32, #tpu.memory_space<hbm>>
        %dma_start3A_684 = arith.constant 1 : i32
        %dma_start3A_685 = arith.constant 0 : i32
        %dma_start3A_686 = tpu.memref_slice %arg7[%dma_start3A_684, %dma_start3A_685] : memref<2x128xi32, #tpu.memory_space<vmem>> -> memref<1x128xi32, #tpu.memory_space<vmem>>
        %dma_start3A_687 = arith.constant 0 : i32
        %dma_start3A_688 = tpu.memref_slice %arg3[%dma_start3A_677, %add3A_676, %dma_start3A_687] : memref<2x2500x128xi32, #tpu.memory_space<hbm>> -> memref<1x1x128xi32, #tpu.memory_space<hbm>>
        %dma_start3A_689 = tpu.memref_squeeze %dma_start3A_688 : memref<1x1x128xi32, #tpu.memory_space<hbm>> -> memref<1x128xi32, #tpu.memory_space<hbm>>
        tpu.enqueue_dma source(%dma_start3A_689 : memref<1x128xi32, #tpu.memory_space<hbm>>) target(%dma_start3A_686 : memref<1x128xi32, #tpu.memory_space<vmem>>) target_semaphore(%arg19 : memref<!tpu.dma_semaphore, #tpu.memory_space<semaphore_mem>>)
      } else {
      }
      %add3A_570 = arith.constant 2 : i32
      %add3A_571 = arith.addi %mul3A_523, %add3A_570 : i32
      tpu.wait_dma2 semaphore(%arg26 : memref<!tpu.dma_semaphore, #tpu.memory_space<semaphore_mem>>) src(%arg4 : memref<128x64xf32, #tpu.memory_space<hbm>>) dst(%arg14 : memref<128x64xf32, #tpu.memory_space<vmem>>)
      %dma_start3A_572 = arith.constant 1 : i32
      %dma_start3A_573 = arith.constant 0 : i32
      %dma_start3A_574 = tpu.memref_slice %arg8[%dma_start3A_572, %dma_start3A_573] : memref<2x128xi32, #tpu.memory_space<vmem>> -> memref<1x128xi32, #tpu.memory_space<vmem>>
      %dma_start3A_575 = tpu.memref_squeeze %dma_start3A_574 : memref<1x128xi32, #tpu.memory_space<vmem>> -> memref<128xi32, #tpu.memory_space<vmem>>
      %dma_start3A_576 = arith.constant 0 : i32
      %dma_start3A_577 = arith.constant 0 : i32
      %dma_start3A_578 = tpu.memref_slice %arg16[%dma_start3A_576, %dma_start3A_577] : memref<10240x64xf32, #tpu.memory_space<vmem_shared>> -> memref<10240x64xf32, #tpu.memory_space<vmem_shared>>
      tpu.enqueue_indirect_dma source(%arg14 : memref<128x64xf32, #tpu.memory_space<vmem>>) target(%dma_start3A_578 : memref<10240x64xf32, #tpu.memory_space<vmem_shared>>) offsets(%dma_start3A_575 : memref<128xi32, #tpu.memory_space<vmem>>) semaphore(%arg29 : memref<!tpu.dma_semaphore, #tpu.memory_space<semaphore_mem>>) {add = true}
      tpu.wait_dma2 semaphore(%arg29 : memref<!tpu.dma_semaphore, #tpu.memory_space<semaphore_mem>>) src(%arg4 : memref<128x64xf32, #tpu.memory_space<hbm>>) dst(%arg14 : memref<128x64xf32, #tpu.memory_space<vmem>>)
      %add3A_579 = arith.constant 3 : i32
      %add3A_580 = arith.addi %add3A_571, %add3A_579 : i32
      %lt3A_581 = arith.constant 78 : i32
      %lt3A_582 = arith.cmpi slt, %add3A_580, %lt3A_581 : i32
      %convert_element_type3A_583 = arith.extui %lt3A_582 : i1 to i32
      %cond3A_584 = arith.constant 0 : i32
      %cond3A_585 = arith.cmpi ne, %convert_element_type3A_583, %cond3A_584 : i32
      scf.if %cond3A_585 {
        %dma_wait3A_662 = arith.constant 0 : i32
        %dma_wait3A_663 = arith.constant 0 : i32
        %dma_wait3A_664 = tpu.memref_slice %arg3[%dma_wait3A_662, %mul3A_2, %dma_wait3A_663] : memref<2x2500x128xi32, #tpu.memory_space<hbm>> -> memref<1x2x128xi32, #tpu.memory_space<hbm>>
        %dma_wait3A_665 = tpu.memref_squeeze %dma_wait3A_664 : memref<1x2x128xi32, #tpu.memory_space<hbm>> -> memref<2x128xi32, #tpu.memory_space<hbm>>
        %dma_wait3A_666 = arith.constant 0 : i32
        %dma_wait3A_667 = tpu.memref_slice %arg3[%dma_wait3A_662, %mul3A_2, %dma_wait3A_666] : memref<2x2500x128xi32, #tpu.memory_space<hbm>> -> memref<1x2x128xi32, #tpu.memory_space<hbm>>
        %dma_wait3A_668 = tpu.memref_squeeze %dma_wait3A_667 : memref<1x2x128xi32, #tpu.memory_space<hbm>> -> memref<2x128xi32, #tpu.memory_space<hbm>>
        tpu.wait_dma2 semaphore(%arg23 : memref<!tpu.dma_semaphore, #tpu.memory_space<semaphore_mem>>) src(%dma_wait3A_668 : memref<2x128xi32, #tpu.memory_space<hbm>>) dst(%arg11 : memref<2x128xi32, #tpu.memory_space<vmem>>)
        %dma_start3A_669 = arith.constant 0 : i32
        %dma_start3A_670 = arith.constant 0 : i32
        %dma_start3A_671 = tpu.memref_slice %arg11[%dma_start3A_669, %dma_start3A_670] : memref<2x128xi32, #tpu.memory_space<vmem>> -> memref<1x128xi32, #tpu.memory_space<vmem>>
        %dma_start3A_672 = tpu.memref_squeeze %dma_start3A_671 : memref<1x128xi32, #tpu.memory_space<vmem>> -> memref<128xi32, #tpu.memory_space<vmem>>
        %dma_start3A_673 = arith.constant 0 : i32
        %dma_start3A_674 = arith.constant 0 : i32
        %dma_start3A_675 = tpu.memref_slice %arg17[%dma_start3A_673, %dma_start3A_674] : memref<10240x64xf32, #tpu.memory_space<vmem_shared>> -> memref<10240x64xf32, #tpu.memory_space<vmem_shared>>
        tpu.enqueue_indirect_dma source(%dma_start3A_675 : memref<10240x64xf32, #tpu.memory_space<vmem_shared>>) target(%arg14 : memref<128x64xf32, #tpu.memory_space<vmem>>) offsets(%dma_start3A_672 : memref<128xi32, #tpu.memory_space<vmem>>) semaphore(%arg26 : memref<!tpu.dma_semaphore, #tpu.memory_space<semaphore_mem>>)
      } else {
      }
      %add3A_586 = arith.constant 6 : i32
      %add3A_587 = arith.addi %add3A_571, %add3A_586 : i32
      %lt3A_588 = arith.constant 78 : i32
      %lt3A_589 = arith.cmpi slt, %add3A_587, %lt3A_588 : i32
      %convert_element_type3A_590 = arith.extui %lt3A_589 : i1 to i32
      %cond3A_591 = arith.constant 0 : i32
      %cond3A_592 = arith.cmpi ne, %convert_element_type3A_590, %cond3A_591 : i32
      scf.if %cond3A_592 {
        %add3A_662 = arith.addi %mul3A_2, %add3A_587 : i32
        %dma_start3A_663 = arith.constant 0 : i32
        %dma_start3A_664 = arith.constant 0 : i32
        %dma_start3A_665 = arith.constant 0 : i32
        %dma_start3A_666 = tpu.memref_slice %arg8[%dma_start3A_664, %dma_start3A_665] : memref<2x128xi32, #tpu.memory_space<vmem>> -> memref<1x128xi32, #tpu.memory_space<vmem>>
        %dma_start3A_667 = arith.constant 0 : i32
        %dma_start3A_668 = tpu.memref_slice %arg3[%dma_start3A_663, %add3A_662, %dma_start3A_667] : memref<2x2500x128xi32, #tpu.memory_space<hbm>> -> memref<1x1x128xi32, #tpu.memory_space<hbm>>
        %dma_start3A_669 = tpu.memref_squeeze %dma_start3A_668 : memref<1x1x128xi32, #tpu.memory_space<hbm>> -> memref<1x128xi32, #tpu.memory_space<hbm>>
        %dma_start3A_670 = arith.constant 0 : i32
        %dma_start3A_671 = arith.constant 0 : i32
        %dma_start3A_672 = tpu.memref_slice %arg8[%dma_start3A_670, %dma_start3A_671] : memref<2x128xi32, #tpu.memory_space<vmem>> -> memref<1x128xi32, #tpu.memory_space<vmem>>
        %dma_start3A_673 = arith.constant 0 : i32
        %dma_start3A_674 = tpu.memref_slice %arg3[%dma_start3A_663, %add3A_662, %dma_start3A_673] : memref<2x2500x128xi32, #tpu.memory_space<hbm>> -> memref<1x1x128xi32, #tpu.memory_space<hbm>>
        %dma_start3A_675 = tpu.memref_squeeze %dma_start3A_674 : memref<1x1x128xi32, #tpu.memory_space<hbm>> -> memref<1x128xi32, #tpu.memory_space<hbm>>
        tpu.enqueue_dma source(%dma_start3A_675 : memref<1x128xi32, #tpu.memory_space<hbm>>) target(%dma_start3A_672 : memref<1x128xi32, #tpu.memory_space<vmem>>) target_semaphore(%arg20 : memref<!tpu.dma_semaphore, #tpu.memory_space<semaphore_mem>>)
        %add3A_676 = arith.addi %mul3A_2, %add3A_587 : i32
        %dma_start3A_677 = arith.constant 1 : i32
        %dma_start3A_678 = arith.constant 1 : i32
        %dma_start3A_679 = arith.constant 0 : i32
        %dma_start3A_680 = tpu.memref_slice %arg8[%dma_start3A_678, %dma_start3A_679] : memref<2x128xi32, #tpu.memory_space<vmem>> -> memref<1x128xi32, #tpu.memory_space<vmem>>
        %dma_start3A_681 = arith.constant 0 : i32
        %dma_start3A_682 = tpu.memref_slice %arg3[%dma_start3A_677, %add3A_676, %dma_start3A_681] : memref<2x2500x128xi32, #tpu.memory_space<hbm>> -> memref<1x1x128xi32, #tpu.memory_space<hbm>>
        %dma_start3A_683 = tpu.memref_squeeze %dma_start3A_682 : memref<1x1x128xi32, #tpu.memory_space<hbm>> -> memref<1x128xi32, #tpu.memory_space<hbm>>
        %dma_start3A_684 = arith.constant 1 : i32
        %dma_start3A_685 = arith.constant 0 : i32
        %dma_start3A_686 = tpu.memref_slice %arg8[%dma_start3A_684, %dma_start3A_685] : memref<2x128xi32, #tpu.memory_space<vmem>> -> memref<1x128xi32, #tpu.memory_space<vmem>>
        %dma_start3A_687 = arith.constant 0 : i32
        %dma_start3A_688 = tpu.memref_slice %arg3[%dma_start3A_677, %add3A_676, %dma_start3A_687] : memref<2x2500x128xi32, #tpu.memory_space<hbm>> -> memref<1x1x128xi32, #tpu.memory_space<hbm>>
        %dma_start3A_689 = tpu.memref_squeeze %dma_start3A_688 : memref<1x1x128xi32, #tpu.memory_space<hbm>> -> memref<1x128xi32, #tpu.memory_space<hbm>>
        tpu.enqueue_dma source(%dma_start3A_689 : memref<1x128xi32, #tpu.memory_space<hbm>>) target(%dma_start3A_686 : memref<1x128xi32, #tpu.memory_space<vmem>>) target_semaphore(%arg20 : memref<!tpu.dma_semaphore, #tpu.memory_space<semaphore_mem>>)
      } else {
      }
      %add3A_593 = arith.constant 3 : i32
      %add3A_594 = arith.addi %mul3A_523, %add3A_593 : i32
      tpu.wait_dma2 semaphore(%arg24 : memref<!tpu.dma_semaphore, #tpu.memory_space<semaphore_mem>>) src(%arg4 : memref<128x64xf32, #tpu.memory_space<hbm>>) dst(%arg12 : memref<128x64xf32, #tpu.memory_space<vmem>>)
      %dma_start3A_595 = arith.constant 1 : i32
      %dma_start3A_596 = arith.constant 0 : i32
      %dma_start3A_597 = tpu.memref_slice %arg9[%dma_start3A_595, %dma_start3A_596] : memref<2x128xi32, #tpu.memory_space<vmem>> -> memref<1x128xi32, #tpu.memory_space<vmem>>
      %dma_start3A_598 = tpu.memref_squeeze %dma_start3A_597 : memref<1x128xi32, #tpu.memory_space<vmem>> -> memref<128xi32, #tpu.memory_space<vmem>>
      %dma_start3A_599 = arith.constant 0 : i32
      %dma_start3A_600 = arith.constant 0 : i32
      %dma_start3A_601 = tpu.memref_slice %arg16[%dma_start3A_599, %dma_start3A_600] : memref<10240x64xf32, #tpu.memory_space<vmem_shared>> -> memref<10240x64xf32, #tpu.memory_space<vmem_shared>>
      tpu.enqueue_indirect_dma source(%arg12 : memref<128x64xf32, #tpu.memory_space<vmem>>) target(%dma_start3A_601 : memref<10240x64xf32, #tpu.memory_space<vmem_shared>>) offsets(%dma_start3A_598 : memref<128xi32, #tpu.memory_space<vmem>>) semaphore(%arg27 : memref<!tpu.dma_semaphore, #tpu.memory_space<semaphore_mem>>) {add = true}
      tpu.wait_dma2 semaphore(%arg27 : memref<!tpu.dma_semaphore, #tpu.memory_space<semaphore_mem>>) src(%arg4 : memref<128x64xf32, #tpu.memory_space<hbm>>) dst(%arg12 : memref<128x64xf32, #tpu.memory_space<vmem>>)
      %add3A_602 = arith.constant 3 : i32
      %add3A_603 = arith.addi %add3A_594, %add3A_602 : i32
      %lt3A_604 = arith.constant 78 : i32
      %lt3A_605 = arith.cmpi slt, %add3A_603, %lt3A_604 : i32
      %convert_element_type3A_606 = arith.extui %lt3A_605 : i1 to i32
      %cond3A_607 = arith.constant 0 : i32
      %cond3A_608 = arith.cmpi ne, %convert_element_type3A_606, %cond3A_607 : i32
      scf.if %cond3A_608 {
        %dma_wait3A_662 = arith.constant 0 : i32
        %dma_wait3A_663 = arith.constant 0 : i32
        %dma_wait3A_664 = tpu.memref_slice %arg3[%dma_wait3A_662, %mul3A_2, %dma_wait3A_663] : memref<2x2500x128xi32, #tpu.memory_space<hbm>> -> memref<1x2x128xi32, #tpu.memory_space<hbm>>
        %dma_wait3A_665 = tpu.memref_squeeze %dma_wait3A_664 : memref<1x2x128xi32, #tpu.memory_space<hbm>> -> memref<2x128xi32, #tpu.memory_space<hbm>>
        %dma_wait3A_666 = arith.constant 0 : i32
        %dma_wait3A_667 = tpu.memref_slice %arg3[%dma_wait3A_662, %mul3A_2, %dma_wait3A_666] : memref<2x2500x128xi32, #tpu.memory_space<hbm>> -> memref<1x2x128xi32, #tpu.memory_space<hbm>>
        %dma_wait3A_668 = tpu.memref_squeeze %dma_wait3A_667 : memref<1x2x128xi32, #tpu.memory_space<hbm>> -> memref<2x128xi32, #tpu.memory_space<hbm>>
        tpu.wait_dma2 semaphore(%arg18 : memref<!tpu.dma_semaphore, #tpu.memory_space<semaphore_mem>>) src(%dma_wait3A_668 : memref<2x128xi32, #tpu.memory_space<hbm>>) dst(%arg6 : memref<2x128xi32, #tpu.memory_space<vmem>>)
        %dma_start3A_669 = arith.constant 0 : i32
        %dma_start3A_670 = arith.constant 0 : i32
        %dma_start3A_671 = tpu.memref_slice %arg6[%dma_start3A_669, %dma_start3A_670] : memref<2x128xi32, #tpu.memory_space<vmem>> -> memref<1x128xi32, #tpu.memory_space<vmem>>
        %dma_start3A_672 = tpu.memref_squeeze %dma_start3A_671 : memref<1x128xi32, #tpu.memory_space<vmem>> -> memref<128xi32, #tpu.memory_space<vmem>>
        %dma_start3A_673 = arith.constant 0 : i32
        %dma_start3A_674 = arith.constant 0 : i32
        %dma_start3A_675 = tpu.memref_slice %arg17[%dma_start3A_673, %dma_start3A_674] : memref<10240x64xf32, #tpu.memory_space<vmem_shared>> -> memref<10240x64xf32, #tpu.memory_space<vmem_shared>>
        tpu.enqueue_indirect_dma source(%dma_start3A_675 : memref<10240x64xf32, #tpu.memory_space<vmem_shared>>) target(%arg12 : memref<128x64xf32, #tpu.memory_space<vmem>>) offsets(%dma_start3A_672 : memref<128xi32, #tpu.memory_space<vmem>>) semaphore(%arg24 : memref<!tpu.dma_semaphore, #tpu.memory_space<semaphore_mem>>)
      } else {
      }
      %add3A_609 = arith.constant 6 : i32
      %add3A_610 = arith.addi %add3A_594, %add3A_609 : i32
      %lt3A_611 = arith.constant 78 : i32
      %lt3A_612 = arith.cmpi slt, %add3A_610, %lt3A_611 : i32
      %convert_element_type3A_613 = arith.extui %lt3A_612 : i1 to i32
      %cond3A_614 = arith.constant 0 : i32
      %cond3A_615 = arith.cmpi ne, %convert_element_type3A_613, %cond3A_614 : i32
      scf.if %cond3A_615 {
        %add3A_662 = arith.addi %mul3A_2, %add3A_610 : i32
        %dma_start3A_663 = arith.constant 0 : i32
        %dma_start3A_664 = arith.constant 0 : i32
        %dma_start3A_665 = arith.constant 0 : i32
        %dma_start3A_666 = tpu.memref_slice %arg9[%dma_start3A_664, %dma_start3A_665] : memref<2x128xi32, #tpu.memory_space<vmem>> -> memref<1x128xi32, #tpu.memory_space<vmem>>
        %dma_start3A_667 = arith.constant 0 : i32
        %dma_start3A_668 = tpu.memref_slice %arg3[%dma_start3A_663, %add3A_662, %dma_start3A_667] : memref<2x2500x128xi32, #tpu.memory_space<hbm>> -> memref<1x1x128xi32, #tpu.memory_space<hbm>>
        %dma_start3A_669 = tpu.memref_squeeze %dma_start3A_668 : memref<1x1x128xi32, #tpu.memory_space<hbm>> -> memref<1x128xi32, #tpu.memory_space<hbm>>
        %dma_start3A_670 = arith.constant 0 : i32
        %dma_start3A_671 = arith.constant 0 : i32
        %dma_start3A_672 = tpu.memref_slice %arg9[%dma_start3A_670, %dma_start3A_671] : memref<2x128xi32, #tpu.memory_space<vmem>> -> memref<1x128xi32, #tpu.memory_space<vmem>>
        %dma_start3A_673 = arith.constant 0 : i32
        %dma_start3A_674 = tpu.memref_slice %arg3[%dma_start3A_663, %add3A_662, %dma_start3A_673] : memref<2x2500x128xi32, #tpu.memory_space<hbm>> -> memref<1x1x128xi32, #tpu.memory_space<hbm>>
        %dma_start3A_675 = tpu.memref_squeeze %dma_start3A_674 : memref<1x1x128xi32, #tpu.memory_space<hbm>> -> memref<1x128xi32, #tpu.memory_space<hbm>>
        tpu.enqueue_dma source(%dma_start3A_675 : memref<1x128xi32, #tpu.memory_space<hbm>>) target(%dma_start3A_672 : memref<1x128xi32, #tpu.memory_space<vmem>>) target_semaphore(%arg21 : memref<!tpu.dma_semaphore, #tpu.memory_space<semaphore_mem>>)
        %add3A_676 = arith.addi %mul3A_2, %add3A_610 : i32
        %dma_start3A_677 = arith.constant 1 : i32
        %dma_start3A_678 = arith.constant 1 : i32
        %dma_start3A_679 = arith.constant 0 : i32
        %dma_start3A_680 = tpu.memref_slice %arg9[%dma_start3A_678, %dma_start3A_679] : memref<2x128xi32, #tpu.memory_space<vmem>> -> memref<1x128xi32, #tpu.memory_space<vmem>>
        %dma_start3A_681 = arith.constant 0 : i32
        %dma_start3A_682 = tpu.memref_slice %arg3[%dma_start3A_677, %add3A_676, %dma_start3A_681] : memref<2x2500x128xi32, #tpu.memory_space<hbm>> -> memref<1x1x128xi32, #tpu.memory_space<hbm>>
        %dma_start3A_683 = tpu.memref_squeeze %dma_start3A_682 : memref<1x1x128xi32, #tpu.memory_space<hbm>> -> memref<1x128xi32, #tpu.memory_space<hbm>>
        %dma_start3A_684 = arith.constant 1 : i32
        %dma_start3A_685 = arith.constant 0 : i32
        %dma_start3A_686 = tpu.memref_slice %arg9[%dma_start3A_684, %dma_start3A_685] : memref<2x128xi32, #tpu.memory_space<vmem>> -> memref<1x128xi32, #tpu.memory_space<vmem>>
        %dma_start3A_687 = arith.constant 0 : i32
        %dma_start3A_688 = tpu.memref_slice %arg3[%dma_start3A_677, %add3A_676, %dma_start3A_687] : memref<2x2500x128xi32, #tpu.memory_space<hbm>> -> memref<1x1x128xi32, #tpu.memory_space<hbm>>
        %dma_start3A_689 = tpu.memref_squeeze %dma_start3A_688 : memref<1x1x128xi32, #tpu.memory_space<hbm>> -> memref<1x128xi32, #tpu.memory_space<hbm>>
        tpu.enqueue_dma source(%dma_start3A_689 : memref<1x128xi32, #tpu.memory_space<hbm>>) target(%dma_start3A_686 : memref<1x128xi32, #tpu.memory_space<vmem>>) target_semaphore(%arg21 : memref<!tpu.dma_semaphore, #tpu.memory_space<semaphore_mem>>)
      } else {
      }
      %add3A_616 = arith.constant 4 : i32
      %add3A_617 = arith.addi %mul3A_523, %add3A_616 : i32
      tpu.wait_dma2 semaphore(%arg25 : memref<!tpu.dma_semaphore, #tpu.memory_space<semaphore_mem>>) src(%arg4 : memref<128x64xf32, #tpu.memory_space<hbm>>) dst(%arg13 : memref<128x64xf32, #tpu.memory_space<vmem>>)
      %dma_start3A_618 = arith.constant 1 : i32
      %dma_start3A_619 = arith.constant 0 : i32
      %dma_start3A_620 = tpu.memref_slice %arg10[%dma_start3A_618, %dma_start3A_619] : memref<2x128xi32, #tpu.memory_space<vmem>> -> memref<1x128xi32, #tpu.memory_space<vmem>>
      %dma_start3A_621 = tpu.memref_squeeze %dma_start3A_620 : memref<1x128xi32, #tpu.memory_space<vmem>> -> memref<128xi32, #tpu.memory_space<vmem>>
      %dma_start3A_622 = arith.constant 0 : i32
      %dma_start3A_623 = arith.constant 0 : i32
      %dma_start3A_624 = tpu.memref_slice %arg16[%dma_start3A_622, %dma_start3A_623] : memref<10240x64xf32, #tpu.memory_space<vmem_shared>> -> memref<10240x64xf32, #tpu.memory_space<vmem_shared>>
      tpu.enqueue_indirect_dma source(%arg13 : memref<128x64xf32, #tpu.memory_space<vmem>>) target(%dma_start3A_624 : memref<10240x64xf32, #tpu.memory_space<vmem_shared>>) offsets(%dma_start3A_621 : memref<128xi32, #tpu.memory_space<vmem>>) semaphore(%arg28 : memref<!tpu.dma_semaphore, #tpu.memory_space<semaphore_mem>>) {add = true}
      tpu.wait_dma2 semaphore(%arg28 : memref<!tpu.dma_semaphore, #tpu.memory_space<semaphore_mem>>) src(%arg4 : memref<128x64xf32, #tpu.memory_space<hbm>>) dst(%arg13 : memref<128x64xf32, #tpu.memory_space<vmem>>)
      %add3A_625 = arith.constant 3 : i32
      %add3A_626 = arith.addi %add3A_617, %add3A_625 : i32
      %lt3A_627 = arith.constant 78 : i32
      %lt3A_628 = arith.cmpi slt, %add3A_626, %lt3A_627 : i32
      %convert_element_type3A_629 = arith.extui %lt3A_628 : i1 to i32
      %cond3A_630 = arith.constant 0 : i32
      %cond3A_631 = arith.cmpi ne, %convert_element_type3A_629, %cond3A_630 : i32
      scf.if %cond3A_631 {
        %dma_wait3A_662 = arith.constant 0 : i32
        %dma_wait3A_663 = arith.constant 0 : i32
        %dma_wait3A_664 = tpu.memref_slice %arg3[%dma_wait3A_662, %mul3A_2, %dma_wait3A_663] : memref<2x2500x128xi32, #tpu.memory_space<hbm>> -> memref<1x2x128xi32, #tpu.memory_space<hbm>>
        %dma_wait3A_665 = tpu.memref_squeeze %dma_wait3A_664 : memref<1x2x128xi32, #tpu.memory_space<hbm>> -> memref<2x128xi32, #tpu.memory_space<hbm>>
        %dma_wait3A_666 = arith.constant 0 : i32
        %dma_wait3A_667 = tpu.memref_slice %arg3[%dma_wait3A_662, %mul3A_2, %dma_wait3A_666] : memref<2x2500x128xi32, #tpu.memory_space<hbm>> -> memref<1x2x128xi32, #tpu.memory_space<hbm>>
        %dma_wait3A_668 = tpu.memref_squeeze %dma_wait3A_667 : memref<1x2x128xi32, #tpu.memory_space<hbm>> -> memref<2x128xi32, #tpu.memory_space<hbm>>
        tpu.wait_dma2 semaphore(%arg19 : memref<!tpu.dma_semaphore, #tpu.memory_space<semaphore_mem>>) src(%dma_wait3A_668 : memref<2x128xi32, #tpu.memory_space<hbm>>) dst(%arg7 : memref<2x128xi32, #tpu.memory_space<vmem>>)
        %dma_start3A_669 = arith.constant 0 : i32
        %dma_start3A_670 = arith.constant 0 : i32
        %dma_start3A_671 = tpu.memref_slice %arg7[%dma_start3A_669, %dma_start3A_670] : memref<2x128xi32, #tpu.memory_space<vmem>> -> memref<1x128xi32, #tpu.memory_space<vmem>>
        %dma_start3A_672 = tpu.memref_squeeze %dma_start3A_671 : memref<1x128xi32, #tpu.memory_space<vmem>> -> memref<128xi32, #tpu.memory_space<vmem>>
        %dma_start3A_673 = arith.constant 0 : i32
        %dma_start3A_674 = arith.constant 0 : i32
        %dma_start3A_675 = tpu.memref_slice %arg17[%dma_start3A_673, %dma_start3A_674] : memref<10240x64xf32, #tpu.memory_space<vmem_shared>> -> memref<10240x64xf32, #tpu.memory_space<vmem_shared>>
        tpu.enqueue_indirect_dma source(%dma_start3A_675 : memref<10240x64xf32, #tpu.memory_space<vmem_shared>>) target(%arg13 : memref<128x64xf32, #tpu.memory_space<vmem>>) offsets(%dma_start3A_672 : memref<128xi32, #tpu.memory_space<vmem>>) semaphore(%arg25 : memref<!tpu.dma_semaphore, #tpu.memory_space<semaphore_mem>>)
      } else {
      }
      %add3A_632 = arith.constant 6 : i32
      %add3A_633 = arith.addi %add3A_617, %add3A_632 : i32
      %lt3A_634 = arith.constant 78 : i32
      %lt3A_635 = arith.cmpi slt, %add3A_633, %lt3A_634 : i32
      %convert_element_type3A_636 = arith.extui %lt3A_635 : i1 to i32
      %cond3A_637 = arith.constant 0 : i32
      %cond3A_638 = arith.cmpi ne, %convert_element_type3A_636, %cond3A_637 : i32
      scf.if %cond3A_638 {
        %add3A_662 = arith.addi %mul3A_2, %add3A_633 : i32
        %dma_start3A_663 = arith.constant 0 : i32
        %dma_start3A_664 = arith.constant 0 : i32
        %dma_start3A_665 = arith.constant 0 : i32
        %dma_start3A_666 = tpu.memref_slice %arg10[%dma_start3A_664, %dma_start3A_665] : memref<2x128xi32, #tpu.memory_space<vmem>> -> memref<1x128xi32, #tpu.memory_space<vmem>>
        %dma_start3A_667 = arith.constant 0 : i32
        %dma_start3A_668 = tpu.memref_slice %arg3[%dma_start3A_663, %add3A_662, %dma_start3A_667] : memref<2x2500x128xi32, #tpu.memory_space<hbm>> -> memref<1x1x128xi32, #tpu.memory_space<hbm>>
        %dma_start3A_669 = tpu.memref_squeeze %dma_start3A_668 : memref<1x1x128xi32, #tpu.memory_space<hbm>> -> memref<1x128xi32, #tpu.memory_space<hbm>>
        %dma_start3A_670 = arith.constant 0 : i32
        %dma_start3A_671 = arith.constant 0 : i32
        %dma_start3A_672 = tpu.memref_slice %arg10[%dma_start3A_670, %dma_start3A_671] : memref<2x128xi32, #tpu.memory_space<vmem>> -> memref<1x128xi32, #tpu.memory_space<vmem>>
        %dma_start3A_673 = arith.constant 0 : i32
        %dma_start3A_674 = tpu.memref_slice %arg3[%dma_start3A_663, %add3A_662, %dma_start3A_673] : memref<2x2500x128xi32, #tpu.memory_space<hbm>> -> memref<1x1x128xi32, #tpu.memory_space<hbm>>
        %dma_start3A_675 = tpu.memref_squeeze %dma_start3A_674 : memref<1x1x128xi32, #tpu.memory_space<hbm>> -> memref<1x128xi32, #tpu.memory_space<hbm>>
        tpu.enqueue_dma source(%dma_start3A_675 : memref<1x128xi32, #tpu.memory_space<hbm>>) target(%dma_start3A_672 : memref<1x128xi32, #tpu.memory_space<vmem>>) target_semaphore(%arg22 : memref<!tpu.dma_semaphore, #tpu.memory_space<semaphore_mem>>)
        %add3A_676 = arith.addi %mul3A_2, %add3A_633 : i32
        %dma_start3A_677 = arith.constant 1 : i32
        %dma_start3A_678 = arith.constant 1 : i32
        %dma_start3A_679 = arith.constant 0 : i32
        %dma_start3A_680 = tpu.memref_slice %arg10[%dma_start3A_678, %dma_start3A_679] : memref<2x128xi32, #tpu.memory_space<vmem>> -> memref<1x128xi32, #tpu.memory_space<vmem>>
        %dma_start3A_681 = arith.constant 0 : i32
        %dma_start3A_682 = tpu.memref_slice %arg3[%dma_start3A_677, %add3A_676, %dma_start3A_681] : memref<2x2500x128xi32, #tpu.memory_space<hbm>> -> memref<1x1x128xi32, #tpu.memory_space<hbm>>
        %dma_start3A_683 = tpu.memref_squeeze %dma_start3A_682 : memref<1x1x128xi32, #tpu.memory_space<hbm>> -> memref<1x128xi32, #tpu.memory_space<hbm>>
        %dma_start3A_684 = arith.constant 1 : i32
        %dma_start3A_685 = arith.constant 0 : i32
        %dma_start3A_686 = tpu.memref_slice %arg10[%dma_start3A_684, %dma_start3A_685] : memref<2x128xi32, #tpu.memory_space<vmem>> -> memref<1x128xi32, #tpu.memory_space<vmem>>
        %dma_start3A_687 = arith.constant 0 : i32
        %dma_start3A_688 = tpu.memref_slice %arg3[%dma_start3A_677, %add3A_676, %dma_start3A_687] : memref<2x2500x128xi32, #tpu.memory_space<hbm>> -> memref<1x1x128xi32, #tpu.memory_space<hbm>>
        %dma_start3A_689 = tpu.memref_squeeze %dma_start3A_688 : memref<1x1x128xi32, #tpu.memory_space<hbm>> -> memref<1x128xi32, #tpu.memory_space<hbm>>
        tpu.enqueue_dma source(%dma_start3A_689 : memref<1x128xi32, #tpu.memory_space<hbm>>) target(%dma_start3A_686 : memref<1x128xi32, #tpu.memory_space<vmem>>) target_semaphore(%arg22 : memref<!tpu.dma_semaphore, #tpu.memory_space<semaphore_mem>>)
      } else {
      }
      %add3A_639 = arith.constant 5 : i32
      %add3A_640 = arith.addi %mul3A_523, %add3A_639 : i32
      tpu.wait_dma2 semaphore(%arg26 : memref<!tpu.dma_semaphore, #tpu.memory_space<semaphore_mem>>) src(%arg4 : memref<128x64xf32, #tpu.memory_space<hbm>>) dst(%arg14 : memref<128x64xf32, #tpu.memory_space<vmem>>)
      %dma_start3A_641 = arith.constant 1 : i32
      %dma_start3A_642 = arith.constant 0 : i32
      %dma_start3A_643 = tpu.memref_slice %arg11[%dma_start3A_641, %dma_start3A_642] : memref<2x128xi32, #tpu.memory_space<vmem>> -> memref<1x128xi32, #tpu.memory_space<vmem>>
      %dma_start3A_644 = tpu.memref_squeeze %dma_start3A_643 : memref<1x128xi32, #tpu.memory_space<vmem>> -> memref<128xi32, #tpu.memory_space<vmem>>
      %dma_start3A_645 = arith.constant 0 : i32
      %dma_start3A_646 = arith.constant 0 : i32
      %dma_start3A_647 = tpu.memref_slice %arg16[%dma_start3A_645, %dma_start3A_646] : memref<10240x64xf32, #tpu.memory_space<vmem_shared>> -> memref<10240x64xf32, #tpu.memory_space<vmem_shared>>
      tpu.enqueue_indirect_dma source(%arg14 : memref<128x64xf32, #tpu.memory_space<vmem>>) target(%dma_start3A_647 : memref<10240x64xf32, #tpu.memory_space<vmem_shared>>) offsets(%dma_start3A_644 : memref<128xi32, #tpu.memory_space<vmem>>) semaphore(%arg29 : memref<!tpu.dma_semaphore, #tpu.memory_space<semaphore_mem>>) {add = true}
      tpu.wait_dma2 semaphore(%arg29 : memref<!tpu.dma_semaphore, #tpu.memory_space<semaphore_mem>>) src(%arg4 : memref<128x64xf32, #tpu.memory_space<hbm>>) dst(%arg14 : memref<128x64xf32, #tpu.memory_space<vmem>>)
      %add3A_648 = arith.constant 3 : i32
      %add3A_649 = arith.addi %add3A_640, %add3A_648 : i32
      %lt3A_650 = arith.constant 78 : i32
      %lt3A_651 = arith.cmpi slt, %add3A_649, %lt3A_650 : i32
      %convert_element_type3A_652 = arith.extui %lt3A_651 : i1 to i32
      %cond3A_653 = arith.constant 0 : i32
      %cond3A_654 = arith.cmpi ne, %convert_element_type3A_652, %cond3A_653 : i32
      scf.if %cond3A_654 {
        %dma_wait3A_662 = arith.constant 0 : i32
        %dma_wait3A_663 = arith.constant 0 : i32
        %dma_wait3A_664 = tpu.memref_slice %arg3[%dma_wait3A_662, %mul3A_2, %dma_wait3A_663] : memref<2x2500x128xi32, #tpu.memory_space<hbm>> -> memref<1x2x128xi32, #tpu.memory_space<hbm>>
        %dma_wait3A_665 = tpu.memref_squeeze %dma_wait3A_664 : memref<1x2x128xi32, #tpu.memory_space<hbm>> -> memref<2x128xi32, #tpu.memory_space<hbm>>
        %dma_wait3A_666 = arith.constant 0 : i32
        %dma_wait3A_667 = tpu.memref_slice %arg3[%dma_wait3A_662, %mul3A_2, %dma_wait3A_666] : memref<2x2500x128xi32, #tpu.memory_space<hbm>> -> memref<1x2x128xi32, #tpu.memory_space<hbm>>
        %dma_wait3A_668 = tpu.memref_squeeze %dma_wait3A_667 : memref<1x2x128xi32, #tpu.memory_space<hbm>> -> memref<2x128xi32, #tpu.memory_space<hbm>>
        tpu.wait_dma2 semaphore(%arg20 : memref<!tpu.dma_semaphore, #tpu.memory_space<semaphore_mem>>) src(%dma_wait3A_668 : memref<2x128xi32, #tpu.memory_space<hbm>>) dst(%arg8 : memref<2x128xi32, #tpu.memory_space<vmem>>)
        %dma_start3A_669 = arith.constant 0 : i32
        %dma_start3A_670 = arith.constant 0 : i32
        %dma_start3A_671 = tpu.memref_slice %arg8[%dma_start3A_669, %dma_start3A_670] : memref<2x128xi32, #tpu.memory_space<vmem>> -> memref<1x128xi32, #tpu.memory_space<vmem>>
        %dma_start3A_672 = tpu.memref_squeeze %dma_start3A_671 : memref<1x128xi32, #tpu.memory_space<vmem>> -> memref<128xi32, #tpu.memory_space<vmem>>
        %dma_start3A_673 = arith.constant 0 : i32
        %dma_start3A_674 = arith.constant 0 : i32
        %dma_start3A_675 = tpu.memref_slice %arg17[%dma_start3A_673, %dma_start3A_674] : memref<10240x64xf32, #tpu.memory_space<vmem_shared>> -> memref<10240x64xf32, #tpu.memory_space<vmem_shared>>
        tpu.enqueue_indirect_dma source(%dma_start3A_675 : memref<10240x64xf32, #tpu.memory_space<vmem_shared>>) target(%arg14 : memref<128x64xf32, #tpu.memory_space<vmem>>) offsets(%dma_start3A_672 : memref<128xi32, #tpu.memory_space<vmem>>) semaphore(%arg26 : memref<!tpu.dma_semaphore, #tpu.memory_space<semaphore_mem>>)
      } else {
      }
      %add3A_655 = arith.constant 6 : i32
      %add3A_656 = arith.addi %add3A_640, %add3A_655 : i32
      %lt3A_657 = arith.constant 78 : i32
      %lt3A_658 = arith.cmpi slt, %add3A_656, %lt3A_657 : i32
      %convert_element_type3A_659 = arith.extui %lt3A_658 : i1 to i32
      %cond3A_660 = arith.constant 0 : i32
      %cond3A_661 = arith.cmpi ne, %convert_element_type3A_659, %cond3A_660 : i32
      scf.if %cond3A_661 {
        %add3A_662 = arith.addi %mul3A_2, %add3A_656 : i32
        %dma_start3A_663 = arith.constant 0 : i32
        %dma_start3A_664 = arith.constant 0 : i32
        %dma_start3A_665 = arith.constant 0 : i32
        %dma_start3A_666 = tpu.memref_slice %arg11[%dma_start3A_664, %dma_start3A_665] : memref<2x128xi32, #tpu.memory_space<vmem>> -> memref<1x128xi32, #tpu.memory_space<vmem>>
        %dma_start3A_667 = arith.constant 0 : i32
        %dma_start3A_668 = tpu.memref_slice %arg3[%dma_start3A_663, %add3A_662, %dma_start3A_667] : memref<2x2500x128xi32, #tpu.memory_space<hbm>> -> memref<1x1x128xi32, #tpu.memory_space<hbm>>
        %dma_start3A_669 = tpu.memref_squeeze %dma_start3A_668 : memref<1x1x128xi32, #tpu.memory_space<hbm>> -> memref<1x128xi32, #tpu.memory_space<hbm>>
        %dma_start3A_670 = arith.constant 0 : i32
        %dma_start3A_671 = arith.constant 0 : i32
        %dma_start3A_672 = tpu.memref_slice %arg11[%dma_start3A_670, %dma_start3A_671] : memref<2x128xi32, #tpu.memory_space<vmem>> -> memref<1x128xi32, #tpu.memory_space<vmem>>
        %dma_start3A_673 = arith.constant 0 : i32
        %dma_start3A_674 = tpu.memref_slice %arg3[%dma_start3A_663, %add3A_662, %dma_start3A_673] : memref<2x2500x128xi32, #tpu.memory_space<hbm>> -> memref<1x1x128xi32, #tpu.memory_space<hbm>>
        %dma_start3A_675 = tpu.memref_squeeze %dma_start3A_674 : memref<1x1x128xi32, #tpu.memory_space<hbm>> -> memref<1x128xi32, #tpu.memory_space<hbm>>
        tpu.enqueue_dma source(%dma_start3A_675 : memref<1x128xi32, #tpu.memory_space<hbm>>) target(%dma_start3A_672 : memref<1x128xi32, #tpu.memory_space<vmem>>) target_semaphore(%arg23 : memref<!tpu.dma_semaphore, #tpu.memory_space<semaphore_mem>>)
        %add3A_676 = arith.addi %mul3A_2, %add3A_656 : i32
        %dma_start3A_677 = arith.constant 1 : i32
        %dma_start3A_678 = arith.constant 1 : i32
        %dma_start3A_679 = arith.constant 0 : i32
        %dma_start3A_680 = tpu.memref_slice %arg11[%dma_start3A_678, %dma_start3A_679] : memref<2x128xi32, #tpu.memory_space<vmem>> -> memref<1x128xi32, #tpu.memory_space<vmem>>
        %dma_start3A_681 = arith.constant 0 : i32
        %dma_start3A_682 = tpu.memref_slice %arg3[%dma_start3A_677, %add3A_676, %dma_start3A_681] : memref<2x2500x128xi32, #tpu.memory_space<hbm>> -> memref<1x1x128xi32, #tpu.memory_space<hbm>>
        %dma_start3A_683 = tpu.memref_squeeze %dma_start3A_682 : memref<1x1x128xi32, #tpu.memory_space<hbm>> -> memref<1x128xi32, #tpu.memory_space<hbm>>
        %dma_start3A_684 = arith.constant 1 : i32
        %dma_start3A_685 = arith.constant 0 : i32
        %dma_start3A_686 = tpu.memref_slice %arg11[%dma_start3A_684, %dma_start3A_685] : memref<2x128xi32, #tpu.memory_space<vmem>> -> memref<1x128xi32, #tpu.memory_space<vmem>>
        %dma_start3A_687 = arith.constant 0 : i32
        %dma_start3A_688 = tpu.memref_slice %arg3[%dma_start3A_677, %add3A_676, %dma_start3A_687] : memref<2x2500x128xi32, #tpu.memory_space<hbm>> -> memref<1x1x128xi32, #tpu.memory_space<hbm>>
        %dma_start3A_689 = tpu.memref_squeeze %dma_start3A_688 : memref<1x1x128xi32, #tpu.memory_space<hbm>> -> memref<1x128xi32, #tpu.memory_space<hbm>>
        tpu.enqueue_dma source(%dma_start3A_689 : memref<1x128xi32, #tpu.memory_space<hbm>>) target(%dma_start3A_686 : memref<1x128xi32, #tpu.memory_space<vmem>>) target_semaphore(%arg23 : memref<!tpu.dma_semaphore, #tpu.memory_space<semaphore_mem>>)
      } else {
      }
    }
    %scan3A_512 = arith.constant 13 : i32
    %lt3A_513 = arith.constant 4 : i32
    %lt3A_514 = arith.cmpi slt, %add3A, %lt3A_513 : i32
    %convert_element_type3A_515 = arith.extui %lt3A_514 : i1 to i32
    %cond3A_516 = arith.constant 0 : i32
    %cond3A_517 = arith.cmpi ne, %convert_element_type3A_515, %cond3A_516 : i32
    scf.if %cond3A_517 {
      %dma_start3A_521 = arith.constant 0 : i32
      %dma_start3A_522 = arith.constant 0 : i32
      %dma_start3A_523 = tpu.memref_slice %arg15[%dma_start3A_521, %dma_start3A_522] : memref<2x128xi32, #tpu.memory_space<vmem>> -> memref<1x128xi32, #tpu.memory_space<vmem>>
      %dma_start3A_524 = tpu.memref_squeeze %dma_start3A_523 : memref<1x128xi32, #tpu.memory_space<vmem>> -> memref<128xi32, #tpu.memory_space<vmem>>
      %dma_start3A_525 = arith.constant 0 : i32
      %dma_start3A_526 = arith.constant 0 : i32
      %dma_start3A_527 = tpu.memref_slice %arg17[%dma_start3A_525, %dma_start3A_526] : memref<10240x64xf32, #tpu.memory_space<vmem_shared>> -> memref<10240x64xf32, #tpu.memory_space<vmem_shared>>
      tpu.enqueue_indirect_dma source(%dma_start3A_527 : memref<10240x64xf32, #tpu.memory_space<vmem_shared>>) target(%arg12 : memref<128x64xf32, #tpu.memory_space<vmem>>) offsets(%dma_start3A_524 : memref<128xi32, #tpu.memory_space<vmem>>) semaphore(%arg24 : memref<!tpu.dma_semaphore, #tpu.memory_space<semaphore_mem>>)
      tpu.wait_dma2 semaphore(%arg24 : memref<!tpu.dma_semaphore, #tpu.memory_space<semaphore_mem>>) src(%arg4 : memref<128x64xf32, #tpu.memory_space<hbm>>) dst(%arg12 : memref<128x64xf32, #tpu.memory_space<vmem>>)
      %run_scoped3A = arith.constant 1 : i32
      "tpu.region"() ({
        %run_scoped3A_528 = tpu.sem_alloc : memref<!tpu.dma_semaphore, #tpu.memory_space<semaphore_mem>>
        %dma_start3A_529 = arith.constant 0 : i32
        %dma_start3A_530 = tpu.memref_slice %arg15[%run_scoped3A, %dma_start3A_529] : memref<2x128xi32, #tpu.memory_space<vmem>> -> memref<1x128xi32, #tpu.memory_space<vmem>>
        %dma_start3A_531 = tpu.memref_squeeze %dma_start3A_530 : memref<1x128xi32, #tpu.memory_space<vmem>> -> memref<128xi32, #tpu.memory_space<vmem>>
        %dma_start3A_532 = arith.constant 0 : i32
        %dma_start3A_533 = arith.constant 0 : i32
        %dma_start3A_534 = tpu.memref_slice %arg16[%dma_start3A_532, %dma_start3A_533] : memref<10240x64xf32, #tpu.memory_space<vmem_shared>> -> memref<10240x64xf32, #tpu.memory_space<vmem_shared>>
        tpu.enqueue_indirect_dma source(%arg12 : memref<128x64xf32, #tpu.memory_space<vmem>>) target(%dma_start3A_534 : memref<10240x64xf32, #tpu.memory_space<vmem_shared>>) offsets(%dma_start3A_531 : memref<128xi32, #tpu.memory_space<vmem>>) semaphore(%run_scoped3A_528 : memref<!tpu.dma_semaphore, #tpu.memory_space<semaphore_mem>>) {add = true}
        %dma_wait3A_535 = arith.constant 0 : i32
        %dma_wait3A_536 = tpu.memref_slice %arg15[%run_scoped3A, %dma_wait3A_535] : memref<2x128xi32, #tpu.memory_space<vmem>> -> memref<1x128xi32, #tpu.memory_space<vmem>>
        %dma_wait3A_537 = tpu.memref_squeeze %dma_wait3A_536 : memref<1x128xi32, #tpu.memory_space<vmem>> -> memref<128xi32, #tpu.memory_space<vmem>>
        %dma_wait3A_538 = arith.constant 0 : i32
        %dma_wait3A_539 = arith.constant 0 : i32
        %dma_wait3A_540 = tpu.memref_slice %arg16[%dma_wait3A_538, %dma_wait3A_539] : memref<10240x64xf32, #tpu.memory_space<vmem_shared>> -> memref<10240x64xf32, #tpu.memory_space<vmem_shared>>
        tpu.wait_indirect_dma semaphore(%run_scoped3A_528 : memref<!tpu.dma_semaphore, #tpu.memory_space<semaphore_mem>>) src(%arg12 : memref<128x64xf32, #tpu.memory_space<vmem>>) dst(%dma_wait3A_540 : memref<10240x64xf32, #tpu.memory_space<vmem_shared>>)
        tpu.yield
      }) : () -> ()
    } else {
    }
    %barrier3A_518 = arith.constant 0 : index
    tpu.barrier barrier_id(%barrier3A_518)
    %mul3A_519 = arith.constant 640 : i32
    %mul3A_520 = arith.muli %arg1, %mul3A_519 : i32
    "tpu.region"() ({
      %run_scoped3A = tpu.sem_alloc : memref<!tpu.dma_semaphore, #tpu.memory_space<semaphore_mem>>
      %dma_start3A_521 = arith.constant 64 : i32
      %dma_start3A_522 = tpu.memref_slice %arg5[%arg0, %mul3A_520, %dma_start3A_521] : memref<2x10240x128xf32, #tpu.memory_space<hbm>> -> memref<1x640x64xf32, #tpu.memory_space<hbm>>
      %dma_start3A_523 = tpu.memref_squeeze %dma_start3A_522 : memref<1x640x64xf32, #tpu.memory_space<hbm>> -> memref<640x64xf32, #tpu.memory_space<hbm>>
      %dma_start3A_524 = arith.constant 0 : i32
      %dma_start3A_525 = tpu.memref_slice %arg16[%mul3A_520, %dma_start3A_524] : memref<10240x64xf32, #tpu.memory_space<vmem_shared>> -> memref<640x64xf32, #tpu.memory_space<vmem_shared>>
      tpu.enqueue_dma source(%dma_start3A_525 : memref<640x64xf32, #tpu.memory_space<vmem_shared>>) target(%dma_start3A_523 : memref<640x64xf32, #tpu.memory_space<hbm>>) target_semaphore(%run_scoped3A : memref<!tpu.dma_semaphore, #tpu.memory_space<semaphore_mem>>)
      %dma_wait3A_526 = arith.constant 64 : i32
      %dma_wait3A_527 = tpu.memref_slice %arg5[%arg0, %mul3A_520, %dma_wait3A_526] : memref<2x10240x128xf32, #tpu.memory_space<hbm>> -> memref<1x640x64xf32, #tpu.memory_space<hbm>>
      %dma_wait3A_528 = tpu.memref_squeeze %dma_wait3A_527 : memref<1x640x64xf32, #tpu.memory_space<hbm>> -> memref<640x64xf32, #tpu.memory_space<hbm>>
      %dma_wait3A_529 = arith.constant 0 : i32
      %dma_wait3A_530 = tpu.memref_slice %arg16[%mul3A_520, %dma_wait3A_529] : memref<10240x64xf32, #tpu.memory_space<vmem_shared>> -> memref<640x64xf32, #tpu.memory_space<vmem_shared>>
      tpu.wait_dma2 semaphore(%run_scoped3A : memref<!tpu.dma_semaphore, #tpu.memory_space<semaphore_mem>>) src(%dma_wait3A_530 : memref<640x64xf32, #tpu.memory_space<vmem_shared>>) dst(%dma_wait3A_528 : memref<640x64xf32, #tpu.memory_space<hbm>>)
      tpu.yield
    }) : () -> ()
    return
  }
}

#map = affine_map<(d0, d1) -> (0, 0)>
#map1 = affine_map<(d0, d1) -> (0, 0, 0)>
module attributes {stable_mosaic.version = 14 : i64} {
  func.func @sc_scatter(%arg0: i32, %arg1: i32, %arg2: memref<10240x128xf32, #tpu.memory_space<hbm>>, %arg3: memref<2x2500x128xi32, #tpu.memory_space<hbm>>, %arg4: memref<128x64xf32, #tpu.memory_space<hbm>>, %arg5: memref<2x10240x128xf32, #tpu.memory_space<hbm>>, %arg6: memref<2x128xi32, #tpu.memory_space<vmem>>, %arg7: memref<2x128xi32, #tpu.memory_space<vmem>>, %arg8: memref<2x128xi32, #tpu.memory_space<vmem>>, %arg9: memref<2x128xi32, #tpu.memory_space<vmem>>, %arg10: memref<2x128xi32, #tpu.memory_space<vmem>>, %arg11: memref<2x128xi32, #tpu.memory_space<vmem>>, %arg12: memref<128x64xf32, #tpu.memory_space<vmem>>, %arg13: memref<128x64xf32, #tpu.memory_space<vmem>>, %arg14: memref<128x64xf32, #tpu.memory_space<vmem>>, %arg15: memref<2x128xi32, #tpu.memory_space<vmem>>, %arg16: memref<10240x64xf32, #tpu.memory_space<vmem_shared>>, %arg17: memref<10240x64xf32, #tpu.memory_space<vmem_shared>>, %arg18: memref<!tpu.dma_semaphore, #tpu.memory_space<semaphore_mem>>, %arg19: memref<!tpu.dma_semaphore, #tpu.memory_space<semaphore_mem>>, %arg20: memref<!tpu.dma_semaphore, #tpu.memory_space<semaphore_mem>>, %arg21: memref<!tpu.dma_semaphore, #tpu.memory_space<semaphore_mem>>, %arg22: memref<!tpu.dma_semaphore, #tpu.memory_space<semaphore_mem>>, %arg23: memref<!tpu.dma_semaphore, #tpu.memory_space<semaphore_mem>>, %arg24: memref<!tpu.dma_semaphore, #tpu.memory_space<semaphore_mem>>, %arg25: memref<!tpu.dma_semaphore, #tpu.memory_space<semaphore_mem>>, %arg26: memref<!tpu.dma_semaphore, #tpu.memory_space<semaphore_mem>>, %arg27: memref<!tpu.dma_semaphore, #tpu.memory_space<semaphore_mem>>, %arg28: memref<!tpu.dma_semaphore, #tpu.memory_space<semaphore_mem>>, %arg29: memref<!tpu.dma_semaphore, #tpu.memory_space<semaphore_mem>>) attributes {dimension_semantics = [#tpu.dimension_semantics<core_parallel>, #tpu.dimension_semantics<subcore_parallel>], iteration_bounds = array<i64: 2, 16>, scalar_prefetch = 0 : i64, scratch_operands = 24 : i64, tpu.core_type = #tpu.core_type<sc_vector_subcore>, window_params = [{transform_indices = #map}, {transform_indices = #map1}, {transform_indices = #map}, {transform_indices = #map1}]} {
    %mul3A = arith.constant 16 : i32
    %mul3A_0 = arith.muli %arg0, %mul3A : i32
    %add3A = arith.addi %mul3A_0, %arg1 : i32
    %mul3A_1 = arith.constant 78 : i32
    %mul3A_2 = arith.muli %add3A, %mul3A_1 : i32
    %add3A_3 = arith.constant 2496 : i32
    %add3A_4 = arith.addi %add3A_3, %add3A : i32
    %lt3A = arith.constant 4 : i32
    %lt3A_5 = arith.cmpi slt, %add3A, %lt3A : i32
    %convert_element_type3A = arith.extui %lt3A_5 : i1 to i32
    %cond3A = arith.constant 0 : i32
    %cond3A_6 = arith.cmpi ne, %convert_element_type3A, %cond3A : i32
    scf.if %cond3A_6 {
      %run_scoped3A = arith.constant 0 : i32
      "tpu.region"() ({
        %run_scoped3A_263 = tpu.sem_alloc : memref<!tpu.dma_semaphore, #tpu.memory_space<semaphore_mem>>
        %dma_start3A_264 = arith.constant 0 : i32
        %dma_start3A_265 = arith.constant 0 : i32
        %dma_start3A_266 = tpu.memref_slice %arg15[%dma_start3A_264, %dma_start3A_265] : memref<2x128xi32, #tpu.memory_space<vmem>> -> memref<1x128xi32, #tpu.memory_space<vmem>>
        %dma_start3A_267 = arith.constant 0 : i32
        %dma_start3A_268 = tpu.memref_slice %arg3[%run_scoped3A, %add3A_4, %dma_start3A_267] : memref<2x2500x128xi32, #tpu.memory_space<hbm>> -> memref<1x1x128xi32, #tpu.memory_space<hbm>>
        %dma_start3A_269 = tpu.memref_squeeze %dma_start3A_268 : memref<1x1x128xi32, #tpu.memory_space<hbm>> -> memref<1x128xi32, #tpu.memory_space<hbm>>
        %dma_start3A_270 = arith.constant 0 : i32
        %dma_start3A_271 = arith.constant 0 : i32
        %dma_start3A_272 = tpu.memref_slice %arg15[%dma_start3A_270, %dma_start3A_271] : memref<2x128xi32, #tpu.memory_space<vmem>> -> memref<1x128xi32, #tpu.memory_space<vmem>>
        %dma_start3A_273 = arith.constant 0 : i32
        %dma_start3A_274 = tpu.memref_slice %arg3[%run_scoped3A, %add3A_4, %dma_start3A_273] : memref<2x2500x128xi32, #tpu.memory_space<hbm>> -> memref<1x1x128xi32, #tpu.memory_space<hbm>>
        %dma_start3A_275 = tpu.memref_squeeze %dma_start3A_274 : memref<1x1x128xi32, #tpu.memory_space<hbm>> -> memref<1x128xi32, #tpu.memory_space<hbm>>
        tpu.enqueue_dma source(%dma_start3A_275 : memref<1x128xi32, #tpu.memory_space<hbm>>) target(%dma_start3A_272 : memref<1x128xi32, #tpu.memory_space<vmem>>) target_semaphore(%run_scoped3A_263 : memref<!tpu.dma_semaphore, #tpu.memory_space<semaphore_mem>>)
        %dma_wait3A_276 = arith.constant 0 : i32
        %dma_wait3A_277 = arith.constant 0 : i32
        %dma_wait3A_278 = tpu.memref_slice %arg15[%dma_wait3A_276, %dma_wait3A_277] : memref<2x128xi32, #tpu.memory_space<vmem>> -> memref<1x128xi32, #tpu.memory_space<vmem>>
        %dma_wait3A_279 = arith.constant 0 : i32
        %dma_wait3A_280 = tpu.memref_slice %arg3[%run_scoped3A, %add3A_4, %dma_wait3A_279] : memref<2x2500x128xi32, #tpu.memory_space<hbm>> -> memref<1x1x128xi32, #tpu.memory_space<hbm>>
        %dma_wait3A_281 = tpu.memref_squeeze %dma_wait3A_280 : memref<1x1x128xi32, #tpu.memory_space<hbm>> -> memref<1x128xi32, #tpu.memory_space<hbm>>
        %dma_wait3A_282 = arith.constant 0 : i32
        %dma_wait3A_283 = arith.constant 0 : i32
        %dma_wait3A_284 = tpu.memref_slice %arg15[%dma_wait3A_282, %dma_wait3A_283] : memref<2x128xi32, #tpu.memory_space<vmem>> -> memref<1x128xi32, #tpu.memory_space<vmem>>
        %dma_wait3A_285 = arith.constant 0 : i32
        %dma_wait3A_286 = tpu.memref_slice %arg3[%run_scoped3A, %add3A_4, %dma_wait3A_285] : memref<2x2500x128xi32, #tpu.memory_space<hbm>> -> memref<1x1x128xi32, #tpu.memory_space<hbm>>
        %dma_wait3A_287 = tpu.memref_squeeze %dma_wait3A_286 : memref<1x1x128xi32, #tpu.memory_space<hbm>> -> memref<1x128xi32, #tpu.memory_space<hbm>>
        tpu.wait_dma2 semaphore(%run_scoped3A_263 : memref<!tpu.dma_semaphore, #tpu.memory_space<semaphore_mem>>) src(%dma_wait3A_287 : memref<1x128xi32, #tpu.memory_space<hbm>>) dst(%dma_wait3A_284 : memref<1x128xi32, #tpu.memory_space<vmem>>)
        tpu.yield
      }) : () -> ()
      %run_scoped3A_262 = arith.constant 1 : i32
      "tpu.region"() ({
        %run_scoped3A_263 = tpu.sem_alloc : memref<!tpu.dma_semaphore, #tpu.memory_space<semaphore_mem>>
        %dma_start3A_264 = arith.constant 1 : i32
        %dma_start3A_265 = arith.constant 0 : i32
        %dma_start3A_266 = tpu.memref_slice %arg15[%dma_start3A_264, %dma_start3A_265] : memref<2x128xi32, #tpu.memory_space<vmem>> -> memref<1x128xi32, #tpu.memory_space<vmem>>
        %dma_start3A_267 = arith.constant 0 : i32
        %dma_start3A_268 = tpu.memref_slice %arg3[%run_scoped3A_262, %add3A_4, %dma_start3A_267] : memref<2x2500x128xi32, #tpu.memory_space<hbm>> -> memref<1x1x128xi32, #tpu.memory_space<hbm>>
        %dma_start3A_269 = tpu.memref_squeeze %dma_start3A_268 : memref<1x1x128xi32, #tpu.memory_space<hbm>> -> memref<1x128xi32, #tpu.memory_space<hbm>>
        %dma_start3A_270 = arith.constant 1 : i32
        %dma_start3A_271 = arith.constant 0 : i32
        %dma_start3A_272 = tpu.memref_slice %arg15[%dma_start3A_270, %dma_start3A_271] : memref<2x128xi32, #tpu.memory_space<vmem>> -> memref<1x128xi32, #tpu.memory_space<vmem>>
        %dma_start3A_273 = arith.constant 0 : i32
        %dma_start3A_274 = tpu.memref_slice %arg3[%run_scoped3A_262, %add3A_4, %dma_start3A_273] : memref<2x2500x128xi32, #tpu.memory_space<hbm>> -> memref<1x1x128xi32, #tpu.memory_space<hbm>>
        %dma_start3A_275 = tpu.memref_squeeze %dma_start3A_274 : memref<1x1x128xi32, #tpu.memory_space<hbm>> -> memref<1x128xi32, #tpu.memory_space<hbm>>
        tpu.enqueue_dma source(%dma_start3A_275 : memref<1x128xi32, #tpu.memory_space<hbm>>) target(%dma_start3A_272 : memref<1x128xi32, #tpu.memory_space<vmem>>) target_semaphore(%run_scoped3A_263 : memref<!tpu.dma_semaphore, #tpu.memory_space<semaphore_mem>>)
        %dma_wait3A_276 = arith.constant 1 : i32
        %dma_wait3A_277 = arith.constant 0 : i32
        %dma_wait3A_278 = tpu.memref_slice %arg15[%dma_wait3A_276, %dma_wait3A_277] : memref<2x128xi32, #tpu.memory_space<vmem>> -> memref<1x128xi32, #tpu.memory_space<vmem>>
        %dma_wait3A_279 = arith.constant 0 : i32
        %dma_wait3A_280 = tpu.memref_slice %arg3[%run_scoped3A_262, %add3A_4, %dma_wait3A_279] : memref<2x2500x128xi32, #tpu.memory_space<hbm>> -> memref<1x1x128xi32, #tpu.memory_space<hbm>>
        %dma_wait3A_281 = tpu.memref_squeeze %dma_wait3A_280 : memref<1x1x128xi32, #tpu.memory_space<hbm>> -> memref<1x128xi32, #tpu.memory_space<hbm>>
        %dma_wait3A_282 = arith.constant 1 : i32
        %dma_wait3A_283 = arith.constant 0 : i32
        %dma_wait3A_284 = tpu.memref_slice %arg15[%dma_wait3A_282, %dma_wait3A_283] : memref<2x128xi32, #tpu.memory_space<vmem>> -> memref<1x128xi32, #tpu.memory_space<vmem>>
        %dma_wait3A_285 = arith.constant 0 : i32
        %dma_wait3A_286 = tpu.memref_slice %arg3[%run_scoped3A_262, %add3A_4, %dma_wait3A_285] : memref<2x2500x128xi32, #tpu.memory_space<hbm>> -> memref<1x1x128xi32, #tpu.memory_space<hbm>>
        %dma_wait3A_287 = tpu.memref_squeeze %dma_wait3A_286 : memref<1x1x128xi32, #tpu.memory_space<hbm>> -> memref<1x128xi32, #tpu.memory_space<hbm>>
        tpu.wait_dma2 semaphore(%run_scoped3A_263 : memref<!tpu.dma_semaphore, #tpu.memory_space<semaphore_mem>>) src(%dma_wait3A_287 : memref<1x128xi32, #tpu.memory_space<hbm>>) dst(%dma_wait3A_284 : memref<1x128xi32, #tpu.memory_space<vmem>>)
        tpu.yield
      }) : () -> ()
    } else {
    }
    %mul3A_7 = arith.constant 640 : i32
    %mul3A_8 = arith.muli %arg1, %mul3A_7 : i32
    "tpu.region"() ({
      %run_scoped3A = tpu.sem_alloc : memref<!tpu.dma_semaphore, #tpu.memory_space<semaphore_mem>>
      %dma_start3A_262 = arith.constant 0 : i32
      %dma_start3A_263 = tpu.memref_slice %arg17[%mul3A_8, %dma_start3A_262] : memref<10240x64xf32, #tpu.memory_space<vmem_shared>> -> memref<640x64xf32, #tpu.memory_space<vmem_shared>>
      %dma_start3A_264 = arith.constant 0 : i32
      %dma_start3A_265 = tpu.memref_slice %arg2[%mul3A_8, %dma_start3A_264] : memref<10240x128xf32, #tpu.memory_space<hbm>> -> memref<640x64xf32, #tpu.memory_space<hbm>>
      tpu.enqueue_dma source(%dma_start3A_265 : memref<640x64xf32, #tpu.memory_space<hbm>>) target(%dma_start3A_263 : memref<640x64xf32, #tpu.memory_space<vmem_shared>>) target_semaphore(%run_scoped3A : memref<!tpu.dma_semaphore, #tpu.memory_space<semaphore_mem>>)
      %dma_wait3A_266 = arith.constant 0 : i32
      %dma_wait3A_267 = tpu.memref_slice %arg17[%mul3A_8, %dma_wait3A_266] : memref<10240x64xf32, #tpu.memory_space<vmem_shared>> -> memref<640x64xf32, #tpu.memory_space<vmem_shared>>
      %dma_wait3A_268 = arith.constant 0 : i32
      %dma_wait3A_269 = tpu.memref_slice %arg2[%mul3A_8, %dma_wait3A_268] : memref<10240x128xf32, #tpu.memory_space<hbm>> -> memref<640x64xf32, #tpu.memory_space<hbm>>
      tpu.wait_dma2 semaphore(%run_scoped3A : memref<!tpu.dma_semaphore, #tpu.memory_space<semaphore_mem>>) src(%dma_wait3A_269 : memref<640x64xf32, #tpu.memory_space<hbm>>) dst(%dma_wait3A_267 : memref<640x64xf32, #tpu.memory_space<vmem_shared>>)
      tpu.yield
    }) : () -> ()
    "tpu.region"() ({
      %run_scoped3A = tpu.sem_alloc : memref<!tpu.dma_semaphore, #tpu.memory_space<semaphore_mem>>
      tpu.enqueue_dma source(%arg4 : memref<128x64xf32, #tpu.memory_space<hbm>>) target(%arg12 : memref<128x64xf32, #tpu.memory_space<vmem>>) target_semaphore(%run_scoped3A : memref<!tpu.dma_semaphore, #tpu.memory_space<semaphore_mem>>)
      tpu.wait_dma2 semaphore(%run_scoped3A : memref<!tpu.dma_semaphore, #tpu.memory_space<semaphore_mem>>) src(%arg4 : memref<128x64xf32, #tpu.memory_space<hbm>>) dst(%arg12 : memref<128x64xf32, #tpu.memory_space<vmem>>)
      tpu.yield
    }) : () -> ()
    %mul3A_9 = arith.constant 640 : i32
    %mul3A_10 = arith.muli %arg1, %mul3A_9 : i32
    %add3A_11 = arith.constant 0 : i32
    %add3A_12 = arith.addi %mul3A_10, %add3A_11 : i32
    "tpu.region"() ({
      %run_scoped3A = tpu.sem_alloc : memref<!tpu.dma_semaphore, #tpu.memory_space<semaphore_mem>>
      %dma_start3A_262 = arith.constant 0 : i32
      %dma_start3A_263 = tpu.memref_slice %arg16[%add3A_12, %dma_start3A_262] : memref<10240x64xf32, #tpu.memory_space<vmem_shared>> -> memref<128x64xf32, #tpu.memory_space<vmem_shared>>
      %dma_start3A_264 = arith.constant 0 : i32
      %dma_start3A_265 = tpu.memref_slice %arg16[%add3A_12, %dma_start3A_264] : memref<10240x64xf32, #tpu.memory_space<vmem_shared>> -> memref<128x64xf32, #tpu.memory_space<vmem_shared>>
      tpu.enqueue_dma source(%arg12 : memref<128x64xf32, #tpu.memory_space<vmem>>) target(%dma_start3A_265 : memref<128x64xf32, #tpu.memory_space<vmem_shared>>) target_semaphore(%run_scoped3A : memref<!tpu.dma_semaphore, #tpu.memory_space<semaphore_mem>>)
      %dma_wait3A_266 = arith.constant 0 : i32
      %dma_wait3A_267 = tpu.memref_slice %arg16[%add3A_12, %dma_wait3A_266] : memref<10240x64xf32, #tpu.memory_space<vmem_shared>> -> memref<128x64xf32, #tpu.memory_space<vmem_shared>>
      %dma_wait3A_268 = arith.constant 0 : i32
      %dma_wait3A_269 = tpu.memref_slice %arg16[%add3A_12, %dma_wait3A_268] : memref<10240x64xf32, #tpu.memory_space<vmem_shared>> -> memref<128x64xf32, #tpu.memory_space<vmem_shared>>
      tpu.wait_dma2 semaphore(%run_scoped3A : memref<!tpu.dma_semaphore, #tpu.memory_space<semaphore_mem>>) src(%arg12 : memref<128x64xf32, #tpu.memory_space<vmem>>) dst(%dma_wait3A_269 : memref<128x64xf32, #tpu.memory_space<vmem_shared>>)
      tpu.yield
    }) : () -> ()
    %mul3A_13 = arith.constant 640 : i32
    %mul3A_14 = arith.muli %arg1, %mul3A_13 : i32
    %add3A_15 = arith.constant 128 : i32
    %add3A_16 = arith.addi %mul3A_14, %add3A_15 : i32
    "tpu.region"() ({
      %run_scoped3A = tpu.sem_alloc : memref<!tpu.dma_semaphore, #tpu.memory_space<semaphore_mem>>
      %dma_start3A_262 = arith.constant 0 : i32
      %dma_start3A_263 = tpu.memref_slice %arg16[%add3A_16, %dma_start3A_262] : memref<10240x64xf32, #tpu.memory_space<vmem_shared>> -> memref<128x64xf32, #tpu.memory_space<vmem_shared>>
      %dma_start3A_264 = arith.constant 0 : i32
      %dma_start3A_265 = tpu.memref_slice %arg16[%add3A_16, %dma_start3A_264] : memref<10240x64xf32, #tpu.memory_space<vmem_shared>> -> memref<128x64xf32, #tpu.memory_space<vmem_shared>>
      tpu.enqueue_dma source(%arg12 : memref<128x64xf32, #tpu.memory_space<vmem>>) target(%dma_start3A_265 : memref<128x64xf32, #tpu.memory_space<vmem_shared>>) target_semaphore(%run_scoped3A : memref<!tpu.dma_semaphore, #tpu.memory_space<semaphore_mem>>)
      %dma_wait3A_266 = arith.constant 0 : i32
      %dma_wait3A_267 = tpu.memref_slice %arg16[%add3A_16, %dma_wait3A_266] : memref<10240x64xf32, #tpu.memory_space<vmem_shared>> -> memref<128x64xf32, #tpu.memory_space<vmem_shared>>
      %dma_wait3A_268 = arith.constant 0 : i32
      %dma_wait3A_269 = tpu.memref_slice %arg16[%add3A_16, %dma_wait3A_268] : memref<10240x64xf32, #tpu.memory_space<vmem_shared>> -> memref<128x64xf32, #tpu.memory_space<vmem_shared>>
      tpu.wait_dma2 semaphore(%run_scoped3A : memref<!tpu.dma_semaphore, #tpu.memory_space<semaphore_mem>>) src(%arg12 : memref<128x64xf32, #tpu.memory_space<vmem>>) dst(%dma_wait3A_269 : memref<128x64xf32, #tpu.memory_space<vmem_shared>>)
      tpu.yield
    }) : () -> ()
    %mul3A_17 = arith.constant 640 : i32
    %mul3A_18 = arith.muli %arg1, %mul3A_17 : i32
    %add3A_19 = arith.constant 256 : i32
    %add3A_20 = arith.addi %mul3A_18, %add3A_19 : i32
    "tpu.region"() ({
      %run_scoped3A = tpu.sem_alloc : memref<!tpu.dma_semaphore, #tpu.memory_space<semaphore_mem>>
      %dma_start3A_262 = arith.constant 0 : i32
      %dma_start3A_263 = tpu.memref_slice %arg16[%add3A_20, %dma_start3A_262] : memref<10240x64xf32, #tpu.memory_space<vmem_shared>> -> memref<128x64xf32, #tpu.memory_space<vmem_shared>>
      %dma_start3A_264 = arith.constant 0 : i32
      %dma_start3A_265 = tpu.memref_slice %arg16[%add3A_20, %dma_start3A_264] : memref<10240x64xf32, #tpu.memory_space<vmem_shared>> -> memref<128x64xf32, #tpu.memory_space<vmem_shared>>
      tpu.enqueue_dma source(%arg12 : memref<128x64xf32, #tpu.memory_space<vmem>>) target(%dma_start3A_265 : memref<128x64xf32, #tpu.memory_space<vmem_shared>>) target_semaphore(%run_scoped3A : memref<!tpu.dma_semaphore, #tpu.memory_space<semaphore_mem>>)
      %dma_wait3A_266 = arith.constant 0 : i32
      %dma_wait3A_267 = tpu.memref_slice %arg16[%add3A_20, %dma_wait3A_266] : memref<10240x64xf32, #tpu.memory_space<vmem_shared>> -> memref<128x64xf32, #tpu.memory_space<vmem_shared>>
      %dma_wait3A_268 = arith.constant 0 : i32
      %dma_wait3A_269 = tpu.memref_slice %arg16[%add3A_20, %dma_wait3A_268] : memref<10240x64xf32, #tpu.memory_space<vmem_shared>> -> memref<128x64xf32, #tpu.memory_space<vmem_shared>>
      tpu.wait_dma2 semaphore(%run_scoped3A : memref<!tpu.dma_semaphore, #tpu.memory_space<semaphore_mem>>) src(%arg12 : memref<128x64xf32, #tpu.memory_space<vmem>>) dst(%dma_wait3A_269 : memref<128x64xf32, #tpu.memory_space<vmem_shared>>)
      tpu.yield
    }) : () -> ()
    %mul3A_21 = arith.constant 640 : i32
    %mul3A_22 = arith.muli %arg1, %mul3A_21 : i32
    %add3A_23 = arith.constant 384 : i32
    %add3A_24 = arith.addi %mul3A_22, %add3A_23 : i32
    "tpu.region"() ({
      %run_scoped3A = tpu.sem_alloc : memref<!tpu.dma_semaphore, #tpu.memory_space<semaphore_mem>>
      %dma_start3A_262 = arith.constant 0 : i32
      %dma_start3A_263 = tpu.memref_slice %arg16[%add3A_24, %dma_start3A_262] : memref<10240x64xf32, #tpu.memory_space<vmem_shared>> -> memref<128x64xf32, #tpu.memory_space<vmem_shared>>
      %dma_start3A_264 = arith.constant 0 : i32
      %dma_start3A_265 = tpu.memref_slice %arg16[%add3A_24, %dma_start3A_264] : memref<10240x64xf32, #tpu.memory_space<vmem_shared>> -> memref<128x64xf32, #tpu.memory_space<vmem_shared>>
      tpu.enqueue_dma source(%arg12 : memref<128x64xf32, #tpu.memory_space<vmem>>) target(%dma_start3A_265 : memref<128x64xf32, #tpu.memory_space<vmem_shared>>) target_semaphore(%run_scoped3A : memref<!tpu.dma_semaphore, #tpu.memory_space<semaphore_mem>>)
      %dma_wait3A_266 = arith.constant 0 : i32
      %dma_wait3A_267 = tpu.memref_slice %arg16[%add3A_24, %dma_wait3A_266] : memref<10240x64xf32, #tpu.memory_space<vmem_shared>> -> memref<128x64xf32, #tpu.memory_space<vmem_shared>>
      %dma_wait3A_268 = arith.constant 0 : i32
      %dma_wait3A_269 = tpu.memref_slice %arg16[%add3A_24, %dma_wait3A_268] : memref<10240x64xf32, #tpu.memory_space<vmem_shared>> -> memref<128x64xf32, #tpu.memory_space<vmem_shared>>
      tpu.wait_dma2 semaphore(%run_scoped3A : memref<!tpu.dma_semaphore, #tpu.memory_space<semaphore_mem>>) src(%arg12 : memref<128x64xf32, #tpu.memory_space<vmem>>) dst(%dma_wait3A_269 : memref<128x64xf32, #tpu.memory_space<vmem_shared>>)
      tpu.yield
    }) : () -> ()
    %mul3A_25 = arith.constant 640 : i32
    %mul3A_26 = arith.muli %arg1, %mul3A_25 : i32
    %add3A_27 = arith.constant 512 : i32
    %add3A_28 = arith.addi %mul3A_26, %add3A_27 : i32
    "tpu.region"() ({
      %run_scoped3A = tpu.sem_alloc : memref<!tpu.dma_semaphore, #tpu.memory_space<semaphore_mem>>
      %dma_start3A_262 = arith.constant 0 : i32
      %dma_start3A_263 = tpu.memref_slice %arg16[%add3A_28, %dma_start3A_262] : memref<10240x64xf32, #tpu.memory_space<vmem_shared>> -> memref<128x64xf32, #tpu.memory_space<vmem_shared>>
      %dma_start3A_264 = arith.constant 0 : i32
      %dma_start3A_265 = tpu.memref_slice %arg16[%add3A_28, %dma_start3A_264] : memref<10240x64xf32, #tpu.memory_space<vmem_shared>> -> memref<128x64xf32, #tpu.memory_space<vmem_shared>>
      tpu.enqueue_dma source(%arg12 : memref<128x64xf32, #tpu.memory_space<vmem>>) target(%dma_start3A_265 : memref<128x64xf32, #tpu.memory_space<vmem_shared>>) target_semaphore(%run_scoped3A : memref<!tpu.dma_semaphore, #tpu.memory_space<semaphore_mem>>)
      %dma_wait3A_266 = arith.constant 0 : i32
      %dma_wait3A_267 = tpu.memref_slice %arg16[%add3A_28, %dma_wait3A_266] : memref<10240x64xf32, #tpu.memory_space<vmem_shared>> -> memref<128x64xf32, #tpu.memory_space<vmem_shared>>
      %dma_wait3A_268 = arith.constant 0 : i32
      %dma_wait3A_269 = tpu.memref_slice %arg16[%add3A_28, %dma_wait3A_268] : memref<10240x64xf32, #tpu.memory_space<vmem_shared>> -> memref<128x64xf32, #tpu.memory_space<vmem_shared>>
      tpu.wait_dma2 semaphore(%run_scoped3A : memref<!tpu.dma_semaphore, #tpu.memory_space<semaphore_mem>>) src(%arg12 : memref<128x64xf32, #tpu.memory_space<vmem>>) dst(%dma_wait3A_269 : memref<128x64xf32, #tpu.memory_space<vmem_shared>>)
      tpu.yield
    }) : () -> ()
    %barrier3A = arith.constant 0 : index
    tpu.barrier barrier_id(%barrier3A)
    %add3A_29 = arith.constant 0 : i32
    %add3A_30 = arith.addi %mul3A_2, %add3A_29 : i32
    %dma_start3A = arith.constant 0 : i32
    %dma_start3A_31 = arith.constant 0 : i32
    %dma_start3A_32 = arith.constant 0 : i32
    %dma_start3A_33 = tpu.memref_slice %arg6[%dma_start3A_31, %dma_start3A_32] : memref<2x128xi32, #tpu.memory_space<vmem>> -> memref<1x128xi32, #tpu.memory_space<vmem>>
    %dma_start3A_34 = arith.constant 0 : i32
    %dma_start3A_35 = tpu.memref_slice %arg3[%dma_start3A, %add3A_30, %dma_start3A_34] : memref<2x2500x128xi32, #tpu.memory_space<hbm>> -> memref<1x1x128xi32, #tpu.memory_space<hbm>>
    %dma_start3A_36 = tpu.memref_squeeze %dma_start3A_35 : memref<1x1x128xi32, #tpu.memory_space<hbm>> -> memref<1x128xi32, #tpu.memory_space<hbm>>
    %dma_start3A_37 = arith.constant 0 : i32
    %dma_start3A_38 = arith.constant 0 : i32
    %dma_start3A_39 = tpu.memref_slice %arg6[%dma_start3A_37, %dma_start3A_38] : memref<2x128xi32, #tpu.memory_space<vmem>> -> memref<1x128xi32, #tpu.memory_space<vmem>>
    %dma_start3A_40 = arith.constant 0 : i32
    %dma_start3A_41 = tpu.memref_slice %arg3[%dma_start3A, %add3A_30, %dma_start3A_40] : memref<2x2500x128xi32, #tpu.memory_space<hbm>> -> memref<1x1x128xi32, #tpu.memory_space<hbm>>
    %dma_start3A_42 = tpu.memref_squeeze %dma_start3A_41 : memref<1x1x128xi32, #tpu.memory_space<hbm>> -> memref<1x128xi32, #tpu.memory_space<hbm>>
    tpu.enqueue_dma source(%dma_start3A_42 : memref<1x128xi32, #tpu.memory_space<hbm>>) target(%dma_start3A_39 : memref<1x128xi32, #tpu.memory_space<vmem>>) target_semaphore(%arg18 : memref<!tpu.dma_semaphore, #tpu.memory_space<semaphore_mem>>)
    %add3A_43 = arith.constant 0 : i32
    %add3A_44 = arith.addi %mul3A_2, %add3A_43 : i32
    %dma_start3A_45 = arith.constant 1 : i32
    %dma_start3A_46 = arith.constant 1 : i32
    %dma_start3A_47 = arith.constant 0 : i32
    %dma_start3A_48 = tpu.memref_slice %arg6[%dma_start3A_46, %dma_start3A_47] : memref<2x128xi32, #tpu.memory_space<vmem>> -> memref<1x128xi32, #tpu.memory_space<vmem>>
    %dma_start3A_49 = arith.constant 0 : i32
    %dma_start3A_50 = tpu.memref_slice %arg3[%dma_start3A_45, %add3A_44, %dma_start3A_49] : memref<2x2500x128xi32, #tpu.memory_space<hbm>> -> memref<1x1x128xi32, #tpu.memory_space<hbm>>
    %dma_start3A_51 = tpu.memref_squeeze %dma_start3A_50 : memref<1x1x128xi32, #tpu.memory_space<hbm>> -> memref<1x128xi32, #tpu.memory_space<hbm>>
    %dma_start3A_52 = arith.constant 1 : i32
    %dma_start3A_53 = arith.constant 0 : i32
    %dma_start3A_54 = tpu.memref_slice %arg6[%dma_start3A_52, %dma_start3A_53] : memref<2x128xi32, #tpu.memory_space<vmem>> -> memref<1x128xi32, #tpu.memory_space<vmem>>
    %dma_start3A_55 = arith.constant 0 : i32
    %dma_start3A_56 = tpu.memref_slice %arg3[%dma_start3A_45, %add3A_44, %dma_start3A_55] : memref<2x2500x128xi32, #tpu.memory_space<hbm>> -> memref<1x1x128xi32, #tpu.memory_space<hbm>>
    %dma_start3A_57 = tpu.memref_squeeze %dma_start3A_56 : memref<1x1x128xi32, #tpu.memory_space<hbm>> -> memref<1x128xi32, #tpu.memory_space<hbm>>
    tpu.enqueue_dma source(%dma_start3A_57 : memref<1x128xi32, #tpu.memory_space<hbm>>) target(%dma_start3A_54 : memref<1x128xi32, #tpu.memory_space<vmem>>) target_semaphore(%arg18 : memref<!tpu.dma_semaphore, #tpu.memory_space<semaphore_mem>>)
    %add3A_58 = arith.constant 1 : i32
    %add3A_59 = arith.addi %mul3A_2, %add3A_58 : i32
    %dma_start3A_60 = arith.constant 0 : i32
    %dma_start3A_61 = arith.constant 0 : i32
    %dma_start3A_62 = arith.constant 0 : i32
    %dma_start3A_63 = tpu.memref_slice %arg7[%dma_start3A_61, %dma_start3A_62] : memref<2x128xi32, #tpu.memory_space<vmem>> -> memref<1x128xi32, #tpu.memory_space<vmem>>
    %dma_start3A_64 = arith.constant 0 : i32
    %dma_start3A_65 = tpu.memref_slice %arg3[%dma_start3A_60, %add3A_59, %dma_start3A_64] : memref<2x2500x128xi32, #tpu.memory_space<hbm>> -> memref<1x1x128xi32, #tpu.memory_space<hbm>>
    %dma_start3A_66 = tpu.memref_squeeze %dma_start3A_65 : memref<1x1x128xi32, #tpu.memory_space<hbm>> -> memref<1x128xi32, #tpu.memory_space<hbm>>
    %dma_start3A_67 = arith.constant 0 : i32
    %dma_start3A_68 = arith.constant 0 : i32
    %dma_start3A_69 = tpu.memref_slice %arg7[%dma_start3A_67, %dma_start3A_68] : memref<2x128xi32, #tpu.memory_space<vmem>> -> memref<1x128xi32, #tpu.memory_space<vmem>>
    %dma_start3A_70 = arith.constant 0 : i32
    %dma_start3A_71 = tpu.memref_slice %arg3[%dma_start3A_60, %add3A_59, %dma_start3A_70] : memref<2x2500x128xi32, #tpu.memory_space<hbm>> -> memref<1x1x128xi32, #tpu.memory_space<hbm>>
    %dma_start3A_72 = tpu.memref_squeeze %dma_start3A_71 : memref<1x1x128xi32, #tpu.memory_space<hbm>> -> memref<1x128xi32, #tpu.memory_space<hbm>>
    tpu.enqueue_dma source(%dma_start3A_72 : memref<1x128xi32, #tpu.memory_space<hbm>>) target(%dma_start3A_69 : memref<1x128xi32, #tpu.memory_space<vmem>>) target_semaphore(%arg19 : memref<!tpu.dma_semaphore, #tpu.memory_space<semaphore_mem>>)
    %add3A_73 = arith.constant 1 : i32
    %add3A_74 = arith.addi %mul3A_2, %add3A_73 : i32
    %dma_start3A_75 = arith.constant 1 : i32
    %dma_start3A_76 = arith.constant 1 : i32
    %dma_start3A_77 = arith.constant 0 : i32
    %dma_start3A_78 = tpu.memref_slice %arg7[%dma_start3A_76, %dma_start3A_77] : memref<2x128xi32, #tpu.memory_space<vmem>> -> memref<1x128xi32, #tpu.memory_space<vmem>>
    %dma_start3A_79 = arith.constant 0 : i32
    %dma_start3A_80 = tpu.memref_slice %arg3[%dma_start3A_75, %add3A_74, %dma_start3A_79] : memref<2x2500x128xi32, #tpu.memory_space<hbm>> -> memref<1x1x128xi32, #tpu.memory_space<hbm>>
    %dma_start3A_81 = tpu.memref_squeeze %dma_start3A_80 : memref<1x1x128xi32, #tpu.memory_space<hbm>> -> memref<1x128xi32, #tpu.memory_space<hbm>>
    %dma_start3A_82 = arith.constant 1 : i32
    %dma_start3A_83 = arith.constant 0 : i32
    %dma_start3A_84 = tpu.memref_slice %arg7[%dma_start3A_82, %dma_start3A_83] : memref<2x128xi32, #tpu.memory_space<vmem>> -> memref<1x128xi32, #tpu.memory_space<vmem>>
    %dma_start3A_85 = arith.constant 0 : i32
    %dma_start3A_86 = tpu.memref_slice %arg3[%dma_start3A_75, %add3A_74, %dma_start3A_85] : memref<2x2500x128xi32, #tpu.memory_space<hbm>> -> memref<1x1x128xi32, #tpu.memory_space<hbm>>
    %dma_start3A_87 = tpu.memref_squeeze %dma_start3A_86 : memref<1x1x128xi32, #tpu.memory_space<hbm>> -> memref<1x128xi32, #tpu.memory_space<hbm>>
    tpu.enqueue_dma source(%dma_start3A_87 : memref<1x128xi32, #tpu.memory_space<hbm>>) target(%dma_start3A_84 : memref<1x128xi32, #tpu.memory_space<vmem>>) target_semaphore(%arg19 : memref<!tpu.dma_semaphore, #tpu.memory_space<semaphore_mem>>)
    %add3A_88 = arith.constant 2 : i32
    %add3A_89 = arith.addi %mul3A_2, %add3A_88 : i32
    %dma_start3A_90 = arith.constant 0 : i32
    %dma_start3A_91 = arith.constant 0 : i32
    %dma_start3A_92 = arith.constant 0 : i32
    %dma_start3A_93 = tpu.memref_slice %arg8[%dma_start3A_91, %dma_start3A_92] : memref<2x128xi32, #tpu.memory_space<vmem>> -> memref<1x128xi32, #tpu.memory_space<vmem>>
    %dma_start3A_94 = arith.constant 0 : i32
    %dma_start3A_95 = tpu.memref_slice %arg3[%dma_start3A_90, %add3A_89, %dma_start3A_94] : memref<2x2500x128xi32, #tpu.memory_space<hbm>> -> memref<1x1x128xi32, #tpu.memory_space<hbm>>
    %dma_start3A_96 = tpu.memref_squeeze %dma_start3A_95 : memref<1x1x128xi32, #tpu.memory_space<hbm>> -> memref<1x128xi32, #tpu.memory_space<hbm>>
    %dma_start3A_97 = arith.constant 0 : i32
    %dma_start3A_98 = arith.constant 0 : i32
    %dma_start3A_99 = tpu.memref_slice %arg8[%dma_start3A_97, %dma_start3A_98] : memref<2x128xi32, #tpu.memory_space<vmem>> -> memref<1x128xi32, #tpu.memory_space<vmem>>
    %dma_start3A_100 = arith.constant 0 : i32
    %dma_start3A_101 = tpu.memref_slice %arg3[%dma_start3A_90, %add3A_89, %dma_start3A_100] : memref<2x2500x128xi32, #tpu.memory_space<hbm>> -> memref<1x1x128xi32, #tpu.memory_space<hbm>>
    %dma_start3A_102 = tpu.memref_squeeze %dma_start3A_101 : memref<1x1x128xi32, #tpu.memory_space<hbm>> -> memref<1x128xi32, #tpu.memory_space<hbm>>
    tpu.enqueue_dma source(%dma_start3A_102 : memref<1x128xi32, #tpu.memory_space<hbm>>) target(%dma_start3A_99 : memref<1x128xi32, #tpu.memory_space<vmem>>) target_semaphore(%arg20 : memref<!tpu.dma_semaphore, #tpu.memory_space<semaphore_mem>>)
    %add3A_103 = arith.constant 2 : i32
    %add3A_104 = arith.addi %mul3A_2, %add3A_103 : i32
    %dma_start3A_105 = arith.constant 1 : i32
    %dma_start3A_106 = arith.constant 1 : i32
    %dma_start3A_107 = arith.constant 0 : i32
    %dma_start3A_108 = tpu.memref_slice %arg8[%dma_start3A_106, %dma_start3A_107] : memref<2x128xi32, #tpu.memory_space<vmem>> -> memref<1x128xi32, #tpu.memory_space<vmem>>
    %dma_start3A_109 = arith.constant 0 : i32
    %dma_start3A_110 = tpu.memref_slice %arg3[%dma_start3A_105, %add3A_104, %dma_start3A_109] : memref<2x2500x128xi32, #tpu.memory_space<hbm>> -> memref<1x1x128xi32, #tpu.memory_space<hbm>>
    %dma_start3A_111 = tpu.memref_squeeze %dma_start3A_110 : memref<1x1x128xi32, #tpu.memory_space<hbm>> -> memref<1x128xi32, #tpu.memory_space<hbm>>
    %dma_start3A_112 = arith.constant 1 : i32
    %dma_start3A_113 = arith.constant 0 : i32
    %dma_start3A_114 = tpu.memref_slice %arg8[%dma_start3A_112, %dma_start3A_113] : memref<2x128xi32, #tpu.memory_space<vmem>> -> memref<1x128xi32, #tpu.memory_space<vmem>>
    %dma_start3A_115 = arith.constant 0 : i32
    %dma_start3A_116 = tpu.memref_slice %arg3[%dma_start3A_105, %add3A_104, %dma_start3A_115] : memref<2x2500x128xi32, #tpu.memory_space<hbm>> -> memref<1x1x128xi32, #tpu.memory_space<hbm>>
    %dma_start3A_117 = tpu.memref_squeeze %dma_start3A_116 : memref<1x1x128xi32, #tpu.memory_space<hbm>> -> memref<1x128xi32, #tpu.memory_space<hbm>>
    tpu.enqueue_dma source(%dma_start3A_117 : memref<1x128xi32, #tpu.memory_space<hbm>>) target(%dma_start3A_114 : memref<1x128xi32, #tpu.memory_space<vmem>>) target_semaphore(%arg20 : memref<!tpu.dma_semaphore, #tpu.memory_space<semaphore_mem>>)
    %add3A_118 = arith.constant 3 : i32
    %add3A_119 = arith.addi %mul3A_2, %add3A_118 : i32
    %dma_start3A_120 = arith.constant 0 : i32
    %dma_start3A_121 = arith.constant 0 : i32
    %dma_start3A_122 = arith.constant 0 : i32
    %dma_start3A_123 = tpu.memref_slice %arg9[%dma_start3A_121, %dma_start3A_122] : memref<2x128xi32, #tpu.memory_space<vmem>> -> memref<1x128xi32, #tpu.memory_space<vmem>>
    %dma_start3A_124 = arith.constant 0 : i32
    %dma_start3A_125 = tpu.memref_slice %arg3[%dma_start3A_120, %add3A_119, %dma_start3A_124] : memref<2x2500x128xi32, #tpu.memory_space<hbm>> -> memref<1x1x128xi32, #tpu.memory_space<hbm>>
    %dma_start3A_126 = tpu.memref_squeeze %dma_start3A_125 : memref<1x1x128xi32, #tpu.memory_space<hbm>> -> memref<1x128xi32, #tpu.memory_space<hbm>>
    %dma_start3A_127 = arith.constant 0 : i32
    %dma_start3A_128 = arith.constant 0 : i32
    %dma_start3A_129 = tpu.memref_slice %arg9[%dma_start3A_127, %dma_start3A_128] : memref<2x128xi32, #tpu.memory_space<vmem>> -> memref<1x128xi32, #tpu.memory_space<vmem>>
    %dma_start3A_130 = arith.constant 0 : i32
    %dma_start3A_131 = tpu.memref_slice %arg3[%dma_start3A_120, %add3A_119, %dma_start3A_130] : memref<2x2500x128xi32, #tpu.memory_space<hbm>> -> memref<1x1x128xi32, #tpu.memory_space<hbm>>
    %dma_start3A_132 = tpu.memref_squeeze %dma_start3A_131 : memref<1x1x128xi32, #tpu.memory_space<hbm>> -> memref<1x128xi32, #tpu.memory_space<hbm>>
    tpu.enqueue_dma source(%dma_start3A_132 : memref<1x128xi32, #tpu.memory_space<hbm>>) target(%dma_start3A_129 : memref<1x128xi32, #tpu.memory_space<vmem>>) target_semaphore(%arg21 : memref<!tpu.dma_semaphore, #tpu.memory_space<semaphore_mem>>)
    %add3A_133 = arith.constant 3 : i32
    %add3A_134 = arith.addi %mul3A_2, %add3A_133 : i32
    %dma_start3A_135 = arith.constant 1 : i32
    %dma_start3A_136 = arith.constant 1 : i32
    %dma_start3A_137 = arith.constant 0 : i32
    %dma_start3A_138 = tpu.memref_slice %arg9[%dma_start3A_136, %dma_start3A_137] : memref<2x128xi32, #tpu.memory_space<vmem>> -> memref<1x128xi32, #tpu.memory_space<vmem>>
    %dma_start3A_139 = arith.constant 0 : i32
    %dma_start3A_140 = tpu.memref_slice %arg3[%dma_start3A_135, %add3A_134, %dma_start3A_139] : memref<2x2500x128xi32, #tpu.memory_space<hbm>> -> memref<1x1x128xi32, #tpu.memory_space<hbm>>
    %dma_start3A_141 = tpu.memref_squeeze %dma_start3A_140 : memref<1x1x128xi32, #tpu.memory_space<hbm>> -> memref<1x128xi32, #tpu.memory_space<hbm>>
    %dma_start3A_142 = arith.constant 1 : i32
    %dma_start3A_143 = arith.constant 0 : i32
    %dma_start3A_144 = tpu.memref_slice %arg9[%dma_start3A_142, %dma_start3A_143] : memref<2x128xi32, #tpu.memory_space<vmem>> -> memref<1x128xi32, #tpu.memory_space<vmem>>
    %dma_start3A_145 = arith.constant 0 : i32
    %dma_start3A_146 = tpu.memref_slice %arg3[%dma_start3A_135, %add3A_134, %dma_start3A_145] : memref<2x2500x128xi32, #tpu.memory_space<hbm>> -> memref<1x1x128xi32, #tpu.memory_space<hbm>>
    %dma_start3A_147 = tpu.memref_squeeze %dma_start3A_146 : memref<1x1x128xi32, #tpu.memory_space<hbm>> -> memref<1x128xi32, #tpu.memory_space<hbm>>
    tpu.enqueue_dma source(%dma_start3A_147 : memref<1x128xi32, #tpu.memory_space<hbm>>) target(%dma_start3A_144 : memref<1x128xi32, #tpu.memory_space<vmem>>) target_semaphore(%arg21 : memref<!tpu.dma_semaphore, #tpu.memory_space<semaphore_mem>>)
    %add3A_148 = arith.constant 4 : i32
    %add3A_149 = arith.addi %mul3A_2, %add3A_148 : i32
    %dma_start3A_150 = arith.constant 0 : i32
    %dma_start3A_151 = arith.constant 0 : i32
    %dma_start3A_152 = arith.constant 0 : i32
    %dma_start3A_153 = tpu.memref_slice %arg10[%dma_start3A_151, %dma_start3A_152] : memref<2x128xi32, #tpu.memory_space<vmem>> -> memref<1x128xi32, #tpu.memory_space<vmem>>
    %dma_start3A_154 = arith.constant 0 : i32
    %dma_start3A_155 = tpu.memref_slice %arg3[%dma_start3A_150, %add3A_149, %dma_start3A_154] : memref<2x2500x128xi32, #tpu.memory_space<hbm>> -> memref<1x1x128xi32, #tpu.memory_space<hbm>>
    %dma_start3A_156 = tpu.memref_squeeze %dma_start3A_155 : memref<1x1x128xi32, #tpu.memory_space<hbm>> -> memref<1x128xi32, #tpu.memory_space<hbm>>
    %dma_start3A_157 = arith.constant 0 : i32
    %dma_start3A_158 = arith.constant 0 : i32
    %dma_start3A_159 = tpu.memref_slice %arg10[%dma_start3A_157, %dma_start3A_158] : memref<2x128xi32, #tpu.memory_space<vmem>> -> memref<1x128xi32, #tpu.memory_space<vmem>>
    %dma_start3A_160 = arith.constant 0 : i32
    %dma_start3A_161 = tpu.memref_slice %arg3[%dma_start3A_150, %add3A_149, %dma_start3A_160] : memref<2x2500x128xi32, #tpu.memory_space<hbm>> -> memref<1x1x128xi32, #tpu.memory_space<hbm>>
    %dma_start3A_162 = tpu.memref_squeeze %dma_start3A_161 : memref<1x1x128xi32, #tpu.memory_space<hbm>> -> memref<1x128xi32, #tpu.memory_space<hbm>>
    tpu.enqueue_dma source(%dma_start3A_162 : memref<1x128xi32, #tpu.memory_space<hbm>>) target(%dma_start3A_159 : memref<1x128xi32, #tpu.memory_space<vmem>>) target_semaphore(%arg22 : memref<!tpu.dma_semaphore, #tpu.memory_space<semaphore_mem>>)
    %add3A_163 = arith.constant 4 : i32
    %add3A_164 = arith.addi %mul3A_2, %add3A_163 : i32
    %dma_start3A_165 = arith.constant 1 : i32
    %dma_start3A_166 = arith.constant 1 : i32
    %dma_start3A_167 = arith.constant 0 : i32
    %dma_start3A_168 = tpu.memref_slice %arg10[%dma_start3A_166, %dma_start3A_167] : memref<2x128xi32, #tpu.memory_space<vmem>> -> memref<1x128xi32, #tpu.memory_space<vmem>>
    %dma_start3A_169 = arith.constant 0 : i32
    %dma_start3A_170 = tpu.memref_slice %arg3[%dma_start3A_165, %add3A_164, %dma_start3A_169] : memref<2x2500x128xi32, #tpu.memory_space<hbm>> -> memref<1x1x128xi32, #tpu.memory_space<hbm>>
    %dma_start3A_171 = tpu.memref_squeeze %dma_start3A_170 : memref<1x1x128xi32, #tpu.memory_space<hbm>> -> memref<1x128xi32, #tpu.memory_space<hbm>>
    %dma_start3A_172 = arith.constant 1 : i32
    %dma_start3A_173 = arith.constant 0 : i32
    %dma_start3A_174 = tpu.memref_slice %arg10[%dma_start3A_172, %dma_start3A_173] : memref<2x128xi32, #tpu.memory_space<vmem>> -> memref<1x128xi32, #tpu.memory_space<vmem>>
    %dma_start3A_175 = arith.constant 0 : i32
    %dma_start3A_176 = tpu.memref_slice %arg3[%dma_start3A_165, %add3A_164, %dma_start3A_175] : memref<2x2500x128xi32, #tpu.memory_space<hbm>> -> memref<1x1x128xi32, #tpu.memory_space<hbm>>
    %dma_start3A_177 = tpu.memref_squeeze %dma_start3A_176 : memref<1x1x128xi32, #tpu.memory_space<hbm>> -> memref<1x128xi32, #tpu.memory_space<hbm>>
    tpu.enqueue_dma source(%dma_start3A_177 : memref<1x128xi32, #tpu.memory_space<hbm>>) target(%dma_start3A_174 : memref<1x128xi32, #tpu.memory_space<vmem>>) target_semaphore(%arg22 : memref<!tpu.dma_semaphore, #tpu.memory_space<semaphore_mem>>)
    %add3A_178 = arith.constant 5 : i32
    %add3A_179 = arith.addi %mul3A_2, %add3A_178 : i32
    %dma_start3A_180 = arith.constant 0 : i32
    %dma_start3A_181 = arith.constant 0 : i32
    %dma_start3A_182 = arith.constant 0 : i32
    %dma_start3A_183 = tpu.memref_slice %arg11[%dma_start3A_181, %dma_start3A_182] : memref<2x128xi32, #tpu.memory_space<vmem>> -> memref<1x128xi32, #tpu.memory_space<vmem>>
    %dma_start3A_184 = arith.constant 0 : i32
    %dma_start3A_185 = tpu.memref_slice %arg3[%dma_start3A_180, %add3A_179, %dma_start3A_184] : memref<2x2500x128xi32, #tpu.memory_space<hbm>> -> memref<1x1x128xi32, #tpu.memory_space<hbm>>
    %dma_start3A_186 = tpu.memref_squeeze %dma_start3A_185 : memref<1x1x128xi32, #tpu.memory_space<hbm>> -> memref<1x128xi32, #tpu.memory_space<hbm>>
    %dma_start3A_187 = arith.constant 0 : i32
    %dma_start3A_188 = arith.constant 0 : i32
    %dma_start3A_189 = tpu.memref_slice %arg11[%dma_start3A_187, %dma_start3A_188] : memref<2x128xi32, #tpu.memory_space<vmem>> -> memref<1x128xi32, #tpu.memory_space<vmem>>
    %dma_start3A_190 = arith.constant 0 : i32
    %dma_start3A_191 = tpu.memref_slice %arg3[%dma_start3A_180, %add3A_179, %dma_start3A_190] : memref<2x2500x128xi32, #tpu.memory_space<hbm>> -> memref<1x1x128xi32, #tpu.memory_space<hbm>>
    %dma_start3A_192 = tpu.memref_squeeze %dma_start3A_191 : memref<1x1x128xi32, #tpu.memory_space<hbm>> -> memref<1x128xi32, #tpu.memory_space<hbm>>
    tpu.enqueue_dma source(%dma_start3A_192 : memref<1x128xi32, #tpu.memory_space<hbm>>) target(%dma_start3A_189 : memref<1x128xi32, #tpu.memory_space<vmem>>) target_semaphore(%arg23 : memref<!tpu.dma_semaphore, #tpu.memory_space<semaphore_mem>>)
    %add3A_193 = arith.constant 5 : i32
    %add3A_194 = arith.addi %mul3A_2, %add3A_193 : i32
    %dma_start3A_195 = arith.constant 1 : i32
    %dma_start3A_196 = arith.constant 1 : i32
    %dma_start3A_197 = arith.constant 0 : i32
    %dma_start3A_198 = tpu.memref_slice %arg11[%dma_start3A_196, %dma_start3A_197] : memref<2x128xi32, #tpu.memory_space<vmem>> -> memref<1x128xi32, #tpu.memory_space<vmem>>
    %dma_start3A_199 = arith.constant 0 : i32
    %dma_start3A_200 = tpu.memref_slice %arg3[%dma_start3A_195, %add3A_194, %dma_start3A_199] : memref<2x2500x128xi32, #tpu.memory_space<hbm>> -> memref<1x1x128xi32, #tpu.memory_space<hbm>>
    %dma_start3A_201 = tpu.memref_squeeze %dma_start3A_200 : memref<1x1x128xi32, #tpu.memory_space<hbm>> -> memref<1x128xi32, #tpu.memory_space<hbm>>
    %dma_start3A_202 = arith.constant 1 : i32
    %dma_start3A_203 = arith.constant 0 : i32
    %dma_start3A_204 = tpu.memref_slice %arg11[%dma_start3A_202, %dma_start3A_203] : memref<2x128xi32, #tpu.memory_space<vmem>> -> memref<1x128xi32, #tpu.memory_space<vmem>>
    %dma_start3A_205 = arith.constant 0 : i32
    %dma_start3A_206 = tpu.memref_slice %arg3[%dma_start3A_195, %add3A_194, %dma_start3A_205] : memref<2x2500x128xi32, #tpu.memory_space<hbm>> -> memref<1x1x128xi32, #tpu.memory_space<hbm>>
    %dma_start3A_207 = tpu.memref_squeeze %dma_start3A_206 : memref<1x1x128xi32, #tpu.memory_space<hbm>> -> memref<1x128xi32, #tpu.memory_space<hbm>>
    tpu.enqueue_dma source(%dma_start3A_207 : memref<1x128xi32, #tpu.memory_space<hbm>>) target(%dma_start3A_204 : memref<1x128xi32, #tpu.memory_space<vmem>>) target_semaphore(%arg23 : memref<!tpu.dma_semaphore, #tpu.memory_space<semaphore_mem>>)
    %dma_wait3A = arith.constant 0 : i32
    %dma_wait3A_208 = arith.constant 0 : i32
    %dma_wait3A_209 = tpu.memref_slice %arg3[%dma_wait3A, %mul3A_2, %dma_wait3A_208] : memref<2x2500x128xi32, #tpu.memory_space<hbm>> -> memref<1x2x128xi32, #tpu.memory_space<hbm>>
    %dma_wait3A_210 = tpu.memref_squeeze %dma_wait3A_209 : memref<1x2x128xi32, #tpu.memory_space<hbm>> -> memref<2x128xi32, #tpu.memory_space<hbm>>
    %dma_wait3A_211 = arith.constant 0 : i32
    %dma_wait3A_212 = tpu.memref_slice %arg3[%dma_wait3A, %mul3A_2, %dma_wait3A_211] : memref<2x2500x128xi32, #tpu.memory_space<hbm>> -> memref<1x2x128xi32, #tpu.memory_space<hbm>>
    %dma_wait3A_213 = tpu.memref_squeeze %dma_wait3A_212 : memref<1x2x128xi32, #tpu.memory_space<hbm>> -> memref<2x128xi32, #tpu.memory_space<hbm>>
    tpu.wait_dma2 semaphore(%arg18 : memref<!tpu.dma_semaphore, #tpu.memory_space<semaphore_mem>>) src(%dma_wait3A_213 : memref<2x128xi32, #tpu.memory_space<hbm>>) dst(%arg6 : memref<2x128xi32, #tpu.memory_space<vmem>>)
    %dma_start3A_214 = arith.constant 0 : i32
    %dma_start3A_215 = arith.constant 0 : i32
    %dma_start3A_216 = tpu.memref_slice %arg6[%dma_start3A_214, %dma_start3A_215] : memref<2x128xi32, #tpu.memory_space<vmem>> -> memref<1x128xi32, #tpu.memory_space<vmem>>
    %dma_start3A_217 = tpu.memref_squeeze %dma_start3A_216 : memref<1x128xi32, #tpu.memory_space<vmem>> -> memref<128xi32, #tpu.memory_space<vmem>>
    %dma_start3A_218 = arith.constant 0 : i32
    %dma_start3A_219 = arith.constant 0 : i32
    %dma_start3A_220 = tpu.memref_slice %arg17[%dma_start3A_218, %dma_start3A_219] : memref<10240x64xf32, #tpu.memory_space<vmem_shared>> -> memref<10240x64xf32, #tpu.memory_space<vmem_shared>>
    tpu.enqueue_indirect_dma source(%dma_start3A_220 : memref<10240x64xf32, #tpu.memory_space<vmem_shared>>) target(%arg12 : memref<128x64xf32, #tpu.memory_space<vmem>>) offsets(%dma_start3A_217 : memref<128xi32, #tpu.memory_space<vmem>>) semaphore(%arg24 : memref<!tpu.dma_semaphore, #tpu.memory_space<semaphore_mem>>)
    %dma_wait3A_221 = arith.constant 0 : i32
    %dma_wait3A_222 = arith.constant 0 : i32
    %dma_wait3A_223 = tpu.memref_slice %arg3[%dma_wait3A_221, %mul3A_2, %dma_wait3A_222] : memref<2x2500x128xi32, #tpu.memory_space<hbm>> -> memref<1x2x128xi32, #tpu.memory_space<hbm>>
    %dma_wait3A_224 = tpu.memref_squeeze %dma_wait3A_223 : memref<1x2x128xi32, #tpu.memory_space<hbm>> -> memref<2x128xi32, #tpu.memory_space<hbm>>
    %dma_wait3A_225 = arith.constant 0 : i32
    %dma_wait3A_226 = tpu.memref_slice %arg3[%dma_wait3A_221, %mul3A_2, %dma_wait3A_225] : memref<2x2500x128xi32, #tpu.memory_space<hbm>> -> memref<1x2x128xi32, #tpu.memory_space<hbm>>
    %dma_wait3A_227 = tpu.memref_squeeze %dma_wait3A_226 : memref<1x2x128xi32, #tpu.memory_space<hbm>> -> memref<2x128xi32, #tpu.memory_space<hbm>>
    tpu.wait_dma2 semaphore(%arg19 : memref<!tpu.dma_semaphore, #tpu.memory_space<semaphore_mem>>) src(%dma_wait3A_227 : memref<2x128xi32, #tpu.memory_space<hbm>>) dst(%arg7 : memref<2x128xi32, #tpu.memory_space<vmem>>)
    %dma_start3A_228 = arith.constant 0 : i32
    %dma_start3A_229 = arith.constant 0 : i32
    %dma_start3A_230 = tpu.memref_slice %arg7[%dma_start3A_228, %dma_start3A_229] : memref<2x128xi32, #tpu.memory_space<vmem>> -> memref<1x128xi32, #tpu.memory_space<vmem>>
    %dma_start3A_231 = tpu.memref_squeeze %dma_start3A_230 : memref<1x128xi32, #tpu.memory_space<vmem>> -> memref<128xi32, #tpu.memory_space<vmem>>
    %dma_start3A_232 = arith.constant 0 : i32
    %dma_start3A_233 = arith.constant 0 : i32
    %dma_start3A_234 = tpu.memref_slice %arg17[%dma_start3A_232, %dma_start3A_233] : memref<10240x64xf32, #tpu.memory_space<vmem_shared>> -> memref<10240x64xf32, #tpu.memory_space<vmem_shared>>
    tpu.enqueue_indirect_dma source(%dma_start3A_234 : memref<10240x64xf32, #tpu.memory_space<vmem_shared>>) target(%arg13 : memref<128x64xf32, #tpu.memory_space<vmem>>) offsets(%dma_start3A_231 : memref<128xi32, #tpu.memory_space<vmem>>) semaphore(%arg25 : memref<!tpu.dma_semaphore, #tpu.memory_space<semaphore_mem>>)
    %dma_wait3A_235 = arith.constant 0 : i32
    %dma_wait3A_236 = arith.constant 0 : i32
    %dma_wait3A_237 = tpu.memref_slice %arg3[%dma_wait3A_235, %mul3A_2, %dma_wait3A_236] : memref<2x2500x128xi32, #tpu.memory_space<hbm>> -> memref<1x2x128xi32, #tpu.memory_space<hbm>>
    %dma_wait3A_238 = tpu.memref_squeeze %dma_wait3A_237 : memref<1x2x128xi32, #tpu.memory_space<hbm>> -> memref<2x128xi32, #tpu.memory_space<hbm>>
    %dma_wait3A_239 = arith.constant 0 : i32
    %dma_wait3A_240 = tpu.memref_slice %arg3[%dma_wait3A_235, %mul3A_2, %dma_wait3A_239] : memref<2x2500x128xi32, #tpu.memory_space<hbm>> -> memref<1x2x128xi32, #tpu.memory_space<hbm>>
    %dma_wait3A_241 = tpu.memref_squeeze %dma_wait3A_240 : memref<1x2x128xi32, #tpu.memory_space<hbm>> -> memref<2x128xi32, #tpu.memory_space<hbm>>
    tpu.wait_dma2 semaphore(%arg20 : memref<!tpu.dma_semaphore, #tpu.memory_space<semaphore_mem>>) src(%dma_wait3A_241 : memref<2x128xi32, #tpu.memory_space<hbm>>) dst(%arg8 : memref<2x128xi32, #tpu.memory_space<vmem>>)
    %dma_start3A_242 = arith.constant 0 : i32
    %dma_start3A_243 = arith.constant 0 : i32
    %dma_start3A_244 = tpu.memref_slice %arg8[%dma_start3A_242, %dma_start3A_243] : memref<2x128xi32, #tpu.memory_space<vmem>> -> memref<1x128xi32, #tpu.memory_space<vmem>>
    %dma_start3A_245 = tpu.memref_squeeze %dma_start3A_244 : memref<1x128xi32, #tpu.memory_space<vmem>> -> memref<128xi32, #tpu.memory_space<vmem>>
    %dma_start3A_246 = arith.constant 0 : i32
    %dma_start3A_247 = arith.constant 0 : i32
    %dma_start3A_248 = tpu.memref_slice %arg17[%dma_start3A_246, %dma_start3A_247] : memref<10240x64xf32, #tpu.memory_space<vmem_shared>> -> memref<10240x64xf32, #tpu.memory_space<vmem_shared>>
    tpu.enqueue_indirect_dma source(%dma_start3A_248 : memref<10240x64xf32, #tpu.memory_space<vmem_shared>>) target(%arg14 : memref<128x64xf32, #tpu.memory_space<vmem>>) offsets(%dma_start3A_245 : memref<128xi32, #tpu.memory_space<vmem>>) semaphore(%arg26 : memref<!tpu.dma_semaphore, #tpu.memory_space<semaphore_mem>>)
    %scan3A = arith.constant 0 : i32
    %scan3A_249 = arith.constant 0 : i32
    %scan3A_250 = arith.constant 13 : i32
    %scan3A_251 = arith.addi %scan3A_249, %scan3A_250 : i32
    %scan3A_252 = arith.constant 1 : i32
    scf.for %scan3A_262 = %scan3A_249 to %scan3A_251 step %scan3A_252  : i32 {
      %mul3A_263 = arith.constant 6 : i32
      %mul3A_264 = arith.muli %scan3A_262, %mul3A_263 : i32
      %add3A_265 = arith.constant 0 : i32
      %add3A_266 = arith.addi %mul3A_264, %add3A_265 : i32
      tpu.wait_dma2 semaphore(%arg24 : memref<!tpu.dma_semaphore, #tpu.memory_space<semaphore_mem>>) src(%arg4 : memref<128x64xf32, #tpu.memory_space<hbm>>) dst(%arg12 : memref<128x64xf32, #tpu.memory_space<vmem>>)
      %dma_start3A_267 = arith.constant 1 : i32
      %dma_start3A_268 = arith.constant 0 : i32
      %dma_start3A_269 = tpu.memref_slice %arg6[%dma_start3A_267, %dma_start3A_268] : memref<2x128xi32, #tpu.memory_space<vmem>> -> memref<1x128xi32, #tpu.memory_space<vmem>>
      %dma_start3A_270 = tpu.memref_squeeze %dma_start3A_269 : memref<1x128xi32, #tpu.memory_space<vmem>> -> memref<128xi32, #tpu.memory_space<vmem>>
      %dma_start3A_271 = arith.constant 0 : i32
      %dma_start3A_272 = arith.constant 0 : i32
      %dma_start3A_273 = tpu.memref_slice %arg16[%dma_start3A_271, %dma_start3A_272] : memref<10240x64xf32, #tpu.memory_space<vmem_shared>> -> memref<10240x64xf32, #tpu.memory_space<vmem_shared>>
      tpu.enqueue_indirect_dma source(%arg12 : memref<128x64xf32, #tpu.memory_space<vmem>>) target(%dma_start3A_273 : memref<10240x64xf32, #tpu.memory_space<vmem_shared>>) offsets(%dma_start3A_270 : memref<128xi32, #tpu.memory_space<vmem>>) semaphore(%arg27 : memref<!tpu.dma_semaphore, #tpu.memory_space<semaphore_mem>>) {add = true}
      tpu.wait_dma2 semaphore(%arg27 : memref<!tpu.dma_semaphore, #tpu.memory_space<semaphore_mem>>) src(%arg4 : memref<128x64xf32, #tpu.memory_space<hbm>>) dst(%arg12 : memref<128x64xf32, #tpu.memory_space<vmem>>)
      %add3A_274 = arith.constant 3 : i32
      %add3A_275 = arith.addi %add3A_266, %add3A_274 : i32
      %lt3A_276 = arith.constant 78 : i32
      %lt3A_277 = arith.cmpi slt, %add3A_275, %lt3A_276 : i32
      %convert_element_type3A_278 = arith.extui %lt3A_277 : i1 to i32
      %cond3A_279 = arith.constant 0 : i32
      %cond3A_280 = arith.cmpi ne, %convert_element_type3A_278, %cond3A_279 : i32
      scf.if %cond3A_280 {
        %dma_wait3A_403 = arith.constant 0 : i32
        %dma_wait3A_404 = arith.constant 0 : i32
        %dma_wait3A_405 = tpu.memref_slice %arg3[%dma_wait3A_403, %mul3A_2, %dma_wait3A_404] : memref<2x2500x128xi32, #tpu.memory_space<hbm>> -> memref<1x2x128xi32, #tpu.memory_space<hbm>>
        %dma_wait3A_406 = tpu.memref_squeeze %dma_wait3A_405 : memref<1x2x128xi32, #tpu.memory_space<hbm>> -> memref<2x128xi32, #tpu.memory_space<hbm>>
        %dma_wait3A_407 = arith.constant 0 : i32
        %dma_wait3A_408 = tpu.memref_slice %arg3[%dma_wait3A_403, %mul3A_2, %dma_wait3A_407] : memref<2x2500x128xi32, #tpu.memory_space<hbm>> -> memref<1x2x128xi32, #tpu.memory_space<hbm>>
        %dma_wait3A_409 = tpu.memref_squeeze %dma_wait3A_408 : memref<1x2x128xi32, #tpu.memory_space<hbm>> -> memref<2x128xi32, #tpu.memory_space<hbm>>
        tpu.wait_dma2 semaphore(%arg21 : memref<!tpu.dma_semaphore, #tpu.memory_space<semaphore_mem>>) src(%dma_wait3A_409 : memref<2x128xi32, #tpu.memory_space<hbm>>) dst(%arg9 : memref<2x128xi32, #tpu.memory_space<vmem>>)
        %dma_start3A_410 = arith.constant 0 : i32
        %dma_start3A_411 = arith.constant 0 : i32
        %dma_start3A_412 = tpu.memref_slice %arg9[%dma_start3A_410, %dma_start3A_411] : memref<2x128xi32, #tpu.memory_space<vmem>> -> memref<1x128xi32, #tpu.memory_space<vmem>>
        %dma_start3A_413 = tpu.memref_squeeze %dma_start3A_412 : memref<1x128xi32, #tpu.memory_space<vmem>> -> memref<128xi32, #tpu.memory_space<vmem>>
        %dma_start3A_414 = arith.constant 0 : i32
        %dma_start3A_415 = arith.constant 0 : i32
        %dma_start3A_416 = tpu.memref_slice %arg17[%dma_start3A_414, %dma_start3A_415] : memref<10240x64xf32, #tpu.memory_space<vmem_shared>> -> memref<10240x64xf32, #tpu.memory_space<vmem_shared>>
        tpu.enqueue_indirect_dma source(%dma_start3A_416 : memref<10240x64xf32, #tpu.memory_space<vmem_shared>>) target(%arg12 : memref<128x64xf32, #tpu.memory_space<vmem>>) offsets(%dma_start3A_413 : memref<128xi32, #tpu.memory_space<vmem>>) semaphore(%arg24 : memref<!tpu.dma_semaphore, #tpu.memory_space<semaphore_mem>>)
      } else {
      }
      %add3A_281 = arith.constant 6 : i32
      %add3A_282 = arith.addi %add3A_266, %add3A_281 : i32
      %lt3A_283 = arith.constant 78 : i32
      %lt3A_284 = arith.cmpi slt, %add3A_282, %lt3A_283 : i32
      %convert_element_type3A_285 = arith.extui %lt3A_284 : i1 to i32
      %cond3A_286 = arith.constant 0 : i32
      %cond3A_287 = arith.cmpi ne, %convert_element_type3A_285, %cond3A_286 : i32
      scf.if %cond3A_287 {
        %add3A_403 = arith.addi %mul3A_2, %add3A_282 : i32
        %dma_start3A_404 = arith.constant 0 : i32
        %dma_start3A_405 = arith.constant 0 : i32
        %dma_start3A_406 = arith.constant 0 : i32
        %dma_start3A_407 = tpu.memref_slice %arg6[%dma_start3A_405, %dma_start3A_406] : memref<2x128xi32, #tpu.memory_space<vmem>> -> memref<1x128xi32, #tpu.memory_space<vmem>>
        %dma_start3A_408 = arith.constant 0 : i32
        %dma_start3A_409 = tpu.memref_slice %arg3[%dma_start3A_404, %add3A_403, %dma_start3A_408] : memref<2x2500x128xi32, #tpu.memory_space<hbm>> -> memref<1x1x128xi32, #tpu.memory_space<hbm>>
        %dma_start3A_410 = tpu.memref_squeeze %dma_start3A_409 : memref<1x1x128xi32, #tpu.memory_space<hbm>> -> memref<1x128xi32, #tpu.memory_space<hbm>>
        %dma_start3A_411 = arith.constant 0 : i32
        %dma_start3A_412 = arith.constant 0 : i32
        %dma_start3A_413 = tpu.memref_slice %arg6[%dma_start3A_411, %dma_start3A_412] : memref<2x128xi32, #tpu.memory_space<vmem>> -> memref<1x128xi32, #tpu.memory_space<vmem>>
        %dma_start3A_414 = arith.constant 0 : i32
        %dma_start3A_415 = tpu.memref_slice %arg3[%dma_start3A_404, %add3A_403, %dma_start3A_414] : memref<2x2500x128xi32, #tpu.memory_space<hbm>> -> memref<1x1x128xi32, #tpu.memory_space<hbm>>
        %dma_start3A_416 = tpu.memref_squeeze %dma_start3A_415 : memref<1x1x128xi32, #tpu.memory_space<hbm>> -> memref<1x128xi32, #tpu.memory_space<hbm>>
        tpu.enqueue_dma source(%dma_start3A_416 : memref<1x128xi32, #tpu.memory_space<hbm>>) target(%dma_start3A_413 : memref<1x128xi32, #tpu.memory_space<vmem>>) target_semaphore(%arg18 : memref<!tpu.dma_semaphore, #tpu.memory_space<semaphore_mem>>)
        %add3A_417 = arith.addi %mul3A_2, %add3A_282 : i32
        %dma_start3A_418 = arith.constant 1 : i32
        %dma_start3A_419 = arith.constant 1 : i32
        %dma_start3A_420 = arith.constant 0 : i32
        %dma_start3A_421 = tpu.memref_slice %arg6[%dma_start3A_419, %dma_start3A_420] : memref<2x128xi32, #tpu.memory_space<vmem>> -> memref<1x128xi32, #tpu.memory_space<vmem>>
        %dma_start3A_422 = arith.constant 0 : i32
        %dma_start3A_423 = tpu.memref_slice %arg3[%dma_start3A_418, %add3A_417, %dma_start3A_422] : memref<2x2500x128xi32, #tpu.memory_space<hbm>> -> memref<1x1x128xi32, #tpu.memory_space<hbm>>
        %dma_start3A_424 = tpu.memref_squeeze %dma_start3A_423 : memref<1x1x128xi32, #tpu.memory_space<hbm>> -> memref<1x128xi32, #tpu.memory_space<hbm>>
        %dma_start3A_425 = arith.constant 1 : i32
        %dma_start3A_426 = arith.constant 0 : i32
        %dma_start3A_427 = tpu.memref_slice %arg6[%dma_start3A_425, %dma_start3A_426] : memref<2x128xi32, #tpu.memory_space<vmem>> -> memref<1x128xi32, #tpu.memory_space<vmem>>
        %dma_start3A_428 = arith.constant 0 : i32
        %dma_start3A_429 = tpu.memref_slice %arg3[%dma_start3A_418, %add3A_417, %dma_start3A_428] : memref<2x2500x128xi32, #tpu.memory_space<hbm>> -> memref<1x1x128xi32, #tpu.memory_space<hbm>>
        %dma_start3A_430 = tpu.memref_squeeze %dma_start3A_429 : memref<1x1x128xi32, #tpu.memory_space<hbm>> -> memref<1x128xi32, #tpu.memory_space<hbm>>
        tpu.enqueue_dma source(%dma_start3A_430 : memref<1x128xi32, #tpu.memory_space<hbm>>) target(%dma_start3A_427 : memref<1x128xi32, #tpu.memory_space<vmem>>) target_semaphore(%arg18 : memref<!tpu.dma_semaphore, #tpu.memory_space<semaphore_mem>>)
      } else {
      }
      %add3A_288 = arith.constant 1 : i32
      %add3A_289 = arith.addi %mul3A_264, %add3A_288 : i32
      tpu.wait_dma2 semaphore(%arg25 : memref<!tpu.dma_semaphore, #tpu.memory_space<semaphore_mem>>) src(%arg4 : memref<128x64xf32, #tpu.memory_space<hbm>>) dst(%arg13 : memref<128x64xf32, #tpu.memory_space<vmem>>)
      %dma_start3A_290 = arith.constant 1 : i32
      %dma_start3A_291 = arith.constant 0 : i32
      %dma_start3A_292 = tpu.memref_slice %arg7[%dma_start3A_290, %dma_start3A_291] : memref<2x128xi32, #tpu.memory_space<vmem>> -> memref<1x128xi32, #tpu.memory_space<vmem>>
      %dma_start3A_293 = tpu.memref_squeeze %dma_start3A_292 : memref<1x128xi32, #tpu.memory_space<vmem>> -> memref<128xi32, #tpu.memory_space<vmem>>
      %dma_start3A_294 = arith.constant 0 : i32
      %dma_start3A_295 = arith.constant 0 : i32
      %dma_start3A_296 = tpu.memref_slice %arg16[%dma_start3A_294, %dma_start3A_295] : memref<10240x64xf32, #tpu.memory_space<vmem_shared>> -> memref<10240x64xf32, #tpu.memory_space<vmem_shared>>
      tpu.enqueue_indirect_dma source(%arg13 : memref<128x64xf32, #tpu.memory_space<vmem>>) target(%dma_start3A_296 : memref<10240x64xf32, #tpu.memory_space<vmem_shared>>) offsets(%dma_start3A_293 : memref<128xi32, #tpu.memory_space<vmem>>) semaphore(%arg28 : memref<!tpu.dma_semaphore, #tpu.memory_space<semaphore_mem>>) {add = true}
      tpu.wait_dma2 semaphore(%arg28 : memref<!tpu.dma_semaphore, #tpu.memory_space<semaphore_mem>>) src(%arg4 : memref<128x64xf32, #tpu.memory_space<hbm>>) dst(%arg13 : memref<128x64xf32, #tpu.memory_space<vmem>>)
      %add3A_297 = arith.constant 3 : i32
      %add3A_298 = arith.addi %add3A_289, %add3A_297 : i32
      %lt3A_299 = arith.constant 78 : i32
      %lt3A_300 = arith.cmpi slt, %add3A_298, %lt3A_299 : i32
      %convert_element_type3A_301 = arith.extui %lt3A_300 : i1 to i32
      %cond3A_302 = arith.constant 0 : i32
      %cond3A_303 = arith.cmpi ne, %convert_element_type3A_301, %cond3A_302 : i32
      scf.if %cond3A_303 {
        %dma_wait3A_403 = arith.constant 0 : i32
        %dma_wait3A_404 = arith.constant 0 : i32
        %dma_wait3A_405 = tpu.memref_slice %arg3[%dma_wait3A_403, %mul3A_2, %dma_wait3A_404] : memref<2x2500x128xi32, #tpu.memory_space<hbm>> -> memref<1x2x128xi32, #tpu.memory_space<hbm>>
        %dma_wait3A_406 = tpu.memref_squeeze %dma_wait3A_405 : memref<1x2x128xi32, #tpu.memory_space<hbm>> -> memref<2x128xi32, #tpu.memory_space<hbm>>
        %dma_wait3A_407 = arith.constant 0 : i32
        %dma_wait3A_408 = tpu.memref_slice %arg3[%dma_wait3A_403, %mul3A_2, %dma_wait3A_407] : memref<2x2500x128xi32, #tpu.memory_space<hbm>> -> memref<1x2x128xi32, #tpu.memory_space<hbm>>
        %dma_wait3A_409 = tpu.memref_squeeze %dma_wait3A_408 : memref<1x2x128xi32, #tpu.memory_space<hbm>> -> memref<2x128xi32, #tpu.memory_space<hbm>>
        tpu.wait_dma2 semaphore(%arg22 : memref<!tpu.dma_semaphore, #tpu.memory_space<semaphore_mem>>) src(%dma_wait3A_409 : memref<2x128xi32, #tpu.memory_space<hbm>>) dst(%arg10 : memref<2x128xi32, #tpu.memory_space<vmem>>)
        %dma_start3A_410 = arith.constant 0 : i32
        %dma_start3A_411 = arith.constant 0 : i32
        %dma_start3A_412 = tpu.memref_slice %arg10[%dma_start3A_410, %dma_start3A_411] : memref<2x128xi32, #tpu.memory_space<vmem>> -> memref<1x128xi32, #tpu.memory_space<vmem>>
        %dma_start3A_413 = tpu.memref_squeeze %dma_start3A_412 : memref<1x128xi32, #tpu.memory_space<vmem>> -> memref<128xi32, #tpu.memory_space<vmem>>
        %dma_start3A_414 = arith.constant 0 : i32
        %dma_start3A_415 = arith.constant 0 : i32
        %dma_start3A_416 = tpu.memref_slice %arg17[%dma_start3A_414, %dma_start3A_415] : memref<10240x64xf32, #tpu.memory_space<vmem_shared>> -> memref<10240x64xf32, #tpu.memory_space<vmem_shared>>
        tpu.enqueue_indirect_dma source(%dma_start3A_416 : memref<10240x64xf32, #tpu.memory_space<vmem_shared>>) target(%arg13 : memref<128x64xf32, #tpu.memory_space<vmem>>) offsets(%dma_start3A_413 : memref<128xi32, #tpu.memory_space<vmem>>) semaphore(%arg25 : memref<!tpu.dma_semaphore, #tpu.memory_space<semaphore_mem>>)
      } else {
      }
      %add3A_304 = arith.constant 6 : i32
      %add3A_305 = arith.addi %add3A_289, %add3A_304 : i32
      %lt3A_306 = arith.constant 78 : i32
      %lt3A_307 = arith.cmpi slt, %add3A_305, %lt3A_306 : i32
      %convert_element_type3A_308 = arith.extui %lt3A_307 : i1 to i32
      %cond3A_309 = arith.constant 0 : i32
      %cond3A_310 = arith.cmpi ne, %convert_element_type3A_308, %cond3A_309 : i32
      scf.if %cond3A_310 {
        %add3A_403 = arith.addi %mul3A_2, %add3A_305 : i32
        %dma_start3A_404 = arith.constant 0 : i32
        %dma_start3A_405 = arith.constant 0 : i32
        %dma_start3A_406 = arith.constant 0 : i32
        %dma_start3A_407 = tpu.memref_slice %arg7[%dma_start3A_405, %dma_start3A_406] : memref<2x128xi32, #tpu.memory_space<vmem>> -> memref<1x128xi32, #tpu.memory_space<vmem>>
        %dma_start3A_408 = arith.constant 0 : i32
        %dma_start3A_409 = tpu.memref_slice %arg3[%dma_start3A_404, %add3A_403, %dma_start3A_408] : memref<2x2500x128xi32, #tpu.memory_space<hbm>> -> memref<1x1x128xi32, #tpu.memory_space<hbm>>
        %dma_start3A_410 = tpu.memref_squeeze %dma_start3A_409 : memref<1x1x128xi32, #tpu.memory_space<hbm>> -> memref<1x128xi32, #tpu.memory_space<hbm>>
        %dma_start3A_411 = arith.constant 0 : i32
        %dma_start3A_412 = arith.constant 0 : i32
        %dma_start3A_413 = tpu.memref_slice %arg7[%dma_start3A_411, %dma_start3A_412] : memref<2x128xi32, #tpu.memory_space<vmem>> -> memref<1x128xi32, #tpu.memory_space<vmem>>
        %dma_start3A_414 = arith.constant 0 : i32
        %dma_start3A_415 = tpu.memref_slice %arg3[%dma_start3A_404, %add3A_403, %dma_start3A_414] : memref<2x2500x128xi32, #tpu.memory_space<hbm>> -> memref<1x1x128xi32, #tpu.memory_space<hbm>>
        %dma_start3A_416 = tpu.memref_squeeze %dma_start3A_415 : memref<1x1x128xi32, #tpu.memory_space<hbm>> -> memref<1x128xi32, #tpu.memory_space<hbm>>
        tpu.enqueue_dma source(%dma_start3A_416 : memref<1x128xi32, #tpu.memory_space<hbm>>) target(%dma_start3A_413 : memref<1x128xi32, #tpu.memory_space<vmem>>) target_semaphore(%arg19 : memref<!tpu.dma_semaphore, #tpu.memory_space<semaphore_mem>>)
        %add3A_417 = arith.addi %mul3A_2, %add3A_305 : i32
        %dma_start3A_418 = arith.constant 1 : i32
        %dma_start3A_419 = arith.constant 1 : i32
        %dma_start3A_420 = arith.constant 0 : i32
        %dma_start3A_421 = tpu.memref_slice %arg7[%dma_start3A_419, %dma_start3A_420] : memref<2x128xi32, #tpu.memory_space<vmem>> -> memref<1x128xi32, #tpu.memory_space<vmem>>
        %dma_start3A_422 = arith.constant 0 : i32
        %dma_start3A_423 = tpu.memref_slice %arg3[%dma_start3A_418, %add3A_417, %dma_start3A_422] : memref<2x2500x128xi32, #tpu.memory_space<hbm>> -> memref<1x1x128xi32, #tpu.memory_space<hbm>>
        %dma_start3A_424 = tpu.memref_squeeze %dma_start3A_423 : memref<1x1x128xi32, #tpu.memory_space<hbm>> -> memref<1x128xi32, #tpu.memory_space<hbm>>
        %dma_start3A_425 = arith.constant 1 : i32
        %dma_start3A_426 = arith.constant 0 : i32
        %dma_start3A_427 = tpu.memref_slice %arg7[%dma_start3A_425, %dma_start3A_426] : memref<2x128xi32, #tpu.memory_space<vmem>> -> memref<1x128xi32, #tpu.memory_space<vmem>>
        %dma_start3A_428 = arith.constant 0 : i32
        %dma_start3A_429 = tpu.memref_slice %arg3[%dma_start3A_418, %add3A_417, %dma_start3A_428] : memref<2x2500x128xi32, #tpu.memory_space<hbm>> -> memref<1x1x128xi32, #tpu.memory_space<hbm>>
        %dma_start3A_430 = tpu.memref_squeeze %dma_start3A_429 : memref<1x1x128xi32, #tpu.memory_space<hbm>> -> memref<1x128xi32, #tpu.memory_space<hbm>>
        tpu.enqueue_dma source(%dma_start3A_430 : memref<1x128xi32, #tpu.memory_space<hbm>>) target(%dma_start3A_427 : memref<1x128xi32, #tpu.memory_space<vmem>>) target_semaphore(%arg19 : memref<!tpu.dma_semaphore, #tpu.memory_space<semaphore_mem>>)
      } else {
      }
      %add3A_311 = arith.constant 2 : i32
      %add3A_312 = arith.addi %mul3A_264, %add3A_311 : i32
      tpu.wait_dma2 semaphore(%arg26 : memref<!tpu.dma_semaphore, #tpu.memory_space<semaphore_mem>>) src(%arg4 : memref<128x64xf32, #tpu.memory_space<hbm>>) dst(%arg14 : memref<128x64xf32, #tpu.memory_space<vmem>>)
      %dma_start3A_313 = arith.constant 1 : i32
      %dma_start3A_314 = arith.constant 0 : i32
      %dma_start3A_315 = tpu.memref_slice %arg8[%dma_start3A_313, %dma_start3A_314] : memref<2x128xi32, #tpu.memory_space<vmem>> -> memref<1x128xi32, #tpu.memory_space<vmem>>
      %dma_start3A_316 = tpu.memref_squeeze %dma_start3A_315 : memref<1x128xi32, #tpu.memory_space<vmem>> -> memref<128xi32, #tpu.memory_space<vmem>>
      %dma_start3A_317 = arith.constant 0 : i32
      %dma_start3A_318 = arith.constant 0 : i32
      %dma_start3A_319 = tpu.memref_slice %arg16[%dma_start3A_317, %dma_start3A_318] : memref<10240x64xf32, #tpu.memory_space<vmem_shared>> -> memref<10240x64xf32, #tpu.memory_space<vmem_shared>>
      tpu.enqueue_indirect_dma source(%arg14 : memref<128x64xf32, #tpu.memory_space<vmem>>) target(%dma_start3A_319 : memref<10240x64xf32, #tpu.memory_space<vmem_shared>>) offsets(%dma_start3A_316 : memref<128xi32, #tpu.memory_space<vmem>>) semaphore(%arg29 : memref<!tpu.dma_semaphore, #tpu.memory_space<semaphore_mem>>) {add = true}
      tpu.wait_dma2 semaphore(%arg29 : memref<!tpu.dma_semaphore, #tpu.memory_space<semaphore_mem>>) src(%arg4 : memref<128x64xf32, #tpu.memory_space<hbm>>) dst(%arg14 : memref<128x64xf32, #tpu.memory_space<vmem>>)
      %add3A_320 = arith.constant 3 : i32
      %add3A_321 = arith.addi %add3A_312, %add3A_320 : i32
      %lt3A_322 = arith.constant 78 : i32
      %lt3A_323 = arith.cmpi slt, %add3A_321, %lt3A_322 : i32
      %convert_element_type3A_324 = arith.extui %lt3A_323 : i1 to i32
      %cond3A_325 = arith.constant 0 : i32
      %cond3A_326 = arith.cmpi ne, %convert_element_type3A_324, %cond3A_325 : i32
      scf.if %cond3A_326 {
        %dma_wait3A_403 = arith.constant 0 : i32
        %dma_wait3A_404 = arith.constant 0 : i32
        %dma_wait3A_405 = tpu.memref_slice %arg3[%dma_wait3A_403, %mul3A_2, %dma_wait3A_404] : memref<2x2500x128xi32, #tpu.memory_space<hbm>> -> memref<1x2x128xi32, #tpu.memory_space<hbm>>
        %dma_wait3A_406 = tpu.memref_squeeze %dma_wait3A_405 : memref<1x2x128xi32, #tpu.memory_space<hbm>> -> memref<2x128xi32, #tpu.memory_space<hbm>>
        %dma_wait3A_407 = arith.constant 0 : i32
        %dma_wait3A_408 = tpu.memref_slice %arg3[%dma_wait3A_403, %mul3A_2, %dma_wait3A_407] : memref<2x2500x128xi32, #tpu.memory_space<hbm>> -> memref<1x2x128xi32, #tpu.memory_space<hbm>>
        %dma_wait3A_409 = tpu.memref_squeeze %dma_wait3A_408 : memref<1x2x128xi32, #tpu.memory_space<hbm>> -> memref<2x128xi32, #tpu.memory_space<hbm>>
        tpu.wait_dma2 semaphore(%arg23 : memref<!tpu.dma_semaphore, #tpu.memory_space<semaphore_mem>>) src(%dma_wait3A_409 : memref<2x128xi32, #tpu.memory_space<hbm>>) dst(%arg11 : memref<2x128xi32, #tpu.memory_space<vmem>>)
        %dma_start3A_410 = arith.constant 0 : i32
        %dma_start3A_411 = arith.constant 0 : i32
        %dma_start3A_412 = tpu.memref_slice %arg11[%dma_start3A_410, %dma_start3A_411] : memref<2x128xi32, #tpu.memory_space<vmem>> -> memref<1x128xi32, #tpu.memory_space<vmem>>
        %dma_start3A_413 = tpu.memref_squeeze %dma_start3A_412 : memref<1x128xi32, #tpu.memory_space<vmem>> -> memref<128xi32, #tpu.memory_space<vmem>>
        %dma_start3A_414 = arith.constant 0 : i32
        %dma_start3A_415 = arith.constant 0 : i32
        %dma_start3A_416 = tpu.memref_slice %arg17[%dma_start3A_414, %dma_start3A_415] : memref<10240x64xf32, #tpu.memory_space<vmem_shared>> -> memref<10240x64xf32, #tpu.memory_space<vmem_shared>>
        tpu.enqueue_indirect_dma source(%dma_start3A_416 : memref<10240x64xf32, #tpu.memory_space<vmem_shared>>) target(%arg14 : memref<128x64xf32, #tpu.memory_space<vmem>>) offsets(%dma_start3A_413 : memref<128xi32, #tpu.memory_space<vmem>>) semaphore(%arg26 : memref<!tpu.dma_semaphore, #tpu.memory_space<semaphore_mem>>)
      } else {
      }
      %add3A_327 = arith.constant 6 : i32
      %add3A_328 = arith.addi %add3A_312, %add3A_327 : i32
      %lt3A_329 = arith.constant 78 : i32
      %lt3A_330 = arith.cmpi slt, %add3A_328, %lt3A_329 : i32
      %convert_element_type3A_331 = arith.extui %lt3A_330 : i1 to i32
      %cond3A_332 = arith.constant 0 : i32
      %cond3A_333 = arith.cmpi ne, %convert_element_type3A_331, %cond3A_332 : i32
      scf.if %cond3A_333 {
        %add3A_403 = arith.addi %mul3A_2, %add3A_328 : i32
        %dma_start3A_404 = arith.constant 0 : i32
        %dma_start3A_405 = arith.constant 0 : i32
        %dma_start3A_406 = arith.constant 0 : i32
        %dma_start3A_407 = tpu.memref_slice %arg8[%dma_start3A_405, %dma_start3A_406] : memref<2x128xi32, #tpu.memory_space<vmem>> -> memref<1x128xi32, #tpu.memory_space<vmem>>
        %dma_start3A_408 = arith.constant 0 : i32
        %dma_start3A_409 = tpu.memref_slice %arg3[%dma_start3A_404, %add3A_403, %dma_start3A_408] : memref<2x2500x128xi32, #tpu.memory_space<hbm>> -> memref<1x1x128xi32, #tpu.memory_space<hbm>>
        %dma_start3A_410 = tpu.memref_squeeze %dma_start3A_409 : memref<1x1x128xi32, #tpu.memory_space<hbm>> -> memref<1x128xi32, #tpu.memory_space<hbm>>
        %dma_start3A_411 = arith.constant 0 : i32
        %dma_start3A_412 = arith.constant 0 : i32
        %dma_start3A_413 = tpu.memref_slice %arg8[%dma_start3A_411, %dma_start3A_412] : memref<2x128xi32, #tpu.memory_space<vmem>> -> memref<1x128xi32, #tpu.memory_space<vmem>>
        %dma_start3A_414 = arith.constant 0 : i32
        %dma_start3A_415 = tpu.memref_slice %arg3[%dma_start3A_404, %add3A_403, %dma_start3A_414] : memref<2x2500x128xi32, #tpu.memory_space<hbm>> -> memref<1x1x128xi32, #tpu.memory_space<hbm>>
        %dma_start3A_416 = tpu.memref_squeeze %dma_start3A_415 : memref<1x1x128xi32, #tpu.memory_space<hbm>> -> memref<1x128xi32, #tpu.memory_space<hbm>>
        tpu.enqueue_dma source(%dma_start3A_416 : memref<1x128xi32, #tpu.memory_space<hbm>>) target(%dma_start3A_413 : memref<1x128xi32, #tpu.memory_space<vmem>>) target_semaphore(%arg20 : memref<!tpu.dma_semaphore, #tpu.memory_space<semaphore_mem>>)
        %add3A_417 = arith.addi %mul3A_2, %add3A_328 : i32
        %dma_start3A_418 = arith.constant 1 : i32
        %dma_start3A_419 = arith.constant 1 : i32
        %dma_start3A_420 = arith.constant 0 : i32
        %dma_start3A_421 = tpu.memref_slice %arg8[%dma_start3A_419, %dma_start3A_420] : memref<2x128xi32, #tpu.memory_space<vmem>> -> memref<1x128xi32, #tpu.memory_space<vmem>>
        %dma_start3A_422 = arith.constant 0 : i32
        %dma_start3A_423 = tpu.memref_slice %arg3[%dma_start3A_418, %add3A_417, %dma_start3A_422] : memref<2x2500x128xi32, #tpu.memory_space<hbm>> -> memref<1x1x128xi32, #tpu.memory_space<hbm>>
        %dma_start3A_424 = tpu.memref_squeeze %dma_start3A_423 : memref<1x1x128xi32, #tpu.memory_space<hbm>> -> memref<1x128xi32, #tpu.memory_space<hbm>>
        %dma_start3A_425 = arith.constant 1 : i32
        %dma_start3A_426 = arith.constant 0 : i32
        %dma_start3A_427 = tpu.memref_slice %arg8[%dma_start3A_425, %dma_start3A_426] : memref<2x128xi32, #tpu.memory_space<vmem>> -> memref<1x128xi32, #tpu.memory_space<vmem>>
        %dma_start3A_428 = arith.constant 0 : i32
        %dma_start3A_429 = tpu.memref_slice %arg3[%dma_start3A_418, %add3A_417, %dma_start3A_428] : memref<2x2500x128xi32, #tpu.memory_space<hbm>> -> memref<1x1x128xi32, #tpu.memory_space<hbm>>
        %dma_start3A_430 = tpu.memref_squeeze %dma_start3A_429 : memref<1x1x128xi32, #tpu.memory_space<hbm>> -> memref<1x128xi32, #tpu.memory_space<hbm>>
        tpu.enqueue_dma source(%dma_start3A_430 : memref<1x128xi32, #tpu.memory_space<hbm>>) target(%dma_start3A_427 : memref<1x128xi32, #tpu.memory_space<vmem>>) target_semaphore(%arg20 : memref<!tpu.dma_semaphore, #tpu.memory_space<semaphore_mem>>)
      } else {
      }
      %add3A_334 = arith.constant 3 : i32
      %add3A_335 = arith.addi %mul3A_264, %add3A_334 : i32
      tpu.wait_dma2 semaphore(%arg24 : memref<!tpu.dma_semaphore, #tpu.memory_space<semaphore_mem>>) src(%arg4 : memref<128x64xf32, #tpu.memory_space<hbm>>) dst(%arg12 : memref<128x64xf32, #tpu.memory_space<vmem>>)
      %dma_start3A_336 = arith.constant 1 : i32
      %dma_start3A_337 = arith.constant 0 : i32
      %dma_start3A_338 = tpu.memref_slice %arg9[%dma_start3A_336, %dma_start3A_337] : memref<2x128xi32, #tpu.memory_space<vmem>> -> memref<1x128xi32, #tpu.memory_space<vmem>>
      %dma_start3A_339 = tpu.memref_squeeze %dma_start3A_338 : memref<1x128xi32, #tpu.memory_space<vmem>> -> memref<128xi32, #tpu.memory_space<vmem>>
      %dma_start3A_340 = arith.constant 0 : i32
      %dma_start3A_341 = arith.constant 0 : i32
      %dma_start3A_342 = tpu.memref_slice %arg16[%dma_start3A_340, %dma_start3A_341] : memref<10240x64xf32, #tpu.memory_space<vmem_shared>> -> memref<10240x64xf32, #tpu.memory_space<vmem_shared>>
      tpu.enqueue_indirect_dma source(%arg12 : memref<128x64xf32, #tpu.memory_space<vmem>>) target(%dma_start3A_342 : memref<10240x64xf32, #tpu.memory_space<vmem_shared>>) offsets(%dma_start3A_339 : memref<128xi32, #tpu.memory_space<vmem>>) semaphore(%arg27 : memref<!tpu.dma_semaphore, #tpu.memory_space<semaphore_mem>>) {add = true}
      tpu.wait_dma2 semaphore(%arg27 : memref<!tpu.dma_semaphore, #tpu.memory_space<semaphore_mem>>) src(%arg4 : memref<128x64xf32, #tpu.memory_space<hbm>>) dst(%arg12 : memref<128x64xf32, #tpu.memory_space<vmem>>)
      %add3A_343 = arith.constant 3 : i32
      %add3A_344 = arith.addi %add3A_335, %add3A_343 : i32
      %lt3A_345 = arith.constant 78 : i32
      %lt3A_346 = arith.cmpi slt, %add3A_344, %lt3A_345 : i32
      %convert_element_type3A_347 = arith.extui %lt3A_346 : i1 to i32
      %cond3A_348 = arith.constant 0 : i32
      %cond3A_349 = arith.cmpi ne, %convert_element_type3A_347, %cond3A_348 : i32
      scf.if %cond3A_349 {
        %dma_wait3A_403 = arith.constant 0 : i32
        %dma_wait3A_404 = arith.constant 0 : i32
        %dma_wait3A_405 = tpu.memref_slice %arg3[%dma_wait3A_403, %mul3A_2, %dma_wait3A_404] : memref<2x2500x128xi32, #tpu.memory_space<hbm>> -> memref<1x2x128xi32, #tpu.memory_space<hbm>>
        %dma_wait3A_406 = tpu.memref_squeeze %dma_wait3A_405 : memref<1x2x128xi32, #tpu.memory_space<hbm>> -> memref<2x128xi32, #tpu.memory_space<hbm>>
        %dma_wait3A_407 = arith.constant 0 : i32
        %dma_wait3A_408 = tpu.memref_slice %arg3[%dma_wait3A_403, %mul3A_2, %dma_wait3A_407] : memref<2x2500x128xi32, #tpu.memory_space<hbm>> -> memref<1x2x128xi32, #tpu.memory_space<hbm>>
        %dma_wait3A_409 = tpu.memref_squeeze %dma_wait3A_408 : memref<1x2x128xi32, #tpu.memory_space<hbm>> -> memref<2x128xi32, #tpu.memory_space<hbm>>
        tpu.wait_dma2 semaphore(%arg18 : memref<!tpu.dma_semaphore, #tpu.memory_space<semaphore_mem>>) src(%dma_wait3A_409 : memref<2x128xi32, #tpu.memory_space<hbm>>) dst(%arg6 : memref<2x128xi32, #tpu.memory_space<vmem>>)
        %dma_start3A_410 = arith.constant 0 : i32
        %dma_start3A_411 = arith.constant 0 : i32
        %dma_start3A_412 = tpu.memref_slice %arg6[%dma_start3A_410, %dma_start3A_411] : memref<2x128xi32, #tpu.memory_space<vmem>> -> memref<1x128xi32, #tpu.memory_space<vmem>>
        %dma_start3A_413 = tpu.memref_squeeze %dma_start3A_412 : memref<1x128xi32, #tpu.memory_space<vmem>> -> memref<128xi32, #tpu.memory_space<vmem>>
        %dma_start3A_414 = arith.constant 0 : i32
        %dma_start3A_415 = arith.constant 0 : i32
        %dma_start3A_416 = tpu.memref_slice %arg17[%dma_start3A_414, %dma_start3A_415] : memref<10240x64xf32, #tpu.memory_space<vmem_shared>> -> memref<10240x64xf32, #tpu.memory_space<vmem_shared>>
        tpu.enqueue_indirect_dma source(%dma_start3A_416 : memref<10240x64xf32, #tpu.memory_space<vmem_shared>>) target(%arg12 : memref<128x64xf32, #tpu.memory_space<vmem>>) offsets(%dma_start3A_413 : memref<128xi32, #tpu.memory_space<vmem>>) semaphore(%arg24 : memref<!tpu.dma_semaphore, #tpu.memory_space<semaphore_mem>>)
      } else {
      }
      %add3A_350 = arith.constant 6 : i32
      %add3A_351 = arith.addi %add3A_335, %add3A_350 : i32
      %lt3A_352 = arith.constant 78 : i32
      %lt3A_353 = arith.cmpi slt, %add3A_351, %lt3A_352 : i32
      %convert_element_type3A_354 = arith.extui %lt3A_353 : i1 to i32
      %cond3A_355 = arith.constant 0 : i32
      %cond3A_356 = arith.cmpi ne, %convert_element_type3A_354, %cond3A_355 : i32
      scf.if %cond3A_356 {
        %add3A_403 = arith.addi %mul3A_2, %add3A_351 : i32
        %dma_start3A_404 = arith.constant 0 : i32
        %dma_start3A_405 = arith.constant 0 : i32
        %dma_start3A_406 = arith.constant 0 : i32
        %dma_start3A_407 = tpu.memref_slice %arg9[%dma_start3A_405, %dma_start3A_406] : memref<2x128xi32, #tpu.memory_space<vmem>> -> memref<1x128xi32, #tpu.memory_space<vmem>>
        %dma_start3A_408 = arith.constant 0 : i32
        %dma_start3A_409 = tpu.memref_slice %arg3[%dma_start3A_404, %add3A_403, %dma_start3A_408] : memref<2x2500x128xi32, #tpu.memory_space<hbm>> -> memref<1x1x128xi32, #tpu.memory_space<hbm>>
        %dma_start3A_410 = tpu.memref_squeeze %dma_start3A_409 : memref<1x1x128xi32, #tpu.memory_space<hbm>> -> memref<1x128xi32, #tpu.memory_space<hbm>>
        %dma_start3A_411 = arith.constant 0 : i32
        %dma_start3A_412 = arith.constant 0 : i32
        %dma_start3A_413 = tpu.memref_slice %arg9[%dma_start3A_411, %dma_start3A_412] : memref<2x128xi32, #tpu.memory_space<vmem>> -> memref<1x128xi32, #tpu.memory_space<vmem>>
        %dma_start3A_414 = arith.constant 0 : i32
        %dma_start3A_415 = tpu.memref_slice %arg3[%dma_start3A_404, %add3A_403, %dma_start3A_414] : memref<2x2500x128xi32, #tpu.memory_space<hbm>> -> memref<1x1x128xi32, #tpu.memory_space<hbm>>
        %dma_start3A_416 = tpu.memref_squeeze %dma_start3A_415 : memref<1x1x128xi32, #tpu.memory_space<hbm>> -> memref<1x128xi32, #tpu.memory_space<hbm>>
        tpu.enqueue_dma source(%dma_start3A_416 : memref<1x128xi32, #tpu.memory_space<hbm>>) target(%dma_start3A_413 : memref<1x128xi32, #tpu.memory_space<vmem>>) target_semaphore(%arg21 : memref<!tpu.dma_semaphore, #tpu.memory_space<semaphore_mem>>)
        %add3A_417 = arith.addi %mul3A_2, %add3A_351 : i32
        %dma_start3A_418 = arith.constant 1 : i32
        %dma_start3A_419 = arith.constant 1 : i32
        %dma_start3A_420 = arith.constant 0 : i32
        %dma_start3A_421 = tpu.memref_slice %arg9[%dma_start3A_419, %dma_start3A_420] : memref<2x128xi32, #tpu.memory_space<vmem>> -> memref<1x128xi32, #tpu.memory_space<vmem>>
        %dma_start3A_422 = arith.constant 0 : i32
        %dma_start3A_423 = tpu.memref_slice %arg3[%dma_start3A_418, %add3A_417, %dma_start3A_422] : memref<2x2500x128xi32, #tpu.memory_space<hbm>> -> memref<1x1x128xi32, #tpu.memory_space<hbm>>
        %dma_start3A_424 = tpu.memref_squeeze %dma_start3A_423 : memref<1x1x128xi32, #tpu.memory_space<hbm>> -> memref<1x128xi32, #tpu.memory_space<hbm>>
        %dma_start3A_425 = arith.constant 1 : i32
        %dma_start3A_426 = arith.constant 0 : i32
        %dma_start3A_427 = tpu.memref_slice %arg9[%dma_start3A_425, %dma_start3A_426] : memref<2x128xi32, #tpu.memory_space<vmem>> -> memref<1x128xi32, #tpu.memory_space<vmem>>
        %dma_start3A_428 = arith.constant 0 : i32
        %dma_start3A_429 = tpu.memref_slice %arg3[%dma_start3A_418, %add3A_417, %dma_start3A_428] : memref<2x2500x128xi32, #tpu.memory_space<hbm>> -> memref<1x1x128xi32, #tpu.memory_space<hbm>>
        %dma_start3A_430 = tpu.memref_squeeze %dma_start3A_429 : memref<1x1x128xi32, #tpu.memory_space<hbm>> -> memref<1x128xi32, #tpu.memory_space<hbm>>
        tpu.enqueue_dma source(%dma_start3A_430 : memref<1x128xi32, #tpu.memory_space<hbm>>) target(%dma_start3A_427 : memref<1x128xi32, #tpu.memory_space<vmem>>) target_semaphore(%arg21 : memref<!tpu.dma_semaphore, #tpu.memory_space<semaphore_mem>>)
      } else {
      }
      %add3A_357 = arith.constant 4 : i32
      %add3A_358 = arith.addi %mul3A_264, %add3A_357 : i32
      tpu.wait_dma2 semaphore(%arg25 : memref<!tpu.dma_semaphore, #tpu.memory_space<semaphore_mem>>) src(%arg4 : memref<128x64xf32, #tpu.memory_space<hbm>>) dst(%arg13 : memref<128x64xf32, #tpu.memory_space<vmem>>)
      %dma_start3A_359 = arith.constant 1 : i32
      %dma_start3A_360 = arith.constant 0 : i32
      %dma_start3A_361 = tpu.memref_slice %arg10[%dma_start3A_359, %dma_start3A_360] : memref<2x128xi32, #tpu.memory_space<vmem>> -> memref<1x128xi32, #tpu.memory_space<vmem>>
      %dma_start3A_362 = tpu.memref_squeeze %dma_start3A_361 : memref<1x128xi32, #tpu.memory_space<vmem>> -> memref<128xi32, #tpu.memory_space<vmem>>
      %dma_start3A_363 = arith.constant 0 : i32
      %dma_start3A_364 = arith.constant 0 : i32
      %dma_start3A_365 = tpu.memref_slice %arg16[%dma_start3A_363, %dma_start3A_364] : memref<10240x64xf32, #tpu.memory_space<vmem_shared>> -> memref<10240x64xf32, #tpu.memory_space<vmem_shared>>
      tpu.enqueue_indirect_dma source(%arg13 : memref<128x64xf32, #tpu.memory_space<vmem>>) target(%dma_start3A_365 : memref<10240x64xf32, #tpu.memory_space<vmem_shared>>) offsets(%dma_start3A_362 : memref<128xi32, #tpu.memory_space<vmem>>) semaphore(%arg28 : memref<!tpu.dma_semaphore, #tpu.memory_space<semaphore_mem>>) {add = true}
      tpu.wait_dma2 semaphore(%arg28 : memref<!tpu.dma_semaphore, #tpu.memory_space<semaphore_mem>>) src(%arg4 : memref<128x64xf32, #tpu.memory_space<hbm>>) dst(%arg13 : memref<128x64xf32, #tpu.memory_space<vmem>>)
      %add3A_366 = arith.constant 3 : i32
      %add3A_367 = arith.addi %add3A_358, %add3A_366 : i32
      %lt3A_368 = arith.constant 78 : i32
      %lt3A_369 = arith.cmpi slt, %add3A_367, %lt3A_368 : i32
      %convert_element_type3A_370 = arith.extui %lt3A_369 : i1 to i32
      %cond3A_371 = arith.constant 0 : i32
      %cond3A_372 = arith.cmpi ne, %convert_element_type3A_370, %cond3A_371 : i32
      scf.if %cond3A_372 {
        %dma_wait3A_403 = arith.constant 0 : i32
        %dma_wait3A_404 = arith.constant 0 : i32
        %dma_wait3A_405 = tpu.memref_slice %arg3[%dma_wait3A_403, %mul3A_2, %dma_wait3A_404] : memref<2x2500x128xi32, #tpu.memory_space<hbm>> -> memref<1x2x128xi32, #tpu.memory_space<hbm>>
        %dma_wait3A_406 = tpu.memref_squeeze %dma_wait3A_405 : memref<1x2x128xi32, #tpu.memory_space<hbm>> -> memref<2x128xi32, #tpu.memory_space<hbm>>
        %dma_wait3A_407 = arith.constant 0 : i32
        %dma_wait3A_408 = tpu.memref_slice %arg3[%dma_wait3A_403, %mul3A_2, %dma_wait3A_407] : memref<2x2500x128xi32, #tpu.memory_space<hbm>> -> memref<1x2x128xi32, #tpu.memory_space<hbm>>
        %dma_wait3A_409 = tpu.memref_squeeze %dma_wait3A_408 : memref<1x2x128xi32, #tpu.memory_space<hbm>> -> memref<2x128xi32, #tpu.memory_space<hbm>>
        tpu.wait_dma2 semaphore(%arg19 : memref<!tpu.dma_semaphore, #tpu.memory_space<semaphore_mem>>) src(%dma_wait3A_409 : memref<2x128xi32, #tpu.memory_space<hbm>>) dst(%arg7 : memref<2x128xi32, #tpu.memory_space<vmem>>)
        %dma_start3A_410 = arith.constant 0 : i32
        %dma_start3A_411 = arith.constant 0 : i32
        %dma_start3A_412 = tpu.memref_slice %arg7[%dma_start3A_410, %dma_start3A_411] : memref<2x128xi32, #tpu.memory_space<vmem>> -> memref<1x128xi32, #tpu.memory_space<vmem>>
        %dma_start3A_413 = tpu.memref_squeeze %dma_start3A_412 : memref<1x128xi32, #tpu.memory_space<vmem>> -> memref<128xi32, #tpu.memory_space<vmem>>
        %dma_start3A_414 = arith.constant 0 : i32
        %dma_start3A_415 = arith.constant 0 : i32
        %dma_start3A_416 = tpu.memref_slice %arg17[%dma_start3A_414, %dma_start3A_415] : memref<10240x64xf32, #tpu.memory_space<vmem_shared>> -> memref<10240x64xf32, #tpu.memory_space<vmem_shared>>
        tpu.enqueue_indirect_dma source(%dma_start3A_416 : memref<10240x64xf32, #tpu.memory_space<vmem_shared>>) target(%arg13 : memref<128x64xf32, #tpu.memory_space<vmem>>) offsets(%dma_start3A_413 : memref<128xi32, #tpu.memory_space<vmem>>) semaphore(%arg25 : memref<!tpu.dma_semaphore, #tpu.memory_space<semaphore_mem>>)
      } else {
      }
      %add3A_373 = arith.constant 6 : i32
      %add3A_374 = arith.addi %add3A_358, %add3A_373 : i32
      %lt3A_375 = arith.constant 78 : i32
      %lt3A_376 = arith.cmpi slt, %add3A_374, %lt3A_375 : i32
      %convert_element_type3A_377 = arith.extui %lt3A_376 : i1 to i32
      %cond3A_378 = arith.constant 0 : i32
      %cond3A_379 = arith.cmpi ne, %convert_element_type3A_377, %cond3A_378 : i32
      scf.if %cond3A_379 {
        %add3A_403 = arith.addi %mul3A_2, %add3A_374 : i32
        %dma_start3A_404 = arith.constant 0 : i32
        %dma_start3A_405 = arith.constant 0 : i32
        %dma_start3A_406 = arith.constant 0 : i32
        %dma_start3A_407 = tpu.memref_slice %arg10[%dma_start3A_405, %dma_start3A_406] : memref<2x128xi32, #tpu.memory_space<vmem>> -> memref<1x128xi32, #tpu.memory_space<vmem>>
        %dma_start3A_408 = arith.constant 0 : i32
        %dma_start3A_409 = tpu.memref_slice %arg3[%dma_start3A_404, %add3A_403, %dma_start3A_408] : memref<2x2500x128xi32, #tpu.memory_space<hbm>> -> memref<1x1x128xi32, #tpu.memory_space<hbm>>
        %dma_start3A_410 = tpu.memref_squeeze %dma_start3A_409 : memref<1x1x128xi32, #tpu.memory_space<hbm>> -> memref<1x128xi32, #tpu.memory_space<hbm>>
        %dma_start3A_411 = arith.constant 0 : i32
        %dma_start3A_412 = arith.constant 0 : i32
        %dma_start3A_413 = tpu.memref_slice %arg10[%dma_start3A_411, %dma_start3A_412] : memref<2x128xi32, #tpu.memory_space<vmem>> -> memref<1x128xi32, #tpu.memory_space<vmem>>
        %dma_start3A_414 = arith.constant 0 : i32
        %dma_start3A_415 = tpu.memref_slice %arg3[%dma_start3A_404, %add3A_403, %dma_start3A_414] : memref<2x2500x128xi32, #tpu.memory_space<hbm>> -> memref<1x1x128xi32, #tpu.memory_space<hbm>>
        %dma_start3A_416 = tpu.memref_squeeze %dma_start3A_415 : memref<1x1x128xi32, #tpu.memory_space<hbm>> -> memref<1x128xi32, #tpu.memory_space<hbm>>
        tpu.enqueue_dma source(%dma_start3A_416 : memref<1x128xi32, #tpu.memory_space<hbm>>) target(%dma_start3A_413 : memref<1x128xi32, #tpu.memory_space<vmem>>) target_semaphore(%arg22 : memref<!tpu.dma_semaphore, #tpu.memory_space<semaphore_mem>>)
        %add3A_417 = arith.addi %mul3A_2, %add3A_374 : i32
        %dma_start3A_418 = arith.constant 1 : i32
        %dma_start3A_419 = arith.constant 1 : i32
        %dma_start3A_420 = arith.constant 0 : i32
        %dma_start3A_421 = tpu.memref_slice %arg10[%dma_start3A_419, %dma_start3A_420] : memref<2x128xi32, #tpu.memory_space<vmem>> -> memref<1x128xi32, #tpu.memory_space<vmem>>
        %dma_start3A_422 = arith.constant 0 : i32
        %dma_start3A_423 = tpu.memref_slice %arg3[%dma_start3A_418, %add3A_417, %dma_start3A_422] : memref<2x2500x128xi32, #tpu.memory_space<hbm>> -> memref<1x1x128xi32, #tpu.memory_space<hbm>>
        %dma_start3A_424 = tpu.memref_squeeze %dma_start3A_423 : memref<1x1x128xi32, #tpu.memory_space<hbm>> -> memref<1x128xi32, #tpu.memory_space<hbm>>
        %dma_start3A_425 = arith.constant 1 : i32
        %dma_start3A_426 = arith.constant 0 : i32
        %dma_start3A_427 = tpu.memref_slice %arg10[%dma_start3A_425, %dma_start3A_426] : memref<2x128xi32, #tpu.memory_space<vmem>> -> memref<1x128xi32, #tpu.memory_space<vmem>>
        %dma_start3A_428 = arith.constant 0 : i32
        %dma_start3A_429 = tpu.memref_slice %arg3[%dma_start3A_418, %add3A_417, %dma_start3A_428] : memref<2x2500x128xi32, #tpu.memory_space<hbm>> -> memref<1x1x128xi32, #tpu.memory_space<hbm>>
        %dma_start3A_430 = tpu.memref_squeeze %dma_start3A_429 : memref<1x1x128xi32, #tpu.memory_space<hbm>> -> memref<1x128xi32, #tpu.memory_space<hbm>>
        tpu.enqueue_dma source(%dma_start3A_430 : memref<1x128xi32, #tpu.memory_space<hbm>>) target(%dma_start3A_427 : memref<1x128xi32, #tpu.memory_space<vmem>>) target_semaphore(%arg22 : memref<!tpu.dma_semaphore, #tpu.memory_space<semaphore_mem>>)
      } else {
      }
      %add3A_380 = arith.constant 5 : i32
      %add3A_381 = arith.addi %mul3A_264, %add3A_380 : i32
      tpu.wait_dma2 semaphore(%arg26 : memref<!tpu.dma_semaphore, #tpu.memory_space<semaphore_mem>>) src(%arg4 : memref<128x64xf32, #tpu.memory_space<hbm>>) dst(%arg14 : memref<128x64xf32, #tpu.memory_space<vmem>>)
      %dma_start3A_382 = arith.constant 1 : i32
      %dma_start3A_383 = arith.constant 0 : i32
      %dma_start3A_384 = tpu.memref_slice %arg11[%dma_start3A_382, %dma_start3A_383] : memref<2x128xi32, #tpu.memory_space<vmem>> -> memref<1x128xi32, #tpu.memory_space<vmem>>
      %dma_start3A_385 = tpu.memref_squeeze %dma_start3A_384 : memref<1x128xi32, #tpu.memory_space<vmem>> -> memref<128xi32, #tpu.memory_space<vmem>>
      %dma_start3A_386 = arith.constant 0 : i32
      %dma_start3A_387 = arith.constant 0 : i32
      %dma_start3A_388 = tpu.memref_slice %arg16[%dma_start3A_386, %dma_start3A_387] : memref<10240x64xf32, #tpu.memory_space<vmem_shared>> -> memref<10240x64xf32, #tpu.memory_space<vmem_shared>>
      tpu.enqueue_indirect_dma source(%arg14 : memref<128x64xf32, #tpu.memory_space<vmem>>) target(%dma_start3A_388 : memref<10240x64xf32, #tpu.memory_space<vmem_shared>>) offsets(%dma_start3A_385 : memref<128xi32, #tpu.memory_space<vmem>>) semaphore(%arg29 : memref<!tpu.dma_semaphore, #tpu.memory_space<semaphore_mem>>) {add = true}
      tpu.wait_dma2 semaphore(%arg29 : memref<!tpu.dma_semaphore, #tpu.memory_space<semaphore_mem>>) src(%arg4 : memref<128x64xf32, #tpu.memory_space<hbm>>) dst(%arg14 : memref<128x64xf32, #tpu.memory_space<vmem>>)
      %add3A_389 = arith.constant 3 : i32
      %add3A_390 = arith.addi %add3A_381, %add3A_389 : i32
      %lt3A_391 = arith.constant 78 : i32
      %lt3A_392 = arith.cmpi slt, %add3A_390, %lt3A_391 : i32
      %convert_element_type3A_393 = arith.extui %lt3A_392 : i1 to i32
      %cond3A_394 = arith.constant 0 : i32
      %cond3A_395 = arith.cmpi ne, %convert_element_type3A_393, %cond3A_394 : i32
      scf.if %cond3A_395 {
        %dma_wait3A_403 = arith.constant 0 : i32
        %dma_wait3A_404 = arith.constant 0 : i32
        %dma_wait3A_405 = tpu.memref_slice %arg3[%dma_wait3A_403, %mul3A_2, %dma_wait3A_404] : memref<2x2500x128xi32, #tpu.memory_space<hbm>> -> memref<1x2x128xi32, #tpu.memory_space<hbm>>
        %dma_wait3A_406 = tpu.memref_squeeze %dma_wait3A_405 : memref<1x2x128xi32, #tpu.memory_space<hbm>> -> memref<2x128xi32, #tpu.memory_space<hbm>>
        %dma_wait3A_407 = arith.constant 0 : i32
        %dma_wait3A_408 = tpu.memref_slice %arg3[%dma_wait3A_403, %mul3A_2, %dma_wait3A_407] : memref<2x2500x128xi32, #tpu.memory_space<hbm>> -> memref<1x2x128xi32, #tpu.memory_space<hbm>>
        %dma_wait3A_409 = tpu.memref_squeeze %dma_wait3A_408 : memref<1x2x128xi32, #tpu.memory_space<hbm>> -> memref<2x128xi32, #tpu.memory_space<hbm>>
        tpu.wait_dma2 semaphore(%arg20 : memref<!tpu.dma_semaphore, #tpu.memory_space<semaphore_mem>>) src(%dma_wait3A_409 : memref<2x128xi32, #tpu.memory_space<hbm>>) dst(%arg8 : memref<2x128xi32, #tpu.memory_space<vmem>>)
        %dma_start3A_410 = arith.constant 0 : i32
        %dma_start3A_411 = arith.constant 0 : i32
        %dma_start3A_412 = tpu.memref_slice %arg8[%dma_start3A_410, %dma_start3A_411] : memref<2x128xi32, #tpu.memory_space<vmem>> -> memref<1x128xi32, #tpu.memory_space<vmem>>
        %dma_start3A_413 = tpu.memref_squeeze %dma_start3A_412 : memref<1x128xi32, #tpu.memory_space<vmem>> -> memref<128xi32, #tpu.memory_space<vmem>>
        %dma_start3A_414 = arith.constant 0 : i32
        %dma_start3A_415 = arith.constant 0 : i32
        %dma_start3A_416 = tpu.memref_slice %arg17[%dma_start3A_414, %dma_start3A_415] : memref<10240x64xf32, #tpu.memory_space<vmem_shared>> -> memref<10240x64xf32, #tpu.memory_space<vmem_shared>>
        tpu.enqueue_indirect_dma source(%dma_start3A_416 : memref<10240x64xf32, #tpu.memory_space<vmem_shared>>) target(%arg14 : memref<128x64xf32, #tpu.memory_space<vmem>>) offsets(%dma_start3A_413 : memref<128xi32, #tpu.memory_space<vmem>>) semaphore(%arg26 : memref<!tpu.dma_semaphore, #tpu.memory_space<semaphore_mem>>)
      } else {
      }
      %add3A_396 = arith.constant 6 : i32
      %add3A_397 = arith.addi %add3A_381, %add3A_396 : i32
      %lt3A_398 = arith.constant 78 : i32
      %lt3A_399 = arith.cmpi slt, %add3A_397, %lt3A_398 : i32
      %convert_element_type3A_400 = arith.extui %lt3A_399 : i1 to i32
      %cond3A_401 = arith.constant 0 : i32
      %cond3A_402 = arith.cmpi ne, %convert_element_type3A_400, %cond3A_401 : i32
      scf.if %cond3A_402 {
        %add3A_403 = arith.addi %mul3A_2, %add3A_397 : i32
        %dma_start3A_404 = arith.constant 0 : i32
        %dma_start3A_405 = arith.constant 0 : i32
        %dma_start3A_406 = arith.constant 0 : i32
        %dma_start3A_407 = tpu.memref_slice %arg11[%dma_start3A_405, %dma_start3A_406] : memref<2x128xi32, #tpu.memory_space<vmem>> -> memref<1x128xi32, #tpu.memory_space<vmem>>
        %dma_start3A_408 = arith.constant 0 : i32
        %dma_start3A_409 = tpu.memref_slice %arg3[%dma_start3A_404, %add3A_403, %dma_start3A_408] : memref<2x2500x128xi32, #tpu.memory_space<hbm>> -> memref<1x1x128xi32, #tpu.memory_space<hbm>>
        %dma_start3A_410 = tpu.memref_squeeze %dma_start3A_409 : memref<1x1x128xi32, #tpu.memory_space<hbm>> -> memref<1x128xi32, #tpu.memory_space<hbm>>
        %dma_start3A_411 = arith.constant 0 : i32
        %dma_start3A_412 = arith.constant 0 : i32
        %dma_start3A_413 = tpu.memref_slice %arg11[%dma_start3A_411, %dma_start3A_412] : memref<2x128xi32, #tpu.memory_space<vmem>> -> memref<1x128xi32, #tpu.memory_space<vmem>>
        %dma_start3A_414 = arith.constant 0 : i32
        %dma_start3A_415 = tpu.memref_slice %arg3[%dma_start3A_404, %add3A_403, %dma_start3A_414] : memref<2x2500x128xi32, #tpu.memory_space<hbm>> -> memref<1x1x128xi32, #tpu.memory_space<hbm>>
        %dma_start3A_416 = tpu.memref_squeeze %dma_start3A_415 : memref<1x1x128xi32, #tpu.memory_space<hbm>> -> memref<1x128xi32, #tpu.memory_space<hbm>>
        tpu.enqueue_dma source(%dma_start3A_416 : memref<1x128xi32, #tpu.memory_space<hbm>>) target(%dma_start3A_413 : memref<1x128xi32, #tpu.memory_space<vmem>>) target_semaphore(%arg23 : memref<!tpu.dma_semaphore, #tpu.memory_space<semaphore_mem>>)
        %add3A_417 = arith.addi %mul3A_2, %add3A_397 : i32
        %dma_start3A_418 = arith.constant 1 : i32
        %dma_start3A_419 = arith.constant 1 : i32
        %dma_start3A_420 = arith.constant 0 : i32
        %dma_start3A_421 = tpu.memref_slice %arg11[%dma_start3A_419, %dma_start3A_420] : memref<2x128xi32, #tpu.memory_space<vmem>> -> memref<1x128xi32, #tpu.memory_space<vmem>>
        %dma_start3A_422 = arith.constant 0 : i32
        %dma_start3A_423 = tpu.memref_slice %arg3[%dma_start3A_418, %add3A_417, %dma_start3A_422] : memref<2x2500x128xi32, #tpu.memory_space<hbm>> -> memref<1x1x128xi32, #tpu.memory_space<hbm>>
        %dma_start3A_424 = tpu.memref_squeeze %dma_start3A_423 : memref<1x1x128xi32, #tpu.memory_space<hbm>> -> memref<1x128xi32, #tpu.memory_space<hbm>>
        %dma_start3A_425 = arith.constant 1 : i32
        %dma_start3A_426 = arith.constant 0 : i32
        %dma_start3A_427 = tpu.memref_slice %arg11[%dma_start3A_425, %dma_start3A_426] : memref<2x128xi32, #tpu.memory_space<vmem>> -> memref<1x128xi32, #tpu.memory_space<vmem>>
        %dma_start3A_428 = arith.constant 0 : i32
        %dma_start3A_429 = tpu.memref_slice %arg3[%dma_start3A_418, %add3A_417, %dma_start3A_428] : memref<2x2500x128xi32, #tpu.memory_space<hbm>> -> memref<1x1x128xi32, #tpu.memory_space<hbm>>
        %dma_start3A_430 = tpu.memref_squeeze %dma_start3A_429 : memref<1x1x128xi32, #tpu.memory_space<hbm>> -> memref<1x128xi32, #tpu.memory_space<hbm>>
        tpu.enqueue_dma source(%dma_start3A_430 : memref<1x128xi32, #tpu.memory_space<hbm>>) target(%dma_start3A_427 : memref<1x128xi32, #tpu.memory_space<vmem>>) target_semaphore(%arg23 : memref<!tpu.dma_semaphore, #tpu.memory_space<semaphore_mem>>)
      } else {
      }
    }
    %scan3A_253 = arith.constant 13 : i32
    %lt3A_254 = arith.constant 4 : i32
    %lt3A_255 = arith.cmpi slt, %add3A, %lt3A_254 : i32
    %convert_element_type3A_256 = arith.extui %lt3A_255 : i1 to i32
    %cond3A_257 = arith.constant 0 : i32
    %cond3A_258 = arith.cmpi ne, %convert_element_type3A_256, %cond3A_257 : i32
    scf.if %cond3A_258 {
      %dma_start3A_262 = arith.constant 0 : i32
      %dma_start3A_263 = arith.constant 0 : i32
      %dma_start3A_264 = tpu.memref_slice %arg15[%dma_start3A_262, %dma_start3A_263] : memref<2x128xi32, #tpu.memory_space<vmem>> -> memref<1x128xi32, #tpu.memory_space<vmem>>
      %dma_start3A_265 = tpu.memref_squeeze %dma_start3A_264 : memref<1x128xi32, #tpu.memory_space<vmem>> -> memref<128xi32, #tpu.memory_space<vmem>>
      %dma_start3A_266 = arith.constant 0 : i32
      %dma_start3A_267 = arith.constant 0 : i32
      %dma_start3A_268 = tpu.memref_slice %arg17[%dma_start3A_266, %dma_start3A_267] : memref<10240x64xf32, #tpu.memory_space<vmem_shared>> -> memref<10240x64xf32, #tpu.memory_space<vmem_shared>>
      tpu.enqueue_indirect_dma source(%dma_start3A_268 : memref<10240x64xf32, #tpu.memory_space<vmem_shared>>) target(%arg12 : memref<128x64xf32, #tpu.memory_space<vmem>>) offsets(%dma_start3A_265 : memref<128xi32, #tpu.memory_space<vmem>>) semaphore(%arg24 : memref<!tpu.dma_semaphore, #tpu.memory_space<semaphore_mem>>)
      tpu.wait_dma2 semaphore(%arg24 : memref<!tpu.dma_semaphore, #tpu.memory_space<semaphore_mem>>) src(%arg4 : memref<128x64xf32, #tpu.memory_space<hbm>>) dst(%arg12 : memref<128x64xf32, #tpu.memory_space<vmem>>)
      %run_scoped3A = arith.constant 1 : i32
      "tpu.region"() ({
        %run_scoped3A_269 = tpu.sem_alloc : memref<!tpu.dma_semaphore, #tpu.memory_space<semaphore_mem>>
        %dma_start3A_270 = arith.constant 0 : i32
        %dma_start3A_271 = tpu.memref_slice %arg15[%run_scoped3A, %dma_start3A_270] : memref<2x128xi32, #tpu.memory_space<vmem>> -> memref<1x128xi32, #tpu.memory_space<vmem>>
        %dma_start3A_272 = tpu.memref_squeeze %dma_start3A_271 : memref<1x128xi32, #tpu.memory_space<vmem>> -> memref<128xi32, #tpu.memory_space<vmem>>
        %dma_start3A_273 = arith.constant 0 : i32
        %dma_start3A_274 = arith.constant 0 : i32
        %dma_start3A_275 = tpu.memref_slice %arg16[%dma_start3A_273, %dma_start3A_274] : memref<10240x64xf32, #tpu.memory_space<vmem_shared>> -> memref<10240x64xf32, #tpu.memory_space<vmem_shared>>
        tpu.enqueue_indirect_dma source(%arg12 : memref<128x64xf32, #tpu.memory_space<vmem>>) target(%dma_start3A_275 : memref<10240x64xf32, #tpu.memory_space<vmem_shared>>) offsets(%dma_start3A_272 : memref<128xi32, #tpu.memory_space<vmem>>) semaphore(%run_scoped3A_269 : memref<!tpu.dma_semaphore, #tpu.memory_space<semaphore_mem>>) {add = true}
        %dma_wait3A_276 = arith.constant 0 : i32
        %dma_wait3A_277 = tpu.memref_slice %arg15[%run_scoped3A, %dma_wait3A_276] : memref<2x128xi32, #tpu.memory_space<vmem>> -> memref<1x128xi32, #tpu.memory_space<vmem>>
        %dma_wait3A_278 = tpu.memref_squeeze %dma_wait3A_277 : memref<1x128xi32, #tpu.memory_space<vmem>> -> memref<128xi32, #tpu.memory_space<vmem>>
        %dma_wait3A_279 = arith.constant 0 : i32
        %dma_wait3A_280 = arith.constant 0 : i32
        %dma_wait3A_281 = tpu.memref_slice %arg16[%dma_wait3A_279, %dma_wait3A_280] : memref<10240x64xf32, #tpu.memory_space<vmem_shared>> -> memref<10240x64xf32, #tpu.memory_space<vmem_shared>>
        tpu.wait_indirect_dma semaphore(%run_scoped3A_269 : memref<!tpu.dma_semaphore, #tpu.memory_space<semaphore_mem>>) src(%arg12 : memref<128x64xf32, #tpu.memory_space<vmem>>) dst(%dma_wait3A_281 : memref<10240x64xf32, #tpu.memory_space<vmem_shared>>)
        tpu.yield
      }) : () -> ()
    } else {
    }
    %barrier3A_259 = arith.constant 0 : index
    tpu.barrier barrier_id(%barrier3A_259)
    %mul3A_260 = arith.constant 640 : i32
    %mul3A_261 = arith.muli %arg1, %mul3A_260 : i32
    "tpu.region"() ({
      %run_scoped3A = tpu.sem_alloc : memref<!tpu.dma_semaphore, #tpu.memory_space<semaphore_mem>>
      %dma_start3A_262 = arith.constant 0 : i32
      %dma_start3A_263 = tpu.memref_slice %arg5[%arg0, %mul3A_261, %dma_start3A_262] : memref<2x10240x128xf32, #tpu.memory_space<hbm>> -> memref<1x640x64xf32, #tpu.memory_space<hbm>>
      %dma_start3A_264 = tpu.memref_squeeze %dma_start3A_263 : memref<1x640x64xf32, #tpu.memory_space<hbm>> -> memref<640x64xf32, #tpu.memory_space<hbm>>
      %dma_start3A_265 = arith.constant 0 : i32
      %dma_start3A_266 = tpu.memref_slice %arg16[%mul3A_261, %dma_start3A_265] : memref<10240x64xf32, #tpu.memory_space<vmem_shared>> -> memref<640x64xf32, #tpu.memory_space<vmem_shared>>
      tpu.enqueue_dma source(%dma_start3A_266 : memref<640x64xf32, #tpu.memory_space<vmem_shared>>) target(%dma_start3A_264 : memref<640x64xf32, #tpu.memory_space<hbm>>) target_semaphore(%run_scoped3A : memref<!tpu.dma_semaphore, #tpu.memory_space<semaphore_mem>>)
      %dma_wait3A_267 = arith.constant 0 : i32
      %dma_wait3A_268 = tpu.memref_slice %arg5[%arg0, %mul3A_261, %dma_wait3A_267] : memref<2x10240x128xf32, #tpu.memory_space<hbm>> -> memref<1x640x64xf32, #tpu.memory_space<hbm>>
      %dma_wait3A_269 = tpu.memref_squeeze %dma_wait3A_268 : memref<1x640x64xf32, #tpu.memory_space<hbm>> -> memref<640x64xf32, #tpu.memory_space<hbm>>
      %dma_wait3A_270 = arith.constant 0 : i32
      %dma_wait3A_271 = tpu.memref_slice %arg16[%mul3A_261, %dma_wait3A_270] : memref<10240x64xf32, #tpu.memory_space<vmem_shared>> -> memref<640x64xf32, #tpu.memory_space<vmem_shared>>
      tpu.wait_dma2 semaphore(%run_scoped3A : memref<!tpu.dma_semaphore, #tpu.memory_space<semaphore_mem>>) src(%dma_wait3A_271 : memref<640x64xf32, #tpu.memory_space<vmem_shared>>) dst(%dma_wait3A_269 : memref<640x64xf32, #tpu.memory_space<hbm>>)
      tpu.yield
    }) : () -> ()
    return
  }
}

module attributes {stable_mosaic.version = 14 : i64} {
  func.func @_tc0_body(%arg0: i32, %arg1: memref<1024x128xf32, #tpu.memory_space<vmem>>, %arg2: memref<128x128xf32, #tpu.memory_space<vmem>>, %arg3: memref<1x128xf32, #tpu.memory_space<vmem>>, %arg4: memref<128x128xf32, #tpu.memory_space<vmem>>, %arg5: memref<1x128xf32, #tpu.memory_space<vmem>>, %arg6: memref<128x128xf32, #tpu.memory_space<vmem>>, %arg7: memref<1x128xf32, #tpu.memory_space<vmem>>, %arg8: memref<128x64xf32, #tpu.memory_space<vmem>>, %arg9: memref<1024x128xf32, #tpu.memory_space<vmem>>, %arg10: memref<1x64xf32, #tpu.memory_space<vmem>>) attributes {dimension_semantics = [#tpu.dimension_semantics<arbitrary>], iteration_bounds = array<i64: 10>, scalar_prefetch = 0 : i64, scratch_operands = 0 : i64, tpu.core_type = #tpu.core_type<tc>, window_params = [{transform_indices = @transform_0, window_bounds = array<i64: 1024, 128>}, {pipeline_mode = #tpu.pipeline_mode<synchronous>, transform_indices = @transform_1, window_bounds = array<i64: 128, 128>}, {pipeline_mode = #tpu.pipeline_mode<synchronous>, transform_indices = @transform_2, window_bounds = array<i64: 1, 128>}, {pipeline_mode = #tpu.pipeline_mode<synchronous>, transform_indices = @transform_3, window_bounds = array<i64: 128, 128>}, {pipeline_mode = #tpu.pipeline_mode<synchronous>, transform_indices = @transform_4, window_bounds = array<i64: 1, 128>}, {pipeline_mode = #tpu.pipeline_mode<synchronous>, transform_indices = @transform_5, window_bounds = array<i64: 128, 128>}, {pipeline_mode = #tpu.pipeline_mode<synchronous>, transform_indices = @transform_6, window_bounds = array<i64: 1, 128>}, {pipeline_mode = #tpu.pipeline_mode<synchronous>, transform_indices = @transform_7, window_bounds = array<i64: 128, 64>}, {transform_indices = @transform_8, window_bounds = array<i64: 1024, 128>}, {pipeline_mode = #tpu.pipeline_mode<synchronous>, transform_indices = @transform_9, window_bounds = array<i64: 1, 64>}]} {
    %get3A = arith.constant 0 : index
    %get3A_0 = arith.constant 0 : index
    %get3A_1 = vector.load %arg1[%get3A, %get3A_0] : memref<1024x128xf32, #tpu.memory_space<vmem>>, vector<1024x128xf32>
    %get3A_2 = arith.constant 0 : index
    %get3A_3 = arith.constant 0 : index
    %get3A_4 = vector.load %arg2[%get3A_2, %get3A_3] : memref<128x128xf32, #tpu.memory_space<vmem>>, vector<128x128xf32>
    %dot_general3A = arith.constant dense<0.000000e+00> : vector<1024x128xf32>
    %dot_general3A_5 = tpu.matmul %get3A_1, %get3A_4, %dot_general3A {dimension_numbers = #tpu.dot_dimension_numbers<[1], [0], [0], [1], [0, 0, 1, 1], [], []>, transpose_lhs_hint = false} : vector<1024x128xf32>, vector<128x128xf32>, vector<1024x128xf32> -> vector<1024x128xf32>
    %swap3A = arith.constant 0 : index
    %swap3A_6 = arith.constant 0 : index
    %swap3A_7 = vector.load %arg9[%swap3A, %swap3A_6] : memref<1024x128xf32, #tpu.memory_space<vmem>>, vector<1024x128xf32>
    tpu.vector_store %arg9[%swap3A, %swap3A_6], %dot_general3A_5 {strides = array<i32>} : memref<1024x128xf32, #tpu.memory_space<vmem>>, vector<1024x128xf32>,
    %get3A_8 = arith.constant 0 : index
    %get3A_9 = arith.constant 0 : index
    %get3A_10 = vector.load %arg3[%get3A_8, %get3A_9] : memref<1x128xf32, #tpu.memory_space<vmem>>, vector<1x128xf32>
    %get3A_11 = arith.constant 0 : index
    %get3A_12 = arith.constant 0 : index
    %get3A_13 = vector.load %arg4[%get3A_11, %get3A_12] : memref<128x128xf32, #tpu.memory_space<vmem>>, vector<128x128xf32>
    %dot_general3A_14 = arith.constant dense<0.000000e+00> : vector<1x128xf32>
    %dot_general3A_15 = tpu.matmul %get3A_10, %get3A_13, %dot_general3A_14 {dimension_numbers = #tpu.dot_dimension_numbers<[1], [0], [0], [1], [0, 0, 1, 1], [], []>, transpose_lhs_hint = false} : vector<1x128xf32>, vector<128x128xf32>, vector<1x128xf32> -> vector<1x128xf32>
    %get3A_16 = arith.constant 0 : index
    %get3A_17 = arith.constant 0 : index
    %get3A_18 = vector.load %arg5[%get3A_16, %get3A_17] : memref<1x128xf32, #tpu.memory_space<vmem>>, vector<1x128xf32>
    %add3A = arith.addf %dot_general3A_15, %get3A_18 : vector<1x128xf32>
    %max3A = arith.constant 0.000000e+00 : f32
    %max3A_19 = vector.broadcast %max3A : f32 to vector<1x128xf32>
    %max3A_20 = arith.maximumf %add3A, %max3A_19 : vector<1x128xf32>
    %get3A_21 = arith.constant 0 : index
    %get3A_22 = arith.constant 0 : index
    %get3A_23 = vector.load %arg6[%get3A_21, %get3A_22] : memref<128x128xf32, #tpu.memory_space<vmem>>, vector<128x128xf32>
    %dot_general3A_24 = arith.constant dense<0.000000e+00> : vector<1x128xf32>
    %dot_general3A_25 = tpu.matmul %max3A_20, %get3A_23, %dot_general3A_24 {dimension_numbers = #tpu.dot_dimension_numbers<[1], [0], [0], [1], [0, 0, 1, 1], [], []>, transpose_lhs_hint = false} : vector<1x128xf32>, vector<128x128xf32>, vector<1x128xf32> -> vector<1x128xf32>
    %get3A_26 = arith.constant 0 : index
    %get3A_27 = arith.constant 0 : index
    %get3A_28 = vector.load %arg7[%get3A_26, %get3A_27] : memref<1x128xf32, #tpu.memory_space<vmem>>, vector<1x128xf32>
    %add3A_29 = arith.addf %dot_general3A_25, %get3A_28 : vector<1x128xf32>
    %get3A_30 = arith.constant 0 : index
    %get3A_31 = arith.constant 0 : index
    %get3A_32 = vector.load %arg8[%get3A_30, %get3A_31] : memref<128x64xf32, #tpu.memory_space<vmem>>, vector<128x64xf32>
    %dot_general3A_33 = arith.constant dense<0.000000e+00> : vector<1x64xf32>
    %dot_general3A_34 = tpu.matmul %add3A_29, %get3A_32, %dot_general3A_33 {dimension_numbers = #tpu.dot_dimension_numbers<[1], [0], [0], [1], [0, 0, 1, 1], [], []>, transpose_lhs_hint = false} : vector<1x128xf32>, vector<128x64xf32>, vector<1x64xf32> -> vector<1x64xf32>
    %swap3A_35 = arith.constant 0 : index
    %swap3A_36 = arith.constant 0 : index
    %swap3A_37 = vector.load %arg10[%swap3A_35, %swap3A_36] : memref<1x64xf32, #tpu.memory_space<vmem>>, vector<1x64xf32>
    tpu.vector_store %arg10[%swap3A_35, %swap3A_36], %dot_general3A_34 {strides = array<i32>} : memref<1x64xf32, #tpu.memory_space<vmem>>, vector<1x64xf32>,
    return
  }
  func.func @transform_0(%arg0: i32) -> (i32, i32) {
    %c0_i32 = arith.constant 0 : i32
    %c0_i32_0 = arith.constant 0 : i32
    return %arg0, %c0_i32 : i32, i32
  }
  func.func @transform_1(%arg0: i32) -> (i32, i32) {
    %c0_i32 = arith.constant 0 : i32
    %c0_i32_0 = arith.constant 0 : i32
    %c0_i32_1 = arith.constant 0 : i32
    return %c0_i32, %c0_i32_0 : i32, i32
  }
  func.func @transform_2(%arg0: i32) -> (i32, i32) {
    %c0_i32 = arith.constant 0 : i32
    %c0_i32_0 = arith.constant 0 : i32
    %c0_i32_1 = arith.constant 0 : i32
    return %c0_i32, %c0_i32_0 : i32, i32
  }
  func.func @transform_3(%arg0: i32) -> (i32, i32) {
    %c0_i32 = arith.constant 0 : i32
    %c0_i32_0 = arith.constant 0 : i32
    %c0_i32_1 = arith.constant 0 : i32
    return %c0_i32, %c0_i32_0 : i32, i32
  }
  func.func @transform_4(%arg0: i32) -> (i32, i32) {
    %c0_i32 = arith.constant 0 : i32
    %c0_i32_0 = arith.constant 0 : i32
    %c0_i32_1 = arith.constant 0 : i32
    return %c0_i32, %c0_i32_0 : i32, i32
  }
  func.func @transform_5(%arg0: i32) -> (i32, i32) {
    %c0_i32 = arith.constant 0 : i32
    %c0_i32_0 = arith.constant 0 : i32
    %c0_i32_1 = arith.constant 0 : i32
    return %c0_i32, %c0_i32_0 : i32, i32
  }
  func.func @transform_6(%arg0: i32) -> (i32, i32) {
    %c0_i32 = arith.constant 0 : i32
    %c0_i32_0 = arith.constant 0 : i32
    %c0_i32_1 = arith.constant 0 : i32
    return %c0_i32, %c0_i32_0 : i32, i32
  }
  func.func @transform_7(%arg0: i32) -> (i32, i32) {
    %c0_i32 = arith.constant 0 : i32
    %c0_i32_0 = arith.constant 0 : i32
    %c0_i32_1 = arith.constant 0 : i32
    return %c0_i32, %c0_i32_0 : i32, i32
  }
  func.func @transform_8(%arg0: i32) -> (i32, i32) {
    %c0_i32 = arith.constant 0 : i32
    %c0_i32_0 = arith.constant 0 : i32
    return %arg0, %c0_i32 : i32, i32
  }
  func.func @transform_9(%arg0: i32) -> (i32, i32) {
    %c0_i32 = arith.constant 0 : i32
    %c0_i32_0 = arith.constant 0 : i32
    %c0_i32_1 = arith.constant 0 : i32
    return %c0_i32, %c0_i32_0 : i32, i32
  }
}

module attributes {stable_mosaic.version = 14 : i64} {
  func.func @_tc1_body(%arg0: i32, %arg1: memref<1024x128xf32, #tpu.memory_space<vmem>>, %arg2: memref<2x1024x16xf32, #tpu.memory_space<vmem>>, %arg3: memref<1024x128xf32, #tpu.memory_space<vmem>>) attributes {dimension_semantics = [#tpu.dimension_semantics<arbitrary>], iteration_bounds = array<i64: 10>, scalar_prefetch = 0 : i64, scratch_operands = 0 : i64, tpu.core_type = #tpu.core_type<tc>, window_params = [{transform_indices = @transform_0, window_bounds = array<i64: 1024, 128>}, {transform_indices = @transform_1, window_bounds = array<i64: 2, 1024, 16>}, {transform_indices = @transform_2, window_bounds = array<i64: 1024, 128>}]} {
    %get3A = arith.constant 0 : index
    %get3A_0 = arith.constant 0 : index
    %get3A_1 = arith.constant 0 : index
    %get3A_2 = vector.load %arg2[%get3A, %get3A_0, %get3A_1] : memref<2x1024x16xf32, #tpu.memory_space<vmem>>, vector<1x1024x1xf32>
    %get3A_3 = vector.shape_cast %get3A_2 : vector<1x1024x1xf32> to vector<1024xf32>
    %get3A_4 = arith.constant 1 : index
    %get3A_5 = arith.constant 0 : index
    %get3A_6 = arith.constant 0 : index
    %get3A_7 = vector.load %arg2[%get3A_4, %get3A_5, %get3A_6] : memref<2x1024x16xf32, #tpu.memory_space<vmem>>, vector<1x1024x1xf32>
    %get3A_8 = vector.shape_cast %get3A_7 : vector<1x1024x1xf32> to vector<1024xf32>
    %add3A = arith.addf %get3A_3, %get3A_8 : vector<1024xf32>
    %add3A_9 = arith.constant 1.000000e+00 : f32
    %add3A_10 = vector.broadcast %add3A_9 : f32 to vector<1024xf32>
    %add3A_11 = arith.addf %add3A, %add3A_10 : vector<1024xf32>
    %rsqrt3A = math.rsqrt %add3A_11 : vector<1024xf32>
    %get3A_12 = arith.constant 0 : index
    %get3A_13 = arith.constant 0 : index
    %get3A_14 = vector.load %arg1[%get3A_12, %get3A_13] : memref<1024x128xf32, #tpu.memory_space<vmem>>, vector<1024x128xf32>
    %broadcast_in_dim3A = vector.shape_cast %rsqrt3A : vector<1024xf32> to vector<1024x1xf32>
    %mul3A = vector.broadcast %broadcast_in_dim3A : vector<1024x1xf32> to vector<1024x128xf32>
    %mul3A_15 = arith.mulf %get3A_14, %mul3A : vector<1024x128xf32>
    %swap3A = arith.constant 0 : index
    %swap3A_16 = arith.constant 0 : index
    %swap3A_17 = vector.load %arg3[%swap3A, %swap3A_16] : memref<1024x128xf32, #tpu.memory_space<vmem>>, vector<1024x128xf32>
    tpu.vector_store %arg3[%swap3A, %swap3A_16], %mul3A_15 {strides = array<i32>} : memref<1024x128xf32, #tpu.memory_space<vmem>>, vector<1024x128xf32>,
    return
  }
  func.func @transform_0(%arg0: i32) -> (i32, i32) {
    %c0_i32 = arith.constant 0 : i32
    %c0_i32_0 = arith.constant 0 : i32
    return %arg0, %c0_i32 : i32, i32
  }
  func.func @transform_1(%arg0: i32) -> (i32, i32, i32) {
    %c0_i32 = arith.constant 0 : i32
    %c0_i32_0 = arith.constant 0 : i32
    %c0_i32_1 = arith.constant 0 : i32
    return %c0_i32, %arg0, %c0_i32_0 : i32, i32, i32
  }
  func.func @transform_2(%arg0: i32) -> (i32, i32) {
    %c0_i32 = arith.constant 0 : i32
    %c0_i32_0 = arith.constant 0 : i32
    return %arg0, %c0_i32 : i32, i32
  }
}

module attributes {stable_mosaic.version = 14 : i64} {
  func.func @_tc2_body(%arg0: i32, %arg1: memref<1024x128xf32, #tpu.memory_space<vmem>>, %arg2: memref<2x1024x16xf32, #tpu.memory_space<vmem>>, %arg3: memref<2x1024x128xf32, #tpu.memory_space<vmem>>, %arg4: memref<1x128xf32, #tpu.memory_space<vmem>>, %arg5: memref<128x64xf32, #tpu.memory_space<vmem>>, %arg6: memref<1x64xf32, #tpu.memory_space<vmem>>, %arg7: memref<1024x128xf32, #tpu.memory_space<vmem>>) attributes {dimension_semantics = [#tpu.dimension_semantics<arbitrary>], iteration_bounds = array<i64: 10>, scalar_prefetch = 0 : i64, scratch_operands = 0 : i64, tpu.core_type = #tpu.core_type<tc>, window_params = [{transform_indices = @transform_0, window_bounds = array<i64: 1024, 128>}, {transform_indices = @transform_1, window_bounds = array<i64: 2, 1024, 16>}, {transform_indices = @transform_2, window_bounds = array<i64: 2, 1024, 128>}, {pipeline_mode = #tpu.pipeline_mode<synchronous>, transform_indices = @transform_3, window_bounds = array<i64: 1, 128>}, {pipeline_mode = #tpu.pipeline_mode<synchronous>, transform_indices = @transform_4, window_bounds = array<i64: 128, 64>}, {pipeline_mode = #tpu.pipeline_mode<synchronous>, transform_indices = @transform_5, window_bounds = array<i64: 1, 64>}, {transform_indices = @transform_6, window_bounds = array<i64: 1024, 128>}]} {
    %get3A = arith.constant 0 : index
    %get3A_0 = arith.constant 0 : index
    %get3A_1 = arith.constant 0 : index
    %get3A_2 = vector.load %arg2[%get3A, %get3A_0, %get3A_1] : memref<2x1024x16xf32, #tpu.memory_space<vmem>>, vector<1x1024x1xf32>
    %get3A_3 = vector.shape_cast %get3A_2 : vector<1x1024x1xf32> to vector<1024xf32>
    %get3A_4 = arith.constant 1 : index
    %get3A_5 = arith.constant 0 : index
    %get3A_6 = arith.constant 0 : index
    %get3A_7 = vector.load %arg2[%get3A_4, %get3A_5, %get3A_6] : memref<2x1024x16xf32, #tpu.memory_space<vmem>>, vector<1x1024x1xf32>
    %get3A_8 = vector.shape_cast %get3A_7 : vector<1x1024x1xf32> to vector<1024xf32>
    %add3A = arith.addf %get3A_3, %get3A_8 : vector<1024xf32>
    %add3A_9 = arith.constant 1.000000e+00 : f32
    %add3A_10 = vector.broadcast %add3A_9 : f32 to vector<1024xf32>
    %add3A_11 = arith.addf %add3A, %add3A_10 : vector<1024xf32>
    %rsqrt3A = math.rsqrt %add3A_11 : vector<1024xf32>
    %get3A_12 = arith.constant 0 : index
    %get3A_13 = arith.constant 0 : index
    %get3A_14 = arith.constant 0 : index
    %get3A_15 = vector.load %arg3[%get3A_12, %get3A_13, %get3A_14] : memref<2x1024x128xf32, #tpu.memory_space<vmem>>, vector<1x1024x128xf32>
    %get3A_16 = vector.shape_cast %get3A_15 : vector<1x1024x128xf32> to vector<1024x128xf32>
    %get3A_17 = arith.constant 1 : index
    %get3A_18 = arith.constant 0 : index
    %get3A_19 = arith.constant 0 : index
    %get3A_20 = vector.load %arg3[%get3A_17, %get3A_18, %get3A_19] : memref<2x1024x128xf32, #tpu.memory_space<vmem>>, vector<1x1024x128xf32>
    %get3A_21 = vector.shape_cast %get3A_20 : vector<1x1024x128xf32> to vector<1024x128xf32>
    %add3A_22 = arith.addf %get3A_16, %get3A_21 : vector<1024x128xf32>
    %get3A_23 = arith.constant 0 : index
    %get3A_24 = arith.constant 0 : index
    %get3A_25 = vector.load %arg1[%get3A_23, %get3A_24] : memref<1024x128xf32, #tpu.memory_space<vmem>>, vector<1024x128xf32>
    %add3A_26 = arith.addf %add3A_22, %get3A_25 : vector<1024x128xf32>
    %broadcast_in_dim3A = vector.shape_cast %rsqrt3A : vector<1024xf32> to vector<1024x1xf32>
    %mul3A = vector.broadcast %broadcast_in_dim3A : vector<1024x1xf32> to vector<1024x128xf32>
    %mul3A_27 = arith.mulf %add3A_26, %mul3A : vector<1024x128xf32>
    %get3A_28 = arith.constant 0 : index
    %get3A_29 = arith.constant 0 : index
    %get3A_30 = vector.load %arg4[%get3A_28, %get3A_29] : memref<1x128xf32, #tpu.memory_space<vmem>>, vector<1x128xf32>
    %add3A_31 = vector.broadcast %get3A_30 : vector<1x128xf32> to vector<1024x128xf32>
    %add3A_32 = arith.addf %mul3A_27, %add3A_31 : vector<1024x128xf32>
    %max3A = arith.constant 0.000000e+00 : f32
    %max3A_33 = vector.broadcast %max3A : f32 to vector<1024x128xf32>
    %max3A_34 = arith.maximumf %add3A_32, %max3A_33 : vector<1024x128xf32>
    %get3A_35 = arith.constant 0 : index
    %get3A_36 = arith.constant 0 : index
    %get3A_37 = vector.load %arg5[%get3A_35, %get3A_36] : memref<128x64xf32, #tpu.memory_space<vmem>>, vector<128x64xf32>
    %dot_general3A = arith.constant dense<0.000000e+00> : vector<1024x64xf32>
    %dot_general3A_38 = tpu.matmul %max3A_34, %get3A_37, %dot_general3A {dimension_numbers = #tpu.dot_dimension_numbers<[1], [0], [0], [1], [0, 0, 1, 1], [], []>, transpose_lhs_hint = false} : vector<1024x128xf32>, vector<128x64xf32>, vector<1024x64xf32> -> vector<1024x64xf32>
    %get3A_39 = arith.constant 0 : index
    %get3A_40 = arith.constant 0 : index
    %get3A_41 = vector.load %arg6[%get3A_39, %get3A_40] : memref<1x64xf32, #tpu.memory_space<vmem>>, vector<1x64xf32>
    %add3A_42 = vector.broadcast %get3A_41 : vector<1x64xf32> to vector<1024x64xf32>
    %add3A_43 = arith.addf %dot_general3A_38, %add3A_42 : vector<1024x64xf32>
    %broadcast_in_dim3A_44 = vector.shape_cast %rsqrt3A : vector<1024xf32> to vector<1024x1xf32>
    %mul3A_45 = vector.broadcast %broadcast_in_dim3A_44 : vector<1024x1xf32> to vector<1024x64xf32>
    %mul3A_46 = arith.mulf %add3A_43, %mul3A_45 : vector<1024x64xf32>
    %broadcast_in_dim3A_47 = arith.constant 0.000000e+00 : f32
    %broadcast_in_dim3A_48 = vector.broadcast %broadcast_in_dim3A_47 : f32 to vector<1024x64xf32>
    %concatenate3A = tpu.concatenate %mul3A_46, %broadcast_in_dim3A_48 in 1 : vector<1024x64xf32>, vector<1024x64xf32> -> vector<1024x128xf32>
    %swap3A = arith.constant 0 : index
    %swap3A_49 = arith.constant 0 : index
    %swap3A_50 = vector.load %arg7[%swap3A, %swap3A_49] : memref<1024x128xf32, #tpu.memory_space<vmem>>, vector<1024x128xf32>
    tpu.vector_store %arg7[%swap3A, %swap3A_49], %concatenate3A {strides = array<i32>} : memref<1024x128xf32, #tpu.memory_space<vmem>>, vector<1024x128xf32>,
    return
  }
  func.func @transform_0(%arg0: i32) -> (i32, i32) {
    %c0_i32 = arith.constant 0 : i32
    %c0_i32_0 = arith.constant 0 : i32
    return %arg0, %c0_i32 : i32, i32
  }
  func.func @transform_1(%arg0: i32) -> (i32, i32, i32) {
    %c0_i32 = arith.constant 0 : i32
    %c0_i32_0 = arith.constant 0 : i32
    %c0_i32_1 = arith.constant 0 : i32
    return %c0_i32, %arg0, %c0_i32_0 : i32, i32, i32
  }
  func.func @transform_2(%arg0: i32) -> (i32, i32, i32) {
    %c0_i32 = arith.constant 0 : i32
    %c0_i32_0 = arith.constant 0 : i32
    %c0_i32_1 = arith.constant 0 : i32
    return %c0_i32, %arg0, %c0_i32_0 : i32, i32, i32
  }
  func.func @transform_3(%arg0: i32) -> (i32, i32) {
    %c0_i32 = arith.constant 0 : i32
    %c0_i32_0 = arith.constant 0 : i32
    %c0_i32_1 = arith.constant 0 : i32
    return %c0_i32, %c0_i32_0 : i32, i32
  }
  func.func @transform_4(%arg0: i32) -> (i32, i32) {
    %c0_i32 = arith.constant 0 : i32
    %c0_i32_0 = arith.constant 0 : i32
    %c0_i32_1 = arith.constant 0 : i32
    return %c0_i32, %c0_i32_0 : i32, i32
  }
  func.func @transform_5(%arg0: i32) -> (i32, i32) {
    %c0_i32 = arith.constant 0 : i32
    %c0_i32_0 = arith.constant 0 : i32
    %c0_i32_1 = arith.constant 0 : i32
    return %c0_i32, %c0_i32_0 : i32, i32
  }
  func.func @transform_6(%arg0: i32) -> (i32, i32) {
    %c0_i32 = arith.constant 0 : i32
    %c0_i32_0 = arith.constant 0 : i32
    return %arg0, %c0_i32 : i32, i32
  }
}

module attributes {stable_mosaic.version = 14 : i64} {
  func.func @_tc3_body(%arg0: i32, %arg1: memref<2x1024x128xf32, #tpu.memory_space<vmem>>, %arg2: memref<1024x128xf32, #tpu.memory_space<vmem>>, %arg3: memref<2x1024x16xf32, #tpu.memory_space<vmem>>, %arg4: memref<1x64xf32, #tpu.memory_space<vmem>>, %arg5: memref<1024x64xf32, #tpu.memory_space<vmem>>) attributes {dimension_semantics = [#tpu.dimension_semantics<arbitrary>], iteration_bounds = array<i64: 10>, scalar_prefetch = 0 : i64, scratch_operands = 0 : i64, tpu.core_type = #tpu.core_type<tc>, window_params = [{transform_indices = @transform_0, window_bounds = array<i64: 2, 1024, 128>}, {transform_indices = @transform_1, window_bounds = array<i64: 1024, 128>}, {transform_indices = @transform_2, window_bounds = array<i64: 2, 1024, 16>}, {pipeline_mode = #tpu.pipeline_mode<synchronous>, transform_indices = @transform_3, window_bounds = array<i64: 1, 64>}, {transform_indices = @transform_4, window_bounds = array<i64: 1024, 64>}]} {
    %get3A = arith.constant 0 : index
    %get3A_0 = arith.constant 0 : index
    %get3A_1 = arith.constant 0 : index
    %get3A_2 = vector.load %arg3[%get3A, %get3A_0, %get3A_1] : memref<2x1024x16xf32, #tpu.memory_space<vmem>>, vector<1x1024x1xf32>
    %get3A_3 = vector.shape_cast %get3A_2 : vector<1x1024x1xf32> to vector<1024xf32>
    %get3A_4 = arith.constant 1 : index
    %get3A_5 = arith.constant 0 : index
    %get3A_6 = arith.constant 0 : index
    %get3A_7 = vector.load %arg3[%get3A_4, %get3A_5, %get3A_6] : memref<2x1024x16xf32, #tpu.memory_space<vmem>>, vector<1x1024x1xf32>
    %get3A_8 = vector.shape_cast %get3A_7 : vector<1x1024x1xf32> to vector<1024xf32>
    %add3A = arith.addf %get3A_3, %get3A_8 : vector<1024xf32>
    %add3A_9 = arith.constant 1.000000e+00 : f32
    %add3A_10 = vector.broadcast %add3A_9 : f32 to vector<1024xf32>
    %add3A_11 = arith.addf %add3A, %add3A_10 : vector<1024xf32>
    %rsqrt3A = math.rsqrt %add3A_11 : vector<1024xf32>
    %get3A_12 = arith.constant 0 : index
    %get3A_13 = arith.constant 0 : index
    %get3A_14 = arith.constant 0 : index
    %get3A_15 = vector.load %arg1[%get3A_12, %get3A_13, %get3A_14] : memref<2x1024x128xf32, #tpu.memory_space<vmem>>, vector<1x1024x64xf32>
    %get3A_16 = vector.shape_cast %get3A_15 : vector<1x1024x64xf32> to vector<1024x64xf32>
    %get3A_17 = arith.constant 1 : index
    %get3A_18 = arith.constant 0 : index
    %get3A_19 = arith.constant 0 : index
    %get3A_20 = vector.load %arg1[%get3A_17, %get3A_18, %get3A_19] : memref<2x1024x128xf32, #tpu.memory_space<vmem>>, vector<1x1024x64xf32>
    %get3A_21 = vector.shape_cast %get3A_20 : vector<1x1024x64xf32> to vector<1024x64xf32>
    %add3A_22 = arith.addf %get3A_16, %get3A_21 : vector<1024x64xf32>
    %get3A_23 = arith.constant 0 : index
    %get3A_24 = arith.constant 0 : index
    %get3A_25 = vector.load %arg2[%get3A_23, %get3A_24] : memref<1024x128xf32, #tpu.memory_space<vmem>>, vector<1024x64xf32>
    %add3A_26 = arith.addf %add3A_22, %get3A_25 : vector<1024x64xf32>
    %broadcast_in_dim3A = vector.shape_cast %rsqrt3A : vector<1024xf32> to vector<1024x1xf32>
    %mul3A = vector.broadcast %broadcast_in_dim3A : vector<1024x1xf32> to vector<1024x64xf32>
    %mul3A_27 = arith.mulf %add3A_26, %mul3A : vector<1024x64xf32>
    %get3A_28 = arith.constant 0 : index
    %get3A_29 = arith.constant 0 : index
    %get3A_30 = vector.load %arg4[%get3A_28, %get3A_29] : memref<1x64xf32, #tpu.memory_space<vmem>>, vector<1x64xf32>
    %add3A_31 = vector.broadcast %get3A_30 : vector<1x64xf32> to vector<1024x64xf32>
    %add3A_32 = arith.addf %mul3A_27, %add3A_31 : vector<1024x64xf32>
    %swap3A = arith.constant 0 : index
    %swap3A_33 = arith.constant 0 : index
    %swap3A_34 = vector.load %arg5[%swap3A, %swap3A_33] : memref<1024x64xf32, #tpu.memory_space<vmem>>, vector<1024x64xf32>
    tpu.vector_store %arg5[%swap3A, %swap3A_33], %add3A_32 {strides = array<i32>} : memref<1024x64xf32, #tpu.memory_space<vmem>>, vector<1024x64xf32>,
    return
  }
  func.func @transform_0(%arg0: i32) -> (i32, i32, i32) {
    %c0_i32 = arith.constant 0 : i32
    %c0_i32_0 = arith.constant 0 : i32
    %c0_i32_1 = arith.constant 0 : i32
    return %c0_i32, %arg0, %c0_i32_0 : i32, i32, i32
  }
  func.func @transform_1(%arg0: i32) -> (i32, i32) {
    %c0_i32 = arith.constant 0 : i32
    %c0_i32_0 = arith.constant 0 : i32
    return %arg0, %c0_i32 : i32, i32
  }
  func.func @transform_2(%arg0: i32) -> (i32, i32, i32) {
    %c0_i32 = arith.constant 0 : i32
    %c0_i32_0 = arith.constant 0 : i32
    %c0_i32_1 = arith.constant 0 : i32
    return %c0_i32, %arg0, %c0_i32_0 : i32, i32, i32
  }
  func.func @transform_3(%arg0: i32) -> (i32, i32) {
    %c0_i32 = arith.constant 0 : i32
    %c0_i32_0 = arith.constant 0 : i32
    %c0_i32_1 = arith.constant 0 : i32
    return %c0_i32, %c0_i32_0 : i32, i32
  }
  func.func @transform_4(%arg0: i32) -> (i32, i32) {
    %c0_i32 = arith.constant 0 : i32
    %c0_i32_0 = arith.constant 0 : i32
    return %arg0, %c0_i32 : i32, i32
  }
}

</mosaic_0001>

<sc_bundles>
// kernel: kernel.12.cloned.1.call-start
scs
__scs_entry_jumppad:
0x0: {  	(pc) =	sbr.rel $0x88, $3  }
0x1: {  	(tag) =	ssettag $0x0;
	lr =	simm.s32 $0x1  }
0x2: {  	[smem:$0x3F96] =	sst lr;
	_ =	strace $0xD0000000  }
0x3: {  	_ = 	snop  }
0x4: {  	_ = 	snop  }
0x5: {  	_ = 	snop  }
0x6: {  	_ = 	snop  }
0x7: {  	_ = 	snop  }
__scs_overlays_trampoline_lowered:
0x8: {  	[smem:$0x3FA5] =	sst s0  }
0x9: {  	[smem:$0x3FA6] =	sst s1  }
0xa: {  	[smem:$0x3FA7] =	sst s2  }
0xb: {  	[smem:$0x3FA8] =	sst s3  }
0xc: {  	[smem:$0x3FA9] =	sst s4  }
0xd: {  	[smem:$0x3FAA] =	sst s5  }
0xe: {  	[smem:$0x3FAB] =	sst s6  }
0xf: {  	[smem:$0x3FAC] =	sst s7  }
0x10: {  	[smem:$0x3FAD] =	sst s8  }
0x11: {  	[smem:$0x3FAE] =	sst s9;
	s0 =	simm.s32 @!p0 $0x0  }
0x12: {  	s1 =	sld [smem:$0x3F94];
	s0 =	simm.s32 @p0 $0x1  }
0x13: {  	[smem:$0x3FAF] =	sst s0;
	s0 =	simm.s32 @!p1 $0x0  }
0x14: {  	s2 =	sld [smem:$0x3F93];
	s0 =	simm.s32 @p1 $0x1  }
0x15: {  	[smem:$0x3FB0] =	sst s0;
	s0 =	simm.s32 @!p2 $0x0  }
0x16: {  	s3 =	sld [smem:$0x3FDB];
	s0 =	simm.s32 @p2 $0x1  }
0x17: {  	s4 =	simm.s32 $0x1BF5;
	[smem:$0x3FB2] =	sst s0  }
0x18: {  	s0 =	sld [smem:$0x3F95];
	_ =	swait.ge [sflag:s4], $0x0  }
0x19: {  	s7 =	sld [smem:$0x3F96]  }
0x1a: {  	s8 =	sadd.s32 $0xFFFFE003, lr  }
0x1b: {  	s9 =	sadd.s32 $0xFFFFFEF7, lr;
	s5 =	simm.s32 $0xFFFFFFFF;
	p2 =	slt.u32 s8, $0xFFFFF086  }
0x1c: {  	p1 =	slt.u32 s9, $0xF7A;
	s5 =	simm.s32 @!p2 $0x0  }
0x1d: {  	s5 =	simm.s32 @p1 $0x1;
	p0 =	seq.s32 s7, s2  }
0x1e: {  	s7 =	smul.u32 @!p0 $0xF7A, s2;
	p2 =	seq.s32 @!p0 s5, $0x0  }
0x1f: {  	s9 =	smul.u32 $0xF7A, s1;
	s8 =	simm.s32 @!p0 $0x1BF5;
	p2 =	por !p2, p0  }
0x20: {  	[sflag:s8] =	ssyncset.s32 @!p0 $0xFFFFF086;
	s6 =	sadd.s32 @!p0 s3, s7;
	s7 =	simm.s32 @!p0 $0x108  }
0x21: {  	s3 =	sadd.s32 s3, s9;
	s6 =	sadd.s32 @!p0 $0x88, s6;
	s7 =	simm.s32 @p2 $0x1082  }
0x22: {  	[simem:s7], [sflag:s8] =	dma.local @!p0 [hbm:s6], $0xF7A  }
0x23: {  	s9 =	sor.u32 $0xD0000000, s2;
	s6 =	simm.s32 $0x108;
	_ =	swait.ge @!p0 [sflag:s8], $0x0  }
0x24: {  	s3 =	sadd.s32 $0x88, s3;
	s6 =	simm.s32 @!p1 $0x1082;
	[sflag:s4] =	ssyncset.s32 $0xFFFFF086  }
0x25: {  	[simem:s6], [sflag:s4] =	dma.local [hbm:s3], $0xF7A  }
0x26: {  	[smem:$0x3F96] =	sst s1;
	(tag) =	ssettag s2;
	_ =	strace s9  }
0x27: {  	s1 =	sld [smem:$0x3FA6]  }
0x28: {  	s2 =	sld [smem:$0x3FA7]  }
0x29: {  	s4 =	sld [smem:$0x3FA9]  }
0x2a: {  	p0 =	seq.s32 s5, $0x0;
	s5 =	sld [smem:$0x3FAA]  }
0x2b: {  	s6 =	sld [smem:$0x3FAB]  }
0x2c: {  	s7 =	sld [smem:$0x3FAC]  }
0x2d: {  	s3 =	simm.s32 $0x108;
	s8 =	sld [smem:$0x3FAD]  }
0x2e: {  	s3 =	simm.s32 @!p0 $0x1082;
	s9 =	sld [smem:$0x3FAE]  }
0x2f: {  	lr =	sadd.s32 s0, s3;
	s0 =	sld [smem:$0x3FA5]  }
0x30: {  	s3 =	sld [smem:$0x3FA8]  }
0x31: {  	[smem:$0x3FB1] =	sst s10  }
0x32: {  	s10 =	sld [smem:$0x3FAF];
	_ =	sdelay $0x3  }
0x33: {  	p0 =	seq.s32 s10, $0x1;
	s10 =	sld [smem:$0x3FB1];
	_ =	sdelay $0x3  }
0x34: {  	[smem:$0x3FB1] =	sst s10  }
0x35: {  	s10 =	sld [smem:$0x3FB0];
	_ =	sdelay $0x3  }
0x36: {  	p1 =	seq.s32 s10, $0x1;
	s10 =	sld [smem:$0x3FB1];
	_ =	sdelay $0x3  }
0x37: {  	[smem:$0x3FB1] =	sst s10  }
0x38: {  	s10 =	sld [smem:$0x3FB2]  }
0x39: {  	_ = 	snop;
	(pc) =	sbr.ind lr, $3  }
0x3a: {  	_ = 	snop  }
0x3b: {  	_ = 	snop  }
0x3c: {  	p2 =	seq.s32 s10, $0x1;
	s10 =	sld [smem:$0x3FB1]  }
0x3d: {  	_ =	shalt  }
0x3e: {  	_ =	shalt  }
0x3f: {  	_ =	shalt  }
0x40: {  	_ =	shalt  }
0x41: {  	_ =	shalt  }
0x42: {  	_ =	shalt  }
0x43: {  	_ =	shalt  }
0x44: {  	_ =	shalt  }
0x45: {  	_ =	shalt  }
0x46: {  	_ =	shalt  }
0x47: {  	_ =	shalt  }
0x48: {  	_ =	shalt  }
0x49: {  	_ =	shalt  }
0x4a: {  	_ =	shalt  }
0x4b: {  	_ =	shalt  }
0x4c: {  	_ =	shalt  }
0x4d: {  	_ =	shalt  }
0x4e: {  	_ =	shalt  }
0x4f: {  	_ =	shalt  }
0x50: {  	_ =	shalt  }
0x51: {  	_ =	shalt  }
0x52: {  	_ =	shalt  }
0x53: {  	_ =	shalt  }
0x54: {  	_ =	shalt  }
0x55: {  	_ =	shalt  }
0x56: {  	_ =	shalt  }
0x57: {  	_ =	shalt  }
0x58: {  	_ =	shalt  }
0x59: {  	_ =	shalt  }
0x5a: {  	_ =	shalt  }
0x5b: {  	_ =	shalt  }
0x5c: {  	_ =	shalt  }
0x5d: {  	_ =	shalt  }
0x5e: {  	_ =	shalt  }
0x5f: {  	_ =	shalt  }
0x60: {  	_ =	shalt  }
0x61: {  	_ =	shalt  }
0x62: {  	_ =	shalt  }
0x63: {  	_ =	shalt  }
0x64: {  	_ =	shalt  }
0x65: {  	_ =	shalt  }
0x66: {  	_ =	shalt  }
0x67: {  	_ =	shalt  }
0x68: {  	_ =	shalt  }
0x69: {  	_ =	shalt  }
0x6a: {  	_ =	shalt  }
0x6b: {  	_ =	shalt  }
0x6c: {  	_ =	shalt  }
0x6d: {  	_ =	shalt  }
0x6e: {  	_ =	shalt  }
0x6f: {  	_ =	shalt  }
0x70: {  	_ =	shalt  }
0x71: {  	_ =	shalt  }
0x72: {  	_ =	shalt  }
0x73: {  	_ =	shalt  }
0x74: {  	_ =	shalt  }
0x75: {  	_ =	shalt  }
0x76: {  	_ =	shalt  }
0x77: {  	_ =	shalt  }
0x78: {  	_ =	shalt  }
0x79: {  	_ =	shalt  }
0x7a: {  	_ =	shalt  }
0x7b: {  	_ =	shalt  }
0x7c: {  	_ =	shalt  }
0x7d: {  	_ =	shalt  }
0x7e: {  	_ =	shalt  }
0x7f: {  	_ =	shalt  }
0x80: {  	_ =	shalt  }
0x81: {  	_ =	shalt  }
0x82: {  	_ =	shalt  }
0x83: {  	_ =	shalt  }
0x84: {  	_ =	shalt  }
0x85: {  	_ =	shalt  }
0x86: {  	_ =	shalt  }
0x87: {  	_ =	shalt  }
.Lfunc_end0:
.L_simem_size_0:
called_computation.1_lowered:
.L_overlay_start_0:
0x88: {  	s2 =	sld [smem:$0x3FD9]  }
0x89: {  	s3 =	sld [smem:$0x3FFE];
	_ =	sdelay $0x1  }
0x8a: {  	s1 =	srdreg.scid  }
0x8b: {  	s0 =	sand.u32 $0x1, s1  }
0x8c: {  	s17 =	sshll.u32 s0, $0xA;
	s2 =	sadd.s32 s3, s2  }
0x8d: {  	s2 =	sadd.s32 s2, s17  }
0x8e: {  	[smem:$0x3FBD] =	sst s2  }
0x8f: {  	_ = 	snop  }
0x90: {  	s2 =	sld [smem:$0x3FD0];
	(tm) =	ssettm $0x1  }
0x91: {  	s18 =	sld [smem:$0x3FFB];
	_ =	sdelay $0x3  }
0x92: {  	_ =	strace s18  }
0x93: {  	s3 =	sld [smem:$0x3FFC];
	_ =	sdelay $0x3  }
0x94: {  	_ =	strace s3  }
0x95: {  	s3 =	sld [smem:$0x3FFD];
	_ =	sdelay $0x3  }
0x96: {  	_ =	strace s3  }
0x97: {  	_ =	strace $0x8FFFFFFF  }
0x98: {  	s19 =	sld [smem:$0x3FDB];
	_ =	sdelay $0x1  }
0x99: {  	s4 =	simm.s32 $_scs_section_size  }
0x9a: {  	s5 =	simm.s32 $_size__tile_overlayer_lowered;
	s6 =	simm.s32 $_tile_overlayer_lowered  }
0x9b: {  	s22 =	simm.s32 $0x1BFF;
	s21 =	sshll.u32 s6, $0x1;
	s3 =	sadd.s32 s4, s19  }
0x9c: {  	s7 =	simm.s32 $0x0;
	s20 =	sshll.u32 s5, $0x1;
	s5 =	sadd.s32 s21, s3  }
0x9d: {  	[timem:s7], [sflag:s22] =	dma.local [hbm:s5], s20  }
0x9e: {  	_ =	swait.ge [sflag:s22], s20  }
0x9f: {  	s4 =	ssub.s32 $0x0, s20;
	[sflag:s22] =	ssyncset.done $0x0  }
0xa0: {  	[sflag:s22] =	ssyncadd.s32 s4;
	_ =	sdelay $0x1  }
0xa1: {  	s23 =	simm.s32 $0x1B8B  }
0xa2: {  	_ =	swait.ge [sflag:s23], $0x1  }
0xa3: {  	[sflag:s23] =	ssyncset.done $0x0  }
0xa4: {  	s25 =	simm.s32 $0x1B8E;
	s24 =	sld [smem:$0x3FFE];
	[sflag:s23] =	ssyncadd.s32 $0xFFFFFFFF  }
0xa5: {  	s26 =	simm.s32 $execute0_lowered;
	[smem:$0x3FD2] =	sst s25  }
0xa6: {  	s5 =	sshll.u32 s26, $0x1;
	_ =	strace $0x80000049;
	[dreg:$0x1] =	wrdreg $0xFFFFFFFF  }
0xa7: {  	s28 =	simm.s32 $_size_execute0_lowered;
	s3 =	sadd.s32 s3, s5;
	[dreg:$0x0] =	wrdreg $0x0  }
0xa8: {  	s5 =	sshll.u32 s28, $0x1;
	[dreg:$0x2] =	wrdreg s3  }
0xa9: {  	[dreg:$0x3] =	wrdreg s5  }
0xaa: {  	[dreg:$0x4] =	wrdreg $0xC0  }
0xab: {  	_ =	task [dreg:s7], $0x5FFFF  }
0xac: {  	[dreg:$0x1] =	wrdreg $0xFFFFFFFF  }
0xad: {  	[dreg:$0x0] =	wrdreg $0x60  }
0xae: {  	[dreg:$0x2] =	wrdreg s24  }
0xaf: {  	[dreg:$0x3] =	wrdreg s2  }
0xb0: {  	[dreg:$0x4] =	wrdreg $0x107000  }
0xb1: {  	[dreg:$0x5] =	wrdreg $0x67000  }
0xb2: {  	[dreg:$0x6] =	wrdreg $0x9  }
0xb3: {  	_ =	task.clear_ibuf [dreg:s7], $0x7FFFF;
	_ =	strace $0x90000049  }
0xb4: {  	s29 =	simm.s32 $0x9;
	_ =	strace $0x8000004B  }
0xb5: {  	_ =	swait.ge [sflag:s29], $0x1  }
0xb6: {  	[sflag:s29] =	ssyncadd.s32 $0xFFFFFFFF  }
0xb7: {  	_ =	strace $0x9000004B  }
0xb8: {  	_ =	sfence  }
0xb9: {  	s30 =	sld [smem:$0x0];
	_ =	sdelay $0x2  }
0xba: {  	s31 =	sshll.u32 s1, $0xD;
	s1 =	sshrl.u32 s1, $0x2  }
0xbb: {  	s3 =	sand.u32 $0x4000, s31;
	s1 =	sadd.s32 s1, s30  }
0xbc: {  	s0 =	sor.u32 s3, s0;
	s1 =	sshll.u32 s1, $0x11  }
0xbd: {  	s0 =	sor.u32 s1, s0  }
0xbe: {  	s0 =	sadd.s32 $0x8F2B, s0  }
0xbf: {  	[sflag:s0] =	ssyncadd.remote.s32 $0x1  }
0xc0: {  	_ =	sfence.sel $0xFFFF  }
0xc1: {  	[dreg:$0x0] =	wrdreg $0xFFFFFFFF;
	(pc) =	sbr.abs _section_cstart, $3  }
0xc2: {  	[dreg:$0x1] =	wrdreg $0xFFFFFFFF  }
0xc3: {  	_ =	task.clear_ibuf [dreg:s7], $0x2FFFF;
	_ =	strace $0x9FFFFFFF  }
0xc4: {  	(tm) =	ssettm $0x7FFFFFFF  }
0xc5: {  	_ =	shalt  }
tec
execute0_lowered:
.L_overlay_start_1:
0x0: {  	(tag) =	ssettag $0x1  }
0x1: {  	s0 =	rddreg [dreg:$0x0]  }
0x2: {  	s1 =	rddreg [dreg:$0x1]  }
0x3: {  	s2 =	rddreg [dreg:$0x2]  }
0x4: {  	s3 =	rddreg [dreg:$0x3]  }
0x5: {  	s12 =	stileid.u32;
	s5 =	srdreg.scid  }
0x6: {  	s4 =	simm.s32 $0x0;
	s28 =	simm.s32 $0xA;
	s29 =	simm.s32 $0x4  }
0x7: {  	s30 =	simm.s32 $0xB;
	s31 =	simm.s32 $0x5;
	s6 =	smul.u32 $0x14000, s12  }
0x8: {  	s5 =	sand.u32 $0x1, s5;
	[smem:$0x7FF] =	sst s4;
	s18 =	smul.u32 $0x28000, s12  }
0x9: {  	s10 =	sadd.s32 $0x7AC00, s0;
	s17 =	sshll.u32 s12, $0x4;
	s11 =	smul.u32 $0xA000, s12  }
0xa: {  	s7 =	smul.u32 $0x140000, s5;
	_ =	strace $0x8000004A;
	s15 =	ssub.s32 $0x2, s5  }
0xb: {  	[dreg:$0x5] =	wrdreg s10;
	s16 =	sshll.u32 s5, $0x4;
	s8 =	sshrl.u32 s6, $0x3  }
0xc: {  	s9 =	sshrl.u32 s15, $0x1;
	s19 =	sshrl.u32 s18, $0x2;
	s20 =	sadd.s32 s11, s2  }
0xd: {  	s11 =	sadd.s32 s11, s3;
	s6 =	sadd.s32 s6, s7;
	[dreg:$0x8] =	wrdreg s20  }
0xe: {  	s8 =	sadd.s32 s8, s0;
	[dreg:$0xa] =	wrdreg s11;
	s6 =	sshrl.u32 s6, $0x3  }
0xf: {  	s22 =	sadd.s32 $0x52C00, s8;
	s18 =	sadd.s32 $0x52C08, s8;
	s0 =	sadd.s32 s6, s0  }
0x10: {  	s6 =	ssub.s32 s15, s9;
	s9 =	sadd.s32 s17, s1;
	[dreg:$0x9] =	wrdreg s22  }
0x11: {  	s7 =	sor.u32 s12, s16;
	[dreg:$0x16] =	wrdreg s18;
	s13 =	sadd.s32 $0x9C00, s9  }
0x12: {  	s21 =	smul.u32 $0x2700, s7;
	s9 =	sadd.s32 $0x13840, s9;
	[dreg:$0x6] =	wrdreg s13  }
0x13: {  	s5 =	smul.u32 $0x4E00, s5;
	s17 =	sadd.s32 $0x7B000, s0;
	[dreg:$0x7] =	wrdreg s9  }
0x14: {  	s10 =	sshrl.u32 s21, $0x3;
	s0 =	sadd.s32 $0x7B008, s0;
	[dreg:$0x15] =	wrdreg s17  }
0x15: {  	s9 =	sadd.s32 s19, s3;
	[dreg:$0x17] =	wrdreg s0;
	s19 =	smax.u32 s6, $0x1  }
0x16: {  	p0 =	sgt.u32 s7, $0x3;
	s10 =	sadd.s32 s1, s10;
	[dreg:$0x18] =	wrdreg s19  }
0x17: {  	s7 =	simm.s32 $0x9;
	s23 =	sadd.s32 $0x2000, s9;
	[dreg:$0xf] =	wrdreg s10  }
0x18: {  	s18 =	simm.s32 $0x2600;
	s24 =	sadd.s32 $0x4000, s9;
	[dreg:$0xb] =	wrdreg s23  }
0x19: {  	s13 =	smul.u32 $0x4E0, s12;
	s25 =	sadd.s32 $0x6000, s9;
	[dreg:$0xc] =	wrdreg s24  }
0x1a: {  	s1 =	sadd.s32 s5, s1;
	s9 =	sadd.s32 $0x8000, s9;
	[dreg:$0xd] =	wrdreg s25  }
0x1b: {  	s6 =	simm.s32 $0x8;
	s26 =	sadd.s32 $0x9C40, s10;
	[dreg:$0xe] =	wrdreg s9  }
0x1c: {  	s12 =	simm.s32 $0x400;
	s11 =	sadd.s32 $0x10, s10;
	[dreg:$0x10] =	wrdreg s26  }
0x1d: {  	s17 =	simm.s32 $0x2;
	s14 =	sadd.s32 $0x9C50, s10;
	[dreg:$0x11] =	wrdreg s11  }
0x1e: {  	s0 =	simm.s32 $0xC;
	s15 =	sadd.s32 $0x20, s10;
	[dreg:$0x12] =	wrdreg s14  }
0x1f: {  	s5 =	simm.s32 $0x0;
	s16 =	sadd.s32 $0x9C60, s10;
	[dreg:$0x13] =	wrdreg s15  }
0x20: {  	s21 =	sadd.s32 $0x30, s10;
	s22 =	sadd.s32 $0x9C70, s10;
	[dreg:$0x14] =	wrdreg s16  }
0x21: {  	s19 =	simm.s32 $0x3;
	s20 =	sadd.s32 s13, s1;
	[dreg:$0x19] =	wrdreg s21  }
0x22: {  	[dreg:$0x1a] =	wrdreg s22;
	s23 =	sadd.s32 $0x40, s10;
	s24 =	sadd.s32 $0x9C80, s10  }
0x23: {  	s25 =	sadd.s32 $0x50, s10;
	s26 =	sadd.s32 $0x9C90, s10;
	s9 =	simm.s32 $0x600  }
.Ltmp0:
0x24: {  	s22 =	simm.s32 $0x80;
	[dreg:$0x1b] =	wrdreg s23;
	(pc) =	sbr.rel .LBB2_1-.Ltmp0, $4  }
0x25: {  	s13 =	simm.s32 $0x480;
	s14 =	simm.s32 $0x500;
	[dreg:$0x1c] =	wrdreg s24  }
0x26: {  	s16 =	simm.s32 $0x580;
	s21 =	simm.s32 $0x4600;
	[dreg:$0x1d] =	wrdreg s25  }
0x27: {  	s15 =	simm.s32 $0x6;
	[dreg:$0x1e] =	wrdreg s26;
	s23 =	simm.s32 $0x1  }
0x28: {  	s24 =	simm.s32 $0x10;
	s25 =	simm.s32 $0xD;
	s26 =	simm.s32 $0x7  }
.LBB2_7:
0x29: {  	_ =	swait.ge [sflag:s7], $0x2000  }
0x2a: {  	[sflag:s7] =	ssyncset.done $0x0  }
0x2b: {  	[sflag:s7] =	ssyncadd.s32 $0xFFFFE000  }
0x2c: {  	[spmem:s3] =	stream.indirect.scatter.add.f32 [tilespmem:s21], [sflag:$0xC], $0x40, s16, s22, $0xb8;
	[tilespmem:$0x1A700] =	vst v63  }
0x2d: {  	_ =	swait.ge [sflag:s0], $0x2000  }
0x2e: {  	s1 =	simm.s32 @!p0 $0x80;
	[sflag:s0] =	ssyncset.done $0x0  }
0x2f: {  	s5 =	simm.s32 @!p0 $0x6600;
	s8 =	simm.s32 @!p0 $0x600;
	[sflag:s0] =	ssyncadd.s32 $0xFFFFE000  }
0x30: {  	[tilespmem:s8], [sflag:$0x7] =	stream.indirect.gather @!p0 [spmem:s2], $0x40, s5, s1, $0xb8;
	[tilespmem:$0x1A700] =	vst v63  }
0x31: {  	s5 =	simm.s32 @!p0 $0x7  }
0x32: {  	_ =	swait.ge @!p0 [sflag:s5], $0x2000  }
0x33: {  	[sflag:s5] =	ssyncset.done @!p0 $0x0  }
0x34: {  	[sflag:s5] =	ssyncadd.s32 @!p0 $0xFFFFE000;
	s5 =	simm.s32 @!p0 $0x6680  }
0x35: {  	[spmem:s3] =	stream.indirect.scatter.add.f32 @!p0 [tilespmem:s8], [sflag:$0xD], $0x40, s5, s1, $0xb8;
	[tilespmem:$0x1A700] =	vst v63  }
0x36: {  	s1 =	simm.s32 @!p0 $0xD  }
0x37: {  	_ =	swait.ge @!p0 [sflag:s1], $0x2000  }
0x38: {  	[sflag:s1] =	ssyncset.done @!p0 $0x0  }
0x39: {  	[sflag:s1] =	ssyncadd.s32 @!p0 $0xFFFFE000  }
0x3a: {  	[bflag:$0x0] =	sbarrier.arrive $0xFFFF  }
0x3b: {  	s11 =	sld [smem:$0x7FC]  }
0x3c: {  	s25 =	sld [smem:$0x7FB];
	_ =	sdelay $0x1  }
0x3d: {  	s23 =	simm.s32 $0x1;
	s24 =	simm.s32 $0x10;
	s10 =	rddreg [dreg:$0x17]  }
0x3e: {  	[hbm:s10@s24], [sflag:s11] =	dma.strided [spmem:s25@s6], $0x1400, s23, $0x8   }
0x3f: {  	s25 =	simm.s32 $0xD  }
0x40: {  	_ =	swait.ge [sflag:s25], $0x1400  }
0x41: {  	s10 =	rddreg [dreg:$0x1f]  }
0x42: {  	s11 =	rddreg [dreg:$0x18];
	s5 =	sadd.s32 $0x1, s10  }
0x43: {  	p1 =	sne.s32 s5, s11  }
.Ltmp1:
0x44: {  	_ = 	snop;
	(pc) =	sbr.rel @!p1 .LBB2_8-.Ltmp1, $3  }
0x45: {  	_ =	sdelay $0x1  }
0x46: {  	[sflag:s25] =	ssyncset.done $0x0  }
0x47: {  	[sflag:s25] =	ssyncadd.s32 $0xFFFFEC00  }
.LBB2_1:
0x48: {  	[dreg:$0x1f] =	wrdreg s5  }
0x49: {  	s1 =	simm.s32 @!p0 $0x0;
	s8 =	simm.s32 @!p0 $0x6600;
	s5 =	rddreg [dreg:$0x6]  }
0x4a: {  	[tilespmem:s8], [sflag:$0xD] =	stream.linear.gather @!p0 [hbm4b:s5+s1], $0x80, $0x38;
	[tilespmem:$0x1A700] =	vst v63  }
0x4b: {  	s8 =	simm.s32 @!p0 $0xD  }
0x4c: {  	_ =	swait.ge @!p0 [sflag:s8], $0x80  }
0x4d: {  	[sflag:s8] =	ssyncset.done @!p0 $0x0  }
0x4e: {  	s10 =	simm.s32 @!p0 $0x6680;
	s5 =	rddreg [dreg:$0x7];
	[sflag:s8] =	ssyncadd.s32 @!p0 $0xFFFFFF80  }
0x4f: {  	[tilespmem:s10], [sflag:$0xD] =	stream.linear.gather @!p0 [hbm4b:s5+s1], $0x80, $0x38;
	[tilespmem:$0x1A700] =	vst v63  }
0x50: {  	s5 =	stileid.u32;
	_ =	swait.ge @!p0 [sflag:s8], $0x80  }
0x51: {  	s1 =	sshll.u32 s5, $0x6;
	[sflag:s8] =	ssyncset.done @!p0 $0x0;
	s11 =	rddreg [dreg:$0x9]  }
0x52: {  	s5 =	sor.u32 $0x1C0D, s1;
	[sflag:s8] =	ssyncadd.s32 @!p0 $0xFFFFFF80;
	s8 =	rddreg [dreg:$0x8]  }
0x53: {  	[smem:$0x7FC] =	sst s5;
	s10 =	sshrl.u32 s8, $0x3  }
0x54: {  	[smem:$0x7FD] =	sst s10  }
0x55: {  	[spmem:s10@s6], [sflag:s5] =	dma.strided [hbm:s11@s24], $0x1400, s23, $0x8   }
0x56: {  	_ =	swait.ge [sflag:s25], $0x1400  }
0x57: {  	[sflag:s25] =	ssyncset.done $0x0  }
0x58: {  	s10 =	rddreg [dreg:$0x5];
	[sflag:s25] =	ssyncadd.s32 $0xFFFFEC00  }
0x59: {  	[tilespmem:s9], [sflag:$0xD] =	stream.linear.gather [hbm4b:s10+s4], $0x2000, $0x38;
	[tilespmem:$0x1A700] =	vst v63  }
0x5a: {  	_ =	swait.ge [sflag:s25], $0x2000  }
0x5b: {  	[sflag:s25] =	ssyncset.done $0x0  }
0x5c: {  	s11 =	rddreg [dreg:$0xa];
	[sflag:s25] =	ssyncadd.s32 $0xFFFFE000  }
0x5d: {  	[spmem:s11] =	stream.linear.scatter [tilespmem:s9], [sflag:$0xD], $0x2000, $0x38;
	[tilespmem:$0x1A700] =	vst v63  }
0x5e: {  	_ =	swait.ge [sflag:s25], $0x2000  }
0x5f: {  	[sflag:s25] =	ssyncset.done $0x0  }
0x60: {  	s24 =	rddreg [dreg:$0xb];
	[sflag:s25] =	ssyncadd.s32 $0xFFFFE000  }
0x61: {  	[spmem:s24] =	stream.linear.scatter [tilespmem:s9], [sflag:$0xD], $0x2000, $0x38;
	[tilespmem:$0x1A700] =	vst v63  }
0x62: {  	_ =	swait.ge [sflag:s25], $0x2000  }
0x63: {  	[sflag:s25] =	ssyncset.done $0x0  }
0x64: {  	s5 =	rddreg [dreg:$0xc];
	[sflag:s25] =	ssyncadd.s32 $0xFFFFE000  }
0x65: {  	[spmem:s5] =	stream.linear.scatter [tilespmem:s9], [sflag:$0xD], $0x2000, $0x38;
	[tilespmem:$0x1A700] =	vst v63  }
0x66: {  	_ =	swait.ge [sflag:s25], $0x2000  }
0x67: {  	[sflag:s25] =	ssyncset.done $0x0  }
0x68: {  	s8 =	rddreg [dreg:$0xd];
	[sflag:s25] =	ssyncadd.s32 $0xFFFFE000  }
0x69: {  	[spmem:s8] =	stream.linear.scatter [tilespmem:s9], [sflag:$0xD], $0x2000, $0x38;
	[tilespmem:$0x1A700] =	vst v63  }
0x6a: {  	_ =	swait.ge [sflag:s25], $0x2000  }
0x6b: {  	[sflag:s25] =	ssyncset.done $0x0  }
0x6c: {  	s10 =	rddreg [dreg:$0xe];
	[sflag:s25] =	ssyncadd.s32 $0xFFFFE000  }
0x6d: {  	[spmem:s10] =	stream.linear.scatter [tilespmem:s9], [sflag:$0xD], $0x2000, $0x38;
	[tilespmem:$0x1A700] =	vst v63  }
0x6e: {  	_ =	swait.ge [sflag:s25], $0x2000  }
0x6f: {  	[sflag:s25] =	ssyncset.done $0x0  }
0x70: {  	[sflag:s25] =	ssyncadd.s32 $0xFFFFE000  }
0x71: {  	[bflag:$0x0] =	sbarrier.arrive $0xFFFF  }
0x72: {  	s11 =	rddreg [dreg:$0xf]  }
0x73: {  	[tilespmem:s4], [sflag:$0x1] =	stream.linear.gather [hbm4b:s11+s4], $0x80, $0x38;
	[tilespmem:$0x1A700] =	vst v63  }
0x74: {  	s24 =	rddreg [dreg:$0x10]  }
0x75: {  	[tilespmem:s22], [sflag:$0x1] =	stream.linear.gather [hbm4b:s24+s4], $0x80, $0x38;
	[tilespmem:$0x1A700] =	vst v63  }
0x76: {  	s5 =	simm.s32 $0x100;
	s25 =	rddreg [dreg:$0x11]  }
0x77: {  	[tilespmem:s5], [sflag:$0x2] =	stream.linear.gather [hbm4b:s25+s4], $0x80, $0x38;
	[tilespmem:$0x1A700] =	vst v63  }
0x78: {  	s10 =	simm.s32 $0x180;
	s8 =	rddreg [dreg:$0x12]  }
0x79: {  	[tilespmem:s10], [sflag:$0x2] =	stream.linear.gather [hbm4b:s8+s4], $0x80, $0x38;
	[tilespmem:$0x1A700] =	vst v63  }
0x7a: {  	s11 =	rddreg [dreg:$0x13];
	s8 =	simm.s32 $0x200  }
0x7b: {  	[tilespmem:s8], [sflag:$0x3] =	stream.linear.gather [hbm4b:s11+s4], $0x80, $0x38;
	[tilespmem:$0x1A700] =	vst v63  }
0x7c: {  	s24 =	rddreg [dreg:$0x14];
	s25 =	simm.s32 $0x280  }
0x7d: {  	[tilespmem:s25], [sflag:$0x3] =	stream.linear.gather [hbm4b:s24+s4], $0x80, $0x38;
	[tilespmem:$0x1A700] =	vst v63  }
0x7e: {  	s10 =	rddreg [dreg:$0x19];
	s11 =	simm.s32 $0x300  }
0x7f: {  	[tilespmem:s11], [sflag:$0x4] =	stream.linear.gather [hbm4b:s10+s4], $0x80, $0x38;
	[tilespmem:$0x1A700] =	vst v63  }
0x80: {  	s24 =	rddreg [dreg:$0x1a];
	s25 =	simm.s32 $0x380  }
0x81: {  	[tilespmem:s25], [sflag:$0x4] =	stream.linear.gather [hbm4b:s24+s4], $0x80, $0x38;
	[tilespmem:$0x1A700] =	vst v63  }
0x82: {  	s10 =	rddreg [dreg:$0x1b]  }
0x83: {  	[tilespmem:s12], [sflag:$0x5] =	stream.linear.gather [hbm4b:s10+s4], $0x80, $0x38;
	[tilespmem:$0x1A700] =	vst v63  }
0x84: {  	s11 =	rddreg [dreg:$0x1c]  }
0x85: {  	[tilespmem:s13], [sflag:$0x5] =	stream.linear.gather [hbm4b:s11+s4], $0x80, $0x38;
	[tilespmem:$0x1A700] =	vst v63  }
0x86: {  	s24 =	rddreg [dreg:$0x1d]  }
0x87: {  	[tilespmem:s14], [sflag:$0x6] =	stream.linear.gather [hbm4b:s24+s4], $0x80, $0x38;
	[tilespmem:$0x1A700] =	vst v63  }
0x88: {  	s25 =	rddreg [dreg:$0x1e]  }
0x89: {  	[tilespmem:s16], [sflag:$0x6] =	stream.linear.gather [hbm4b:s25+s4], $0x80, $0x38;
	[tilespmem:$0x1A700] =	vst v63  }
0x8a: {  	_ =	swait.ge [sflag:s23], $0x100  }
0x8b: {  	[sflag:s23] =	ssyncset.done $0x0  }
0x8c: {  	[sflag:s23] =	ssyncadd.s32 $0xFFFFFF00  }
0x8d: {  	[tilespmem:s9], [sflag:$0x7] =	stream.indirect.gather [spmem:s2], $0x40, s4, s22, $0xb8;
	[tilespmem:$0x1A700] =	vst v63  }
0x8e: {  	_ =	swait.ge [sflag:s17], $0x100  }
0x8f: {  	[sflag:s17] =	ssyncset.done $0x0  }
0x90: {  	[sflag:s17] =	ssyncadd.s32 $0xFFFFFF00  }
0x91: {  	[tilespmem:s18], [sflag:$0x8] =	stream.indirect.gather [spmem:s2], $0x40, s5, s22, $0xb8;
	[tilespmem:$0x1A700] =	vst v63  }
0x92: {  	_ =	swait.ge [sflag:s19], $0x100  }
0x93: {  	[sflag:s19] =	ssyncset.done $0x0  }
0x94: {  	s1 =	simm.s32 $0x0;
	s11 =	simm.s32 $0x200;
	[sflag:s19] =	ssyncadd.s32 $0xFFFFFF00  }
0x95: {  	[tilespmem:s21], [sflag:$0x9] =	stream.indirect.gather [spmem:s2], $0x40, s8, s22, $0xb8;
	[tilespmem:$0x1A700] =	vst v63  }
.LBB2_2:
0x96: {  	_ =	swait.ge [sflag:s26], $0x2000  }
0x97: {  	[sflag:s26] =	ssyncset.done $0x0  }
0x98: {  	[sflag:s26] =	ssyncadd.s32 $0xFFFFE000  }
0x99: {  	[spmem:s3] =	stream.indirect.scatter.add.f32 [tilespmem:s9], [sflag:$0xA], $0x40, s22, s22, $0xb8;
	[tilespmem:$0x1A700] =	vst v63  }
0x9a: {  	_ =	swait.ge [sflag:s28], $0x2000  }
0x9b: {  	[sflag:s28] =	ssyncset.done $0x0  }
0x9c: {  	[sflag:s28] =	ssyncadd.s32 $0xFFFFE000  }
0x9d: {  	_ =	swait.ge [sflag:s29], $0x100  }
0x9e: {  	p1 =	seq.s32 s1, $0x480;
	[sflag:s29] =	ssyncset.done $0x0  }
0x9f: {  	s5 =	simm.s32 $0x300;
	s10 =	sadd.s32 @!p1 s1, s20;
	[sflag:s29] =	ssyncadd.s32 $0xFFFFFF00  }
0xa0: {  	[tilespmem:s9], [sflag:$0x7] =	stream.indirect.gather [spmem:s2], $0x40, s5, s22, $0xb8;
	[tilespmem:$0x1A700] =	vst v63  }
0xa1: {  	s8 =	simm.s32 @!p1 $0x0;
	s23 =	sadd.s32 @!p1 $0x60, s10  }
0xa2: {  	[tilespmem:s8], [sflag:$0x1] =	stream.linear.gather @!p1 [hbm4b:s23+s8], $0x80, $0x38;
	[tilespmem:$0x1A700] =	vst v63  }
0xa3: {  	s24 =	sadd.s32 @!p1 $0x9CA0, s10;
	s23 =	simm.s32 @!p1 $0x80  }
0xa4: {  	[tilespmem:s23], [sflag:$0x1] =	stream.linear.gather @!p1 [hbm4b:s24+s8], $0x80, $0x38;
	[tilespmem:$0x1A700] =	vst v63  }
0xa5: {  	_ =	swait.ge [sflag:s6], $0x2000  }
0xa6: {  	[sflag:s6] =	ssyncset.done $0x0  }
0xa7: {  	s24 =	simm.s32 $0x180;
	[sflag:s6] =	ssyncadd.s32 $0xFFFFE000  }
0xa8: {  	[spmem:s3] =	stream.indirect.scatter.add.f32 [tilespmem:s18], [sflag:$0xB], $0x40, s24, s22, $0xb8;
	[tilespmem:$0x1A700] =	vst v63  }
0xa9: {  	_ =	swait.ge [sflag:s30], $0x2000  }
0xaa: {  	[sflag:s30] =	ssyncset.done $0x0  }
0xab: {  	[sflag:s30] =	ssyncadd.s32 $0xFFFFE000  }
0xac: {  	_ =	swait.ge [sflag:s31], $0x100  }
0xad: {  	[sflag:s31] =	ssyncset.done $0x0  }
0xae: {  	[sflag:s31] =	ssyncadd.s32 $0xFFFFFF00  }
0xaf: {  	[tilespmem:s18], [sflag:$0x8] =	stream.indirect.gather [spmem:s2], $0x40, s12, s22, $0xb8;
	[tilespmem:$0x1A700] =	vst v63  }
0xb0: {  	s25 =	simm.s32 @!p1 $0x100;
	s24 =	sadd.s32 @!p1 $0x70, s10  }
0xb1: {  	[tilespmem:s25], [sflag:$0x2] =	stream.linear.gather @!p1 [hbm4b:s24+s8], $0x80, $0x38;
	[tilespmem:$0x1A700] =	vst v63  }
0xb2: {  	s24 =	sadd.s32 @!p1 $0x9CB0, s10;
	s25 =	simm.s32 @!p1 $0x180  }
0xb3: {  	[tilespmem:s25], [sflag:$0x2] =	stream.linear.gather @!p1 [hbm4b:s24+s8], $0x80, $0x38;
	[tilespmem:$0x1A700] =	vst v63  }
0xb4: {  	_ =	swait.ge [sflag:s7], $0x2000  }
0xb5: {  	[sflag:s7] =	ssyncset.done $0x0  }
0xb6: {  	s25 =	simm.s32 $0x280;
	[sflag:s7] =	ssyncadd.s32 $0xFFFFE000  }
0xb7: {  	[spmem:s3] =	stream.indirect.scatter.add.f32 [tilespmem:s21], [sflag:$0xC], $0x40, s25, s22, $0xb8;
	[tilespmem:$0x1A700] =	vst v63  }
0xb8: {  	_ =	swait.ge [sflag:s0], $0x2000  }
0xb9: {  	[sflag:s0] =	ssyncset.done $0x0  }
0xba: {  	[sflag:s0] =	ssyncadd.s32 $0xFFFFE000  }
0xbb: {  	_ =	swait.ge [sflag:s15], $0x100  }
0xbc: {  	[sflag:s15] =	ssyncset.done $0x0  }
0xbd: {  	s24 =	simm.s32 @p1 $0x7;
	[sflag:s15] =	ssyncadd.s32 $0xFFFFFF00  }
0xbe: {  	[tilespmem:s21], [sflag:$0x9] =	stream.indirect.gather [spmem:s2], $0x40, s14, s22, $0xb8;
	[tilespmem:$0x1A700] =	vst v63  }
0xbf: {  	_ =	swait.ge @p1 [sflag:s24], $0x2000  }
0xc0: {  	s5 =	simm.s32 @p1 $0x600;
	[sflag:s24] =	ssyncset.done @p1 $0x0  }
0xc1: {  	s25 =	simm.s32 @p1 $0x380;
	[sflag:s24] =	ssyncadd.s32 @p1 $0xFFFFE000;
	s24 =	simm.s32 @p1 $0x80  }
0xc2: {  	[spmem:s3] =	stream.indirect.scatter.add.f32 @p1 [tilespmem:s5], [sflag:$0xA], $0x40, s25, s24, $0xb8;
	[tilespmem:$0x1A700] =	vst v63  }
0xc3: {  	s5 =	simm.s32 @p1 $0xA  }
0xc4: {  	_ =	swait.ge @p1 [sflag:s5], $0x2000  }
0xc5: {  	[sflag:s5] =	ssyncset.done @p1 $0x0  }
0xc6: {  	s24 =	simm.s32 @!p1 $0x200;
	[sflag:s5] =	ssyncadd.s32 @p1 $0xFFFFE000;
	s5 =	sadd.s32 @!p1 $0x80, s10  }
0xc7: {  	[tilespmem:s24], [sflag:$0x3] =	stream.linear.gather @!p1 [hbm4b:s5+s8], $0x80, $0x38;
	[tilespmem:$0x1A700] =	vst v63  }
0xc8: {  	s5 =	sadd.s32 @!p1 $0x9CC0, s10;
	s24 =	simm.s32 @!p1 $0x280  }
0xc9: {  	[tilespmem:s24], [sflag:$0x3] =	stream.linear.gather @!p1 [hbm4b:s5+s8], $0x80, $0x38;
	[tilespmem:$0x1A700] =	vst v63  }
0xca: {  	s5 =	simm.s32 @!p1 $0x7  }
0xcb: {  	_ =	swait.ge @!p1 [sflag:s5], $0x2000  }
0xcc: {  	s25 =	simm.s32 @!p1 $0xA;
	[sflag:s5] =	ssyncset.done @!p1 $0x0  }
0xcd: {  	s24 =	simm.s32 @!p1 $0x600;
	[sflag:s5] =	ssyncadd.s32 @!p1 $0xFFFFE000;
	s5 =	simm.s32 @!p1 $0x380  }
0xce: {  	[spmem:s3] =	stream.indirect.scatter.add.f32 @!p1 [tilespmem:s24], [sflag:$0xA], $0x40, s5, s23, $0xb8;
	[tilespmem:$0x1A700] =	vst v63  }
0xcf: {  	_ =	swait.ge @!p1 [sflag:s25], $0x2000  }
0xd0: {  	[sflag:s25] =	ssyncset.done @!p1 $0x0  }
0xd1: {  	[sflag:s25] =	ssyncadd.s32 @!p1 $0xFFFFE000;
	s25 =	simm.s32 @!p1 $0x1  }
0xd2: {  	_ =	swait.ge @!p1 [sflag:s25], $0x100  }
0xd3: {  	[sflag:s25] =	ssyncset.done @!p1 $0x0  }
0xd4: {  	[sflag:s25] =	ssyncadd.s32 @!p1 $0xFFFFFF00  }
0xd5: {  	[tilespmem:s24], [sflag:$0x7] =	stream.indirect.gather @!p1 [spmem:s2], $0x40, s8, s23, $0xb8;
	[tilespmem:$0x1A700] =	vst v63  }
0xd6: {  	s23 =	sadd.s32 @!p1 $0x90, s10;
	s24 =	simm.s32 @!p1 $0x300  }
0xd7: {  	[tilespmem:s24], [sflag:$0x4] =	stream.linear.gather @!p1 [hbm4b:s23+s8], $0x80, $0x38;
	[tilespmem:$0x1A700] =	vst v63  }
0xd8: {  	s10 =	sadd.s32 @!p1 $0x9CD0, s10  }
0xd9: {  	[tilespmem:s5], [sflag:$0x4] =	stream.linear.gather @!p1 [hbm4b:s10+s8], $0x80, $0x38;
	[tilespmem:$0x1A700] =	vst v63  }
0xda: {  	_ =	swait.ge [sflag:s6], $0x2000  }
0xdb: {  	[sflag:s6] =	ssyncset.done $0x0  }
.Ltmp2:
0xdc: {  	[sflag:s6] =	ssyncadd.s32 $0xFFFFE000;
	(pc) =	sbr.rel @p1 .LBB2_4-.Ltmp2, $4  }
0xdd: {  	[spmem:s3] =	stream.indirect.scatter.add.f32 [tilespmem:s18], [sflag:$0xB], $0x40, s13, s22, $0xb8;
	[tilespmem:$0x1A700] =	vst v63  }
0xde: {  	_ =	swait.ge [sflag:s30], $0x2000  }
0xdf: {  	[sflag:s30] =	ssyncset.done $0x0  }
0xe0: {  	[sflag:s30] =	ssyncadd.s32 $0xFFFFE000  }
0xe1: {  	_ =	swait.ge [sflag:s17], $0x100  }
0xe2: {  	[sflag:s17] =	ssyncset.done $0x0  }
0xe3: {  	s5 =	simm.s32 $0x100;
	s23 =	sadd.s32 s1, s20;
	[sflag:s17] =	ssyncadd.s32 $0xFFFFFF00  }
0xe4: {  	[tilespmem:s18], [sflag:$0x8] =	stream.indirect.gather [spmem:s2], $0x40, s5, s22, $0xb8;
	[tilespmem:$0x1A700] =	vst v63  }
0xe5: {  	s8 =	sadd.s32 $0xA0, s23  }
0xe6: {  	[tilespmem:s12], [sflag:$0x5] =	stream.linear.gather [hbm4b:s8+s4], $0x80, $0x38;
	[tilespmem:$0x1A700] =	vst v63  }
0xe7: {  	s24 =	sadd.s32 $0x9CE0, s23  }
0xe8: {  	[tilespmem:s13], [sflag:$0x5] =	stream.linear.gather [hbm4b:s24+s4], $0x80, $0x38;
	[tilespmem:$0x1A700] =	vst v63  }
0xe9: {  	_ =	swait.ge [sflag:s7], $0x2000  }
0xea: {  	[sflag:s7] =	ssyncset.done $0x0  }
0xeb: {  	[sflag:s7] =	ssyncadd.s32 $0xFFFFE000  }
0xec: {  	[spmem:s3] =	stream.indirect.scatter.add.f32 [tilespmem:s21], [sflag:$0xC], $0x40, s16, s22, $0xb8;
	[tilespmem:$0x1A700] =	vst v63  }
0xed: {  	_ =	swait.ge [sflag:s0], $0x2000  }
0xee: {  	[sflag:s0] =	ssyncset.done $0x0  }
0xef: {  	[sflag:s0] =	ssyncadd.s32 $0xFFFFE000  }
0xf0: {  	_ =	swait.ge [sflag:s19], $0x100  }
0xf1: {  	[sflag:s19] =	ssyncset.done $0x0  }
0xf2: {  	[sflag:s19] =	ssyncadd.s32 $0xFFFFFF00  }
0xf3: {  	[tilespmem:s21], [sflag:$0x9] =	stream.indirect.gather [spmem:s2], $0x40, s11, s22, $0xb8;
	[tilespmem:$0x1A700] =	vst v63  }
.Ltmp3:
0xf4: {  	_ = 	snop;
	(pc) =	sbr.rel .LBB2_2-.Ltmp3, $4  }
0xf5: {  	s25 =	sadd.s32 $0xB0, s23  }
0xf6: {  	[tilespmem:s14], [sflag:$0x6] =	stream.linear.gather [hbm4b:s25+s4], $0x80, $0x38;
	[tilespmem:$0x1A700] =	vst v63  }
0xf7: {  	s1 =	sadd.s32 $0x60, s1;
	s5 =	sadd.s32 $0x9CF0, s23  }
0xf8: {  	[tilespmem:s16], [sflag:$0x6] =	stream.linear.gather [hbm4b:s5+s4], $0x80, $0x38;
	[tilespmem:$0x1A700] =	vst v63  }
.LBB2_4:
0xf9: {  	_ =	swait.ge [sflag:s7], $0x2000  }
0xfa: {  	[sflag:s7] =	ssyncset.done $0x0  }
0xfb: {  	[sflag:s7] =	ssyncadd.s32 $0xFFFFE000  }
0xfc: {  	[spmem:s3] =	stream.indirect.scatter.add.f32 [tilespmem:s21], [sflag:$0xC], $0x40, s16, s22, $0xb8;
	[tilespmem:$0x1A700] =	vst v63  }
0xfd: {  	_ =	swait.ge [sflag:s0], $0x2000  }
0xfe: {  	s1 =	simm.s32 @!p0 $0x80;
	[sflag:s0] =	ssyncset.done $0x0  }
0xff: {  	s5 =	simm.s32 @!p0 $0x6600;
	s8 =	simm.s32 @!p0 $0x600;
	[sflag:s0] =	ssyncadd.s32 $0xFFFFE000  }
0x100: {  	[tilespmem:s8], [sflag:$0x7] =	stream.indirect.gather @!p0 [spmem:s2], $0x40, s5, s1, $0xb8;
	[tilespmem:$0x1A700] =	vst v63  }
0x101: {  	s5 =	simm.s32 @!p0 $0x7  }
0x102: {  	_ =	swait.ge @!p0 [sflag:s5], $0x2000  }
0x103: {  	[sflag:s5] =	ssyncset.done @!p0 $0x0  }
0x104: {  	[sflag:s5] =	ssyncadd.s32 @!p0 $0xFFFFE000;
	s5 =	simm.s32 @!p0 $0x6680  }
0x105: {  	[spmem:s3] =	stream.indirect.scatter.add.f32 @!p0 [tilespmem:s8], [sflag:$0xD], $0x40, s5, s1, $0xb8;
	[tilespmem:$0x1A700] =	vst v63  }
0x106: {  	s1 =	simm.s32 @!p0 $0xD  }
0x107: {  	_ =	swait.ge @!p0 [sflag:s1], $0x2000  }
0x108: {  	[sflag:s1] =	ssyncset.done @!p0 $0x0  }
0x109: {  	[sflag:s1] =	ssyncadd.s32 @!p0 $0xFFFFE000  }
0x10a: {  	[bflag:$0x0] =	sbarrier.arrive $0xFFFF  }
0x10b: {  	s8 =	rddreg [dreg:$0xa]  }
0x10c: {  	s11 =	sld [smem:$0x7FC]  }
0x10d: {  	s24 =	rddreg [dreg:$0x15];
	s23 =	sshrl.u32 s8, $0x3  }
0x10e: {  	s10 =	simm.s32 $0x1;
	s5 =	simm.s32 $0x10;
	[smem:$0x7FB] =	sst s23  }
0x10f: {  	[hbm:s24@s5], [sflag:s11] =	dma.strided [spmem:s23@s6], $0x1400, s10, $0x8   }
0x110: {  	s23 =	simm.s32 $0xD  }
0x111: {  	_ =	swait.ge [sflag:s23], $0x1400  }
0x112: {  	s24 =	sld [smem:$0x7FD]  }
0x113: {  	[sflag:s23] =	ssyncset.done $0x0  }
0x114: {  	s25 =	rddreg [dreg:$0x16];
	[sflag:s23] =	ssyncadd.s32 $0xFFFFEC00  }
0x115: {  	[spmem:s24@s6], [sflag:s11] =	dma.strided [hbm:s25@s5], $0x1400, s10, $0x8   }
0x116: {  	_ =	swait.ge [sflag:s23], $0x1400  }
0x117: {  	[sflag:s23] =	ssyncset.done $0x0  }
0x118: {  	s1 =	simm.s32 $0x0;
	s25 =	rddreg [dreg:$0x5];
	[sflag:s23] =	ssyncadd.s32 $0xFFFFEC00  }
0x119: {  	[tilespmem:s9], [sflag:$0xD] =	stream.linear.gather [hbm4b:s25+s1], $0x2000, $0x38;
	[tilespmem:$0x1A700] =	vst v63  }
0x11a: {  	_ =	swait.ge [sflag:s23], $0x2000  }
0x11b: {  	[sflag:s23] =	ssyncset.done $0x0  }
0x11c: {  	[sflag:s23] =	ssyncadd.s32 $0xFFFFE000  }
0x11d: {  	[spmem:s8] =	stream.linear.scatter [tilespmem:s9], [sflag:$0xD], $0x2000, $0x38;
	[tilespmem:$0x1A700] =	vst v63  }
0x11e: {  	_ =	swait.ge [sflag:s23], $0x2000  }
0x11f: {  	[sflag:s23] =	ssyncset.done $0x0  }
0x120: {  	s8 =	rddreg [dreg:$0xb];
	[sflag:s23] =	ssyncadd.s32 $0xFFFFE000  }
0x121: {  	[spmem:s8] =	stream.linear.scatter [tilespmem:s9], [sflag:$0xD], $0x2000, $0x38;
	[tilespmem:$0x1A700] =	vst v63  }
0x122: {  	_ =	swait.ge [sflag:s23], $0x2000  }
0x123: {  	[sflag:s23] =	ssyncset.done $0x0  }
0x124: {  	s11 =	rddreg [dreg:$0xc];
	[sflag:s23] =	ssyncadd.s32 $0xFFFFE000  }
0x125: {  	[spmem:s11] =	stream.linear.scatter [tilespmem:s9], [sflag:$0xD], $0x2000, $0x38;
	[tilespmem:$0x1A700] =	vst v63  }
0x126: {  	_ =	swait.ge [sflag:s23], $0x2000  }
0x127: {  	[sflag:s23] =	ssyncset.done $0x0  }
0x128: {  	s24 =	rddreg [dreg:$0xd];
	[sflag:s23] =	ssyncadd.s32 $0xFFFFE000  }
0x129: {  	[spmem:s24] =	stream.linear.scatter [tilespmem:s9], [sflag:$0xD], $0x2000, $0x38;
	[tilespmem:$0x1A700] =	vst v63  }
0x12a: {  	_ =	swait.ge [sflag:s23], $0x2000  }
0x12b: {  	[sflag:s23] =	ssyncset.done $0x0  }
0x12c: {  	s25 =	rddreg [dreg:$0xe];
	[sflag:s23] =	ssyncadd.s32 $0xFFFFE000  }
0x12d: {  	[spmem:s25] =	stream.linear.scatter [tilespmem:s9], [sflag:$0xD], $0x2000, $0x38;
	[tilespmem:$0x1A700] =	vst v63  }
0x12e: {  	_ =	swait.ge [sflag:s23], $0x2000  }
0x12f: {  	[sflag:s23] =	ssyncset.done $0x0  }
0x130: {  	[sflag:s23] =	ssyncadd.s32 $0xFFFFE000  }
0x131: {  	[bflag:$0x0] =	sbarrier.arrive $0xFFFF  }
0x132: {  	s8 =	rddreg [dreg:$0xf]  }
0x133: {  	[tilespmem:s1], [sflag:$0x1] =	stream.linear.gather [hbm4b:s8+s1], $0x80, $0x38;
	[tilespmem:$0x1A700] =	vst v63  }
0x134: {  	s11 =	rddreg [dreg:$0x10]  }
0x135: {  	[tilespmem:s22], [sflag:$0x1] =	stream.linear.gather [hbm4b:s11+s1], $0x80, $0x38;
	[tilespmem:$0x1A700] =	vst v63  }
0x136: {  	s23 =	rddreg [dreg:$0x11];
	s8 =	simm.s32 $0x100  }
0x137: {  	[tilespmem:s8], [sflag:$0x2] =	stream.linear.gather [hbm4b:s23+s1], $0x80, $0x38;
	[tilespmem:$0x1A700] =	vst v63  }
0x138: {  	s25 =	simm.s32 $0x180;
	s24 =	rddreg [dreg:$0x12]  }
0x139: {  	[tilespmem:s25], [sflag:$0x2] =	stream.linear.gather [hbm4b:s24+s1], $0x80, $0x38;
	[tilespmem:$0x1A700] =	vst v63  }
0x13a: {  	s11 =	rddreg [dreg:$0x13];
	s23 =	simm.s32 $0x200  }
0x13b: {  	[tilespmem:s23], [sflag:$0x3] =	stream.linear.gather [hbm4b:s11+s1], $0x80, $0x38;
	[tilespmem:$0x1A700] =	vst v63  }
0x13c: {  	s24 =	rddreg [dreg:$0x14];
	s25 =	simm.s32 $0x280  }
0x13d: {  	[tilespmem:s25], [sflag:$0x3] =	stream.linear.gather [hbm4b:s24+s1], $0x80, $0x38;
	[tilespmem:$0x1A700] =	vst v63  }
0x13e: {  	s24 =	rddreg [dreg:$0x19];
	s25 =	simm.s32 $0x300  }
0x13f: {  	[tilespmem:s25], [sflag:$0x4] =	stream.linear.gather [hbm4b:s24+s1], $0x80, $0x38;
	[tilespmem:$0x1A700] =	vst v63  }
0x140: {  	s11 =	rddreg [dreg:$0x1a];
	s24 =	simm.s32 $0x380  }
0x141: {  	[tilespmem:s24], [sflag:$0x4] =	stream.linear.gather [hbm4b:s11+s1], $0x80, $0x38;
	[tilespmem:$0x1A700] =	vst v63  }
0x142: {  	s25 =	rddreg [dreg:$0x1b]  }
0x143: {  	[tilespmem:s12], [sflag:$0x5] =	stream.linear.gather [hbm4b:s25+s1], $0x80, $0x38;
	[tilespmem:$0x1A700] =	vst v63  }
0x144: {  	s11 =	rddreg [dreg:$0x1c]  }
0x145: {  	[tilespmem:s13], [sflag:$0x5] =	stream.linear.gather [hbm4b:s11+s1], $0x80, $0x38;
	[tilespmem:$0x1A700] =	vst v63  }
0x146: {  	s24 =	rddreg [dreg:$0x1d]  }
0x147: {  	[tilespmem:s14], [sflag:$0x6] =	stream.linear.gather [hbm4b:s24+s1], $0x80, $0x38;
	[tilespmem:$0x1A700] =	vst v63  }
0x148: {  	s25 =	rddreg [dreg:$0x1e]  }
0x149: {  	[tilespmem:s16], [sflag:$0x6] =	stream.linear.gather [hbm4b:s25+s1], $0x80, $0x38;
	[tilespmem:$0x1A700] =	vst v63  }
0x14a: {  	_ =	swait.ge [sflag:s10], $0x100  }
0x14b: {  	[sflag:s10] =	ssyncset.done $0x0  }
0x14c: {  	[sflag:s10] =	ssyncadd.s32 $0xFFFFFF00  }
0x14d: {  	[tilespmem:s9], [sflag:$0x7] =	stream.indirect.gather [spmem:s2], $0x40, s1, s22, $0xb8;
	[tilespmem:$0x1A700] =	vst v63  }
0x14e: {  	_ =	swait.ge [sflag:s17], $0x100  }
0x14f: {  	[sflag:s17] =	ssyncset.done $0x0  }
0x150: {  	[sflag:s17] =	ssyncadd.s32 $0xFFFFFF00  }
0x151: {  	[tilespmem:s18], [sflag:$0x8] =	stream.indirect.gather [spmem:s2], $0x40, s8, s22, $0xb8;
	[tilespmem:$0x1A700] =	vst v63  }
0x152: {  	_ =	swait.ge [sflag:s19], $0x100  }
0x153: {  	[sflag:s19] =	ssyncset.done $0x0  }
0x154: {  	s11 =	simm.s32 $0x200;
	[sflag:s19] =	ssyncadd.s32 $0xFFFFFF00  }
0x155: {  	[tilespmem:s21], [sflag:$0x9] =	stream.indirect.gather [spmem:s2], $0x40, s23, s22, $0xb8;
	[tilespmem:$0x1A700] =	vst v63  }
.LBB2_5:
0x156: {  	_ =	swait.ge [sflag:s26], $0x2000  }
0x157: {  	[sflag:s26] =	ssyncset.done $0x0  }
0x158: {  	[sflag:s26] =	ssyncadd.s32 $0xFFFFE000  }
0x159: {  	[spmem:s3] =	stream.indirect.scatter.add.f32 [tilespmem:s9], [sflag:$0xA], $0x40, s22, s22, $0xb8;
	[tilespmem:$0x1A700] =	vst v63  }
0x15a: {  	_ =	swait.ge [sflag:s28], $0x2000  }
0x15b: {  	[sflag:s28] =	ssyncset.done $0x0  }
0x15c: {  	[sflag:s28] =	ssyncadd.s32 $0xFFFFE000  }
0x15d: {  	_ =	swait.ge [sflag:s29], $0x100  }
0x15e: {  	p1 =	seq.s32 s1, $0x480;
	[sflag:s29] =	ssyncset.done $0x0  }
0x15f: {  	s5 =	simm.s32 $0x300;
	s10 =	sadd.s32 @!p1 s1, s20;
	[sflag:s29] =	ssyncadd.s32 $0xFFFFFF00  }
0x160: {  	[tilespmem:s9], [sflag:$0x7] =	stream.indirect.gather [spmem:s2], $0x40, s5, s22, $0xb8;
	[tilespmem:$0x1A700] =	vst v63  }
0x161: {  	s8 =	simm.s32 @!p1 $0x0;
	s5 =	sadd.s32 @!p1 $0x60, s10  }
0x162: {  	[tilespmem:s8], [sflag:$0x1] =	stream.linear.gather @!p1 [hbm4b:s5+s8], $0x80, $0x38;
	[tilespmem:$0x1A700] =	vst v63  }
0x163: {  	s23 =	simm.s32 @!p1 $0x80;
	s5 =	sadd.s32 @!p1 $0x9CA0, s10  }
0x164: {  	[tilespmem:s23], [sflag:$0x1] =	stream.linear.gather @!p1 [hbm4b:s5+s8], $0x80, $0x38;
	[tilespmem:$0x1A700] =	vst v63  }
0x165: {  	_ =	swait.ge [sflag:s6], $0x2000  }
0x166: {  	[sflag:s6] =	ssyncset.done $0x0  }
0x167: {  	s24 =	simm.s32 $0x180;
	[sflag:s6] =	ssyncadd.s32 $0xFFFFE000  }
0x168: {  	[spmem:s3] =	stream.indirect.scatter.add.f32 [tilespmem:s18], [sflag:$0xB], $0x40, s24, s22, $0xb8;
	[tilespmem:$0x1A700] =	vst v63  }
0x169: {  	_ =	swait.ge [sflag:s30], $0x2000  }
0x16a: {  	[sflag:s30] =	ssyncset.done $0x0  }
0x16b: {  	[sflag:s30] =	ssyncadd.s32 $0xFFFFE000  }
0x16c: {  	_ =	swait.ge [sflag:s31], $0x100  }
0x16d: {  	[sflag:s31] =	ssyncset.done $0x0  }
0x16e: {  	[sflag:s31] =	ssyncadd.s32 $0xFFFFFF00  }
0x16f: {  	[tilespmem:s18], [sflag:$0x8] =	stream.indirect.gather [spmem:s2], $0x40, s12, s22, $0xb8;
	[tilespmem:$0x1A700] =	vst v63  }
0x170: {  	s5 =	sadd.s32 @!p1 $0x70, s10;
	s24 =	simm.s32 @!p1 $0x100  }
0x171: {  	[tilespmem:s24], [sflag:$0x2] =	stream.linear.gather @!p1 [hbm4b:s5+s8], $0x80, $0x38;
	[tilespmem:$0x1A700] =	vst v63  }
0x172: {  	s5 =	sadd.s32 @!p1 $0x9CB0, s10;
	s24 =	simm.s32 @!p1 $0x180  }
0x173: {  	[tilespmem:s24], [sflag:$0x2] =	stream.linear.gather @!p1 [hbm4b:s5+s8], $0x80, $0x38;
	[tilespmem:$0x1A700] =	vst v63  }
0x174: {  	_ =	swait.ge [sflag:s7], $0x2000  }
0x175: {  	[sflag:s7] =	ssyncset.done $0x0  }
0x176: {  	s25 =	simm.s32 $0x280;
	[sflag:s7] =	ssyncadd.s32 $0xFFFFE000  }
0x177: {  	[spmem:s3] =	stream.indirect.scatter.add.f32 [tilespmem:s21], [sflag:$0xC], $0x40, s25, s22, $0xb8;
	[tilespmem:$0x1A700] =	vst v63  }
0x178: {  	_ =	swait.ge [sflag:s0], $0x2000  }
0x179: {  	[sflag:s0] =	ssyncset.done $0x0  }
0x17a: {  	[sflag:s0] =	ssyncadd.s32 $0xFFFFE000  }
0x17b: {  	_ =	swait.ge [sflag:s15], $0x100  }
0x17c: {  	[sflag:s15] =	ssyncset.done $0x0  }
0x17d: {  	s5 =	simm.s32 @p1 $0x7;
	[sflag:s15] =	ssyncadd.s32 $0xFFFFFF00  }
0x17e: {  	[tilespmem:s21], [sflag:$0x9] =	stream.indirect.gather [spmem:s2], $0x40, s14, s22, $0xb8;
	[tilespmem:$0x1A700] =	vst v63  }
0x17f: {  	_ =	swait.ge @p1 [sflag:s5], $0x2000  }
0x180: {  	s24 =	simm.s32 @p1 $0x380;
	[sflag:s5] =	ssyncset.done @p1 $0x0  }
0x181: {  	s25 =	simm.s32 @p1 $0x600;
	[sflag:s5] =	ssyncadd.s32 @p1 $0xFFFFE000;
	s5 =	simm.s32 @p1 $0x80  }
0x182: {  	[spmem:s3] =	stream.indirect.scatter.add.f32 @p1 [tilespmem:s25], [sflag:$0xA], $0x40, s24, s5, $0xb8;
	[tilespmem:$0x1A700] =	vst v63  }
0x183: {  	s5 =	simm.s32 @p1 $0xA  }
0x184: {  	_ =	swait.ge @p1 [sflag:s5], $0x2000  }
0x185: {  	[sflag:s5] =	ssyncset.done @p1 $0x0  }
0x186: {  	s24 =	simm.s32 @!p1 $0x200;
	[sflag:s5] =	ssyncadd.s32 @p1 $0xFFFFE000;
	s5 =	sadd.s32 @!p1 $0x80, s10  }
0x187: {  	[tilespmem:s24], [sflag:$0x3] =	stream.linear.gather @!p1 [hbm4b:s5+s8], $0x80, $0x38;
	[tilespmem:$0x1A700] =	vst v63  }
0x188: {  	s5 =	sadd.s32 @!p1 $0x9CC0, s10;
	s24 =	simm.s32 @!p1 $0x280  }
0x189: {  	[tilespmem:s24], [sflag:$0x3] =	stream.linear.gather @!p1 [hbm4b:s5+s8], $0x80, $0x38;
	[tilespmem:$0x1A700] =	vst v63  }
0x18a: {  	s5 =	simm.s32 @!p1 $0x7  }
0x18b: {  	_ =	swait.ge @!p1 [sflag:s5], $0x2000  }
0x18c: {  	s25 =	simm.s32 @!p1 $0xA;
	[sflag:s5] =	ssyncset.done @!p1 $0x0  }
0x18d: {  	s24 =	simm.s32 @!p1 $0x600;
	[sflag:s5] =	ssyncadd.s32 @!p1 $0xFFFFE000;
	s5 =	simm.s32 @!p1 $0x380  }
0x18e: {  	[spmem:s3] =	stream.indirect.scatter.add.f32 @!p1 [tilespmem:s24], [sflag:$0xA], $0x40, s5, s23, $0xb8;
	[tilespmem:$0x1A700] =	vst v63  }
0x18f: {  	_ =	swait.ge @!p1 [sflag:s25], $0x2000  }
0x190: {  	[sflag:s25] =	ssyncset.done @!p1 $0x0  }
0x191: {  	[sflag:s25] =	ssyncadd.s32 @!p1 $0xFFFFE000;
	s25 =	simm.s32 @!p1 $0x1  }
0x192: {  	_ =	swait.ge @!p1 [sflag:s25], $0x100  }
0x193: {  	[sflag:s25] =	ssyncset.done @!p1 $0x0  }
0x194: {  	[sflag:s25] =	ssyncadd.s32 @!p1 $0xFFFFFF00  }
0x195: {  	[tilespmem:s24], [sflag:$0x7] =	stream.indirect.gather @!p1 [spmem:s2], $0x40, s8, s23, $0xb8;
	[tilespmem:$0x1A700] =	vst v63  }
0x196: {  	s23 =	sadd.s32 @!p1 $0x90, s10;
	s24 =	simm.s32 @!p1 $0x300  }
0x197: {  	[tilespmem:s24], [sflag:$0x4] =	stream.linear.gather @!p1 [hbm4b:s23+s8], $0x80, $0x38;
	[tilespmem:$0x1A700] =	vst v63  }
0x198: {  	s10 =	sadd.s32 @!p1 $0x9CD0, s10  }
0x199: {  	[tilespmem:s5], [sflag:$0x4] =	stream.linear.gather @!p1 [hbm4b:s10+s8], $0x80, $0x38;
	[tilespmem:$0x1A700] =	vst v63  }
0x19a: {  	_ =	swait.ge [sflag:s6], $0x2000  }
0x19b: {  	[sflag:s6] =	ssyncset.done $0x0  }
.Ltmp4:
0x19c: {  	[sflag:s6] =	ssyncadd.s32 $0xFFFFE000;
	(pc) =	sbr.rel @p1 .LBB2_7-.Ltmp4, $4  }
0x19d: {  	[spmem:s3] =	stream.indirect.scatter.add.f32 [tilespmem:s18], [sflag:$0xB], $0x40, s13, s22, $0xb8;
	[tilespmem:$0x1A700] =	vst v63  }
0x19e: {  	_ =	swait.ge [sflag:s30], $0x2000  }
0x19f: {  	[sflag:s30] =	ssyncset.done $0x0  }
0x1a0: {  	[sflag:s30] =	ssyncadd.s32 $0xFFFFE000  }
0x1a1: {  	_ =	swait.ge [sflag:s17], $0x100  }
0x1a2: {  	[sflag:s17] =	ssyncset.done $0x0  }
0x1a3: {  	s5 =	simm.s32 $0x100;
	s23 =	sadd.s32 s1, s20;
	[sflag:s17] =	ssyncadd.s32 $0xFFFFFF00  }
0x1a4: {  	[tilespmem:s18], [sflag:$0x8] =	stream.indirect.gather [spmem:s2], $0x40, s5, s22, $0xb8;
	[tilespmem:$0x1A700] =	vst v63  }
0x1a5: {  	s8 =	sadd.s32 $0xA0, s23  }
0x1a6: {  	[tilespmem:s12], [sflag:$0x5] =	stream.linear.gather [hbm4b:s8+s4], $0x80, $0x38;
	[tilespmem:$0x1A700] =	vst v63  }
0x1a7: {  	s24 =	sadd.s32 $0x9CE0, s23  }
0x1a8: {  	[tilespmem:s13], [sflag:$0x5] =	stream.linear.gather [hbm4b:s24+s4], $0x80, $0x38;
	[tilespmem:$0x1A700] =	vst v63  }
0x1a9: {  	_ =	swait.ge [sflag:s7], $0x2000  }
0x1aa: {  	[sflag:s7] =	ssyncset.done $0x0  }
0x1ab: {  	[sflag:s7] =	ssyncadd.s32 $0xFFFFE000  }
0x1ac: {  	[spmem:s3] =	stream.indirect.scatter.add.f32 [tilespmem:s21], [sflag:$0xC], $0x40, s16, s22, $0xb8;
	[tilespmem:$0x1A700] =	vst v63  }
0x1ad: {  	_ =	swait.ge [sflag:s0], $0x2000  }
0x1ae: {  	[sflag:s0] =	ssyncset.done $0x0  }
0x1af: {  	[sflag:s0] =	ssyncadd.s32 $0xFFFFE000  }
0x1b0: {  	_ =	swait.ge [sflag:s19], $0x100  }
0x1b1: {  	[sflag:s19] =	ssyncset.done $0x0  }
0x1b2: {  	[sflag:s19] =	ssyncadd.s32 $0xFFFFFF00  }
0x1b3: {  	[tilespmem:s21], [sflag:$0x9] =	stream.indirect.gather [spmem:s2], $0x40, s11, s22, $0xb8;
	[tilespmem:$0x1A700] =	vst v63  }
.Ltmp5:
0x1b4: {  	_ = 	snop;
	(pc) =	sbr.rel .LBB2_5-.Ltmp5, $4  }
0x1b5: {  	s25 =	sadd.s32 $0xB0, s23  }
0x1b6: {  	[tilespmem:s14], [sflag:$0x6] =	stream.linear.gather [hbm4b:s25+s4], $0x80, $0x38;
	[tilespmem:$0x1A700] =	vst v63  }
0x1b7: {  	s1 =	sadd.s32 $0x60, s1;
	s5 =	sadd.s32 $0x9CF0, s23  }
0x1b8: {  	[tilespmem:s16], [sflag:$0x6] =	stream.linear.gather [hbm4b:s5+s4], $0x80, $0x38;
	[tilespmem:$0x1A700] =	vst v63  }
.LBB2_8:
0x1b9: {  	_ =	sfence.sel $0x180000  }
0x1ba: {  	[bflag:$0x0] =	sbarrier.arrive $0xFFFF  }
0x1bb: {  	_ =	strace $0x9000004A  }
0x1bc: {  	s0 =	stileid.u32;
	[bflag:$0x2] =	sbarrier.arrive $0xFFFF  }
0x1bd: {  	p0 =	sne.s32 s0, $0x0;
	s0 =	rddreg [dreg:$0x4]  }
0x1be: {  	s0 =	sadd.s32 @!p0 $0x100000, s0  }
0x1bf: {  	[sflag:s0] =	ssyncadd.tile.s32 @!p0 $0x1;
	_ =	shalt  }
.Lfunc_end2:
_tile_overlayer_lowered:
.L_overlay_start_2:
0x1c0: {  	(tag) =	ssettag $0x2  }
0x1c1: {  	s0 =	rddreg [dreg:$0x0];
	s2 =	stileid.u32  }
0x1c2: {  	s1 =	rddreg [dreg:$0x1];
	p0 =	sne.s32 s2, $0x0  }
0x1c3: {  	s3 =	rddreg [dreg:$0x2];
	[bflag:$0x3] =	sbarrier.arrive $0xFFFF;
	s2 =	simm.s32 @!p0 $0x1C0D  }
0x1c4: {  	[timem:s3], [sflag:s2] =	dma.local @!p0 [hbm:s0], s1  }
0x1c5: {  	s0 =	simm.s32 @!p0 $0xD  }
0x1c6: {  	_ =	swait.ge @!p0 [sflag:s0], s1  }
0x1c7: {  	s1 =	ssub.s32 @!p0 $0x0, s1;
	[sflag:s0] =	ssyncset.done @!p0 $0x0  }
0x1c8: {  	[sflag:s0] =	ssyncadd.s32 @!p0 s1  }
0x1c9: {  	[bflag:$0x3] =	sbarrier.arrive $0xFFFF  }
0x1ca: {  	_ =	shalt  }

// kernel: kernel.15.cloned.1.call-start
scs
__scs_entry_jumppad:
0x0: {  	(pc) =	sbr.rel $0x88, $3  }
0x1: {  	(tag) =	ssettag $0x0;
	lr =	simm.s32 $0x1  }
0x2: {  	[smem:$0x3F96] =	sst lr;
	_ =	strace $0xD0000000  }
0x3: {  	_ = 	snop  }
0x4: {  	_ = 	snop  }
0x5: {  	_ = 	snop  }
0x6: {  	_ = 	snop  }
0x7: {  	_ = 	snop  }
__scs_overlays_trampoline_lowered:
0x8: {  	[smem:$0x3FA5] =	sst s0  }
0x9: {  	[smem:$0x3FA6] =	sst s1  }
0xa: {  	[smem:$0x3FA7] =	sst s2  }
0xb: {  	[smem:$0x3FA8] =	sst s3  }
0xc: {  	[smem:$0x3FA9] =	sst s4  }
0xd: {  	[smem:$0x3FAA] =	sst s5  }
0xe: {  	[smem:$0x3FAB] =	sst s6  }
0xf: {  	[smem:$0x3FAC] =	sst s7  }
0x10: {  	[smem:$0x3FAD] =	sst s8  }
0x11: {  	[smem:$0x3FAE] =	sst s9;
	s0 =	simm.s32 @!p0 $0x0  }
0x12: {  	s1 =	sld [smem:$0x3F94];
	s0 =	simm.s32 @p0 $0x1  }
0x13: {  	[smem:$0x3FAF] =	sst s0;
	s0 =	simm.s32 @!p1 $0x0  }
0x14: {  	s2 =	sld [smem:$0x3F93];
	s0 =	simm.s32 @p1 $0x1  }
0x15: {  	[smem:$0x3FB0] =	sst s0;
	s0 =	simm.s32 @!p2 $0x0  }
0x16: {  	s3 =	sld [smem:$0x3FDB];
	s0 =	simm.s32 @p2 $0x1  }
0x17: {  	s4 =	simm.s32 $0x1BF5;
	[smem:$0x3FB2] =	sst s0  }
0x18: {  	s0 =	sld [smem:$0x3F95];
	_ =	swait.ge [sflag:s4], $0x0  }
0x19: {  	s7 =	sld [smem:$0x3F96]  }
0x1a: {  	s8 =	sadd.s32 $0xFFFFE003, lr  }
0x1b: {  	s9 =	sadd.s32 $0xFFFFFEF7, lr;
	s5 =	simm.s32 $0xFFFFFFFF;
	p2 =	slt.u32 s8, $0xFFFFF086  }
0x1c: {  	p1 =	slt.u32 s9, $0xF7A;
	s5 =	simm.s32 @!p2 $0x0  }
0x1d: {  	s5 =	simm.s32 @p1 $0x1;
	p0 =	seq.s32 s7, s2  }
0x1e: {  	s7 =	smul.u32 @!p0 $0xF7A, s2;
	p2 =	seq.s32 @!p0 s5, $0x0  }
0x1f: {  	s9 =	smul.u32 $0xF7A, s1;
	s8 =	simm.s32 @!p0 $0x1BF5;
	p2 =	por !p2, p0  }
0x20: {  	[sflag:s8] =	ssyncset.s32 @!p0 $0xFFFFF086;
	s6 =	sadd.s32 @!p0 s3, s7;
	s7 =	simm.s32 @!p0 $0x108  }
0x21: {  	s3 =	sadd.s32 s3, s9;
	s6 =	sadd.s32 @!p0 $0x88, s6;
	s7 =	simm.s32 @p2 $0x1082  }
0x22: {  	[simem:s7], [sflag:s8] =	dma.local @!p0 [hbm:s6], $0xF7A  }
0x23: {  	s9 =	sor.u32 $0xD0000000, s2;
	s6 =	simm.s32 $0x108;
	_ =	swait.ge @!p0 [sflag:s8], $0x0  }
0x24: {  	s3 =	sadd.s32 $0x88, s3;
	s6 =	simm.s32 @!p1 $0x1082;
	[sflag:s4] =	ssyncset.s32 $0xFFFFF086  }
0x25: {  	[simem:s6], [sflag:s4] =	dma.local [hbm:s3], $0xF7A  }
0x26: {  	[smem:$0x3F96] =	sst s1;
	(tag) =	ssettag s2;
	_ =	strace s9  }
0x27: {  	s1 =	sld [smem:$0x3FA6]  }
0x28: {  	s2 =	sld [smem:$0x3FA7]  }
0x29: {  	s4 =	sld [smem:$0x3FA9]  }
0x2a: {  	p0 =	seq.s32 s5, $0x0;
	s5 =	sld [smem:$0x3FAA]  }
0x2b: {  	s6 =	sld [smem:$0x3FAB]  }
0x2c: {  	s7 =	sld [smem:$0x3FAC]  }
0x2d: {  	s3 =	simm.s32 $0x108;
	s8 =	sld [smem:$0x3FAD]  }
0x2e: {  	s3 =	simm.s32 @!p0 $0x1082;
	s9 =	sld [smem:$0x3FAE]  }
0x2f: {  	lr =	sadd.s32 s0, s3;
	s0 =	sld [smem:$0x3FA5]  }
0x30: {  	s3 =	sld [smem:$0x3FA8]  }
0x31: {  	[smem:$0x3FB1] =	sst s10  }
0x32: {  	s10 =	sld [smem:$0x3FAF];
	_ =	sdelay $0x3  }
0x33: {  	p0 =	seq.s32 s10, $0x1;
	s10 =	sld [smem:$0x3FB1];
	_ =	sdelay $0x3  }
0x34: {  	[smem:$0x3FB1] =	sst s10  }
0x35: {  	s10 =	sld [smem:$0x3FB0];
	_ =	sdelay $0x3  }
0x36: {  	p1 =	seq.s32 s10, $0x1;
	s10 =	sld [smem:$0x3FB1];
	_ =	sdelay $0x3  }
0x37: {  	[smem:$0x3FB1] =	sst s10  }
0x38: {  	s10 =	sld [smem:$0x3FB2]  }
0x39: {  	_ = 	snop;
	(pc) =	sbr.ind lr, $3  }
0x3a: {  	_ = 	snop  }
0x3b: {  	_ = 	snop  }
0x3c: {  	p2 =	seq.s32 s10, $0x1;
	s10 =	sld [smem:$0x3FB1]  }
0x3d: {  	_ =	shalt  }
0x3e: {  	_ =	shalt  }
0x3f: {  	_ =	shalt  }
0x40: {  	_ =	shalt  }
0x41: {  	_ =	shalt  }
0x42: {  	_ =	shalt  }
0x43: {  	_ =	shalt  }
0x44: {  	_ =	shalt  }
0x45: {  	_ =	shalt  }
0x46: {  	_ =	shalt  }
0x47: {  	_ =	shalt  }
0x48: {  	_ =	shalt  }
0x49: {  	_ =	shalt  }
0x4a: {  	_ =	shalt  }
0x4b: {  	_ =	shalt  }
0x4c: {  	_ =	shalt  }
0x4d: {  	_ =	shalt  }
0x4e: {  	_ =	shalt  }
0x4f: {  	_ =	shalt  }
0x50: {  	_ =	shalt  }
0x51: {  	_ =	shalt  }
0x52: {  	_ =	shalt  }
0x53: {  	_ =	shalt  }
0x54: {  	_ =	shalt  }
0x55: {  	_ =	shalt  }
0x56: {  	_ =	shalt  }
0x57: {  	_ =	shalt  }
0x58: {  	_ =	shalt  }
0x59: {  	_ =	shalt  }
0x5a: {  	_ =	shalt  }
0x5b: {  	_ =	shalt  }
0x5c: {  	_ =	shalt  }
0x5d: {  	_ =	shalt  }
0x5e: {  	_ =	shalt  }
0x5f: {  	_ =	shalt  }
0x60: {  	_ =	shalt  }
0x61: {  	_ =	shalt  }
0x62: {  	_ =	shalt  }
0x63: {  	_ =	shalt  }
0x64: {  	_ =	shalt  }
0x65: {  	_ =	shalt  }
0x66: {  	_ =	shalt  }
0x67: {  	_ =	shalt  }
0x68: {  	_ =	shalt  }
0x69: {  	_ =	shalt  }
0x6a: {  	_ =	shalt  }
0x6b: {  	_ =	shalt  }
0x6c: {  	_ =	shalt  }
0x6d: {  	_ =	shalt  }
0x6e: {  	_ =	shalt  }
0x6f: {  	_ =	shalt  }
0x70: {  	_ =	shalt  }
0x71: {  	_ =	shalt  }
0x72: {  	_ =	shalt  }
0x73: {  	_ =	shalt  }
0x74: {  	_ =	shalt  }
0x75: {  	_ =	shalt  }
0x76: {  	_ =	shalt  }
0x77: {  	_ =	shalt  }
0x78: {  	_ =	shalt  }
0x79: {  	_ =	shalt  }
0x7a: {  	_ =	shalt  }
0x7b: {  	_ =	shalt  }
0x7c: {  	_ =	shalt  }
0x7d: {  	_ =	shalt  }
0x7e: {  	_ =	shalt  }
0x7f: {  	_ =	shalt  }
0x80: {  	_ =	shalt  }
0x81: {  	_ =	shalt  }
0x82: {  	_ =	shalt  }
0x83: {  	_ =	shalt  }
0x84: {  	_ =	shalt  }
0x85: {  	_ =	shalt  }
0x86: {  	_ =	shalt  }
0x87: {  	_ =	shalt  }
.Lfunc_end0:
.L_simem_size_0:
called_computation.2_lowered:
.L_overlay_start_0:
0x88: {  	s2 =	sld [smem:$0x3FD9]  }
0x89: {  	s3 =	sld [smem:$0x3FFE];
	_ =	sdelay $0x1  }
0x8a: {  	s1 =	srdreg.scid  }
0x8b: {  	s0 =	sand.u32 $0x1, s1  }
0x8c: {  	s17 =	sshll.u32 s0, $0xA;
	s2 =	sadd.s32 s3, s2  }
0x8d: {  	s2 =	sadd.s32 s2, s17  }
0x8e: {  	[smem:$0x3FBD] =	sst s2  }
0x8f: {  	_ = 	snop  }
0x90: {  	s2 =	sld [smem:$0x3FD0];
	(tm) =	ssettm $0x1  }
0x91: {  	s18 =	sld [smem:$0x3FFB];
	_ =	sdelay $0x3  }
0x92: {  	_ =	strace s18  }
0x93: {  	s3 =	sld [smem:$0x3FFC];
	_ =	sdelay $0x3  }
0x94: {  	_ =	strace s3  }
0x95: {  	s3 =	sld [smem:$0x3FFD];
	_ =	sdelay $0x3  }
0x96: {  	_ =	strace s3  }
0x97: {  	_ =	strace $0x8FFFFFFF  }
0x98: {  	s19 =	sld [smem:$0x3FDB];
	_ =	sdelay $0x1  }
0x99: {  	s4 =	simm.s32 $_scs_section_size  }
0x9a: {  	s5 =	simm.s32 $_size__tile_overlayer_lowered;
	s6 =	simm.s32 $_tile_overlayer_lowered  }
0x9b: {  	s22 =	simm.s32 $0x1BFF;
	s21 =	sshll.u32 s6, $0x1;
	s3 =	sadd.s32 s4, s19  }
0x9c: {  	s7 =	simm.s32 $0x0;
	s20 =	sshll.u32 s5, $0x1;
	s5 =	sadd.s32 s21, s3  }
0x9d: {  	[timem:s7], [sflag:s22] =	dma.local [hbm:s5], s20  }
0x9e: {  	_ =	swait.ge [sflag:s22], s20  }
0x9f: {  	s4 =	ssub.s32 $0x0, s20;
	[sflag:s22] =	ssyncset.done $0x0  }
0xa0: {  	[sflag:s22] =	ssyncadd.s32 s4;
	_ =	sdelay $0x1  }
0xa1: {  	s23 =	simm.s32 $0x1B8B  }
0xa2: {  	_ =	swait.ge [sflag:s23], $0x1  }
0xa3: {  	[sflag:s23] =	ssyncset.done $0x0  }
0xa4: {  	s25 =	simm.s32 $0x1B8E;
	s24 =	sld [smem:$0x3FFE];
	[sflag:s23] =	ssyncadd.s32 $0xFFFFFFFF  }
0xa5: {  	s26 =	simm.s32 $execute0_lowered;
	[smem:$0x3FD2] =	sst s25  }
0xa6: {  	s5 =	sshll.u32 s26, $0x1;
	_ =	strace $0x8000004C;
	[dreg:$0x1] =	wrdreg $0xFFFFFFFF  }
0xa7: {  	s28 =	simm.s32 $_size_execute0_lowered;
	s3 =	sadd.s32 s3, s5;
	[dreg:$0x0] =	wrdreg $0x0  }
0xa8: {  	s5 =	sshll.u32 s28, $0x1;
	[dreg:$0x2] =	wrdreg s3  }
0xa9: {  	[dreg:$0x3] =	wrdreg s5  }
0xaa: {  	[dreg:$0x4] =	wrdreg $0xC0  }
0xab: {  	_ =	task [dreg:s7], $0x5FFFF  }
0xac: {  	[dreg:$0x1] =	wrdreg $0xFFFFFFFF  }
0xad: {  	[dreg:$0x0] =	wrdreg $0x60  }
0xae: {  	[dreg:$0x2] =	wrdreg s24  }
0xaf: {  	[dreg:$0x3] =	wrdreg s2  }
0xb0: {  	[dreg:$0x4] =	wrdreg $0x107000  }
0xb1: {  	[dreg:$0x5] =	wrdreg $0x67000  }
0xb2: {  	[dreg:$0x6] =	wrdreg $0x9  }
0xb3: {  	_ =	task.clear_ibuf [dreg:s7], $0x7FFFF;
	_ =	strace $0x9000004C  }
0xb4: {  	s29 =	simm.s32 $0x9;
	_ =	strace $0x8000004E  }
0xb5: {  	_ =	swait.ge [sflag:s29], $0x1  }
0xb6: {  	[sflag:s29] =	ssyncadd.s32 $0xFFFFFFFF  }
0xb7: {  	_ =	strace $0x9000004E  }
0xb8: {  	_ =	sfence  }
0xb9: {  	s30 =	sld [smem:$0x0];
	_ =	sdelay $0x2  }
0xba: {  	s31 =	sshll.u32 s1, $0xD;
	s1 =	sshrl.u32 s1, $0x2  }
0xbb: {  	s3 =	sand.u32 $0x4000, s31;
	s1 =	sadd.s32 s1, s30  }
0xbc: {  	s0 =	sor.u32 s3, s0;
	s1 =	sshll.u32 s1, $0x11  }
0xbd: {  	s0 =	sor.u32 s1, s0  }
0xbe: {  	s0 =	sadd.s32 $0x8F2B, s0  }
0xbf: {  	[sflag:s0] =	ssyncadd.remote.s32 $0x1  }
0xc0: {  	_ =	sfence.sel $0xFFFF  }
0xc1: {  	[dreg:$0x0] =	wrdreg $0xFFFFFFFF;
	(pc) =	sbr.abs _section_cstart, $3  }
0xc2: {  	[dreg:$0x1] =	wrdreg $0xFFFFFFFF  }
0xc3: {  	_ =	task.clear_ibuf [dreg:s7], $0x2FFFF;
	_ =	strace $0x9FFFFFFF  }
0xc4: {  	(tm) =	ssettm $0x7FFFFFFF  }
0xc5: {  	_ =	shalt  }
tec
execute0_lowered:
.L_overlay_start_1:
0x0: {  	(tag) =	ssettag $0x1  }
0x1: {  	s0 =	rddreg [dreg:$0x0]  }
0x2: {  	s1 =	rddreg [dreg:$0x1]  }
0x3: {  	s2 =	rddreg [dreg:$0x2]  }
0x4: {  	s13 =	stileid.u32;
	s4 =	srdreg.scid  }
0x5: {  	s3 =	rddreg [dreg:$0x3];
	s28 =	simm.s32 $0xB;
	s5 =	smul.u32 $0x14000, s13  }
0x6: {  	s29 =	simm.s32 $0x9;
	s30 =	simm.s32 $0xC;
	s22 =	smul.u32 $0xA000, s13  }
0x7: {  	s6 =	sand.u32 $0x1, s4;
	s4 =	simm.s32 $0x0;
	s11 =	smul.u32 $0x28000, s13  }
0x8: {  	s9 =	sadd.s32 $0x7AC00, s0;
	s21 =	sshll.u32 s13, $0x4;
	s7 =	smul.u32 $0x140000, s6  }
0x9: {  	[smem:$0x7FF] =	sst s4;
	s19 =	ssub.s32 $0x2, s6;
	s10 =	sshll.u32 s6, $0x4  }
0xa: {  	s6 =	smul.u32 $0x4E00, s6;
	_ =	strace $0x8000004D;
	s8 =	sshrl.u32 s5, $0x3  }
0xb: {  	[dreg:$0x5] =	wrdreg s9;
	s20 =	sshrl.u32 s19, $0x1;
	s10 =	sor.u32 s13, s10  }
0xc: {  	s14 =	sadd.s32 s22, s3;
	s18 =	sadd.s32 s8, s0;
	s8 =	sadd.s32 s21, s1  }
0xd: {  	s11 =	sshrl.u32 s11, $0x2;
	[dreg:$0x9] =	wrdreg s14;
	s12 =	sadd.s32 $0x9C00, s8  }
0xe: {  	s5 =	sadd.s32 s5, s7;
	s8 =	sadd.s32 $0x13840, s8;
	[dreg:$0x6] =	wrdreg s12  }
0xf: {  	s24 =	sadd.s32 s11, s3;
	s7 =	sadd.s32 $0x52C00, s18;
	[dreg:$0x7] =	wrdreg s8  }
0x10: {  	s13 =	smul.u32 $0x4E0, s13;
	s25 =	sadd.s32 $0x2000, s24;
	[dreg:$0x8] =	wrdreg s7  }
0x11: {  	s23 =	smul.u32 $0x2700, s10;
	s26 =	sadd.s32 $0x4000, s24;
	[dreg:$0xa] =	wrdreg s25  }
0x12: {  	s5 =	sshrl.u32 s5, $0x3;
	s11 =	sadd.s32 $0x6000, s24;
	[dreg:$0xb] =	wrdreg s26  }
0x13: {  	s0 =	sadd.s32 s5, s0;
	[dreg:$0xc] =	wrdreg s11;
	s7 =	sadd.s32 $0x8000, s24  }
0x14: {  	s5 =	ssub.s32 s19, s20;
	[dreg:$0xe] =	wrdreg s7;
	s0 =	sadd.s32 $0x7B000, s0  }
0x15: {  	s8 =	sadd.s32 s22, s2;
	s22 =	smax.u32 s5, $0x1;
	[dreg:$0x16] =	wrdreg s0  }
0x16: {  	s31 =	sshrl.u32 s23, $0x3;
	s23 =	sshrl.u32 s8, $0x3;
	[dreg:$0x17] =	wrdreg s22  }
0x17: {  	p0 =	sgt.u32 s10, $0x3;
	s9 =	sadd.s32 s1, s31;
	[dreg:$0x18] =	wrdreg s23  }
0x18: {  	s11 =	simm.s32 $0x1;
	s12 =	sadd.s32 $0x9C40, s9;
	[dreg:$0xd] =	wrdreg s9  }
0x19: {  	s1 =	sadd.s32 s6, s1;
	s15 =	sadd.s32 $0x10, s9;
	[dreg:$0xf] =	wrdreg s12  }
0x1a: {  	s6 =	simm.s32 $0x600;
	s16 =	sadd.s32 $0x9C50, s9;
	[dreg:$0x10] =	wrdreg s15  }
0x1b: {  	s7 =	simm.s32 $0x80;
	s17 =	sadd.s32 $0x20, s9;
	[dreg:$0x11] =	wrdreg s16  }
0x1c: {  	s18 =	sadd.s32 $0x9C60, s9;
	s20 =	sadd.s32 s13, s1;
	[dreg:$0x12] =	wrdreg s17  }
0x1d: {  	s19 =	sadd.s32 $0x30, s9;
	s21 =	sadd.s32 $0x9C70, s9;
	[dreg:$0x13] =	wrdreg s18  }
0x1e: {  	s24 =	sadd.s32 $0x40, s9;
	s25 =	sadd.s32 $0x9C80, s9;
	[dreg:$0x14] =	wrdreg s19  }
0x1f: {  	s26 =	sadd.s32 $0x50, s9;
	s31 =	sadd.s32 $0x9C90, s9;
	[dreg:$0x15] =	wrdreg s21  }
0x20: {  	s1 =	simm.s32 $0x8;
	s22 =	simm.s32 $0x3;
	[dreg:$0x19] =	wrdreg s24  }
0x21: {  	s23 =	simm.s32 $0x4600;
	s0 =	simm.s32 $0x5;
	[dreg:$0x1a] =	wrdreg s25  }
.Ltmp0:
0x22: {  	s13 =	simm.s32 $0x6;
	[dreg:$0x1b] =	wrdreg s26;
	(pc) =	sbr.rel .LBB2_1-.Ltmp0, $4  }
0x23: {  	s9 =	simm.s32 $0x0;
	[dreg:$0x1c] =	wrdreg s31;
	s12 =	simm.s32 $0x10  }
0x24: {  	s15 =	simm.s32 $0x400;
	s16 =	simm.s32 $0x480;
	s17 =	simm.s32 $0x500  }
0x25: {  	s18 =	simm.s32 $0x580;
	s19 =	simm.s32 $0x2;
	s21 =	simm.s32 $0x2600  }
0x26: {  	s24 =	simm.s32 $0x7;
	s25 =	simm.s32 $0xA;
	s26 =	simm.s32 $0x4  }
.LBB2_4:
0x27: {  	_ =	swait.ge [sflag:s29], $0x2000  }
0x28: {  	[sflag:s29] =	ssyncset.done $0x0  }
0x29: {  	[sflag:s29] =	ssyncadd.s32 $0xFFFFE000  }
0x2a: {  	[spmem:s3] =	stream.indirect.scatter.add.f32 [tilespmem:s23], [sflag:$0xC], $0x40, s18, s7, $0xb8;
	[tilespmem:$0x1A700] =	vst v63  }
0x2b: {  	_ =	swait.ge [sflag:s30], $0x2000  }
0x2c: {  	s5 =	simm.s32 @!p0 $0x80;
	[sflag:s30] =	ssyncset.done $0x0  }
0x2d: {  	s8 =	simm.s32 @!p0 $0x6600;
	s9 =	simm.s32 @!p0 $0x600;
	[sflag:s30] =	ssyncadd.s32 $0xFFFFE000  }
0x2e: {  	[tilespmem:s9], [sflag:$0x7] =	stream.indirect.gather @!p0 [spmem:s2], $0x40, s8, s5, $0xb8;
	[tilespmem:$0x1A700] =	vst v63  }
0x2f: {  	s8 =	simm.s32 @!p0 $0x7  }
0x30: {  	_ =	swait.ge @!p0 [sflag:s8], $0x2000  }
0x31: {  	[sflag:s8] =	ssyncset.done @!p0 $0x0  }
0x32: {  	[sflag:s8] =	ssyncadd.s32 @!p0 $0xFFFFE000;
	s8 =	simm.s32 @!p0 $0x6680  }
0x33: {  	[spmem:s3] =	stream.indirect.scatter.add.f32 @!p0 [tilespmem:s9], [sflag:$0xD], $0x40, s8, s5, $0xb8;
	[tilespmem:$0x1A700] =	vst v63  }
0x34: {  	s5 =	simm.s32 @!p0 $0xD  }
0x35: {  	_ =	swait.ge @!p0 [sflag:s5], $0x2000  }
0x36: {  	[sflag:s5] =	ssyncset.done @!p0 $0x0  }
0x37: {  	[sflag:s5] =	ssyncadd.s32 @!p0 $0xFFFFE000  }
0x38: {  	[bflag:$0x0] =	sbarrier.arrive $0xFFFF  }
0x39: {  	s14 =	rddreg [dreg:$0x9]  }
0x3a: {  	s11 =	simm.s32 $0x1;
	s12 =	simm.s32 $0x10;
	s10 =	rddreg [dreg:$0x16]  }
0x3b: {  	s8 =	simm.s32 $0xD;
	s31 =	rddreg [dreg:$0x1e];
	s9 =	sshrl.u32 s14, $0x3  }
0x3c: {  	[hbm:s10@s12], [sflag:s31] =	dma.strided [spmem:s9@s1], $0x1400, s11, $0x8   }
0x3d: {  	_ =	swait.ge [sflag:s8], $0x1400  }
0x3e: {  	s10 =	rddreg [dreg:$0x1d]  }
0x3f: {  	s31 =	rddreg [dreg:$0x17];
	s9 =	sadd.s32 $0x1, s10  }
0x40: {  	p1 =	sne.s32 s9, s31  }
.Ltmp1:
0x41: {  	_ = 	snop;
	(pc) =	sbr.rel @!p1 .LBB2_5-.Ltmp1, $3  }
0x42: {  	_ =	sdelay $0x1  }
0x43: {  	[sflag:s8] =	ssyncset.done $0x0  }
0x44: {  	[sflag:s8] =	ssyncadd.s32 $0xFFFFEC00  }
.LBB2_1:
0x45: {  	[dreg:$0x1d] =	wrdreg s9  }
0x46: {  	s5 =	simm.s32 @!p0 $0x0;
	s8 =	simm.s32 @!p0 $0x6600;
	s9 =	rddreg [dreg:$0x6]  }
0x47: {  	[tilespmem:s8], [sflag:$0xD] =	stream.linear.gather @!p0 [hbm4b:s9+s5], $0x80, $0x38;
	[tilespmem:$0x1A700] =	vst v63  }
0x48: {  	s8 =	simm.s32 @!p0 $0xD  }
0x49: {  	_ =	swait.ge @!p0 [sflag:s8], $0x80  }
0x4a: {  	[sflag:s8] =	ssyncset.done @!p0 $0x0  }
0x4b: {  	s9 =	simm.s32 @!p0 $0x6680;
	s10 =	rddreg [dreg:$0x7];
	[sflag:s8] =	ssyncadd.s32 @!p0 $0xFFFFFF80  }
0x4c: {  	[tilespmem:s9], [sflag:$0xD] =	stream.linear.gather @!p0 [hbm4b:s10+s5], $0x80, $0x38;
	[tilespmem:$0x1A700] =	vst v63  }
0x4d: {  	s10 =	stileid.u32;
	_ =	swait.ge @!p0 [sflag:s8], $0x80  }
0x4e: {  	s5 =	sshll.u32 s10, $0x6;
	[sflag:s8] =	ssyncset.done @!p0 $0x0;
	s10 =	rddreg [dreg:$0x18]  }
0x4f: {  	s5 =	sor.u32 $0x1C0D, s5;
	[sflag:s8] =	ssyncadd.s32 @!p0 $0xFFFFFF80;
	s8 =	rddreg [dreg:$0x8]  }
0x50: {  	s31 =	simm.s32 $0xD;
	[dreg:$0x1e] =	wrdreg s5  }
0x51: {  	[spmem:s10@s1], [sflag:s5] =	dma.strided [hbm:s8@s12], $0x1400, s11, $0x8   }
0x52: {  	_ =	swait.ge [sflag:s31], $0x1400  }
0x53: {  	[sflag:s31] =	ssyncset.done $0x0  }
0x54: {  	s8 =	rddreg [dreg:$0x5];
	[sflag:s31] =	ssyncadd.s32 $0xFFFFEC00  }
0x55: {  	[tilespmem:s6], [sflag:$0xD] =	stream.linear.gather [hbm4b:s8+s4], $0x2000, $0x38;
	[tilespmem:$0x1A700] =	vst v63  }
0x56: {  	_ =	swait.ge [sflag:s31], $0x2000  }
0x57: {  	[sflag:s31] =	ssyncset.done $0x0  }
0x58: {  	[sflag:s31] =	ssyncadd.s32 $0xFFFFE000  }
0x59: {  	[spmem:s14] =	stream.linear.scatter [tilespmem:s6], [sflag:$0xD], $0x2000, $0x38;
	[tilespmem:$0x1A700] =	vst v63  }
0x5a: {  	_ =	swait.ge [sflag:s31], $0x2000  }
0x5b: {  	[sflag:s31] =	ssyncset.done $0x0  }
0x5c: {  	s9 =	rddreg [dreg:$0xa];
	[sflag:s31] =	ssyncadd.s32 $0xFFFFE000  }
0x5d: {  	[spmem:s9] =	stream.linear.scatter [tilespmem:s6], [sflag:$0xD], $0x2000, $0x38;
	[tilespmem:$0x1A700] =	vst v63  }
0x5e: {  	_ =	swait.ge [sflag:s31], $0x2000  }
0x5f: {  	[sflag:s31] =	ssyncset.done $0x0  }
0x60: {  	s10 =	rddreg [dreg:$0xb];
	[sflag:s31] =	ssyncadd.s32 $0xFFFFE000  }
0x61: {  	[spmem:s10] =	stream.linear.scatter [tilespmem:s6], [sflag:$0xD], $0x2000, $0x38;
	[tilespmem:$0x1A700] =	vst v63  }
0x62: {  	_ =	swait.ge [sflag:s31], $0x2000  }
0x63: {  	[sflag:s31] =	ssyncset.done $0x0  }
0x64: {  	s12 =	rddreg [dreg:$0xc];
	[sflag:s31] =	ssyncadd.s32 $0xFFFFE000  }
0x65: {  	[spmem:s12] =	stream.linear.scatter [tilespmem:s6], [sflag:$0xD], $0x2000, $0x38;
	[tilespmem:$0x1A700] =	vst v63  }
0x66: {  	_ =	swait.ge [sflag:s31], $0x2000  }
0x67: {  	[sflag:s31] =	ssyncset.done $0x0  }
0x68: {  	s14 =	rddreg [dreg:$0xe];
	[sflag:s31] =	ssyncadd.s32 $0xFFFFE000  }
0x69: {  	[spmem:s14] =	stream.linear.scatter [tilespmem:s6], [sflag:$0xD], $0x2000, $0x38;
	[tilespmem:$0x1A700] =	vst v63  }
0x6a: {  	_ =	swait.ge [sflag:s31], $0x2000  }
0x6b: {  	[sflag:s31] =	ssyncset.done $0x0  }
0x6c: {  	[sflag:s31] =	ssyncadd.s32 $0xFFFFE000  }
0x6d: {  	[bflag:$0x0] =	sbarrier.arrive $0xFFFF  }
0x6e: {  	s8 =	rddreg [dreg:$0xd]  }
0x6f: {  	[tilespmem:s4], [sflag:$0x1] =	stream.linear.gather [hbm4b:s8+s4], $0x80, $0x38;
	[tilespmem:$0x1A700] =	vst v63  }
0x70: {  	s9 =	rddreg [dreg:$0xf]  }
0x71: {  	[tilespmem:s7], [sflag:$0x1] =	stream.linear.gather [hbm4b:s9+s4], $0x80, $0x38;
	[tilespmem:$0x1A700] =	vst v63  }
0x72: {  	s10 =	rddreg [dreg:$0x10];
	s8 =	simm.s32 $0x100  }
0x73: {  	[tilespmem:s8], [sflag:$0x2] =	stream.linear.gather [hbm4b:s10+s4], $0x80, $0x38;
	[tilespmem:$0x1A700] =	vst v63  }
0x74: {  	s14 =	simm.s32 $0x180;
	s12 =	rddreg [dreg:$0x11]  }
0x75: {  	[tilespmem:s14], [sflag:$0x2] =	stream.linear.gather [hbm4b:s12+s4], $0x80, $0x38;
	[tilespmem:$0x1A700] =	vst v63  }
0x76: {  	s9 =	simm.s32 $0x200;
	s10 =	rddreg [dreg:$0x12]  }
0x77: {  	[tilespmem:s9], [sflag:$0x3] =	stream.linear.gather [hbm4b:s10+s4], $0x80, $0x38;
	[tilespmem:$0x1A700] =	vst v63  }
0x78: {  	s12 =	rddreg [dreg:$0x13];
	s14 =	simm.s32 $0x280  }
0x79: {  	[tilespmem:s14], [sflag:$0x3] =	stream.linear.gather [hbm4b:s12+s4], $0x80, $0x38;
	[tilespmem:$0x1A700] =	vst v63  }
0x7a: {  	s12 =	rddreg [dreg:$0x14];
	s14 =	simm.s32 $0x300  }
0x7b: {  	[tilespmem:s14], [sflag:$0x4] =	stream.linear.gather [hbm4b:s12+s4], $0x80, $0x38;
	[tilespmem:$0x1A700] =	vst v63  }
0x7c: {  	s10 =	rddreg [dreg:$0x15];
	s12 =	simm.s32 $0x380  }
0x7d: {  	[tilespmem:s12], [sflag:$0x4] =	stream.linear.gather [hbm4b:s10+s4], $0x80, $0x38;
	[tilespmem:$0x1A700] =	vst v63  }
0x7e: {  	s14 =	rddreg [dreg:$0x19]  }
0x7f: {  	[tilespmem:s15], [sflag:$0x5] =	stream.linear.gather [hbm4b:s14+s4], $0x80, $0x38;
	[tilespmem:$0x1A700] =	vst v63  }
0x80: {  	s10 =	rddreg [dreg:$0x1a]  }
0x81: {  	[tilespmem:s16], [sflag:$0x5] =	stream.linear.gather [hbm4b:s10+s4], $0x80, $0x38;
	[tilespmem:$0x1A700] =	vst v63  }
0x82: {  	s12 =	rddreg [dreg:$0x1b]  }
0x83: {  	[tilespmem:s17], [sflag:$0x6] =	stream.linear.gather [hbm4b:s12+s4], $0x80, $0x38;
	[tilespmem:$0x1A700] =	vst v63  }
0x84: {  	s14 =	rddreg [dreg:$0x1c]  }
0x85: {  	[tilespmem:s18], [sflag:$0x6] =	stream.linear.gather [hbm4b:s14+s4], $0x80, $0x38;
	[tilespmem:$0x1A700] =	vst v63  }
0x86: {  	_ =	swait.ge [sflag:s11], $0x100  }
0x87: {  	[sflag:s11] =	ssyncset.done $0x0  }
0x88: {  	[sflag:s11] =	ssyncadd.s32 $0xFFFFFF00  }
0x89: {  	[tilespmem:s6], [sflag:$0x7] =	stream.indirect.gather [spmem:s2], $0x40, s4, s7, $0xb8;
	[tilespmem:$0x1A700] =	vst v63  }
0x8a: {  	_ =	swait.ge [sflag:s19], $0x100  }
0x8b: {  	[sflag:s19] =	ssyncset.done $0x0  }
0x8c: {  	[sflag:s19] =	ssyncadd.s32 $0xFFFFFF00  }
0x8d: {  	[tilespmem:s21], [sflag:$0x8] =	stream.indirect.gather [spmem:s2], $0x40, s8, s7, $0xb8;
	[tilespmem:$0x1A700] =	vst v63  }
0x8e: {  	_ =	swait.ge [sflag:s22], $0x100  }
0x8f: {  	[sflag:s22] =	ssyncset.done $0x0  }
0x90: {  	s31 =	simm.s32 $0x0;
	s14 =	simm.s32 $0x200;
	[sflag:s22] =	ssyncadd.s32 $0xFFFFFF00  }
0x91: {  	[tilespmem:s23], [sflag:$0x9] =	stream.indirect.gather [spmem:s2], $0x40, s9, s7, $0xb8;
	[tilespmem:$0x1A700] =	vst v63  }
.LBB2_2:
0x92: {  	_ =	swait.ge [sflag:s24], $0x2000  }
0x93: {  	[sflag:s24] =	ssyncset.done $0x0  }
0x94: {  	[sflag:s24] =	ssyncadd.s32 $0xFFFFE000  }
0x95: {  	[spmem:s3] =	stream.indirect.scatter.add.f32 [tilespmem:s6], [sflag:$0xA], $0x40, s7, s7, $0xb8;
	[tilespmem:$0x1A700] =	vst v63  }
0x96: {  	_ =	swait.ge [sflag:s25], $0x2000  }
0x97: {  	[sflag:s25] =	ssyncset.done $0x0  }
0x98: {  	[sflag:s25] =	ssyncadd.s32 $0xFFFFE000  }
0x99: {  	_ =	swait.ge [sflag:s26], $0x100  }
0x9a: {  	p1 =	seq.s32 s31, $0x480;
	[sflag:s26] =	ssyncset.done $0x0  }
0x9b: {  	s5 =	simm.s32 $0x300;
	s9 =	sadd.s32 @!p1 s31, s20;
	[sflag:s26] =	ssyncadd.s32 $0xFFFFFF00  }
0x9c: {  	[tilespmem:s6], [sflag:$0x7] =	stream.indirect.gather [spmem:s2], $0x40, s5, s7, $0xb8;
	[tilespmem:$0x1A700] =	vst v63  }
0x9d: {  	s8 =	sadd.s32 @!p1 $0x60, s9;
	s5 =	simm.s32 @!p1 $0x0  }
0x9e: {  	[tilespmem:s5], [sflag:$0x1] =	stream.linear.gather @!p1 [hbm4b:s8+s5], $0x80, $0x38;
	[tilespmem:$0x1A700] =	vst v63  }
0x9f: {  	s10 =	sadd.s32 @!p1 $0x9CA0, s9;
	s8 =	simm.s32 @!p1 $0x80  }
0xa0: {  	[tilespmem:s8], [sflag:$0x1] =	stream.linear.gather @!p1 [hbm4b:s10+s5], $0x80, $0x38;
	[tilespmem:$0x1A700] =	vst v63  }
0xa1: {  	_ =	swait.ge [sflag:s1], $0x2000  }
0xa2: {  	[sflag:s1] =	ssyncset.done $0x0  }
0xa3: {  	s11 =	simm.s32 $0x180;
	[sflag:s1] =	ssyncadd.s32 $0xFFFFE000  }
0xa4: {  	[spmem:s3] =	stream.indirect.scatter.add.f32 [tilespmem:s21], [sflag:$0xB], $0x40, s11, s7, $0xb8;
	[tilespmem:$0x1A700] =	vst v63  }
0xa5: {  	_ =	swait.ge [sflag:s28], $0x2000  }
0xa6: {  	[sflag:s28] =	ssyncset.done $0x0  }
0xa7: {  	[sflag:s28] =	ssyncadd.s32 $0xFFFFE000  }
0xa8: {  	_ =	swait.ge [sflag:s0], $0x100  }
0xa9: {  	[sflag:s0] =	ssyncset.done $0x0  }
0xaa: {  	[sflag:s0] =	ssyncadd.s32 $0xFFFFFF00  }
0xab: {  	[tilespmem:s21], [sflag:$0x8] =	stream.indirect.gather [spmem:s2], $0x40, s15, s7, $0xb8;
	[tilespmem:$0x1A700] =	vst v63  }
0xac: {  	s10 =	sadd.s32 @!p1 $0x70, s9;
	s11 =	simm.s32 @!p1 $0x100  }
0xad: {  	[tilespmem:s11], [sflag:$0x2] =	stream.linear.gather @!p1 [hbm4b:s10+s5], $0x80, $0x38;
	[tilespmem:$0x1A700] =	vst v63  }
0xae: {  	s10 =	sadd.s32 @!p1 $0x9CB0, s9;
	s11 =	simm.s32 @!p1 $0x180  }
0xaf: {  	[tilespmem:s11], [sflag:$0x2] =	stream.linear.gather @!p1 [hbm4b:s10+s5], $0x80, $0x38;
	[tilespmem:$0x1A700] =	vst v63  }
0xb0: {  	_ =	swait.ge [sflag:s29], $0x2000  }
0xb1: {  	[sflag:s29] =	ssyncset.done $0x0  }
0xb2: {  	s12 =	simm.s32 $0x280;
	[sflag:s29] =	ssyncadd.s32 $0xFFFFE000  }
0xb3: {  	[spmem:s3] =	stream.indirect.scatter.add.f32 [tilespmem:s23], [sflag:$0xC], $0x40, s12, s7, $0xb8;
	[tilespmem:$0x1A700] =	vst v63  }
0xb4: {  	_ =	swait.ge [sflag:s30], $0x2000  }
0xb5: {  	[sflag:s30] =	ssyncset.done $0x0  }
0xb6: {  	[sflag:s30] =	ssyncadd.s32 $0xFFFFE000  }
0xb7: {  	_ =	swait.ge [sflag:s13], $0x100  }
0xb8: {  	[sflag:s13] =	ssyncset.done $0x0  }
0xb9: {  	s10 =	simm.s32 @p1 $0x7;
	[sflag:s13] =	ssyncadd.s32 $0xFFFFFF00  }
0xba: {  	[tilespmem:s23], [sflag:$0x9] =	stream.indirect.gather [spmem:s2], $0x40, s17, s7, $0xb8;
	[tilespmem:$0x1A700] =	vst v63  }
0xbb: {  	_ =	swait.ge @p1 [sflag:s10], $0x2000  }
0xbc: {  	s11 =	simm.s32 @p1 $0x380;
	[sflag:s10] =	ssyncset.done @p1 $0x0  }
0xbd: {  	s12 =	simm.s32 @p1 $0x600;
	[sflag:s10] =	ssyncadd.s32 @p1 $0xFFFFE000;
	s10 =	simm.s32 @p1 $0x80  }
0xbe: {  	[spmem:s3] =	stream.indirect.scatter.add.f32 @p1 [tilespmem:s12], [sflag:$0xA], $0x40, s11, s10, $0xb8;
	[tilespmem:$0x1A700] =	vst v63  }
0xbf: {  	s10 =	simm.s32 @p1 $0xA  }
0xc0: {  	_ =	swait.ge @p1 [sflag:s10], $0x2000  }
0xc1: {  	[sflag:s10] =	ssyncset.done @p1 $0x0  }
0xc2: {  	s11 =	simm.s32 @!p1 $0x200;
	[sflag:s10] =	ssyncadd.s32 @p1 $0xFFFFE000;
	s10 =	sadd.s32 @!p1 $0x80, s9  }
0xc3: {  	[tilespmem:s11], [sflag:$0x3] =	stream.linear.gather @!p1 [hbm4b:s10+s5], $0x80, $0x38;
	[tilespmem:$0x1A700] =	vst v63  }
0xc4: {  	s10 =	sadd.s32 @!p1 $0x9CC0, s9;
	s11 =	simm.s32 @!p1 $0x280  }
0xc5: {  	[tilespmem:s11], [sflag:$0x3] =	stream.linear.gather @!p1 [hbm4b:s10+s5], $0x80, $0x38;
	[tilespmem:$0x1A700] =	vst v63  }
0xc6: {  	s10 =	simm.s32 @!p1 $0x7  }
0xc7: {  	_ =	swait.ge @!p1 [sflag:s10], $0x2000  }
0xc8: {  	s12 =	simm.s32 @!p1 $0xA;
	[sflag:s10] =	ssyncset.done @!p1 $0x0  }
0xc9: {  	s11 =	simm.s32 @!p1 $0x600;
	[sflag:s10] =	ssyncadd.s32 @!p1 $0xFFFFE000;
	s10 =	simm.s32 @!p1 $0x380  }
0xca: {  	[spmem:s3] =	stream.indirect.scatter.add.f32 @!p1 [tilespmem:s11], [sflag:$0xA], $0x40, s10, s8, $0xb8;
	[tilespmem:$0x1A700] =	vst v63  }
0xcb: {  	_ =	swait.ge @!p1 [sflag:s12], $0x2000  }
0xcc: {  	[sflag:s12] =	ssyncset.done @!p1 $0x0  }
0xcd: {  	[sflag:s12] =	ssyncadd.s32 @!p1 $0xFFFFE000;
	s12 =	simm.s32 @!p1 $0x1  }
0xce: {  	_ =	swait.ge @!p1 [sflag:s12], $0x100  }
0xcf: {  	[sflag:s12] =	ssyncset.done @!p1 $0x0  }
0xd0: {  	[sflag:s12] =	ssyncadd.s32 @!p1 $0xFFFFFF00  }
0xd1: {  	[tilespmem:s11], [sflag:$0x7] =	stream.indirect.gather @!p1 [spmem:s2], $0x40, s5, s8, $0xb8;
	[tilespmem:$0x1A700] =	vst v63  }
0xd2: {  	s8 =	sadd.s32 @!p1 $0x90, s9;
	s11 =	simm.s32 @!p1 $0x300  }
0xd3: {  	[tilespmem:s11], [sflag:$0x4] =	stream.linear.gather @!p1 [hbm4b:s8+s5], $0x80, $0x38;
	[tilespmem:$0x1A700] =	vst v63  }
0xd4: {  	s8 =	sadd.s32 @!p1 $0x9CD0, s9  }
0xd5: {  	[tilespmem:s10], [sflag:$0x4] =	stream.linear.gather @!p1 [hbm4b:s8+s5], $0x80, $0x38;
	[tilespmem:$0x1A700] =	vst v63  }
0xd6: {  	_ =	swait.ge [sflag:s1], $0x2000  }
0xd7: {  	[sflag:s1] =	ssyncset.done $0x0  }
.Ltmp2:
0xd8: {  	[sflag:s1] =	ssyncadd.s32 $0xFFFFE000;
	(pc) =	sbr.rel @p1 .LBB2_4-.Ltmp2, $4  }
0xd9: {  	[spmem:s3] =	stream.indirect.scatter.add.f32 [tilespmem:s21], [sflag:$0xB], $0x40, s16, s7, $0xb8;
	[tilespmem:$0x1A700] =	vst v63  }
0xda: {  	_ =	swait.ge [sflag:s28], $0x2000  }
0xdb: {  	[sflag:s28] =	ssyncset.done $0x0  }
0xdc: {  	[sflag:s28] =	ssyncadd.s32 $0xFFFFE000  }
0xdd: {  	_ =	swait.ge [sflag:s19], $0x100  }
0xde: {  	[sflag:s19] =	ssyncset.done $0x0  }
0xdf: {  	s5 =	simm.s32 $0x100;
	s10 =	sadd.s32 s31, s20;
	[sflag:s19] =	ssyncadd.s32 $0xFFFFFF00  }
0xe0: {  	[tilespmem:s21], [sflag:$0x8] =	stream.indirect.gather [spmem:s2], $0x40, s5, s7, $0xb8;
	[tilespmem:$0x1A700] =	vst v63  }
0xe1: {  	s8 =	sadd.s32 $0xA0, s10  }
0xe2: {  	[tilespmem:s15], [sflag:$0x5] =	stream.linear.gather [hbm4b:s8+s4], $0x80, $0x38;
	[tilespmem:$0x1A700] =	vst v63  }
0xe3: {  	s11 =	sadd.s32 $0x9CE0, s10  }
0xe4: {  	[tilespmem:s16], [sflag:$0x5] =	stream.linear.gather [hbm4b:s11+s4], $0x80, $0x38;
	[tilespmem:$0x1A700] =	vst v63  }
0xe5: {  	_ =	swait.ge [sflag:s29], $0x2000  }
0xe6: {  	[sflag:s29] =	ssyncset.done $0x0  }
0xe7: {  	[sflag:s29] =	ssyncadd.s32 $0xFFFFE000  }
0xe8: {  	[spmem:s3] =	stream.indirect.scatter.add.f32 [tilespmem:s23], [sflag:$0xC], $0x40, s18, s7, $0xb8;
	[tilespmem:$0x1A700] =	vst v63  }
0xe9: {  	_ =	swait.ge [sflag:s30], $0x2000  }
0xea: {  	[sflag:s30] =	ssyncset.done $0x0  }
0xeb: {  	[sflag:s30] =	ssyncadd.s32 $0xFFFFE000  }
0xec: {  	_ =	swait.ge [sflag:s22], $0x100  }
0xed: {  	[sflag:s22] =	ssyncset.done $0x0  }
0xee: {  	[sflag:s22] =	ssyncadd.s32 $0xFFFFFF00  }
0xef: {  	[tilespmem:s23], [sflag:$0x9] =	stream.indirect.gather [spmem:s2], $0x40, s14, s7, $0xb8;
	[tilespmem:$0x1A700] =	vst v63  }
.Ltmp3:
0xf0: {  	_ = 	snop;
	(pc) =	sbr.rel .LBB2_2-.Ltmp3, $4  }
0xf1: {  	s12 =	sadd.s32 $0xB0, s10  }
0xf2: {  	[tilespmem:s17], [sflag:$0x6] =	stream.linear.gather [hbm4b:s12+s4], $0x80, $0x38;
	[tilespmem:$0x1A700] =	vst v63  }
0xf3: {  	s31 =	sadd.s32 $0x60, s31;
	s5 =	sadd.s32 $0x9CF0, s10  }
0xf4: {  	[tilespmem:s18], [sflag:$0x6] =	stream.linear.gather [hbm4b:s5+s4], $0x80, $0x38;
	[tilespmem:$0x1A700] =	vst v63  }
.LBB2_5:
0xf5: {  	_ =	sfence.sel $0x180000  }
0xf6: {  	[bflag:$0x0] =	sbarrier.arrive $0xFFFF  }
0xf7: {  	_ =	strace $0x9000004D  }
0xf8: {  	s0 =	stileid.u32;
	[bflag:$0x2] =	sbarrier.arrive $0xFFFF  }
0xf9: {  	p0 =	sne.s32 s0, $0x0;
	s0 =	rddreg [dreg:$0x4]  }
0xfa: {  	s0 =	sadd.s32 @!p0 $0x100000, s0  }
0xfb: {  	[sflag:s0] =	ssyncadd.tile.s32 @!p0 $0x1;
	_ =	shalt  }
.Lfunc_end2:
_tile_overlayer_lowered:
.L_overlay_start_2:
0xfc: {  	(tag) =	ssettag $0x2  }
0xfd: {  	s0 =	rddreg [dreg:$0x0];
	s2 =	stileid.u32  }
0xfe: {  	s1 =	rddreg [dreg:$0x1];
	p0 =	sne.s32 s2, $0x0  }
0xff: {  	s3 =	rddreg [dreg:$0x2];
	[bflag:$0x3] =	sbarrier.arrive $0xFFFF;
	s2 =	simm.s32 @!p0 $0x1C0D  }
0x100: {  	[timem:s3], [sflag:s2] =	dma.local @!p0 [hbm:s0], s1  }
0x101: {  	s0 =	simm.s32 @!p0 $0xD  }
0x102: {  	_ =	swait.ge @!p0 [sflag:s0], s1  }
0x103: {  	s1 =	ssub.s32 @!p0 $0x0, s1;
	[sflag:s0] =	ssyncset.done @!p0 $0x0  }
0x104: {  	[sflag:s0] =	ssyncadd.s32 @!p0 s1  }
0x105: {  	[bflag:$0x3] =	sbarrier.arrive $0xFFFF  }
0x106: {  	_ =	shalt  }

// kernel: kernel.9.cloned.1.call-start
scs
__scs_entry_jumppad:
0x0: {  	(pc) =	sbr.rel $0x88, $3  }
0x1: {  	(tag) =	ssettag $0x0;
	lr =	simm.s32 $0x1  }
0x2: {  	[smem:$0x3F96] =	sst lr;
	_ =	strace $0xD0000000  }
0x3: {  	_ = 	snop  }
0x4: {  	_ = 	snop  }
0x5: {  	_ = 	snop  }
0x6: {  	_ = 	snop  }
0x7: {  	_ = 	snop  }
__scs_overlays_trampoline_lowered:
0x8: {  	[smem:$0x3FA5] =	sst s0  }
0x9: {  	[smem:$0x3FA6] =	sst s1  }
0xa: {  	[smem:$0x3FA7] =	sst s2  }
0xb: {  	[smem:$0x3FA8] =	sst s3  }
0xc: {  	[smem:$0x3FA9] =	sst s4  }
0xd: {  	[smem:$0x3FAA] =	sst s5  }
0xe: {  	[smem:$0x3FAB] =	sst s6  }
0xf: {  	[smem:$0x3FAC] =	sst s7  }
0x10: {  	[smem:$0x3FAD] =	sst s8  }
0x11: {  	[smem:$0x3FAE] =	sst s9;
	s0 =	simm.s32 @!p0 $0x0  }
0x12: {  	s1 =	sld [smem:$0x3F94];
	s0 =	simm.s32 @p0 $0x1  }
0x13: {  	[smem:$0x3FAF] =	sst s0;
	s0 =	simm.s32 @!p1 $0x0  }
0x14: {  	s2 =	sld [smem:$0x3F93];
	s0 =	simm.s32 @p1 $0x1  }
0x15: {  	[smem:$0x3FB0] =	sst s0;
	s0 =	simm.s32 @!p2 $0x0  }
0x16: {  	s3 =	sld [smem:$0x3FDB];
	s0 =	simm.s32 @p2 $0x1  }
0x17: {  	s4 =	simm.s32 $0x1BF5;
	[smem:$0x3FB2] =	sst s0  }
0x18: {  	s0 =	sld [smem:$0x3F95];
	_ =	swait.ge [sflag:s4], $0x0  }
0x19: {  	s7 =	sld [smem:$0x3F96]  }
0x1a: {  	s8 =	sadd.s32 $0xFFFFE003, lr  }
0x1b: {  	s9 =	sadd.s32 $0xFFFFFEF7, lr;
	s5 =	simm.s32 $0xFFFFFFFF;
	p2 =	slt.u32 s8, $0xFFFFF086  }
0x1c: {  	p1 =	slt.u32 s9, $0xF7A;
	s5 =	simm.s32 @!p2 $0x0  }
0x1d: {  	s5 =	simm.s32 @p1 $0x1;
	p0 =	seq.s32 s7, s2  }
0x1e: {  	s7 =	smul.u32 @!p0 $0xF7A, s2;
	p2 =	seq.s32 @!p0 s5, $0x0  }
0x1f: {  	s9 =	smul.u32 $0xF7A, s1;
	s8 =	simm.s32 @!p0 $0x1BF5;
	p2 =	por !p2, p0  }
0x20: {  	[sflag:s8] =	ssyncset.s32 @!p0 $0xFFFFF086;
	s6 =	sadd.s32 @!p0 s3, s7;
	s7 =	simm.s32 @!p0 $0x108  }
0x21: {  	s3 =	sadd.s32 s3, s9;
	s6 =	sadd.s32 @!p0 $0x88, s6;
	s7 =	simm.s32 @p2 $0x1082  }
0x22: {  	[simem:s7], [sflag:s8] =	dma.local @!p0 [hbm:s6], $0xF7A  }
0x23: {  	s9 =	sor.u32 $0xD0000000, s2;
	s6 =	simm.s32 $0x108;
	_ =	swait.ge @!p0 [sflag:s8], $0x0  }
0x24: {  	s3 =	sadd.s32 $0x88, s3;
	s6 =	simm.s32 @!p1 $0x1082;
	[sflag:s4] =	ssyncset.s32 $0xFFFFF086  }
0x25: {  	[simem:s6], [sflag:s4] =	dma.local [hbm:s3], $0xF7A  }
0x26: {  	[smem:$0x3F96] =	sst s1;
	(tag) =	ssettag s2;
	_ =	strace s9  }
0x27: {  	s1 =	sld [smem:$0x3FA6]  }
0x28: {  	s2 =	sld [smem:$0x3FA7]  }
0x29: {  	s4 =	sld [smem:$0x3FA9]  }
0x2a: {  	p0 =	seq.s32 s5, $0x0;
	s5 =	sld [smem:$0x3FAA]  }
0x2b: {  	s6 =	sld [smem:$0x3FAB]  }
0x2c: {  	s7 =	sld [smem:$0x3FAC]  }
0x2d: {  	s3 =	simm.s32 $0x108;
	s8 =	sld [smem:$0x3FAD]  }
0x2e: {  	s3 =	simm.s32 @!p0 $0x1082;
	s9 =	sld [smem:$0x3FAE]  }
0x2f: {  	lr =	sadd.s32 s0, s3;
	s0 =	sld [smem:$0x3FA5]  }
0x30: {  	s3 =	sld [smem:$0x3FA8]  }
0x31: {  	[smem:$0x3FB1] =	sst s10  }
0x32: {  	s10 =	sld [smem:$0x3FAF];
	_ =	sdelay $0x3  }
0x33: {  	p0 =	seq.s32 s10, $0x1;
	s10 =	sld [smem:$0x3FB1];
	_ =	sdelay $0x3  }
0x34: {  	[smem:$0x3FB1] =	sst s10  }
0x35: {  	s10 =	sld [smem:$0x3FB0];
	_ =	sdelay $0x3  }
0x36: {  	p1 =	seq.s32 s10, $0x1;
	s10 =	sld [smem:$0x3FB1];
	_ =	sdelay $0x3  }
0x37: {  	[smem:$0x3FB1] =	sst s10  }
0x38: {  	s10 =	sld [smem:$0x3FB2]  }
0x39: {  	_ = 	snop;
	(pc) =	sbr.ind lr, $3  }
0x3a: {  	_ = 	snop  }
0x3b: {  	_ = 	snop  }
0x3c: {  	p2 =	seq.s32 s10, $0x1;
	s10 =	sld [smem:$0x3FB1]  }
0x3d: {  	_ =	shalt  }
0x3e: {  	_ =	shalt  }
0x3f: {  	_ =	shalt  }
0x40: {  	_ =	shalt  }
0x41: {  	_ =	shalt  }
0x42: {  	_ =	shalt  }
0x43: {  	_ =	shalt  }
0x44: {  	_ =	shalt  }
0x45: {  	_ =	shalt  }
0x46: {  	_ =	shalt  }
0x47: {  	_ =	shalt  }
0x48: {  	_ =	shalt  }
0x49: {  	_ =	shalt  }
0x4a: {  	_ =	shalt  }
0x4b: {  	_ =	shalt  }
0x4c: {  	_ =	shalt  }
0x4d: {  	_ =	shalt  }
0x4e: {  	_ =	shalt  }
0x4f: {  	_ =	shalt  }
0x50: {  	_ =	shalt  }
0x51: {  	_ =	shalt  }
0x52: {  	_ =	shalt  }
0x53: {  	_ =	shalt  }
0x54: {  	_ =	shalt  }
0x55: {  	_ =	shalt  }
0x56: {  	_ =	shalt  }
0x57: {  	_ =	shalt  }
0x58: {  	_ =	shalt  }
0x59: {  	_ =	shalt  }
0x5a: {  	_ =	shalt  }
0x5b: {  	_ =	shalt  }
0x5c: {  	_ =	shalt  }
0x5d: {  	_ =	shalt  }
0x5e: {  	_ =	shalt  }
0x5f: {  	_ =	shalt  }
0x60: {  	_ =	shalt  }
0x61: {  	_ =	shalt  }
0x62: {  	_ =	shalt  }
0x63: {  	_ =	shalt  }
0x64: {  	_ =	shalt  }
0x65: {  	_ =	shalt  }
0x66: {  	_ =	shalt  }
0x67: {  	_ =	shalt  }
0x68: {  	_ =	shalt  }
0x69: {  	_ =	shalt  }
0x6a: {  	_ =	shalt  }
0x6b: {  	_ =	shalt  }
0x6c: {  	_ =	shalt  }
0x6d: {  	_ =	shalt  }
0x6e: {  	_ =	shalt  }
0x6f: {  	_ =	shalt  }
0x70: {  	_ =	shalt  }
0x71: {  	_ =	shalt  }
0x72: {  	_ =	shalt  }
0x73: {  	_ =	shalt  }
0x74: {  	_ =	shalt  }
0x75: {  	_ =	shalt  }
0x76: {  	_ =	shalt  }
0x77: {  	_ =	shalt  }
0x78: {  	_ =	shalt  }
0x79: {  	_ =	shalt  }
0x7a: {  	_ =	shalt  }
0x7b: {  	_ =	shalt  }
0x7c: {  	_ =	shalt  }
0x7d: {  	_ =	shalt  }
0x7e: {  	_ =	shalt  }
0x7f: {  	_ =	shalt  }
0x80: {  	_ =	shalt  }
0x81: {  	_ =	shalt  }
0x82: {  	_ =	shalt  }
0x83: {  	_ =	shalt  }
0x84: {  	_ =	shalt  }
0x85: {  	_ =	shalt  }
0x86: {  	_ =	shalt  }
0x87: {  	_ =	shalt  }
.Lfunc_end0:
.L_simem_size_0:
called_computation_lowered:
.L_overlay_start_0:
0x88: {  	s2 =	sld [smem:$0x3FD9]  }
0x89: {  	s3 =	sld [smem:$0x3FFE];
	_ =	sdelay $0x1  }
0x8a: {  	s1 =	srdreg.scid  }
0x8b: {  	s0 =	sand.u32 $0x1, s1  }
0x8c: {  	s17 =	sshll.u32 s0, $0xA;
	s2 =	sadd.s32 s3, s2  }
0x8d: {  	s2 =	sadd.s32 s2, s17  }
0x8e: {  	[smem:$0x3FBD] =	sst s2  }
0x8f: {  	_ = 	snop  }
0x90: {  	s2 =	sld [smem:$0x3FD0];
	(tm) =	ssettm $0x1  }
0x91: {  	s18 =	sld [smem:$0x3FFB];
	_ =	sdelay $0x3  }
0x92: {  	_ =	strace s18  }
0x93: {  	s3 =	sld [smem:$0x3FFC];
	_ =	sdelay $0x3  }
0x94: {  	_ =	strace s3  }
0x95: {  	s3 =	sld [smem:$0x3FFD];
	_ =	sdelay $0x3  }
0x96: {  	_ =	strace s3  }
0x97: {  	_ =	strace $0x8FFFFFFF  }
0x98: {  	s19 =	sld [smem:$0x3FDB];
	_ =	sdelay $0x1  }
0x99: {  	s4 =	simm.s32 $_scs_section_size  }
0x9a: {  	s5 =	simm.s32 $_size__tile_overlayer_lowered;
	s6 =	simm.s32 $_tile_overlayer_lowered  }
0x9b: {  	s22 =	simm.s32 $0x1BFF;
	s21 =	sshll.u32 s6, $0x1;
	s3 =	sadd.s32 s4, s19  }
0x9c: {  	s7 =	simm.s32 $0x0;
	s20 =	sshll.u32 s5, $0x1;
	s5 =	sadd.s32 s21, s3  }
0x9d: {  	[timem:s7], [sflag:s22] =	dma.local [hbm:s5], s20  }
0x9e: {  	_ =	swait.ge [sflag:s22], s20  }
0x9f: {  	s4 =	ssub.s32 $0x0, s20;
	[sflag:s22] =	ssyncset.done $0x0  }
0xa0: {  	[sflag:s22] =	ssyncadd.s32 s4;
	_ =	sdelay $0x1  }
0xa1: {  	s23 =	simm.s32 $0x1B8B  }
0xa2: {  	_ =	swait.ge [sflag:s23], $0x1  }
0xa3: {  	[sflag:s23] =	ssyncset.done $0x0  }
0xa4: {  	s25 =	simm.s32 $0x1B8E;
	s24 =	sld [smem:$0x3FFE];
	[sflag:s23] =	ssyncadd.s32 $0xFFFFFFFF  }
0xa5: {  	s26 =	simm.s32 $execute0_lowered;
	[smem:$0x3FD2] =	sst s25  }
0xa6: {  	s5 =	sshll.u32 s26, $0x1;
	_ =	strace $0x80000046;
	[dreg:$0x1] =	wrdreg $0xFFFFFFFF  }
0xa7: {  	s28 =	simm.s32 $_size_execute0_lowered;
	s3 =	sadd.s32 s3, s5;
	[dreg:$0x0] =	wrdreg $0x0  }
0xa8: {  	s5 =	sshll.u32 s28, $0x1;
	[dreg:$0x2] =	wrdreg s3  }
0xa9: {  	[dreg:$0x3] =	wrdreg s5  }
0xaa: {  	[dreg:$0x4] =	wrdreg $0xC0  }
0xab: {  	_ =	task [dreg:s7], $0x5FFFF  }
0xac: {  	[dreg:$0x1] =	wrdreg $0xFFFFFFFF  }
0xad: {  	[dreg:$0x0] =	wrdreg $0x60  }
0xae: {  	[dreg:$0x2] =	wrdreg s2  }
0xaf: {  	[dreg:$0x3] =	wrdreg s24  }
0xb0: {  	[dreg:$0x4] =	wrdreg $0x57800  }
0xb1: {  	[dreg:$0x5] =	wrdreg $0x9  }
0xb2: {  	_ =	task.clear_ibuf [dreg:s7], $0x6FFFF;
	_ =	strace $0x90000046  }
0xb3: {  	s29 =	simm.s32 $0x9;
	_ =	strace $0x80000048  }
0xb4: {  	_ =	swait.ge [sflag:s29], $0x1  }
0xb5: {  	[sflag:s29] =	ssyncadd.s32 $0xFFFFFFFF  }
0xb6: {  	_ =	strace $0x90000048  }
0xb7: {  	_ =	sfence  }
0xb8: {  	s30 =	sld [smem:$0x0];
	_ =	sdelay $0x2  }
0xb9: {  	s31 =	sshll.u32 s1, $0xD;
	s1 =	sshrl.u32 s1, $0x2  }
0xba: {  	s3 =	sand.u32 $0x4000, s31;
	s1 =	sadd.s32 s1, s30  }
0xbb: {  	s0 =	sor.u32 s3, s0;
	s1 =	sshll.u32 s1, $0x11  }
0xbc: {  	s0 =	sor.u32 s1, s0  }
0xbd: {  	s0 =	sadd.s32 $0x8F2B, s0  }
0xbe: {  	[sflag:s0] =	ssyncadd.remote.s32 $0x1  }
0xbf: {  	_ =	sfence.sel $0xFFFF  }
0xc0: {  	[dreg:$0x0] =	wrdreg $0xFFFFFFFF;
	(pc) =	sbr.abs _section_cstart, $3  }
0xc1: {  	[dreg:$0x1] =	wrdreg $0xFFFFFFFF  }
0xc2: {  	_ =	task.clear_ibuf [dreg:s7], $0x2FFFF;
	_ =	strace $0x9FFFFFFF  }
0xc3: {  	(tm) =	ssettm $0x7FFFFFFF  }
tec
execute0_lowered:
.L_overlay_start_1:
0x0: {  	(tag) =	ssettag $0x1  }
0x1: {  	s8 =	rddreg [dreg:$0x0]  }
0x2: {  	s6 =	rddreg [dreg:$0x1]  }
0x3: {  	s2 =	rddreg [dreg:$0x2];
	s3 =	srdreg.scid  }
0x4: {  	s0 =	rddreg [dreg:$0x3];
	s1 =	stileid.u32  }
0x5: {  	s14 =	simm.s32 $0x2F80;
	s15 =	simm.s32 $0x80;
	s16 =	simm.s32 $0x1  }
0x6: {  	s19 =	simm.s32 $0x0;
	s7 =	sand.u32 $0x1, s3;
	s3 =	simm.s32 $0x0  }
0x7: {  	s9 =	smul.u32 $0x2800, s1;
	s5 =	sadd.s32 $0x2E00, s6;
	s31 =	sshll.u32 s1, $0x4  }
0x8: {  	s17 =	sshll.u32 s1, $0x6;
	s4 =	sshll.u32 s7, $0x4;
	[smem:$0x7FF] =	sst s3  }
0x9: {  	s10 =	smul.u32 $0x28000, s7;
	s7 =	ssub.s32 $0x2, s7;
	s17 =	sor.u32 $0x1C02, s17  }
0xa: {  	s12 =	sor.u32 s1, s4;
	_ =	strace $0x80000047;
	s4 =	sadd.s32 $0x2C00, s6  }
0xb: {  	s30 =	sshrl.u32 s7, $0x1;
	s11 =	smul.u32 $0x2700, s12;
	s10 =	sadd.s32 s9, s10  }
0xc: {  	s13 =	ssub.s32 s7, s30;
	p0 =	slt.u32 s12, $0x4;
	s7 =	simm.s32 $0x4F  }
0xd: {  	s9 =	sadd.s32 s9, s2;
	s10 =	sshrl.u32 s10, $0x3;
	s7 =	simm.s32 @!p0 $0x4E  }
0xe: {  	p0 =	sgt.u32 s12, $0x3;
	s12 =	simm.s32 $0x2;
	s11 =	sshrl.u32 s11, $0x3  }
0xf: {  	s18 =	sshrl.u32 s9, $0x3;
	s10 =	sadd.s32 s10, s6;
	s11 =	sadd.s32 s8, s11  }
0x10: {  	s8 =	sadd.s32 s31, s8;
	s10 =	sadd.s32 $0x3400, s10;
	s6 =	sadd.s32 $0x9C40, s11  }
0x11: {  	s8 =	sadd.s32 $0x13840, s8;
	s11 =	smax.u32 s13, $0x1;
	s13 =	simm.s32 $0x2780  }
.LBB2_1:
0x12: {  	[tilespmem:s3], [sflag:$0x2] =	stream.linear.gather [hbm4b:s6+s3], $0x2700, $0x38;
	[tilespmem:$0x7F80] =	vst v63  }
0x13: {  	_ =	swait.ge [sflag:s12], $0x2700  }
0x14: {  	[sflag:s12] =	ssyncset.done $0x0  }
0x15: {  	s20 =	simm.s32 @!p0 $0x0;
	s21 =	simm.s32 @!p0 $0x2700;
	[sflag:s12] =	ssyncadd.s32 $0xFFFFD900  }
0x16: {  	[tilespmem:s21], [sflag:$0x2] =	stream.linear.gather @!p0 [hbm4b:s8+s20], $0x80, $0x38;
	[tilespmem:$0x7F80] =	vst v63  }
0x17: {  	s20 =	simm.s32 @!p0 $0x2  }
0x18: {  	_ =	swait.ge @!p0 [sflag:s20], $0x80  }
0x19: {  	[sflag:s20] =	ssyncset.done @!p0 $0x0  }
0x1a: {  	[sflag:s20] =	ssyncadd.s32 @!p0 $0xFFFFFF80  }
0x1b: {  	[tilespmem:s13], [sflag:$0x2] =	stream.linear.gather [hbm4b:s4+s3], $0x800, $0x38;
	[tilespmem:$0x7F80] =	vst v63  }
0x1c: {  	_ =	swait.ge [sflag:s12], $0x800  }
0x1d: {  	[sflag:s12] =	ssyncset.done $0x0  }
0x1e: {  	[sflag:s12] =	ssyncadd.s32 $0xFFFFF800  }
0x1f: {  	[tilespmem:s14], [sflag:$0x2] =	stream.linear.gather [hbm4b:s5+s3], $0x2800, $0x38;
	[tilespmem:$0x7F80] =	vst v63  }
0x20: {  	_ =	swait.ge [sflag:s12], $0x2800  }
0x21: {  	[sflag:s12] =	ssyncset.done $0x0  }
0x22: {  	p1 =	sne.s32 s7, $0x1;
	[sflag:s12] =	ssyncadd.s32 $0xFFFFD800  }
0x23: {  	[spmem:s9] =	stream.linear.scatter [tilespmem:s14], [sflag:$0x2], $0x2800, $0x38;
	[tilespmem:$0x7F80] =	vst v63  }
.Ltmp0:
0x24: {  	_ =	swait.ge [sflag:s12], $0x2800;
	(pc) =	sbr.rel @!p1 .LBB2_3-.Ltmp0, $4  }
0x25: {  	[sflag:s12] =	ssyncset.done $0x0  }
0x26: {  	[sflag:s12] =	ssyncadd.s32 $0xFFFFD800  }
0x27: {  	s21 =	simm.s32 $0x0;
	s20 =	sadd.s32 $0xFFFFFFFF, s7;
	[bflag:$0x0] =	sbarrier.arrive $0xFFFF  }
0x28: {  	[spmem:s2] =	stream.indirect.scatter.add.f32 [tilespmem:s13], [sflag:$0x1], $0x10, s3, s15, $0xb8;
	[tilespmem:$0x7F80] =	vst v63  }
.LBB2_2:
0x29: {  	p2 =	sne.s32 s20, $0x1  }
.Ltmp1:
0x2a: {  	_ = 	snop;
	(pc) =	sbr.rel @p2 .LBB2_2-.Ltmp1, $3  }
0x2b: {  	_ = 	snop  }
0x2c: {  	s20 =	sadd.s32 $0xFFFFFFFF, s20;
	s21 =	sadd.s32 $0x80, s21;
	_ =	sdelay $0x1  }
0x2d: {  	[spmem:s2] =	stream.indirect.scatter.add.f32 [tilespmem:s13], [sflag:$0x1], $0x10, s21, s15, $0xb8;
	[tilespmem:$0x7F80] =	vst v63  }
.LBB2_3:
.Ltmp2:
0x2e: {  	(pc) =	sbr.rel @!p1 .LBB2_5-.Ltmp2, $3  }
0x2f: {  	_ =	sdelay $0x1  }
0x30: {  	_ =	swait.ge [sflag:s16], $0x800  }
0x31: {  	s20 =	sadd.s32 $0xFFFFFFFF, s7;
	[sflag:s16] =	ssyncset.done $0x0  }
.LBB2_4:
0x32: {  	p1 =	sne.s32 s20, $0x1;
	s20 =	sadd.s32 $0xFFFFFFFF, s20;
	[sflag:s16] =	ssyncadd.s32 $0xFFFFF800  }
.Ltmp3:
0x33: {  	(pc) =	sbr.rel @p1 .LBB2_4-.Ltmp3, $3  }
0x34: {  	_ =	sdelay $0x1  }
0x35: {  	_ =	swait.ge [sflag:s16], $0x800  }
0x36: {  	[sflag:s16] =	ssyncset.done $0x0  }
.LBB2_5:
0x37: {  	s19 =	sadd.s32 $0x1, s19  }
0x38: {  	[sflag:s16] =	ssyncadd.s32 $0xFFFFF800;
	p1 =	sne.s32 s19, s11  }
.Ltmp4:
0x39: {  	[bflag:$0x0] =	sbarrier.arrive $0xFFFF;
	(pc) =	sbr.rel @p1 .LBB2_1-.Ltmp4, $4  }
0x3a: {  	[hbm:s10], [sflag:s17] =	dma.local [spmem:s18], $0x500  }
0x3b: {  	_ =	swait.ge [sflag:s12], $0x500  }
0x3c: {  	[sflag:s12] =	ssyncset.done $0x0  }
0x3d: {  	[sflag:s12] =	ssyncadd.s32 $0xFFFFFB00  }
0x3e: {  	_ =	sfence.sel $0x180000  }
0x3f: {  	[bflag:$0x0] =	sbarrier.arrive $0xFFFF  }
0x40: {  	p0 =	sne.s32 s1, $0x0;
	_ =	strace $0x90000047  }
0x41: {  	s0 =	sadd.s32 @!p0 $0x100000, s0;
	[bflag:$0x2] =	sbarrier.arrive $0xFFFF  }
0x42: {  	[sflag:s0] =	ssyncadd.tile.s32 @!p0 $0x1;
	_ =	shalt  }
.Lfunc_end2:
_tile_overlayer_lowered:
.L_overlay_start_2:
0x43: {  	(tag) =	ssettag $0x2  }
0x44: {  	s0 =	rddreg [dreg:$0x0];
	s2 =	stileid.u32  }
0x45: {  	s1 =	rddreg [dreg:$0x1];
	p0 =	sne.s32 s2, $0x0  }
0x46: {  	s3 =	rddreg [dreg:$0x2];
	[bflag:$0x3] =	sbarrier.arrive $0xFFFF;
	s2 =	simm.s32 @!p0 $0x1C02  }
0x47: {  	[timem:s3], [sflag:s2] =	dma.local @!p0 [hbm:s0], s1  }
0x48: {  	s0 =	simm.s32 @!p0 $0x2  }
0x49: {  	_ =	swait.ge @!p0 [sflag:s0], s1  }
0x4a: {  	s1 =	ssub.s32 @!p0 $0x0, s1;
	[sflag:s0] =	ssyncset.done @!p0 $0x0  }
0x4b: {  	[sflag:s0] =	ssyncadd.s32 @!p0 s1  }
0x4c: {  	[bflag:$0x3] =	sbarrier.arrive $0xFFFF  }
0x4d: {  	_ =	shalt  }

</sc_bundles>
